<compile_context>
chip_gen: v7x
topology: tpu7x:2x2x1
jax: 0.10.2.dev20260603
libtpu: 0.0.44.dev20260713+nightly
codegen_flags: <defaults>
</compile_context>

<pallas_src>
import functools

import jax
import jax.numpy as jnp
from jax import lax
from jax.experimental import pallas as pl
from jax.experimental.pallas import tpu as pltpu
from jax.experimental.pallas import tpu_sc as plsc

NC = 2
NS = 16
CH = 128

DST_W = 128
HI16 = -65536
NPAD = 10240


def _dense_pre(x, pos, W_in, b_in, W_val, W_src, W_dst, pos_W1,
               pos_W2, pos_b1, pos_b2, attn_W1, attn_b1, attn_W2, attn_b2):
  n = x.shape[0]

  def body(x_r, pos_r, W_in_r, b_in_r, W_val_r, W_src_r, W_dst_r, pW1_r,
           pos_W2_r, pos_b1_r, pos_b2_r, aW1_r, ab1_r, aW2_r, ab2_r,
           srctab_r, dsttab_r, s0_r, num0_r):
    xv = x_r[...]
    h = jax.nn.relu(jnp.dot(xv, W_in_r[...],
                            preferred_element_type=jnp.float32) + b_in_r[...])
    A = jnp.dot(h, W_src_r[...], preferred_element_type=jnp.float32)
    B = jnp.dot(h, W_dst_r[...], preferred_element_type=jnp.float32)
    V = jnp.dot(h, W_val_r[...], preferred_element_type=jnp.float32)
    PW = jnp.dot(pos_r[...], pW1_r[...], preferred_element_type=jnp.float32)
    aW1 = aW1_r[...]
    A1 = jnp.dot(A, aW1, preferred_element_type=jnp.float32)
    B1 = jnp.dot(B, aW1, preferred_element_type=jnp.float32)
    c = jax.nn.relu(jnp.dot(jax.nn.relu(pos_b1_r[...]), pos_W2_r[...],
                            preferred_element_type=jnp.float32) + pos_b2_r[...])
    c1 = jnp.dot(c, aW1, preferred_element_type=jnp.float32)
    hidl = jax.nn.relu(B1 - A1 + c1 + ab1_r[...])
    eel = jnp.exp(jax.nn.relu(
        jnp.dot(hidl, aW2_r[...], preferred_element_type=jnp.float32)
        + ab2_r[...]))
    apad = jnp.zeros((NPAD - xv.shape[0], 128), jnp.float32)
    s0_r[...] = jnp.concatenate([eel, apad], axis=0)
    num0_r[...] = jnp.concatenate([eel * (V + c), apad], axis=0)
    u0 = lax.bitcast_convert_type(jnp.concatenate([A1, PW], axis=1),
                                  jnp.int32) + 0x8000
    u1 = lax.bitcast_convert_type(V, jnp.int32) + 0x8000
    srctab_r[...] = lax.shift_right_logical(u0, 16) | (u1 & HI16)
    dsttab_r[...] = jnp.concatenate([B1, PW], axis=1)

  return pl.pallas_call(
      body,
      out_shape=(
          jax.ShapeDtypeStruct((n, 128), jnp.int32),
          jax.ShapeDtypeStruct((n, DST_W), jnp.float32),
          jax.ShapeDtypeStruct((NPAD, 128), jnp.float32),
          jax.ShapeDtypeStruct((NPAD, 128), jnp.float32),
      ),
  )(x, pos, W_in, b_in, W_val, W_src, W_dst, pos_W1,
    pos_W2, pos_b1, pos_b2, attn_W1, attn_b1, attn_W2, attn_b2)


def _sc_gather(srctab, dsttab, src, dst):
  e = src.shape[0]
  chunks = e // CH
  nw = NC * NS
  base_it = chunks // nw
  rem = chunks - base_it * nw
  it = base_it + (1 if rem else 0)

  mesh = plsc.VectorSubcoreMesh(core_axis_name="c", subcore_axis_name="s",
                                num_cores=NC, num_subcores=NS)

  @functools.partial(
      pl.kernel,
      out_type=(jax.ShapeDtypeStruct((e, 128), jnp.int32),
                jax.ShapeDtypeStruct((e, DST_W), jnp.float32)),
      mesh=mesh,
      scratch_types=[
          pltpu.VMEM((2, CH), jnp.int32),
          pltpu.VMEM((2, CH), jnp.int32),
          pltpu.VMEM((2, CH, 128), jnp.int32),
          pltpu.VMEM((2, CH, DST_W), jnp.float32),
          pltpu.SemaphoreType.DMA,
          pltpu.SemaphoreType.DMA,
          pltpu.SemaphoreType.DMA,
          pltpu.SemaphoreType.DMA,
          pltpu.SemaphoreType.DMA,
          pltpu.SemaphoreType.DMA,
      ],
  )
  def k(srctab_h, dsttab_h, src_h, dst_h, sg_h, dg_h,
        idx_s, idx_d, buf_s, buf_d, si0, si1, sg0, sg1, sw0, sw1):
    wid = lax.axis_index("s") * NC + lax.axis_index("c")
    start = wid * base_it + jnp.minimum(wid, rem)
    my_it = base_it + jnp.where(wid < rem, 1, 0)
    sem_i = (si0, si1)
    sem_g = (sg0, sg1)
    sem_w = (sw0, sw1)

    def idx_issue(jj, b):
      pltpu.async_copy(src_h.at[pl.ds((start + jj) * CH, CH)],
                       idx_s.at[b], sem_i[b])
      pltpu.async_copy(dst_h.at[pl.ds((start + jj) * CH, CH)],
                       idx_d.at[b], sem_i[b])

    def idx_wait(b):
      pltpu.make_async_copy(src_h.at[pl.ds(0, CH)], idx_s.at[b],
                            sem_i[b]).wait()
      pltpu.make_async_copy(dst_h.at[pl.ds(0, CH)], idx_d.at[b],
                            sem_i[b]).wait()

    def gat_issue(b):
      pltpu.async_copy(srctab_h.at[idx_s.at[b]], buf_s.at[b], sem_g[b])
      pltpu.async_copy(dsttab_h.at[idx_d.at[b]], buf_d.at[b], sem_g[b])

    def gat_wait(b):
      pltpu.make_async_copy(srctab_h.at[idx_s.at[b]], buf_s.at[b],
                            sem_g[b]).wait()
      pltpu.make_async_copy(dsttab_h.at[idx_d.at[b]], buf_d.at[b],
                            sem_g[b]).wait()

    def wb_issue(jj, b):
      pltpu.async_copy(buf_s.at[b], sg_h.at[pl.ds((start + jj) * CH, CH)],
                       sem_w[b])
      pltpu.async_copy(buf_d.at[b], dg_h.at[pl.ds((start + jj) * CH, CH)],
                       sem_w[b])

    def wb_wait(b):
      pltpu.make_async_copy(buf_s.at[b], sg_h.at[pl.ds(0, CH)],
                            sem_w[b]).wait()
      pltpu.make_async_copy(buf_d.at[b], dg_h.at[pl.ds(0, CH)],
                            sem_w[b]).wait()

    idx_issue(0, 0)
    idx_wait(0)
    gat_issue(0)
    idx_issue(1, 1)

    def body(j2, _):
      for b in (0, 1):
        j = j2 * 2 + b
        nb = 1 - b

        @pl.when(j + 1 < my_it)
        def _():
          idx_wait(nb)

          @pl.when(j >= 1)
          def _():
            wb_wait(nb)

          gat_issue(nb)

        @pl.when(j < my_it)
        def _():
          gat_wait(b)
          wb_issue(j, b)

        @pl.when(j + 2 < my_it)
        def _():
          idx_issue(j + 2, b)

      return 0

    lax.fori_loop(0, (it + 1) // 2, body, 0)
    wb_wait(0)
    wb_wait(1)

  return k(srctab, dsttab, src, dst)


def _edge_mlp(sg, dg, pos_b1, pos_W2, pos_b2,
              attn_W1, attn_b1, attn_W2, attn_b2):
  e = sg.shape[0]
  be = 2000
  grid = e // be

  def body(sg_r, dg_r, pb1_r, pW2_r, pb2_r, aW1_r, ab1_r, aW2_r, ab2_r,
           ee_r, nc_r):
    sgv = sg_r[...]
    p0 = lax.bitcast_convert_type(lax.shift_left(sgv, 16), jnp.float32)
    v_src = lax.bitcast_convert_type(sgv & HI16, jnp.float32)
    diff = dg_r[...] - p0
    h1 = jax.nn.relu(diff[:, 64:] + pb1_r[...])
    delta = jax.nn.relu(
        jnp.dot(h1, pW2_r[...], preferred_element_type=jnp.float32)
        + pb2_r[...])
    h2 = jax.nn.relu(
        diff[:, :64]
        + jnp.dot(delta, aW1_r[...], preferred_element_type=jnp.float32)
        + ab1_r[...])
    aa = jax.nn.relu(
        jnp.dot(h2, aW2_r[...], preferred_element_type=jnp.float32)
        + ab2_r[...])
    ee = jnp.exp(aa)
    ee_r[...] = ee
    nc_r[...] = ee * (v_src + delta)

  wspec = lambda shape: pl.BlockSpec(shape, lambda i: (0,) * len(shape))
  return pl.pallas_call(
      body,
      grid=(grid,),
      in_specs=[
          pl.BlockSpec((be, 128), lambda i: (i, 0)),
          pl.BlockSpec((be, DST_W), lambda i: (i, 0)),
          wspec((1, 64)), wspec((64, 128)), wspec((1, 128)),
          wspec((128, 64)), wspec((1, 64)), wspec((64, 128)), wspec((1, 128)),
      ],
      out_specs=(pl.BlockSpec((be, 128), lambda i: (i, 0)),
                 pl.BlockSpec((be, 128), lambda i: (i, 0))),
      out_shape=(jax.ShapeDtypeStruct((e, 128), jnp.float32),
                 jax.ShapeDtypeStruct((e, 128), jnp.float32)),
  )(sg, dg, pos_b1, pos_W2, pos_b2,
    attn_W1, attn_b1, attn_W2, attn_b2)


def _sc_scatter(ee, nc, dst, s0, num0):
  e = ee.shape[0]
  n = s0.shape[0]
  chs = 80
  chunks = e // chs
  rows = n // NS
  base_it = chunks // NS
  rem = chunks - base_it * NS
  it = base_it + (1 if rem else 0)

  mesh = plsc.VectorSubcoreMesh(core_axis_name="c", subcore_axis_name="s",
                                num_cores=NC, num_subcores=NS)

  @functools.partial(
      pl.kernel,
      out_type=(jax.ShapeDtypeStruct((n, 128), jnp.float32),
                jax.ShapeDtypeStruct((n, 128), jnp.float32)),
      mesh=mesh,
      scratch_types=[
          pltpu.VMEM_SHARED((n, 128), jnp.float32),
          pltpu.VMEM((3, chs), jnp.int32),
          pltpu.VMEM((3, chs, 128), jnp.float32),
          pltpu.SemaphoreType.DMA,
          pltpu.SemaphoreType.DMA,
          pltpu.SemaphoreType.DMA,
      ],
  )
  def k(ee_h, nc_h, dst_h, s0_h, num0_h, s_out, num_out, acc, idx_d, buf,
        sl0, sl1, sl2):
    cid = lax.axis_index("c")
    sid = lax.axis_index("s")
    start = sid * base_it + jnp.minimum(sid, rem)
    my_it = base_it + jnp.where(sid < rem, 1, 0)
    sem_l = (sl0, sl1, sl2)

    def load_issue(jj, b):
      base = (start + jj) * chs
      pltpu.async_copy(dst_h.at[pl.ds(base, chs)], idx_d.at[b], sem_l[b])

      @pl.when(cid == 0)
      def _():
        pltpu.async_copy(ee_h.at[pl.ds(base, chs)], buf.at[b], sem_l[b])

      @pl.when(cid == 1)
      def _():
        pltpu.async_copy(nc_h.at[pl.ds(base, chs)], buf.at[b], sem_l[b])

    def load_wait(b):
      pltpu.make_async_copy(dst_h.at[pl.ds(0, chs)], idx_d.at[b],
                            sem_l[b]).wait()
      pltpu.make_async_copy(ee_h.at[pl.ds(0, chs)], buf.at[b],
                            sem_l[b]).wait()

    @pl.when(cid == 0)
    def _():
      pltpu.sync_copy(s0_h.at[pl.ds(sid * rows, rows)],
                      acc.at[pl.ds(sid * rows, rows)])

    @pl.when(cid == 1)
    def _():
      pltpu.sync_copy(num0_h.at[pl.ds(sid * rows, rows)],
                      acc.at[pl.ds(sid * rows, rows)])

    load_issue(0, 0)
    load_issue(1, 1)
    load_issue(2, 2)
    plsc.subcore_barrier()

    def body(j3, _):
      for b in (0, 1, 2):
        j = j3 * 3 + b

        @pl.when(j < my_it)
        def _():
          load_wait(b)
          pltpu.sync_copy(buf.at[b], acc.at[idx_d.at[b]], add=True)

          @pl.when(j + 3 < my_it)
          def _():
            load_issue(j + 3, b)

      return 0

    lax.fori_loop(0, (it + 2) // 3, body, 0)
    plsc.subcore_barrier()

    @pl.when(cid == 0)
    def _():
      pltpu.sync_copy(acc.at[pl.ds(sid * rows, rows)],
                      s_out.at[pl.ds(sid * rows, rows)])

    @pl.when(cid == 1)
    def _():
      pltpu.sync_copy(acc.at[pl.ds(sid * rows, rows)],
                      num_out.at[pl.ds(sid * rows, rows)])

  return k(ee, nc, dst, s0, num0)


def _dense_post(s, num, x, W_out, b_out):
  n = x.shape[0]

  def body(s_r, num_r, x_r, W_r, b_r, o_r):
    agg = num_r[:n, :] / s_r[:n, :]
    o_r[...] = jax.nn.relu(
        jnp.dot(agg, W_r[...], preferred_element_type=jnp.float32)
        + b_r[...]) + x_r[...]

  return pl.pallas_call(
      body,
      out_shape=jax.ShapeDtypeStruct((n, 128), jnp.float32),
  )(s, num, x, W_out, b_out)


def kernel(x, pos, edge_index, W_in, b_in, W_out, b_out, W_val, W_src, W_dst,
           pos_W1, pos_b1, pos_W2, pos_b2, attn_W1, attn_b1, attn_W2, attn_b2):
  src = edge_index[0]
  dst = edge_index[1]
  b_in2 = b_in.reshape(1, -1)
  b_out2 = b_out.reshape(1, -1)
  pb1 = pos_b1.reshape(1, -1)
  pb2 = pos_b2.reshape(1, -1)
  ab1 = attn_b1.reshape(1, -1)
  ab2 = attn_b2.reshape(1, -1)

  srctab, dsttab, s0, num0 = _dense_pre(
      x, pos, W_in, b_in2, W_val, W_src, W_dst, pos_W1,
      pos_W2, pb1, pb2, attn_W1, ab1, attn_W2, ab2)
  parts = 2
  ep = src.shape[0] // parts
  srcs = [src[i * ep:(i + 1) * ep] for i in range(parts)]
  dsts = [dst[i * ep:(i + 1) * ep] for i in range(parts)]
  gathered = [_sc_gather(srctab, dsttab, srcs[i], dsts[i])
              for i in range(parts)]
  mlps = [_edge_mlp(sg, dg, pb1, pos_W2, pb2, attn_W1, ab1, attn_W2, ab2)
          for sg, dg in gathered]
  s, num = s0, num0
  for i in range(parts):
    s, num = _sc_scatter(mlps[i][0], mlps[i][1], dsts[i], s, num)
  return _dense_post(s, num, x, W_out, b_out2)

# --- scband reference (transcript-rebuilt; emitter-appended) ---
"""Pipeline reference for scband-transformer-block-4037269258391 (READ-ONLY COPY).

The authoritative reference and input builder live on the scoring server;
editing this copy changes nothing except your own understanding.
"""

import jax, jax.numpy as jnp
import numpy as np

N = 10000
E = 320000
D = 128
P = 6
H = 64


def _mlp2(x, W1, b1, W2, b2):
    # PyG MLP([a, 64, b], norm=None, plain_last=False): Linear+ReLU, Linear+ReLU
    h = jax.nn.relu(x @ W1 + b1)
    return jax.nn.relu(h @ W2 + b2)


def setup_inputs(seed: int = 0):
    key = jax.random.key(seed)
    ks = jax.random.split(key, 16)

    def w(k, shape, fan_in):
        return (jax.random.normal(k, shape, dtype=jnp.float32) / np.sqrt(fan_in)).astype(jnp.float32)

    src = jax.random.randint(ks[0], (E,), 0, N, dtype=jnp.int32)
    dst = jax.random.randint(ks[1], (E,), 0, N, dtype=jnp.int32)
    # PointTransformerConv removes self-loops before re-adding them; avoid them here
    dst = jnp.where(src == dst, (dst + 1) % N, dst)
    inp = {
        "x": jax.random.normal(ks[2], (N, D), dtype=jnp.float32),
        "pos": jax.random.normal(ks[3], (N, P), dtype=jnp.float32),
        "edge_index": jnp.stack([src, dst]),
        "W_in": w(ks[4], (D, D), D), "b_in": jnp.zeros((D,), jnp.float32),
        "W_out": w(ks[5], (D, D), D), "b_out": jnp.zeros((D,), jnp.float32),
        "W_val": w(ks[6], (D, D), D),
        "W_src": w(ks[7], (D, D), D),
        "W_dst": w(ks[8], (D, D), D),
        "pos_W1": w(ks[9], (P, H), P), "pos_b1": jnp.zeros((H,), jnp.float32),
        "pos_W2": w(ks[10], (H, D), H), "pos_b2": jnp.zeros((D,), jnp.float32),
        "attn_W1": w(ks[11], (D, H), D), "attn_b1": jnp.zeros((H,), jnp.float32),
        "attn_W2": w(ks[12], (H, D), H), "attn_b2": jnp.zeros((D,), jnp.float32),
    }
    return inp


def reference(x, pos, edge_index, W_in, b_in, W_out, b_out, W_val, W_src, W_dst,
              pos_W1, pos_b1, pos_W2, pos_b2, attn_W1, attn_b1, attn_W2, attn_b2):
    n = x.shape[0]
    residual = x  # x.clone().detach(); same values in forward
    h = jax.nn.relu(x @ W_in + b_in)  # lin_in + relu

    # PointTransformerConv (PyG): add self-loops, per-dst softmax attention
    loop = jnp.arange(n, dtype=edge_index.dtype)
    src = jnp.concatenate([edge_index[0], loop])
    dst = jnp.concatenate([edge_index[1], loop])

    alpha_src = h @ W_src   # lin_src (bias=False)
    alpha_dst = h @ W_dst   # lin_dst (bias=False)
    val = h @ W_val         # lin (bias=False)

    delta = _mlp2(pos[dst] - pos[src], pos_W1, pos_b1, pos_W2, pos_b2)  # pos_nn(pos_i - pos_j)
    alpha = _mlp2(alpha_dst[dst] - alpha_src[src] + delta, attn_W1, attn_b1, attn_W2, attn_b2)

    # segment softmax over edges grouped by dst node (per channel)
    m = jax.ops.segment_max(alpha, dst, num_segments=n)
    m = jnp.where(jnp.isfinite(m), m, 0.0)
    e = jnp.exp(alpha - m[dst])
    s = jax.ops.segment_sum(e, dst, num_segments=n)
    wgt = e / (s[dst] + 1e-16)

    out = jax.ops.segment_sum(wgt * (val[src] + delta), dst, num_segments=n)  # aggr='add'
    out = jax.nn.relu(out @ W_out + b_out)  # lin_out + relu
    return out + residual

if __name__ == "__main__":
    import jax
    _d = setup_inputs()
    print(jax.jit(kernel)(*tuple(_d.values())))

</pallas_src>

<mosaic_0001>
#map = affine_map<(d0, d1) -> (0, 0)>
#map1 = affine_map<(d0, d1) -> (0)>
module attributes {stable_mosaic.version = 14 : i64} {
  func.func @k(%arg0: i32, %arg1: i32, %arg2: memref<10000x128xi32, #tpu.memory_space<hbm>>, %arg3: memref<10000x128xf32, #tpu.memory_space<hbm>>, %arg4: memref<160000xi32, #tpu.memory_space<hbm>>, %arg5: memref<160000xi32, #tpu.memory_space<hbm>>, %arg6: memref<160000x128xi32, #tpu.memory_space<hbm>>, %arg7: memref<160000x128xf32, #tpu.memory_space<hbm>>, %arg8: memref<2x128xi32, #tpu.memory_space<vmem>>, %arg9: memref<2x128xi32, #tpu.memory_space<vmem>>, %arg10: memref<2x128x128xi32, #tpu.memory_space<vmem>>, %arg11: memref<2x128x128xf32, #tpu.memory_space<vmem>>, %arg12: memref<!tpu.dma_semaphore, #tpu.memory_space<semaphore_mem>>, %arg13: memref<!tpu.dma_semaphore, #tpu.memory_space<semaphore_mem>>, %arg14: memref<!tpu.dma_semaphore, #tpu.memory_space<semaphore_mem>>, %arg15: memref<!tpu.dma_semaphore, #tpu.memory_space<semaphore_mem>>, %arg16: memref<!tpu.dma_semaphore, #tpu.memory_space<semaphore_mem>>, %arg17: memref<!tpu.dma_semaphore, #tpu.memory_space<semaphore_mem>>) attributes {dimension_semantics = [#tpu.dimension_semantics<core_parallel>, #tpu.dimension_semantics<subcore_parallel>], iteration_bounds = array<i64: 2, 16>, scalar_prefetch = 0 : i64, scratch_operands = 10 : i64, tpu.core_type = #tpu.core_type<sc_vector_subcore>, window_params = [{transform_indices = #map}, {transform_indices = #map}, {transform_indices = #map1}, {transform_indices = #map1}, {transform_indices = #map}, {transform_indices = #map}]} {
    %mul3A = arith.constant 2 : i32
    %mul3A_0 = arith.muli %arg1, %mul3A : i32
    %add3A = arith.addi %mul3A_0, %arg0 : i32
    %mul3A_1 = arith.constant 39 : i32
    %mul3A_2 = arith.muli %add3A, %mul3A_1 : i32
    %min3A = arith.constant 2 : i32
    %min3A_3 = arith.minsi %add3A, %min3A : i32
    %add3A_4 = arith.addi %mul3A_2, %min3A_3 : i32
    %lt3A = arith.constant 2 : i32
    %lt3A_5 = arith.cmpi slt, %add3A, %lt3A : i32
    %jit3A = arith.constant 1 : i32
    %jit3A_6 = arith.constant 0 : i32
    %select_n3A = arith.select %lt3A_5, %jit3A, %jit3A_6 : i32
    %add3A_7 = arith.constant 39 : i32
    %add3A_8 = arith.addi %add3A_7, %select_n3A : i32
    %add3A_9 = arith.constant 0 : i32
    %add3A_10 = arith.addi %add3A_4, %add3A_9 : i32
    %mul3A_11 = arith.constant 128 : i32
    %mul3A_12 = arith.muli %add3A_10, %mul3A_11 : i32
    %dma_start3A = arith.constant 0 : i32
    %dma_start3A_13 = arith.constant 0 : i32
    %dma_start3A_14 = tpu.memref_slice %arg8[%dma_start3A, %dma_start3A_13] : memref<2x128xi32, #tpu.memory_space<vmem>> -> memref<1x128xi32, #tpu.memory_space<vmem>>
    %dma_start3A_15 = tpu.memref_squeeze %dma_start3A_14 : memref<1x128xi32, #tpu.memory_space<vmem>> -> memref<128xi32, #tpu.memory_space<vmem>>
    %dma_start3A_16 = tpu.memref_slice %arg4[%mul3A_12] : memref<160000xi32, #tpu.memory_space<hbm>> -> memref<128xi32, #tpu.memory_space<hbm>>
    %dma_start3A_17 = arith.constant 0 : i32
    %dma_start3A_18 = tpu.memref_slice %arg8[%dma_start3A, %dma_start3A_17] : memref<2x128xi32, #tpu.memory_space<vmem>> -> memref<1x128xi32, #tpu.memory_space<vmem>>
    %dma_start3A_19 = tpu.memref_squeeze %dma_start3A_18 : memref<1x128xi32, #tpu.memory_space<vmem>> -> memref<128xi32, #tpu.memory_space<vmem>>
    %dma_start3A_20 = tpu.memref_slice %arg4[%mul3A_12] : memref<160000xi32, #tpu.memory_space<hbm>> -> memref<128xi32, #tpu.memory_space<hbm>>
    tpu.enqueue_dma source(%dma_start3A_20 : memref<128xi32, #tpu.memory_space<hbm>>) target(%dma_start3A_19 : memref<128xi32, #tpu.memory_space<vmem>>) target_semaphore(%arg12 : memref<!tpu.dma_semaphore, #tpu.memory_space<semaphore_mem>>)
    %add3A_21 = arith.constant 0 : i32
    %add3A_22 = arith.addi %add3A_4, %add3A_21 : i32
    %mul3A_23 = arith.constant 128 : i32
    %mul3A_24 = arith.muli %add3A_22, %mul3A_23 : i32
    %dma_start3A_25 = arith.constant 0 : i32
    %dma_start3A_26 = arith.constant 0 : i32
    %dma_start3A_27 = tpu.memref_slice %arg9[%dma_start3A_25, %dma_start3A_26] : memref<2x128xi32, #tpu.memory_space<vmem>> -> memref<1x128xi32, #tpu.memory_space<vmem>>
    %dma_start3A_28 = tpu.memref_squeeze %dma_start3A_27 : memref<1x128xi32, #tpu.memory_space<vmem>> -> memref<128xi32, #tpu.memory_space<vmem>>
    %dma_start3A_29 = tpu.memref_slice %arg5[%mul3A_24] : memref<160000xi32, #tpu.memory_space<hbm>> -> memref<128xi32, #tpu.memory_space<hbm>>
    %dma_start3A_30 = arith.constant 0 : i32
    %dma_start3A_31 = tpu.memref_slice %arg9[%dma_start3A_25, %dma_start3A_30] : memref<2x128xi32, #tpu.memory_space<vmem>> -> memref<1x128xi32, #tpu.memory_space<vmem>>
    %dma_start3A_32 = tpu.memref_squeeze %dma_start3A_31 : memref<1x128xi32, #tpu.memory_space<vmem>> -> memref<128xi32, #tpu.memory_space<vmem>>
    %dma_start3A_33 = tpu.memref_slice %arg5[%mul3A_24] : memref<160000xi32, #tpu.memory_space<hbm>> -> memref<128xi32, #tpu.memory_space<hbm>>
    tpu.enqueue_dma source(%dma_start3A_33 : memref<128xi32, #tpu.memory_space<hbm>>) target(%dma_start3A_32 : memref<128xi32, #tpu.memory_space<vmem>>) target_semaphore(%arg12 : memref<!tpu.dma_semaphore, #tpu.memory_space<semaphore_mem>>)
    %dma_wait3A = arith.constant 0 : i32
    %dma_wait3A_34 = arith.constant 0 : i32
    %dma_wait3A_35 = tpu.memref_slice %arg8[%dma_wait3A, %dma_wait3A_34] : memref<2x128xi32, #tpu.memory_space<vmem>> -> memref<1x128xi32, #tpu.memory_space<vmem>>
    %dma_wait3A_36 = tpu.memref_squeeze %dma_wait3A_35 : memref<1x128xi32, #tpu.memory_space<vmem>> -> memref<128xi32, #tpu.memory_space<vmem>>
    %dma_wait3A_37 = arith.constant 0 : i32
    %dma_wait3A_38 = tpu.memref_slice %arg4[%dma_wait3A_37] : memref<160000xi32, #tpu.memory_space<hbm>> -> memref<128xi32, #tpu.memory_space<hbm>>
    %dma_wait3A_39 = arith.constant 0 : i32
    %dma_wait3A_40 = tpu.memref_slice %arg8[%dma_wait3A, %dma_wait3A_39] : memref<2x128xi32, #tpu.memory_space<vmem>> -> memref<1x128xi32, #tpu.memory_space<vmem>>
    %dma_wait3A_41 = tpu.memref_squeeze %dma_wait3A_40 : memref<1x128xi32, #tpu.memory_space<vmem>> -> memref<128xi32, #tpu.memory_space<vmem>>
    %dma_wait3A_42 = arith.constant 0 : i32
    %dma_wait3A_43 = tpu.memref_slice %arg4[%dma_wait3A_42] : memref<160000xi32, #tpu.memory_space<hbm>> -> memref<128xi32, #tpu.memory_space<hbm>>
    tpu.wait_dma2 semaphore(%arg12 : memref<!tpu.dma_semaphore, #tpu.memory_space<semaphore_mem>>) src(%dma_wait3A_43 : memref<128xi32, #tpu.memory_space<hbm>>) dst(%dma_wait3A_41 : memref<128xi32, #tpu.memory_space<vmem>>)
    %dma_wait3A_44 = arith.constant 0 : i32
    %dma_wait3A_45 = arith.constant 0 : i32
    %dma_wait3A_46 = tpu.memref_slice %arg9[%dma_wait3A_44, %dma_wait3A_45] : memref<2x128xi32, #tpu.memory_space<vmem>> -> memref<1x128xi32, #tpu.memory_space<vmem>>
    %dma_wait3A_47 = tpu.memref_squeeze %dma_wait3A_46 : memref<1x128xi32, #tpu.memory_space<vmem>> -> memref<128xi32, #tpu.memory_space<vmem>>
    %dma_wait3A_48 = arith.constant 0 : i32
    %dma_wait3A_49 = tpu.memref_slice %arg5[%dma_wait3A_48] : memref<160000xi32, #tpu.memory_space<hbm>> -> memref<128xi32, #tpu.memory_space<hbm>>
    %dma_wait3A_50 = arith.constant 0 : i32
    %dma_wait3A_51 = tpu.memref_slice %arg9[%dma_wait3A_44, %dma_wait3A_50] : memref<2x128xi32, #tpu.memory_space<vmem>> -> memref<1x128xi32, #tpu.memory_space<vmem>>
    %dma_wait3A_52 = tpu.memref_squeeze %dma_wait3A_51 : memref<1x128xi32, #tpu.memory_space<vmem>> -> memref<128xi32, #tpu.memory_space<vmem>>
    %dma_wait3A_53 = arith.constant 0 : i32
    %dma_wait3A_54 = tpu.memref_slice %arg5[%dma_wait3A_53] : memref<160000xi32, #tpu.memory_space<hbm>> -> memref<128xi32, #tpu.memory_space<hbm>>
    tpu.wait_dma2 semaphore(%arg12 : memref<!tpu.dma_semaphore, #tpu.memory_space<semaphore_mem>>) src(%dma_wait3A_54 : memref<128xi32, #tpu.memory_space<hbm>>) dst(%dma_wait3A_52 : memref<128xi32, #tpu.memory_space<vmem>>)
    %dma_start3A_55 = arith.constant 0 : i32
    %dma_start3A_56 = arith.constant 0 : i32
    %dma_start3A_57 = arith.constant 0 : i32
    %dma_start3A_58 = arith.constant 0 : i32
    %dma_start3A_59 = tpu.memref_slice %arg10[%dma_start3A_56, %dma_start3A_57, %dma_start3A_58] : memref<2x128x128xi32, #tpu.memory_space<vmem>> -> memref<1x128x128xi32, #tpu.memory_space<vmem>>
    %dma_start3A_60 = tpu.memref_squeeze %dma_start3A_59 : memref<1x128x128xi32, #tpu.memory_space<vmem>> -> memref<128x128xi32, #tpu.memory_space<vmem>>
    %dma_start3A_61 = arith.constant 0 : i32
    %dma_start3A_62 = tpu.memref_slice %arg8[%dma_start3A_55, %dma_start3A_61] : memref<2x128xi32, #tpu.memory_space<vmem>> -> memref<1x128xi32, #tpu.memory_space<vmem>>
    %dma_start3A_63 = tpu.memref_squeeze %dma_start3A_62 : memref<1x128xi32, #tpu.memory_space<vmem>> -> memref<128xi32, #tpu.memory_space<vmem>>
    %dma_start3A_64 = arith.constant 0 : i32
    %dma_start3A_65 = arith.constant 0 : i32
    %dma_start3A_66 = tpu.memref_slice %arg2[%dma_start3A_64, %dma_start3A_65] : memref<10000x128xi32, #tpu.memory_space<hbm>> -> memref<10000x128xi32, #tpu.memory_space<hbm>>
    tpu.enqueue_indirect_dma source(%dma_start3A_66 : memref<10000x128xi32, #tpu.memory_space<hbm>>) target(%dma_start3A_60 : memref<128x128xi32, #tpu.memory_space<vmem>>) offsets(%dma_start3A_63 : memref<128xi32, #tpu.memory_space<vmem>>) semaphore(%arg14 : memref<!tpu.dma_semaphore, #tpu.memory_space<semaphore_mem>>)
    %dma_start3A_67 = arith.constant 0 : i32
    %dma_start3A_68 = arith.constant 0 : i32
    %dma_start3A_69 = arith.constant 0 : i32
    %dma_start3A_70 = arith.constant 0 : i32
    %dma_start3A_71 = tpu.memref_slice %arg11[%dma_start3A_68, %dma_start3A_69, %dma_start3A_70] : memref<2x128x128xf32, #tpu.memory_space<vmem>> -> memref<1x128x128xf32, #tpu.memory_space<vmem>>
    %dma_start3A_72 = tpu.memref_squeeze %dma_start3A_71 : memref<1x128x128xf32, #tpu.memory_space<vmem>> -> memref<128x128xf32, #tpu.memory_space<vmem>>
    %dma_start3A_73 = arith.constant 0 : i32
    %dma_start3A_74 = tpu.memref_slice %arg9[%dma_start3A_67, %dma_start3A_73] : memref<2x128xi32, #tpu.memory_space<vmem>> -> memref<1x128xi32, #tpu.memory_space<vmem>>
    %dma_start3A_75 = tpu.memref_squeeze %dma_start3A_74 : memref<1x128xi32, #tpu.memory_space<vmem>> -> memref<128xi32, #tpu.memory_space<vmem>>
    %dma_start3A_76 = arith.constant 0 : i32
    %dma_start3A_77 = arith.constant 0 : i32
    %dma_start3A_78 = tpu.memref_slice %arg3[%dma_start3A_76, %dma_start3A_77] : memref<10000x128xf32, #tpu.memory_space<hbm>> -> memref<10000x128xf32, #tpu.memory_space<hbm>>
    tpu.enqueue_indirect_dma source(%dma_start3A_78 : memref<10000x128xf32, #tpu.memory_space<hbm>>) target(%dma_start3A_72 : memref<128x128xf32, #tpu.memory_space<vmem>>) offsets(%dma_start3A_75 : memref<128xi32, #tpu.memory_space<vmem>>) semaphore(%arg14 : memref<!tpu.dma_semaphore, #tpu.memory_space<semaphore_mem>>)
    %add3A_79 = arith.constant 1 : i32
    %add3A_80 = arith.addi %add3A_4, %add3A_79 : i32
    %mul3A_81 = arith.constant 128 : i32
    %mul3A_82 = arith.muli %add3A_80, %mul3A_81 : i32
    %dma_start3A_83 = arith.constant 1 : i32
    %dma_start3A_84 = arith.constant 0 : i32
    %dma_start3A_85 = tpu.memref_slice %arg8[%dma_start3A_83, %dma_start3A_84] : memref<2x128xi32, #tpu.memory_space<vmem>> -> memref<1x128xi32, #tpu.memory_space<vmem>>
    %dma_start3A_86 = tpu.memref_squeeze %dma_start3A_85 : memref<1x128xi32, #tpu.memory_space<vmem>> -> memref<128xi32, #tpu.memory_space<vmem>>
    %dma_start3A_87 = tpu.memref_slice %arg4[%mul3A_82] : memref<160000xi32, #tpu.memory_space<hbm>> -> memref<128xi32, #tpu.memory_space<hbm>>
    %dma_start3A_88 = arith.constant 0 : i32
    %dma_start3A_89 = tpu.memref_slice %arg8[%dma_start3A_83, %dma_start3A_88] : memref<2x128xi32, #tpu.memory_space<vmem>> -> memref<1x128xi32, #tpu.memory_space<vmem>>
    %dma_start3A_90 = tpu.memref_squeeze %dma_start3A_89 : memref<1x128xi32, #tpu.memory_space<vmem>> -> memref<128xi32, #tpu.memory_space<vmem>>
    %dma_start3A_91 = tpu.memref_slice %arg4[%mul3A_82] : memref<160000xi32, #tpu.memory_space<hbm>> -> memref<128xi32, #tpu.memory_space<hbm>>
    tpu.enqueue_dma source(%dma_start3A_91 : memref<128xi32, #tpu.memory_space<hbm>>) target(%dma_start3A_90 : memref<128xi32, #tpu.memory_space<vmem>>) target_semaphore(%arg13 : memref<!tpu.dma_semaphore, #tpu.memory_space<semaphore_mem>>)
    %add3A_92 = arith.constant 1 : i32
    %add3A_93 = arith.addi %add3A_4, %add3A_92 : i32
    %mul3A_94 = arith.constant 128 : i32
    %mul3A_95 = arith.muli %add3A_93, %mul3A_94 : i32
    %dma_start3A_96 = arith.constant 1 : i32
    %dma_start3A_97 = arith.constant 0 : i32
    %dma_start3A_98 = tpu.memref_slice %arg9[%dma_start3A_96, %dma_start3A_97] : memref<2x128xi32, #tpu.memory_space<vmem>> -> memref<1x128xi32, #tpu.memory_space<vmem>>
    %dma_start3A_99 = tpu.memref_squeeze %dma_start3A_98 : memref<1x128xi32, #tpu.memory_space<vmem>> -> memref<128xi32, #tpu.memory_space<vmem>>
    %dma_start3A_100 = tpu.memref_slice %arg5[%mul3A_95] : memref<160000xi32, #tpu.memory_space<hbm>> -> memref<128xi32, #tpu.memory_space<hbm>>
    %dma_start3A_101 = arith.constant 0 : i32
    %dma_start3A_102 = tpu.memref_slice %arg9[%dma_start3A_96, %dma_start3A_101] : memref<2x128xi32, #tpu.memory_space<vmem>> -> memref<1x128xi32, #tpu.memory_space<vmem>>
    %dma_start3A_103 = tpu.memref_squeeze %dma_start3A_102 : memref<1x128xi32, #tpu.memory_space<vmem>> -> memref<128xi32, #tpu.memory_space<vmem>>
    %dma_start3A_104 = tpu.memref_slice %arg5[%mul3A_95] : memref<160000xi32, #tpu.memory_space<hbm>> -> memref<128xi32, #tpu.memory_space<hbm>>
    tpu.enqueue_dma source(%dma_start3A_104 : memref<128xi32, #tpu.memory_space<hbm>>) target(%dma_start3A_103 : memref<128xi32, #tpu.memory_space<vmem>>) target_semaphore(%arg13 : memref<!tpu.dma_semaphore, #tpu.memory_space<semaphore_mem>>)
    %scan3A = arith.constant 0 : i32
    %scan3A_105 = arith.constant 0 : i32
    %scan3A_106 = arith.constant 20 : i32
    %scan3A_107 = arith.addi %scan3A_105, %scan3A_106 : i32
    %scan3A_108 = arith.constant 1 : i32
    %scan3A_109 = scf.for %scan3A_171 = %scan3A_105 to %scan3A_107 step %scan3A_108 iter_args(%scan3A_172 = %scan3A) -> (i32)  : i32 {
      %mul3A_173 = arith.constant 2 : i32
      %mul3A_174 = arith.muli %scan3A_171, %mul3A_173 : i32
      %add3A_175 = arith.constant 0 : i32
      %add3A_176 = arith.addi %mul3A_174, %add3A_175 : i32
      %add3A_177 = arith.constant 1 : i32
      %add3A_178 = arith.addi %add3A_176, %add3A_177 : i32
      %lt3A_179 = arith.cmpi slt, %add3A_178, %add3A_8 : i32
      %convert_element_type3A = arith.extui %lt3A_179 : i1 to i32
      %cond3A = arith.constant 0 : i32
      %cond3A_180 = arith.cmpi ne, %convert_element_type3A, %cond3A : i32
      scf.if %cond3A_180 {
        %dma_wait3A_212 = arith.constant 1 : i32
        %dma_wait3A_213 = arith.constant 0 : i32
        %dma_wait3A_214 = tpu.memref_slice %arg8[%dma_wait3A_212, %dma_wait3A_213] : memref<2x128xi32, #tpu.memory_space<vmem>> -> memref<1x128xi32, #tpu.memory_space<vmem>>
        %dma_wait3A_215 = tpu.memref_squeeze %dma_wait3A_214 : memref<1x128xi32, #tpu.memory_space<vmem>> -> memref<128xi32, #tpu.memory_space<vmem>>
        %dma_wait3A_216 = arith.constant 0 : i32
        %dma_wait3A_217 = tpu.memref_slice %arg4[%dma_wait3A_216] : memref<160000xi32, #tpu.memory_space<hbm>> -> memref<128xi32, #tpu.memory_space<hbm>>
        %dma_wait3A_218 = arith.constant 0 : i32
        %dma_wait3A_219 = tpu.memref_slice %arg8[%dma_wait3A_212, %dma_wait3A_218] : memref<2x128xi32, #tpu.memory_space<vmem>> -> memref<1x128xi32, #tpu.memory_space<vmem>>
        %dma_wait3A_220 = tpu.memref_squeeze %dma_wait3A_219 : memref<1x128xi32, #tpu.memory_space<vmem>> -> memref<128xi32, #tpu.memory_space<vmem>>
        %dma_wait3A_221 = arith.constant 0 : i32
        %dma_wait3A_222 = tpu.memref_slice %arg4[%dma_wait3A_221] : memref<160000xi32, #tpu.memory_space<hbm>> -> memref<128xi32, #tpu.memory_space<hbm>>
        tpu.wait_dma2 semaphore(%arg13 : memref<!tpu.dma_semaphore, #tpu.memory_space<semaphore_mem>>) src(%dma_wait3A_222 : memref<128xi32, #tpu.memory_space<hbm>>) dst(%dma_wait3A_220 : memref<128xi32, #tpu.memory_space<vmem>>)
        %dma_wait3A_223 = arith.constant 1 : i32
        %dma_wait3A_224 = arith.constant 0 : i32
        %dma_wait3A_225 = tpu.memref_slice %arg9[%dma_wait3A_223, %dma_wait3A_224] : memref<2x128xi32, #tpu.memory_space<vmem>> -> memref<1x128xi32, #tpu.memory_space<vmem>>
        %dma_wait3A_226 = tpu.memref_squeeze %dma_wait3A_225 : memref<1x128xi32, #tpu.memory_space<vmem>> -> memref<128xi32, #tpu.memory_space<vmem>>
        %dma_wait3A_227 = arith.constant 0 : i32
        %dma_wait3A_228 = tpu.memref_slice %arg5[%dma_wait3A_227] : memref<160000xi32, #tpu.memory_space<hbm>> -> memref<128xi32, #tpu.memory_space<hbm>>
        %dma_wait3A_229 = arith.constant 0 : i32
        %dma_wait3A_230 = tpu.memref_slice %arg9[%dma_wait3A_223, %dma_wait3A_229] : memref<2x128xi32, #tpu.memory_space<vmem>> -> memref<1x128xi32, #tpu.memory_space<vmem>>
        %dma_wait3A_231 = tpu.memref_squeeze %dma_wait3A_230 : memref<1x128xi32, #tpu.memory_space<vmem>> -> memref<128xi32, #tpu.memory_space<vmem>>
        %dma_wait3A_232 = arith.constant 0 : i32
        %dma_wait3A_233 = tpu.memref_slice %arg5[%dma_wait3A_232] : memref<160000xi32, #tpu.memory_space<hbm>> -> memref<128xi32, #tpu.memory_space<hbm>>
        tpu.wait_dma2 semaphore(%arg13 : memref<!tpu.dma_semaphore, #tpu.memory_space<semaphore_mem>>) src(%dma_wait3A_233 : memref<128xi32, #tpu.memory_space<hbm>>) dst(%dma_wait3A_231 : memref<128xi32, #tpu.memory_space<vmem>>)
        %ge3A = arith.constant 1 : i32
        %ge3A_234 = arith.cmpi sge, %add3A_176, %ge3A : i32
        %convert_element_type3A_235 = arith.extui %ge3A_234 : i1 to i32
        %cond3A_236 = arith.constant 0 : i32
        %cond3A_237 = arith.cmpi ne, %convert_element_type3A_235, %cond3A_236 : i32
        scf.if %cond3A_237 {
          %dma_wait3A_262 = arith.constant 1 : i32
          %dma_wait3A_263 = arith.constant 0 : i32
          %dma_wait3A_264 = arith.constant 0 : i32
          %dma_wait3A_265 = tpu.memref_slice %arg10[%dma_wait3A_262, %dma_wait3A_263, %dma_wait3A_264] : memref<2x128x128xi32, #tpu.memory_space<vmem>> -> memref<1x128x128xi32, #tpu.memory_space<vmem>>
          %dma_wait3A_266 = tpu.memref_squeeze %dma_wait3A_265 : memref<1x128x128xi32, #tpu.memory_space<vmem>> -> memref<128x128xi32, #tpu.memory_space<vmem>>
          %dma_wait3A_267 = arith.constant 0 : i32
          %dma_wait3A_268 = arith.constant 0 : i32
          %dma_wait3A_269 = tpu.memref_slice %arg6[%dma_wait3A_267, %dma_wait3A_268] : memref<160000x128xi32, #tpu.memory_space<hbm>> -> memref<128x128xi32, #tpu.memory_space<hbm>>
          %dma_wait3A_270 = arith.constant 0 : i32
          %dma_wait3A_271 = arith.constant 0 : i32
          %dma_wait3A_272 = tpu.memref_slice %arg6[%dma_wait3A_270, %dma_wait3A_271] : memref<160000x128xi32, #tpu.memory_space<hbm>> -> memref<128x128xi32, #tpu.memory_space<hbm>>
          %dma_wait3A_273 = arith.constant 0 : i32
          %dma_wait3A_274 = arith.constant 0 : i32
          %dma_wait3A_275 = tpu.memref_slice %arg10[%dma_wait3A_262, %dma_wait3A_273, %dma_wait3A_274] : memref<2x128x128xi32, #tpu.memory_space<vmem>> -> memref<1x128x128xi32, #tpu.memory_space<vmem>>
          %dma_wait3A_276 = tpu.memref_squeeze %dma_wait3A_275 : memref<1x128x128xi32, #tpu.memory_space<vmem>> -> memref<128x128xi32, #tpu.memory_space<vmem>>
          tpu.wait_dma2 semaphore(%arg17 : memref<!tpu.dma_semaphore, #tpu.memory_space<semaphore_mem>>) src(%dma_wait3A_276 : memref<128x128xi32, #tpu.memory_space<vmem>>) dst(%dma_wait3A_272 : memref<128x128xi32, #tpu.memory_space<hbm>>)
          %dma_wait3A_277 = arith.constant 1 : i32
          %dma_wait3A_278 = arith.constant 0 : i32
          %dma_wait3A_279 = arith.constant 0 : i32
          %dma_wait3A_280 = tpu.memref_slice %arg11[%dma_wait3A_277, %dma_wait3A_278, %dma_wait3A_279] : memref<2x128x128xf32, #tpu.memory_space<vmem>> -> memref<1x128x128xf32, #tpu.memory_space<vmem>>
          %dma_wait3A_281 = tpu.memref_squeeze %dma_wait3A_280 : memref<1x128x128xf32, #tpu.memory_space<vmem>> -> memref<128x128xf32, #tpu.memory_space<vmem>>
          %dma_wait3A_282 = arith.constant 0 : i32
          %dma_wait3A_283 = arith.constant 0 : i32
          %dma_wait3A_284 = tpu.memref_slice %arg7[%dma_wait3A_282, %dma_wait3A_283] : memref<160000x128xf32, #tpu.memory_space<hbm>> -> memref<128x128xf32, #tpu.memory_space<hbm>>
          %dma_wait3A_285 = arith.constant 0 : i32
          %dma_wait3A_286 = arith.constant 0 : i32
          %dma_wait3A_287 = tpu.memref_slice %arg7[%dma_wait3A_285, %dma_wait3A_286] : memref<160000x128xf32, #tpu.memory_space<hbm>> -> memref<128x128xf32, #tpu.memory_space<hbm>>
          %dma_wait3A_288 = arith.constant 0 : i32
          %dma_wait3A_289 = arith.constant 0 : i32
          %dma_wait3A_290 = tpu.memref_slice %arg11[%dma_wait3A_277, %dma_wait3A_288, %dma_wait3A_289] : memref<2x128x128xf32, #tpu.memory_space<vmem>> -> memref<1x128x128xf32, #tpu.memory_space<vmem>>
          %dma_wait3A_291 = tpu.memref_squeeze %dma_wait3A_290 : memref<1x128x128xf32, #tpu.memory_space<vmem>> -> memref<128x128xf32, #tpu.memory_space<vmem>>
          tpu.wait_dma2 semaphore(%arg17 : memref<!tpu.dma_semaphore, #tpu.memory_space<semaphore_mem>>) src(%dma_wait3A_291 : memref<128x128xf32, #tpu.memory_space<vmem>>) dst(%dma_wait3A_287 : memref<128x128xf32, #tpu.memory_space<hbm>>)
        } else {
        }
        %dma_start3A_238 = arith.constant 1 : i32
        %dma_start3A_239 = arith.constant 1 : i32
        %dma_start3A_240 = arith.constant 0 : i32
        %dma_start3A_241 = arith.constant 0 : i32
        %dma_start3A_242 = tpu.memref_slice %arg10[%dma_start3A_239, %dma_start3A_240, %dma_start3A_241] : memref<2x128x128xi32, #tpu.memory_space<vmem>> -> memref<1x128x128xi32, #tpu.memory_space<vmem>>
        %dma_start3A_243 = tpu.memref_squeeze %dma_start3A_242 : memref<1x128x128xi32, #tpu.memory_space<vmem>> -> memref<128x128xi32, #tpu.memory_space<vmem>>
        %dma_start3A_244 = arith.constant 0 : i32
        %dma_start3A_245 = tpu.memref_slice %arg8[%dma_start3A_238, %dma_start3A_244] : memref<2x128xi32, #tpu.memory_space<vmem>> -> memref<1x128xi32, #tpu.memory_space<vmem>>
        %dma_start3A_246 = tpu.memref_squeeze %dma_start3A_245 : memref<1x128xi32, #tpu.memory_space<vmem>> -> memref<128xi32, #tpu.memory_space<vmem>>
        %dma_start3A_247 = arith.constant 0 : i32
        %dma_start3A_248 = arith.constant 0 : i32
        %dma_start3A_249 = tpu.memref_slice %arg2[%dma_start3A_247, %dma_start3A_248] : memref<10000x128xi32, #tpu.memory_space<hbm>> -> memref<10000x128xi32, #tpu.memory_space<hbm>>
        tpu.enqueue_indirect_dma source(%dma_start3A_249 : memref<10000x128xi32, #tpu.memory_space<hbm>>) target(%dma_start3A_243 : memref<128x128xi32, #tpu.memory_space<vmem>>) offsets(%dma_start3A_246 : memref<128xi32, #tpu.memory_space<vmem>>) semaphore(%arg15 : memref<!tpu.dma_semaphore, #tpu.memory_space<semaphore_mem>>)
        %dma_start3A_250 = arith.constant 1 : i32
        %dma_start3A_251 = arith.constant 1 : i32
        %dma_start3A_252 = arith.constant 0 : i32
        %dma_start3A_253 = arith.constant 0 : i32
        %dma_start3A_254 = tpu.memref_slice %arg11[%dma_start3A_251, %dma_start3A_252, %dma_start3A_253] : memref<2x128x128xf32, #tpu.memory_space<vmem>> -> memref<1x128x128xf32, #tpu.memory_space<vmem>>
        %dma_start3A_255 = tpu.memref_squeeze %dma_start3A_254 : memref<1x128x128xf32, #tpu.memory_space<vmem>> -> memref<128x128xf32, #tpu.memory_space<vmem>>
        %dma_start3A_256 = arith.constant 0 : i32
        %dma_start3A_257 = tpu.memref_slice %arg9[%dma_start3A_250, %dma_start3A_256] : memref<2x128xi32, #tpu.memory_space<vmem>> -> memref<1x128xi32, #tpu.memory_space<vmem>>
        %dma_start3A_258 = tpu.memref_squeeze %dma_start3A_257 : memref<1x128xi32, #tpu.memory_space<vmem>> -> memref<128xi32, #tpu.memory_space<vmem>>
        %dma_start3A_259 = arith.constant 0 : i32
        %dma_start3A_260 = arith.constant 0 : i32
        %dma_start3A_261 = tpu.memref_slice %arg3[%dma_start3A_259, %dma_start3A_260] : memref<10000x128xf32, #tpu.memory_space<hbm>> -> memref<10000x128xf32, #tpu.memory_space<hbm>>
        tpu.enqueue_indirect_dma source(%dma_start3A_261 : memref<10000x128xf32, #tpu.memory_space<hbm>>) target(%dma_start3A_255 : memref<128x128xf32, #tpu.memory_space<vmem>>) offsets(%dma_start3A_258 : memref<128xi32, #tpu.memory_space<vmem>>) semaphore(%arg15 : memref<!tpu.dma_semaphore, #tpu.memory_space<semaphore_mem>>)
      } else {
      }
      %lt3A_181 = arith.cmpi slt, %add3A_176, %add3A_8 : i32
      %convert_element_type3A_182 = arith.extui %lt3A_181 : i1 to i32
      %cond3A_183 = arith.constant 0 : i32
      %cond3A_184 = arith.cmpi ne, %convert_element_type3A_182, %cond3A_183 : i32
      scf.if %cond3A_184 {
        %dma_wait3A_212 = arith.constant 0 : i32
        %dma_wait3A_213 = arith.constant 0 : i32
        %dma_wait3A_214 = arith.constant 0 : i32
        %dma_wait3A_215 = arith.constant 0 : i32
        %dma_wait3A_216 = tpu.memref_slice %arg10[%dma_wait3A_213, %dma_wait3A_214, %dma_wait3A_215] : memref<2x128x128xi32, #tpu.memory_space<vmem>> -> memref<1x128x128xi32, #tpu.memory_space<vmem>>
        %dma_wait3A_217 = tpu.memref_squeeze %dma_wait3A_216 : memref<1x128x128xi32, #tpu.memory_space<vmem>> -> memref<128x128xi32, #tpu.memory_space<vmem>>
        %dma_wait3A_218 = arith.constant 0 : i32
        %dma_wait3A_219 = tpu.memref_slice %arg8[%dma_wait3A_212, %dma_wait3A_218] : memref<2x128xi32, #tpu.memory_space<vmem>> -> memref<1x128xi32, #tpu.memory_space<vmem>>
        %dma_wait3A_220 = tpu.memref_squeeze %dma_wait3A_219 : memref<1x128xi32, #tpu.memory_space<vmem>> -> memref<128xi32, #tpu.memory_space<vmem>>
        %dma_wait3A_221 = arith.constant 0 : i32
        %dma_wait3A_222 = arith.constant 0 : i32
        %dma_wait3A_223 = tpu.memref_slice %arg2[%dma_wait3A_221, %dma_wait3A_222] : memref<10000x128xi32, #tpu.memory_space<hbm>> -> memref<10000x128xi32, #tpu.memory_space<hbm>>
        tpu.wait_indirect_dma semaphore(%arg14 : memref<!tpu.dma_semaphore, #tpu.memory_space<semaphore_mem>>) src(%dma_wait3A_223 : memref<10000x128xi32, #tpu.memory_space<hbm>>) dst(%dma_wait3A_217 : memref<128x128xi32, #tpu.memory_space<vmem>>)
        %dma_wait3A_224 = arith.constant 0 : i32
        %dma_wait3A_225 = arith.constant 0 : i32
        %dma_wait3A_226 = arith.constant 0 : i32
        %dma_wait3A_227 = arith.constant 0 : i32
        %dma_wait3A_228 = tpu.memref_slice %arg11[%dma_wait3A_225, %dma_wait3A_226, %dma_wait3A_227] : memref<2x128x128xf32, #tpu.memory_space<vmem>> -> memref<1x128x128xf32, #tpu.memory_space<vmem>>
        %dma_wait3A_229 = tpu.memref_squeeze %dma_wait3A_228 : memref<1x128x128xf32, #tpu.memory_space<vmem>> -> memref<128x128xf32, #tpu.memory_space<vmem>>
        %dma_wait3A_230 = arith.constant 0 : i32
        %dma_wait3A_231 = tpu.memref_slice %arg9[%dma_wait3A_224, %dma_wait3A_230] : memref<2x128xi32, #tpu.memory_space<vmem>> -> memref<1x128xi32, #tpu.memory_space<vmem>>
        %dma_wait3A_232 = tpu.memref_squeeze %dma_wait3A_231 : memref<1x128xi32, #tpu.memory_space<vmem>> -> memref<128xi32, #tpu.memory_space<vmem>>
        %dma_wait3A_233 = arith.constant 0 : i32
        %dma_wait3A_234 = arith.constant 0 : i32
        %dma_wait3A_235 = tpu.memref_slice %arg3[%dma_wait3A_233, %dma_wait3A_234] : memref<10000x128xf32, #tpu.memory_space<hbm>> -> memref<10000x128xf32, #tpu.memory_space<hbm>>
        tpu.wait_indirect_dma semaphore(%arg14 : memref<!tpu.dma_semaphore, #tpu.memory_space<semaphore_mem>>) src(%dma_wait3A_235 : memref<10000x128xf32, #tpu.memory_space<hbm>>) dst(%dma_wait3A_229 : memref<128x128xf32, #tpu.memory_space<vmem>>)
        %add3A_236 = arith.addi %add3A_4, %add3A_176 : i32
        %mul3A_237 = arith.constant 128 : i32
        %mul3A_238 = arith.muli %add3A_236, %mul3A_237 : i32
        %dma_start3A_239 = arith.constant 0 : i32
        %dma_start3A_240 = arith.constant 0 : i32
        %dma_start3A_241 = arith.constant 0 : i32
        %dma_start3A_242 = tpu.memref_slice %arg10[%dma_start3A_239, %dma_start3A_240, %dma_start3A_241] : memref<2x128x128xi32, #tpu.memory_space<vmem>> -> memref<1x128x128xi32, #tpu.memory_space<vmem>>
        %dma_start3A_243 = tpu.memref_squeeze %dma_start3A_242 : memref<1x128x128xi32, #tpu.memory_space<vmem>> -> memref<128x128xi32, #tpu.memory_space<vmem>>
        %dma_start3A_244 = arith.constant 0 : i32
        %dma_start3A_245 = tpu.memref_slice %arg6[%mul3A_238, %dma_start3A_244] : memref<160000x128xi32, #tpu.memory_space<hbm>> -> memref<128x128xi32, #tpu.memory_space<hbm>>
        %dma_start3A_246 = arith.constant 0 : i32
        %dma_start3A_247 = tpu.memref_slice %arg6[%mul3A_238, %dma_start3A_246] : memref<160000x128xi32, #tpu.memory_space<hbm>> -> memref<128x128xi32, #tpu.memory_space<hbm>>
        %dma_start3A_248 = arith.constant 0 : i32
        %dma_start3A_249 = arith.constant 0 : i32
        %dma_start3A_250 = tpu.memref_slice %arg10[%dma_start3A_239, %dma_start3A_248, %dma_start3A_249] : memref<2x128x128xi32, #tpu.memory_space<vmem>> -> memref<1x128x128xi32, #tpu.memory_space<vmem>>
        %dma_start3A_251 = tpu.memref_squeeze %dma_start3A_250 : memref<1x128x128xi32, #tpu.memory_space<vmem>> -> memref<128x128xi32, #tpu.memory_space<vmem>>
        tpu.enqueue_dma source(%dma_start3A_251 : memref<128x128xi32, #tpu.memory_space<vmem>>) target(%dma_start3A_247 : memref<128x128xi32, #tpu.memory_space<hbm>>) target_semaphore(%arg16 : memref<!tpu.dma_semaphore, #tpu.memory_space<semaphore_mem>>)
        %add3A_252 = arith.addi %add3A_4, %add3A_176 : i32
        %mul3A_253 = arith.constant 128 : i32
        %mul3A_254 = arith.muli %add3A_252, %mul3A_253 : i32
        %dma_start3A_255 = arith.constant 0 : i32
        %dma_start3A_256 = arith.constant 0 : i32
        %dma_start3A_257 = arith.constant 0 : i32
        %dma_start3A_258 = tpu.memref_slice %arg11[%dma_start3A_255, %dma_start3A_256, %dma_start3A_257] : memref<2x128x128xf32, #tpu.memory_space<vmem>> -> memref<1x128x128xf32, #tpu.memory_space<vmem>>
        %dma_start3A_259 = tpu.memref_squeeze %dma_start3A_258 : memref<1x128x128xf32, #tpu.memory_space<vmem>> -> memref<128x128xf32, #tpu.memory_space<vmem>>
        %dma_start3A_260 = arith.constant 0 : i32
        %dma_start3A_261 = tpu.memref_slice %arg7[%mul3A_254, %dma_start3A_260] : memref<160000x128xf32, #tpu.memory_space<hbm>> -> memref<128x128xf32, #tpu.memory_space<hbm>>
        %dma_start3A_262 = arith.constant 0 : i32
        %dma_start3A_263 = tpu.memref_slice %arg7[%mul3A_254, %dma_start3A_262] : memref<160000x128xf32, #tpu.memory_space<hbm>> -> memref<128x128xf32, #tpu.memory_space<hbm>>
        %dma_start3A_264 = arith.constant 0 : i32
        %dma_start3A_265 = arith.constant 0 : i32
        %dma_start3A_266 = tpu.memref_slice %arg11[%dma_start3A_255, %dma_start3A_264, %dma_start3A_265] : memref<2x128x128xf32, #tpu.memory_space<vmem>> -> memref<1x128x128xf32, #tpu.memory_space<vmem>>
        %dma_start3A_267 = tpu.memref_squeeze %dma_start3A_266 : memref<1x128x128xf32, #tpu.memory_space<vmem>> -> memref<128x128xf32, #tpu.memory_space<vmem>>
        tpu.enqueue_dma source(%dma_start3A_267 : memref<128x128xf32, #tpu.memory_space<vmem>>) target(%dma_start3A_263 : memref<128x128xf32, #tpu.memory_space<hbm>>) target_semaphore(%arg16 : memref<!tpu.dma_semaphore, #tpu.memory_space<semaphore_mem>>)
      } else {
      }
      %add3A_185 = arith.constant 2 : i32
      %add3A_186 = arith.addi %add3A_176, %add3A_185 : i32
      %lt3A_187 = arith.cmpi slt, %add3A_186, %add3A_8 : i32
      %convert_element_type3A_188 = arith.extui %lt3A_187 : i1 to i32
      %cond3A_189 = arith.constant 0 : i32
      %cond3A_190 = arith.cmpi ne, %convert_element_type3A_188, %cond3A_189 : i32
      scf.if %cond3A_190 {
        %add3A_212 = arith.constant 2 : i32
        %add3A_213 = arith.addi %add3A_176, %add3A_212 : i32
        %add3A_214 = arith.addi %add3A_4, %add3A_213 : i32
        %mul3A_215 = arith.constant 128 : i32
        %mul3A_216 = arith.muli %add3A_214, %mul3A_215 : i32
        %dma_start3A_217 = arith.constant 0 : i32
        %dma_start3A_218 = arith.constant 0 : i32
        %dma_start3A_219 = tpu.memref_slice %arg8[%dma_start3A_217, %dma_start3A_218] : memref<2x128xi32, #tpu.memory_space<vmem>> -> memref<1x128xi32, #tpu.memory_space<vmem>>
        %dma_start3A_220 = tpu.memref_squeeze %dma_start3A_219 : memref<1x128xi32, #tpu.memory_space<vmem>> -> memref<128xi32, #tpu.memory_space<vmem>>
        %dma_start3A_221 = tpu.memref_slice %arg4[%mul3A_216] : memref<160000xi32, #tpu.memory_space<hbm>> -> memref<128xi32, #tpu.memory_space<hbm>>
        %dma_start3A_222 = arith.constant 0 : i32
        %dma_start3A_223 = tpu.memref_slice %arg8[%dma_start3A_217, %dma_start3A_222] : memref<2x128xi32, #tpu.memory_space<vmem>> -> memref<1x128xi32, #tpu.memory_space<vmem>>
        %dma_start3A_224 = tpu.memref_squeeze %dma_start3A_223 : memref<1x128xi32, #tpu.memory_space<vmem>> -> memref<128xi32, #tpu.memory_space<vmem>>
        %dma_start3A_225 = tpu.memref_slice %arg4[%mul3A_216] : memref<160000xi32, #tpu.memory_space<hbm>> -> memref<128xi32, #tpu.memory_space<hbm>>
        tpu.enqueue_dma source(%dma_start3A_225 : memref<128xi32, #tpu.memory_space<hbm>>) target(%dma_start3A_224 : memref<128xi32, #tpu.memory_space<vmem>>) target_semaphore(%arg12 : memref<!tpu.dma_semaphore, #tpu.memory_space<semaphore_mem>>)
        %add3A_226 = arith.addi %add3A_4, %add3A_213 : i32
        %mul3A_227 = arith.constant 128 : i32
        %mul3A_228 = arith.muli %add3A_226, %mul3A_227 : i32
        %dma_start3A_229 = arith.constant 0 : i32
        %dma_start3A_230 = arith.constant 0 : i32
        %dma_start3A_231 = tpu.memref_slice %arg9[%dma_start3A_229, %dma_start3A_230] : memref<2x128xi32, #tpu.memory_space<vmem>> -> memref<1x128xi32, #tpu.memory_space<vmem>>
        %dma_start3A_232 = tpu.memref_squeeze %dma_start3A_231 : memref<1x128xi32, #tpu.memory_space<vmem>> -> memref<128xi32, #tpu.memory_space<vmem>>
        %dma_start3A_233 = tpu.memref_slice %arg5[%mul3A_228] : memref<160000xi32, #tpu.memory_space<hbm>> -> memref<128xi32, #tpu.memory_space<hbm>>
        %dma_start3A_234 = arith.constant 0 : i32
        %dma_start3A_235 = tpu.memref_slice %arg9[%dma_start3A_229, %dma_start3A_234] : memref<2x128xi32, #tpu.memory_space<vmem>> -> memref<1x128xi32, #tpu.memory_space<vmem>>
        %dma_start3A_236 = tpu.memref_squeeze %dma_start3A_235 : memref<1x128xi32, #tpu.memory_space<vmem>> -> memref<128xi32, #tpu.memory_space<vmem>>
        %dma_start3A_237 = tpu.memref_slice %arg5[%mul3A_228] : memref<160000xi32, #tpu.memory_space<hbm>> -> memref<128xi32, #tpu.memory_space<hbm>>
        tpu.enqueue_dma source(%dma_start3A_237 : memref<128xi32, #tpu.memory_space<hbm>>) target(%dma_start3A_236 : memref<128xi32, #tpu.memory_space<vmem>>) target_semaphore(%arg12 : memref<!tpu.dma_semaphore, #tpu.memory_space<semaphore_mem>>)
      } else {
      }
      %mul3A_191 = arith.constant 2 : i32
      %mul3A_192 = arith.muli %scan3A_171, %mul3A_191 : i32
      %add3A_193 = arith.constant 1 : i32
      %add3A_194 = arith.addi %mul3A_192, %add3A_193 : i32
      %add3A_195 = arith.constant 1 : i32
      %add3A_196 = arith.addi %add3A_194, %add3A_195 : i32
      %lt3A_197 = arith.cmpi slt, %add3A_196, %add3A_8 : i32
      %convert_element_type3A_198 = arith.extui %lt3A_197 : i1 to i32
      %cond3A_199 = arith.constant 0 : i32
      %cond3A_200 = arith.cmpi ne, %convert_element_type3A_198, %cond3A_199 : i32
      scf.if %cond3A_200 {
        %dma_wait3A_212 = arith.constant 0 : i32
        %dma_wait3A_213 = arith.constant 0 : i32
        %dma_wait3A_214 = tpu.memref_slice %arg8[%dma_wait3A_212, %dma_wait3A_213] : memref<2x128xi32, #tpu.memory_space<vmem>> -> memref<1x128xi32, #tpu.memory_space<vmem>>
        %dma_wait3A_215 = tpu.memref_squeeze %dma_wait3A_214 : memref<1x128xi32, #tpu.memory_space<vmem>> -> memref<128xi32, #tpu.memory_space<vmem>>
        %dma_wait3A_216 = arith.constant 0 : i32
        %dma_wait3A_217 = tpu.memref_slice %arg4[%dma_wait3A_216] : memref<160000xi32, #tpu.memory_space<hbm>> -> memref<128xi32, #tpu.memory_space<hbm>>
        %dma_wait3A_218 = arith.constant 0 : i32
        %dma_wait3A_219 = tpu.memref_slice %arg8[%dma_wait3A_212, %dma_wait3A_218] : memref<2x128xi32, #tpu.memory_space<vmem>> -> memref<1x128xi32, #tpu.memory_space<vmem>>
        %dma_wait3A_220 = tpu.memref_squeeze %dma_wait3A_219 : memref<1x128xi32, #tpu.memory_space<vmem>> -> memref<128xi32, #tpu.memory_space<vmem>>
        %dma_wait3A_221 = arith.constant 0 : i32
        %dma_wait3A_222 = tpu.memref_slice %arg4[%dma_wait3A_221] : memref<160000xi32, #tpu.memory_space<hbm>> -> memref<128xi32, #tpu.memory_space<hbm>>
        tpu.wait_dma2 semaphore(%arg12 : memref<!tpu.dma_semaphore, #tpu.memory_space<semaphore_mem>>) src(%dma_wait3A_222 : memref<128xi32, #tpu.memory_space<hbm>>) dst(%dma_wait3A_220 : memref<128xi32, #tpu.memory_space<vmem>>)
        %dma_wait3A_223 = arith.constant 0 : i32
        %dma_wait3A_224 = arith.constant 0 : i32
        %dma_wait3A_225 = tpu.memref_slice %arg9[%dma_wait3A_223, %dma_wait3A_224] : memref<2x128xi32, #tpu.memory_space<vmem>> -> memref<1x128xi32, #tpu.memory_space<vmem>>
        %dma_wait3A_226 = tpu.memref_squeeze %dma_wait3A_225 : memref<1x128xi32, #tpu.memory_space<vmem>> -> memref<128xi32, #tpu.memory_space<vmem>>
        %dma_wait3A_227 = arith.constant 0 : i32
        %dma_wait3A_228 = tpu.memref_slice %arg5[%dma_wait3A_227] : memref<160000xi32, #tpu.memory_space<hbm>> -> memref<128xi32, #tpu.memory_space<hbm>>
        %dma_wait3A_229 = arith.constant 0 : i32
        %dma_wait3A_230 = tpu.memref_slice %arg9[%dma_wait3A_223, %dma_wait3A_229] : memref<2x128xi32, #tpu.memory_space<vmem>> -> memref<1x128xi32, #tpu.memory_space<vmem>>
        %dma_wait3A_231 = tpu.memref_squeeze %dma_wait3A_230 : memref<1x128xi32, #tpu.memory_space<vmem>> -> memref<128xi32, #tpu.memory_space<vmem>>
        %dma_wait3A_232 = arith.constant 0 : i32
        %dma_wait3A_233 = tpu.memref_slice %arg5[%dma_wait3A_232] : memref<160000xi32, #tpu.memory_space<hbm>> -> memref<128xi32, #tpu.memory_space<hbm>>
        tpu.wait_dma2 semaphore(%arg12 : memref<!tpu.dma_semaphore, #tpu.memory_space<semaphore_mem>>) src(%dma_wait3A_233 : memref<128xi32, #tpu.memory_space<hbm>>) dst(%dma_wait3A_231 : memref<128xi32, #tpu.memory_space<vmem>>)
        %ge3A = arith.constant 1 : i32
        %ge3A_234 = arith.cmpi sge, %add3A_194, %ge3A : i32
        %convert_element_type3A_235 = arith.extui %ge3A_234 : i1 to i32
        %cond3A_236 = arith.constant 0 : i32
        %cond3A_237 = arith.cmpi ne, %convert_element_type3A_235, %cond3A_236 : i32
        scf.if %cond3A_237 {
          %dma_wait3A_262 = arith.constant 0 : i32
          %dma_wait3A_263 = arith.constant 0 : i32
          %dma_wait3A_264 = arith.constant 0 : i32
          %dma_wait3A_265 = tpu.memref_slice %arg10[%dma_wait3A_262, %dma_wait3A_263, %dma_wait3A_264] : memref<2x128x128xi32, #tpu.memory_space<vmem>> -> memref<1x128x128xi32, #tpu.memory_space<vmem>>
          %dma_wait3A_266 = tpu.memref_squeeze %dma_wait3A_265 : memref<1x128x128xi32, #tpu.memory_space<vmem>> -> memref<128x128xi32, #tpu.memory_space<vmem>>
          %dma_wait3A_267 = arith.constant 0 : i32
          %dma_wait3A_268 = arith.constant 0 : i32
          %dma_wait3A_269 = tpu.memref_slice %arg6[%dma_wait3A_267, %dma_wait3A_268] : memref<160000x128xi32, #tpu.memory_space<hbm>> -> memref<128x128xi32, #tpu.memory_space<hbm>>
          %dma_wait3A_270 = arith.constant 0 : i32
          %dma_wait3A_271 = arith.constant 0 : i32
          %dma_wait3A_272 = tpu.memref_slice %arg6[%dma_wait3A_270, %dma_wait3A_271] : memref<160000x128xi32, #tpu.memory_space<hbm>> -> memref<128x128xi32, #tpu.memory_space<hbm>>
          %dma_wait3A_273 = arith.constant 0 : i32
          %dma_wait3A_274 = arith.constant 0 : i32
          %dma_wait3A_275 = tpu.memref_slice %arg10[%dma_wait3A_262, %dma_wait3A_273, %dma_wait3A_274] : memref<2x128x128xi32, #tpu.memory_space<vmem>> -> memref<1x128x128xi32, #tpu.memory_space<vmem>>
          %dma_wait3A_276 = tpu.memref_squeeze %dma_wait3A_275 : memref<1x128x128xi32, #tpu.memory_space<vmem>> -> memref<128x128xi32, #tpu.memory_space<vmem>>
          tpu.wait_dma2 semaphore(%arg16 : memref<!tpu.dma_semaphore, #tpu.memory_space<semaphore_mem>>) src(%dma_wait3A_276 : memref<128x128xi32, #tpu.memory_space<vmem>>) dst(%dma_wait3A_272 : memref<128x128xi32, #tpu.memory_space<hbm>>)
          %dma_wait3A_277 = arith.constant 0 : i32
          %dma_wait3A_278 = arith.constant 0 : i32
          %dma_wait3A_279 = arith.constant 0 : i32
          %dma_wait3A_280 = tpu.memref_slice %arg11[%dma_wait3A_277, %dma_wait3A_278, %dma_wait3A_279] : memref<2x128x128xf32, #tpu.memory_space<vmem>> -> memref<1x128x128xf32, #tpu.memory_space<vmem>>
          %dma_wait3A_281 = tpu.memref_squeeze %dma_wait3A_280 : memref<1x128x128xf32, #tpu.memory_space<vmem>> -> memref<128x128xf32, #tpu.memory_space<vmem>>
          %dma_wait3A_282 = arith.constant 0 : i32
          %dma_wait3A_283 = arith.constant 0 : i32
          %dma_wait3A_284 = tpu.memref_slice %arg7[%dma_wait3A_282, %dma_wait3A_283] : memref<160000x128xf32, #tpu.memory_space<hbm>> -> memref<128x128xf32, #tpu.memory_space<hbm>>
          %dma_wait3A_285 = arith.constant 0 : i32
          %dma_wait3A_286 = arith.constant 0 : i32
          %dma_wait3A_287 = tpu.memref_slice %arg7[%dma_wait3A_285, %dma_wait3A_286] : memref<160000x128xf32, #tpu.memory_space<hbm>> -> memref<128x128xf32, #tpu.memory_space<hbm>>
          %dma_wait3A_288 = arith.constant 0 : i32
          %dma_wait3A_289 = arith.constant 0 : i32
          %dma_wait3A_290 = tpu.memref_slice %arg11[%dma_wait3A_277, %dma_wait3A_288, %dma_wait3A_289] : memref<2x128x128xf32, #tpu.memory_space<vmem>> -> memref<1x128x128xf32, #tpu.memory_space<vmem>>
          %dma_wait3A_291 = tpu.memref_squeeze %dma_wait3A_290 : memref<1x128x128xf32, #tpu.memory_space<vmem>> -> memref<128x128xf32, #tpu.memory_space<vmem>>
          tpu.wait_dma2 semaphore(%arg16 : memref<!tpu.dma_semaphore, #tpu.memory_space<semaphore_mem>>) src(%dma_wait3A_291 : memref<128x128xf32, #tpu.memory_space<vmem>>) dst(%dma_wait3A_287 : memref<128x128xf32, #tpu.memory_space<hbm>>)
        } else {
        }
        %dma_start3A_238 = arith.constant 0 : i32
        %dma_start3A_239 = arith.constant 0 : i32
        %dma_start3A_240 = arith.constant 0 : i32
        %dma_start3A_241 = arith.constant 0 : i32
        %dma_start3A_242 = tpu.memref_slice %arg10[%dma_start3A_239, %dma_start3A_240, %dma_start3A_241] : memref<2x128x128xi32, #tpu.memory_space<vmem>> -> memref<1x128x128xi32, #tpu.memory_space<vmem>>
        %dma_start3A_243 = tpu.memref_squeeze %dma_start3A_242 : memref<1x128x128xi32, #tpu.memory_space<vmem>> -> memref<128x128xi32, #tpu.memory_space<vmem>>
        %dma_start3A_244 = arith.constant 0 : i32
        %dma_start3A_245 = tpu.memref_slice %arg8[%dma_start3A_238, %dma_start3A_244] : memref<2x128xi32, #tpu.memory_space<vmem>> -> memref<1x128xi32, #tpu.memory_space<vmem>>
        %dma_start3A_246 = tpu.memref_squeeze %dma_start3A_245 : memref<1x128xi32, #tpu.memory_space<vmem>> -> memref<128xi32, #tpu.memory_space<vmem>>
        %dma_start3A_247 = arith.constant 0 : i32
        %dma_start3A_248 = arith.constant 0 : i32
        %dma_start3A_249 = tpu.memref_slice %arg2[%dma_start3A_247, %dma_start3A_248] : memref<10000x128xi32, #tpu.memory_space<hbm>> -> memref<10000x128xi32, #tpu.memory_space<hbm>>
        tpu.enqueue_indirect_dma source(%dma_start3A_249 : memref<10000x128xi32, #tpu.memory_space<hbm>>) target(%dma_start3A_243 : memref<128x128xi32, #tpu.memory_space<vmem>>) offsets(%dma_start3A_246 : memref<128xi32, #tpu.memory_space<vmem>>) semaphore(%arg14 : memref<!tpu.dma_semaphore, #tpu.memory_space<semaphore_mem>>)
        %dma_start3A_250 = arith.constant 0 : i32
        %dma_start3A_251 = arith.constant 0 : i32
        %dma_start3A_252 = arith.constant 0 : i32
        %dma_start3A_253 = arith.constant 0 : i32
        %dma_start3A_254 = tpu.memref_slice %arg11[%dma_start3A_251, %dma_start3A_252, %dma_start3A_253] : memref<2x128x128xf32, #tpu.memory_space<vmem>> -> memref<1x128x128xf32, #tpu.memory_space<vmem>>
        %dma_start3A_255 = tpu.memref_squeeze %dma_start3A_254 : memref<1x128x128xf32, #tpu.memory_space<vmem>> -> memref<128x128xf32, #tpu.memory_space<vmem>>
        %dma_start3A_256 = arith.constant 0 : i32
        %dma_start3A_257 = tpu.memref_slice %arg9[%dma_start3A_250, %dma_start3A_256] : memref<2x128xi32, #tpu.memory_space<vmem>> -> memref<1x128xi32, #tpu.memory_space<vmem>>
        %dma_start3A_258 = tpu.memref_squeeze %dma_start3A_257 : memref<1x128xi32, #tpu.memory_space<vmem>> -> memref<128xi32, #tpu.memory_space<vmem>>
        %dma_start3A_259 = arith.constant 0 : i32
        %dma_start3A_260 = arith.constant 0 : i32
        %dma_start3A_261 = tpu.memref_slice %arg3[%dma_start3A_259, %dma_start3A_260] : memref<10000x128xf32, #tpu.memory_space<hbm>> -> memref<10000x128xf32, #tpu.memory_space<hbm>>
        tpu.enqueue_indirect_dma source(%dma_start3A_261 : memref<10000x128xf32, #tpu.memory_space<hbm>>) target(%dma_start3A_255 : memref<128x128xf32, #tpu.memory_space<vmem>>) offsets(%dma_start3A_258 : memref<128xi32, #tpu.memory_space<vmem>>) semaphore(%arg14 : memref<!tpu.dma_semaphore, #tpu.memory_space<semaphore_mem>>)
      } else {
      }
      %lt3A_201 = arith.cmpi slt, %add3A_194, %add3A_8 : i32
      %convert_element_type3A_202 = arith.extui %lt3A_201 : i1 to i32
      %cond3A_203 = arith.constant 0 : i32
      %cond3A_204 = arith.cmpi ne, %convert_element_type3A_202, %cond3A_203 : i32
      scf.if %cond3A_204 {
        %dma_wait3A_212 = arith.constant 1 : i32
        %dma_wait3A_213 = arith.constant 1 : i32
        %dma_wait3A_214 = arith.constant 0 : i32
        %dma_wait3A_215 = arith.constant 0 : i32
        %dma_wait3A_216 = tpu.memref_slice %arg10[%dma_wait3A_213, %dma_wait3A_214, %dma_wait3A_215] : memref<2x128x128xi32, #tpu.memory_space<vmem>> -> memref<1x128x128xi32, #tpu.memory_space<vmem>>
        %dma_wait3A_217 = tpu.memref_squeeze %dma_wait3A_216 : memref<1x128x128xi32, #tpu.memory_space<vmem>> -> memref<128x128xi32, #tpu.memory_space<vmem>>
        %dma_wait3A_218 = arith.constant 0 : i32
        %dma_wait3A_219 = tpu.memref_slice %arg8[%dma_wait3A_212, %dma_wait3A_218] : memref<2x128xi32, #tpu.memory_space<vmem>> -> memref<1x128xi32, #tpu.memory_space<vmem>>
        %dma_wait3A_220 = tpu.memref_squeeze %dma_wait3A_219 : memref<1x128xi32, #tpu.memory_space<vmem>> -> memref<128xi32, #tpu.memory_space<vmem>>
        %dma_wait3A_221 = arith.constant 0 : i32
        %dma_wait3A_222 = arith.constant 0 : i32
        %dma_wait3A_223 = tpu.memref_slice %arg2[%dma_wait3A_221, %dma_wait3A_222] : memref<10000x128xi32, #tpu.memory_space<hbm>> -> memref<10000x128xi32, #tpu.memory_space<hbm>>
        tpu.wait_indirect_dma semaphore(%arg15 : memref<!tpu.dma_semaphore, #tpu.memory_space<semaphore_mem>>) src(%dma_wait3A_223 : memref<10000x128xi32, #tpu.memory_space<hbm>>) dst(%dma_wait3A_217 : memref<128x128xi32, #tpu.memory_space<vmem>>)
        %dma_wait3A_224 = arith.constant 1 : i32
        %dma_wait3A_225 = arith.constant 1 : i32
        %dma_wait3A_226 = arith.constant 0 : i32
        %dma_wait3A_227 = arith.constant 0 : i32
        %dma_wait3A_228 = tpu.memref_slice %arg11[%dma_wait3A_225, %dma_wait3A_226, %dma_wait3A_227] : memref<2x128x128xf32, #tpu.memory_space<vmem>> -> memref<1x128x128xf32, #tpu.memory_space<vmem>>
        %dma_wait3A_229 = tpu.memref_squeeze %dma_wait3A_228 : memref<1x128x128xf32, #tpu.memory_space<vmem>> -> memref<128x128xf32, #tpu.memory_space<vmem>>
        %dma_wait3A_230 = arith.constant 0 : i32
        %dma_wait3A_231 = tpu.memref_slice %arg9[%dma_wait3A_224, %dma_wait3A_230] : memref<2x128xi32, #tpu.memory_space<vmem>> -> memref<1x128xi32, #tpu.memory_space<vmem>>
        %dma_wait3A_232 = tpu.memref_squeeze %dma_wait3A_231 : memref<1x128xi32, #tpu.memory_space<vmem>> -> memref<128xi32, #tpu.memory_space<vmem>>
        %dma_wait3A_233 = arith.constant 0 : i32
        %dma_wait3A_234 = arith.constant 0 : i32
        %dma_wait3A_235 = tpu.memref_slice %arg3[%dma_wait3A_233, %dma_wait3A_234] : memref<10000x128xf32, #tpu.memory_space<hbm>> -> memref<10000x128xf32, #tpu.memory_space<hbm>>
        tpu.wait_indirect_dma semaphore(%arg15 : memref<!tpu.dma_semaphore, #tpu.memory_space<semaphore_mem>>) src(%dma_wait3A_235 : memref<10000x128xf32, #tpu.memory_space<hbm>>) dst(%dma_wait3A_229 : memref<128x128xf32, #tpu.memory_space<vmem>>)
        %add3A_236 = arith.addi %add3A_4, %add3A_194 : i32
        %mul3A_237 = arith.constant 128 : i32
        %mul3A_238 = arith.muli %add3A_236, %mul3A_237 : i32
        %dma_start3A_239 = arith.constant 1 : i32
        %dma_start3A_240 = arith.constant 0 : i32
        %dma_start3A_241 = arith.constant 0 : i32
        %dma_start3A_242 = tpu.memref_slice %arg10[%dma_start3A_239, %dma_start3A_240, %dma_start3A_241] : memref<2x128x128xi32, #tpu.memory_space<vmem>> -> memref<1x128x128xi32, #tpu.memory_space<vmem>>
        %dma_start3A_243 = tpu.memref_squeeze %dma_start3A_242 : memref<1x128x128xi32, #tpu.memory_space<vmem>> -> memref<128x128xi32, #tpu.memory_space<vmem>>
        %dma_start3A_244 = arith.constant 0 : i32
        %dma_start3A_245 = tpu.memref_slice %arg6[%mul3A_238, %dma_start3A_244] : memref<160000x128xi32, #tpu.memory_space<hbm>> -> memref<128x128xi32, #tpu.memory_space<hbm>>
        %dma_start3A_246 = arith.constant 0 : i32
        %dma_start3A_247 = tpu.memref_slice %arg6[%mul3A_238, %dma_start3A_246] : memref<160000x128xi32, #tpu.memory_space<hbm>> -> memref<128x128xi32, #tpu.memory_space<hbm>>
        %dma_start3A_248 = arith.constant 0 : i32
        %dma_start3A_249 = arith.constant 0 : i32
        %dma_start3A_250 = tpu.memref_slice %arg10[%dma_start3A_239, %dma_start3A_248, %dma_start3A_249] : memref<2x128x128xi32, #tpu.memory_space<vmem>> -> memref<1x128x128xi32, #tpu.memory_space<vmem>>
        %dma_start3A_251 = tpu.memref_squeeze %dma_start3A_250 : memref<1x128x128xi32, #tpu.memory_space<vmem>> -> memref<128x128xi32, #tpu.memory_space<vmem>>
        tpu.enqueue_dma source(%dma_start3A_251 : memref<128x128xi32, #tpu.memory_space<vmem>>) target(%dma_start3A_247 : memref<128x128xi32, #tpu.memory_space<hbm>>) target_semaphore(%arg17 : memref<!tpu.dma_semaphore, #tpu.memory_space<semaphore_mem>>)
        %add3A_252 = arith.addi %add3A_4, %add3A_194 : i32
        %mul3A_253 = arith.constant 128 : i32
        %mul3A_254 = arith.muli %add3A_252, %mul3A_253 : i32
        %dma_start3A_255 = arith.constant 1 : i32
        %dma_start3A_256 = arith.constant 0 : i32
        %dma_start3A_257 = arith.constant 0 : i32
        %dma_start3A_258 = tpu.memref_slice %arg11[%dma_start3A_255, %dma_start3A_256, %dma_start3A_257] : memref<2x128x128xf32, #tpu.memory_space<vmem>> -> memref<1x128x128xf32, #tpu.memory_space<vmem>>
        %dma_start3A_259 = tpu.memref_squeeze %dma_start3A_258 : memref<1x128x128xf32, #tpu.memory_space<vmem>> -> memref<128x128xf32, #tpu.memory_space<vmem>>
        %dma_start3A_260 = arith.constant 0 : i32
        %dma_start3A_261 = tpu.memref_slice %arg7[%mul3A_254, %dma_start3A_260] : memref<160000x128xf32, #tpu.memory_space<hbm>> -> memref<128x128xf32, #tpu.memory_space<hbm>>
        %dma_start3A_262 = arith.constant 0 : i32
        %dma_start3A_263 = tpu.memref_slice %arg7[%mul3A_254, %dma_start3A_262] : memref<160000x128xf32, #tpu.memory_space<hbm>> -> memref<128x128xf32, #tpu.memory_space<hbm>>
        %dma_start3A_264 = arith.constant 0 : i32
        %dma_start3A_265 = arith.constant 0 : i32
        %dma_start3A_266 = tpu.memref_slice %arg11[%dma_start3A_255, %dma_start3A_264, %dma_start3A_265] : memref<2x128x128xf32, #tpu.memory_space<vmem>> -> memref<1x128x128xf32, #tpu.memory_space<vmem>>
        %dma_start3A_267 = tpu.memref_squeeze %dma_start3A_266 : memref<1x128x128xf32, #tpu.memory_space<vmem>> -> memref<128x128xf32, #tpu.memory_space<vmem>>
        tpu.enqueue_dma source(%dma_start3A_267 : memref<128x128xf32, #tpu.memory_space<vmem>>) target(%dma_start3A_263 : memref<128x128xf32, #tpu.memory_space<hbm>>) target_semaphore(%arg17 : memref<!tpu.dma_semaphore, #tpu.memory_space<semaphore_mem>>)
      } else {
      }
      %add3A_205 = arith.constant 2 : i32
      %add3A_206 = arith.addi %add3A_194, %add3A_205 : i32
      %lt3A_207 = arith.cmpi slt, %add3A_206, %add3A_8 : i32
      %convert_element_type3A_208 = arith.extui %lt3A_207 : i1 to i32
      %cond3A_209 = arith.constant 0 : i32
      %cond3A_210 = arith.cmpi ne, %convert_element_type3A_208, %cond3A_209 : i32
      scf.if %cond3A_210 {
        %add3A_212 = arith.constant 2 : i32
        %add3A_213 = arith.addi %add3A_194, %add3A_212 : i32
        %add3A_214 = arith.addi %add3A_4, %add3A_213 : i32
        %mul3A_215 = arith.constant 128 : i32
        %mul3A_216 = arith.muli %add3A_214, %mul3A_215 : i32
        %dma_start3A_217 = arith.constant 1 : i32
        %dma_start3A_218 = arith.constant 0 : i32
        %dma_start3A_219 = tpu.memref_slice %arg8[%dma_start3A_217, %dma_start3A_218] : memref<2x128xi32, #tpu.memory_space<vmem>> -> memref<1x128xi32, #tpu.memory_space<vmem>>
        %dma_start3A_220 = tpu.memref_squeeze %dma_start3A_219 : memref<1x128xi32, #tpu.memory_space<vmem>> -> memref<128xi32, #tpu.memory_space<vmem>>
        %dma_start3A_221 = tpu.memref_slice %arg4[%mul3A_216] : memref<160000xi32, #tpu.memory_space<hbm>> -> memref<128xi32, #tpu.memory_space<hbm>>
        %dma_start3A_222 = arith.constant 0 : i32
        %dma_start3A_223 = tpu.memref_slice %arg8[%dma_start3A_217, %dma_start3A_222] : memref<2x128xi32, #tpu.memory_space<vmem>> -> memref<1x128xi32, #tpu.memory_space<vmem>>
        %dma_start3A_224 = tpu.memref_squeeze %dma_start3A_223 : memref<1x128xi32, #tpu.memory_space<vmem>> -> memref<128xi32, #tpu.memory_space<vmem>>
        %dma_start3A_225 = tpu.memref_slice %arg4[%mul3A_216] : memref<160000xi32, #tpu.memory_space<hbm>> -> memref<128xi32, #tpu.memory_space<hbm>>
        tpu.enqueue_dma source(%dma_start3A_225 : memref<128xi32, #tpu.memory_space<hbm>>) target(%dma_start3A_224 : memref<128xi32, #tpu.memory_space<vmem>>) target_semaphore(%arg13 : memref<!tpu.dma_semaphore, #tpu.memory_space<semaphore_mem>>)
        %add3A_226 = arith.addi %add3A_4, %add3A_213 : i32
        %mul3A_227 = arith.constant 128 : i32
        %mul3A_228 = arith.muli %add3A_226, %mul3A_227 : i32
        %dma_start3A_229 = arith.constant 1 : i32
        %dma_start3A_230 = arith.constant 0 : i32
        %dma_start3A_231 = tpu.memref_slice %arg9[%dma_start3A_229, %dma_start3A_230] : memref<2x128xi32, #tpu.memory_space<vmem>> -> memref<1x128xi32, #tpu.memory_space<vmem>>
        %dma_start3A_232 = tpu.memref_squeeze %dma_start3A_231 : memref<1x128xi32, #tpu.memory_space<vmem>> -> memref<128xi32, #tpu.memory_space<vmem>>
        %dma_start3A_233 = tpu.memref_slice %arg5[%mul3A_228] : memref<160000xi32, #tpu.memory_space<hbm>> -> memref<128xi32, #tpu.memory_space<hbm>>
        %dma_start3A_234 = arith.constant 0 : i32
        %dma_start3A_235 = tpu.memref_slice %arg9[%dma_start3A_229, %dma_start3A_234] : memref<2x128xi32, #tpu.memory_space<vmem>> -> memref<1x128xi32, #tpu.memory_space<vmem>>
        %dma_start3A_236 = tpu.memref_squeeze %dma_start3A_235 : memref<1x128xi32, #tpu.memory_space<vmem>> -> memref<128xi32, #tpu.memory_space<vmem>>
        %dma_start3A_237 = tpu.memref_slice %arg5[%mul3A_228] : memref<160000xi32, #tpu.memory_space<hbm>> -> memref<128xi32, #tpu.memory_space<hbm>>
        tpu.enqueue_dma source(%dma_start3A_237 : memref<128xi32, #tpu.memory_space<hbm>>) target(%dma_start3A_236 : memref<128xi32, #tpu.memory_space<vmem>>) target_semaphore(%arg13 : memref<!tpu.dma_semaphore, #tpu.memory_space<semaphore_mem>>)
      } else {
      }
      %scan3A_211 = arith.constant 0 : i32
      scf.yield %scan3A_211 : i32
    }
    %scan3A_110 = arith.constant 20 : i32
    %dma_wait3A_111 = arith.constant 0 : i32
    %dma_wait3A_112 = arith.constant 0 : i32
    %dma_wait3A_113 = arith.constant 0 : i32
    %dma_wait3A_114 = tpu.memref_slice %arg10[%dma_wait3A_111, %dma_wait3A_112, %dma_wait3A_113] : memref<2x128x128xi32, #tpu.memory_space<vmem>> -> memref<1x128x128xi32, #tpu.memory_space<vmem>>
    %dma_wait3A_115 = tpu.memref_squeeze %dma_wait3A_114 : memref<1x128x128xi32, #tpu.memory_space<vmem>> -> memref<128x128xi32, #tpu.memory_space<vmem>>
    %dma_wait3A_116 = arith.constant 0 : i32
    %dma_wait3A_117 = arith.constant 0 : i32
    %dma_wait3A_118 = tpu.memref_slice %arg6[%dma_wait3A_116, %dma_wait3A_117] : memref<160000x128xi32, #tpu.memory_space<hbm>> -> memref<128x128xi32, #tpu.memory_space<hbm>>
    %dma_wait3A_119 = arith.constant 0 : i32
    %dma_wait3A_120 = arith.constant 0 : i32
    %dma_wait3A_121 = tpu.memref_slice %arg6[%dma_wait3A_119, %dma_wait3A_120] : memref<160000x128xi32, #tpu.memory_space<hbm>> -> memref<128x128xi32, #tpu.memory_space<hbm>>
    %dma_wait3A_122 = arith.constant 0 : i32
    %dma_wait3A_123 = arith.constant 0 : i32
    %dma_wait3A_124 = tpu.memref_slice %arg10[%dma_wait3A_111, %dma_wait3A_122, %dma_wait3A_123] : memref<2x128x128xi32, #tpu.memory_space<vmem>> -> memref<1x128x128xi32, #tpu.memory_space<vmem>>
    %dma_wait3A_125 = tpu.memref_squeeze %dma_wait3A_124 : memref<1x128x128xi32, #tpu.memory_space<vmem>> -> memref<128x128xi32, #tpu.memory_space<vmem>>
    tpu.wait_dma2 semaphore(%arg16 : memref<!tpu.dma_semaphore, #tpu.memory_space<semaphore_mem>>) src(%dma_wait3A_125 : memref<128x128xi32, #tpu.memory_space<vmem>>) dst(%dma_wait3A_121 : memref<128x128xi32, #tpu.memory_space<hbm>>)
    %dma_wait3A_126 = arith.constant 0 : i32
    %dma_wait3A_127 = arith.constant 0 : i32
    %dma_wait3A_128 = arith.constant 0 : i32
    %dma_wait3A_129 = tpu.memref_slice %arg11[%dma_wait3A_126, %dma_wait3A_127, %dma_wait3A_128] : memref<2x128x128xf32, #tpu.memory_space<vmem>> -> memref<1x128x128xf32, #tpu.memory_space<vmem>>
    %dma_wait3A_130 = tpu.memref_squeeze %dma_wait3A_129 : memref<1x128x128xf32, #tpu.memory_space<vmem>> -> memref<128x128xf32, #tpu.memory_space<vmem>>
    %dma_wait3A_131 = arith.constant 0 : i32
    %dma_wait3A_132 = arith.constant 0 : i32
    %dma_wait3A_133 = tpu.memref_slice %arg7[%dma_wait3A_131, %dma_wait3A_132] : memref<160000x128xf32, #tpu.memory_space<hbm>> -> memref<128x128xf32, #tpu.memory_space<hbm>>
    %dma_wait3A_134 = arith.constant 0 : i32
    %dma_wait3A_135 = arith.constant 0 : i32
    %dma_wait3A_136 = tpu.memref_slice %arg7[%dma_wait3A_134, %dma_wait3A_135] : memref<160000x128xf32, #tpu.memory_space<hbm>> -> memref<128x128xf32, #tpu.memory_space<hbm>>
    %dma_wait3A_137 = arith.constant 0 : i32
    %dma_wait3A_138 = arith.constant 0 : i32
    %dma_wait3A_139 = tpu.memref_slice %arg11[%dma_wait3A_126, %dma_wait3A_137, %dma_wait3A_138] : memref<2x128x128xf32, #tpu.memory_space<vmem>> -> memref<1x128x128xf32, #tpu.memory_space<vmem>>
    %dma_wait3A_140 = tpu.memref_squeeze %dma_wait3A_139 : memref<1x128x128xf32, #tpu.memory_space<vmem>> -> memref<128x128xf32, #tpu.memory_space<vmem>>
    tpu.wait_dma2 semaphore(%arg16 : memref<!tpu.dma_semaphore, #tpu.memory_space<semaphore_mem>>) src(%dma_wait3A_140 : memref<128x128xf32, #tpu.memory_space<vmem>>) dst(%dma_wait3A_136 : memref<128x128xf32, #tpu.memory_space<hbm>>)
    %dma_wait3A_141 = arith.constant 1 : i32
    %dma_wait3A_142 = arith.constant 0 : i32
    %dma_wait3A_143 = arith.constant 0 : i32
    %dma_wait3A_144 = tpu.memref_slice %arg10[%dma_wait3A_141, %dma_wait3A_142, %dma_wait3A_143] : memref<2x128x128xi32, #tpu.memory_space<vmem>> -> memref<1x128x128xi32, #tpu.memory_space<vmem>>
    %dma_wait3A_145 = tpu.memref_squeeze %dma_wait3A_144 : memref<1x128x128xi32, #tpu.memory_space<vmem>> -> memref<128x128xi32, #tpu.memory_space<vmem>>
    %dma_wait3A_146 = arith.constant 0 : i32
    %dma_wait3A_147 = arith.constant 0 : i32
    %dma_wait3A_148 = tpu.memref_slice %arg6[%dma_wait3A_146, %dma_wait3A_147] : memref<160000x128xi32, #tpu.memory_space<hbm>> -> memref<128x128xi32, #tpu.memory_space<hbm>>
    %dma_wait3A_149 = arith.constant 0 : i32
    %dma_wait3A_150 = arith.constant 0 : i32
    %dma_wait3A_151 = tpu.memref_slice %arg6[%dma_wait3A_149, %dma_wait3A_150] : memref<160000x128xi32, #tpu.memory_space<hbm>> -> memref<128x128xi32, #tpu.memory_space<hbm>>
    %dma_wait3A_152 = arith.constant 0 : i32
    %dma_wait3A_153 = arith.constant 0 : i32
    %dma_wait3A_154 = tpu.memref_slice %arg10[%dma_wait3A_141, %dma_wait3A_152, %dma_wait3A_153] : memref<2x128x128xi32, #tpu.memory_space<vmem>> -> memref<1x128x128xi32, #tpu.memory_space<vmem>>
    %dma_wait3A_155 = tpu.memref_squeeze %dma_wait3A_154 : memref<1x128x128xi32, #tpu.memory_space<vmem>> -> memref<128x128xi32, #tpu.memory_space<vmem>>
    tpu.wait_dma2 semaphore(%arg17 : memref<!tpu.dma_semaphore, #tpu.memory_space<semaphore_mem>>) src(%dma_wait3A_155 : memref<128x128xi32, #tpu.memory_space<vmem>>) dst(%dma_wait3A_151 : memref<128x128xi32, #tpu.memory_space<hbm>>)
    %dma_wait3A_156 = arith.constant 1 : i32
    %dma_wait3A_157 = arith.constant 0 : i32
    %dma_wait3A_158 = arith.constant 0 : i32
    %dma_wait3A_159 = tpu.memref_slice %arg11[%dma_wait3A_156, %dma_wait3A_157, %dma_wait3A_158] : memref<2x128x128xf32, #tpu.memory_space<vmem>> -> memref<1x128x128xf32, #tpu.memory_space<vmem>>
    %dma_wait3A_160 = tpu.memref_squeeze %dma_wait3A_159 : memref<1x128x128xf32, #tpu.memory_space<vmem>> -> memref<128x128xf32, #tpu.memory_space<vmem>>
    %dma_wait3A_161 = arith.constant 0 : i32
    %dma_wait3A_162 = arith.constant 0 : i32
    %dma_wait3A_163 = tpu.memref_slice %arg7[%dma_wait3A_161, %dma_wait3A_162] : memref<160000x128xf32, #tpu.memory_space<hbm>> -> memref<128x128xf32, #tpu.memory_space<hbm>>
    %dma_wait3A_164 = arith.constant 0 : i32
    %dma_wait3A_165 = arith.constant 0 : i32
    %dma_wait3A_166 = tpu.memref_slice %arg7[%dma_wait3A_164, %dma_wait3A_165] : memref<160000x128xf32, #tpu.memory_space<hbm>> -> memref<128x128xf32, #tpu.memory_space<hbm>>
    %dma_wait3A_167 = arith.constant 0 : i32
    %dma_wait3A_168 = arith.constant 0 : i32
    %dma_wait3A_169 = tpu.memref_slice %arg11[%dma_wait3A_156, %dma_wait3A_167, %dma_wait3A_168] : memref<2x128x128xf32, #tpu.memory_space<vmem>> -> memref<1x128x128xf32, #tpu.memory_space<vmem>>
    %dma_wait3A_170 = tpu.memref_squeeze %dma_wait3A_169 : memref<1x128x128xf32, #tpu.memory_space<vmem>> -> memref<128x128xf32, #tpu.memory_space<vmem>>
    tpu.wait_dma2 semaphore(%arg17 : memref<!tpu.dma_semaphore, #tpu.memory_space<semaphore_mem>>) src(%dma_wait3A_170 : memref<128x128xf32, #tpu.memory_space<vmem>>) dst(%dma_wait3A_166 : memref<128x128xf32, #tpu.memory_space<hbm>>)
    return
  }
}

#map = affine_map<(d0, d1) -> (0, 0)>
#map1 = affine_map<(d0, d1) -> (0)>
module attributes {stable_mosaic.version = 14 : i64} {
  func.func @k(%arg0: i32, %arg1: i32, %arg2: memref<160000x128xf32, #tpu.memory_space<hbm>>, %arg3: memref<160000x128xf32, #tpu.memory_space<hbm>>, %arg4: memref<160000xi32, #tpu.memory_space<hbm>>, %arg5: memref<10240x128xf32, #tpu.memory_space<hbm>>, %arg6: memref<10240x128xf32, #tpu.memory_space<hbm>>, %arg7: memref<10240x128xf32, #tpu.memory_space<hbm>>, %arg8: memref<10240x128xf32, #tpu.memory_space<hbm>>, %arg9: memref<10240x128xf32, #tpu.memory_space<vmem_shared>>, %arg10: memref<3x80xi32, #tpu.memory_space<vmem>>, %arg11: memref<3x80x128xf32, #tpu.memory_space<vmem>>, %arg12: memref<!tpu.dma_semaphore, #tpu.memory_space<semaphore_mem>>, %arg13: memref<!tpu.dma_semaphore, #tpu.memory_space<semaphore_mem>>, %arg14: memref<!tpu.dma_semaphore, #tpu.memory_space<semaphore_mem>>) attributes {dimension_semantics = [#tpu.dimension_semantics<core_parallel>, #tpu.dimension_semantics<subcore_parallel>], iteration_bounds = array<i64: 2, 16>, scalar_prefetch = 0 : i64, scratch_operands = 6 : i64, tpu.core_type = #tpu.core_type<sc_vector_subcore>, window_params = [{transform_indices = #map}, {transform_indices = #map}, {transform_indices = #map1}, {transform_indices = #map}, {transform_indices = #map}, {transform_indices = #map}, {transform_indices = #map}]} {
    %mul3A = arith.constant 125 : i32
    %mul3A_0 = arith.muli %arg1, %mul3A : i32
    %min3A = arith.constant 0 : i32
    %min3A_1 = arith.minsi %arg1, %min3A : i32
    %add3A = arith.addi %mul3A_0, %min3A_1 : i32
    %lt3A = arith.constant 0 : i32
    %lt3A_2 = arith.cmpi slt, %arg1, %lt3A : i32
    %jit3A = arith.constant 1 : i32
    %jit3A_3 = arith.constant 0 : i32
    %select_n3A = arith.select %lt3A_2, %jit3A, %jit3A_3 : i32
    %add3A_4 = arith.constant 125 : i32
    %add3A_5 = arith.addi %add3A_4, %select_n3A : i32
    %eq3A = arith.constant 0 : i32
    %eq3A_6 = arith.cmpi eq, %arg0, %eq3A : i32
    %convert_element_type3A = arith.extui %eq3A_6 : i1 to i32
    %cond3A = arith.constant 0 : i32
    %cond3A_7 = arith.cmpi ne, %convert_element_type3A, %cond3A : i32
    scf.if %cond3A_7 {
      %mul3A_98 = arith.constant 640 : i32
      %mul3A_99 = arith.muli %arg1, %mul3A_98 : i32
      %mul3A_100 = arith.constant 640 : i32
      %mul3A_101 = arith.muli %arg1, %mul3A_100 : i32
      "tpu.region"() ({
        %run_scoped3A = tpu.sem_alloc : memref<!tpu.dma_semaphore, #tpu.memory_space<semaphore_mem>>
        %dma_start3A_102 = arith.constant 0 : i32
        %dma_start3A_103 = tpu.memref_slice %arg9[%mul3A_101, %dma_start3A_102] : memref<10240x128xf32, #tpu.memory_space<vmem_shared>> -> memref<640x128xf32, #tpu.memory_space<vmem_shared>>
        %dma_start3A_104 = arith.constant 0 : i32
        %dma_start3A_105 = tpu.memref_slice %arg5[%mul3A_99, %dma_start3A_104] : memref<10240x128xf32, #tpu.memory_space<hbm>> -> memref<640x128xf32, #tpu.memory_space<hbm>>
        tpu.enqueue_dma source(%dma_start3A_105 : memref<640x128xf32, #tpu.memory_space<hbm>>) target(%dma_start3A_103 : memref<640x128xf32, #tpu.memory_space<vmem_shared>>) target_semaphore(%run_scoped3A : memref<!tpu.dma_semaphore, #tpu.memory_space<semaphore_mem>>)
        %dma_wait3A = arith.constant 0 : i32
        %dma_wait3A_106 = tpu.memref_slice %arg9[%mul3A_101, %dma_wait3A] : memref<10240x128xf32, #tpu.memory_space<vmem_shared>> -> memref<640x128xf32, #tpu.memory_space<vmem_shared>>
        %dma_wait3A_107 = arith.constant 0 : i32
        %dma_wait3A_108 = tpu.memref_slice %arg5[%mul3A_99, %dma_wait3A_107] : memref<10240x128xf32, #tpu.memory_space<hbm>> -> memref<640x128xf32, #tpu.memory_space<hbm>>
        tpu.wait_dma2 semaphore(%run_scoped3A : memref<!tpu.dma_semaphore, #tpu.memory_space<semaphore_mem>>) src(%dma_wait3A_108 : memref<640x128xf32, #tpu.memory_space<hbm>>) dst(%dma_wait3A_106 : memref<640x128xf32, #tpu.memory_space<vmem_shared>>)
        tpu.yield
      }) : () -> ()
    } else {
    }
    %eq3A_8 = arith.constant 1 : i32
    %eq3A_9 = arith.cmpi eq, %arg0, %eq3A_8 : i32
    %convert_element_type3A_10 = arith.extui %eq3A_9 : i1 to i32
    %cond3A_11 = arith.constant 0 : i32
    %cond3A_12 = arith.cmpi ne, %convert_element_type3A_10, %cond3A_11 : i32
    scf.if %cond3A_12 {
      %mul3A_98 = arith.constant 640 : i32
      %mul3A_99 = arith.muli %arg1, %mul3A_98 : i32
      %mul3A_100 = arith.constant 640 : i32
      %mul3A_101 = arith.muli %arg1, %mul3A_100 : i32
      "tpu.region"() ({
        %run_scoped3A = tpu.sem_alloc : memref<!tpu.dma_semaphore, #tpu.memory_space<semaphore_mem>>
        %dma_start3A_102 = arith.constant 0 : i32
        %dma_start3A_103 = tpu.memref_slice %arg9[%mul3A_101, %dma_start3A_102] : memref<10240x128xf32, #tpu.memory_space<vmem_shared>> -> memref<640x128xf32, #tpu.memory_space<vmem_shared>>
        %dma_start3A_104 = arith.constant 0 : i32
        %dma_start3A_105 = tpu.memref_slice %arg6[%mul3A_99, %dma_start3A_104] : memref<10240x128xf32, #tpu.memory_space<hbm>> -> memref<640x128xf32, #tpu.memory_space<hbm>>
        tpu.enqueue_dma source(%dma_start3A_105 : memref<640x128xf32, #tpu.memory_space<hbm>>) target(%dma_start3A_103 : memref<640x128xf32, #tpu.memory_space<vmem_shared>>) target_semaphore(%run_scoped3A : memref<!tpu.dma_semaphore, #tpu.memory_space<semaphore_mem>>)
        %dma_wait3A = arith.constant 0 : i32
        %dma_wait3A_106 = tpu.memref_slice %arg9[%mul3A_101, %dma_wait3A] : memref<10240x128xf32, #tpu.memory_space<vmem_shared>> -> memref<640x128xf32, #tpu.memory_space<vmem_shared>>
        %dma_wait3A_107 = arith.constant 0 : i32
        %dma_wait3A_108 = tpu.memref_slice %arg6[%mul3A_99, %dma_wait3A_107] : memref<10240x128xf32, #tpu.memory_space<hbm>> -> memref<640x128xf32, #tpu.memory_space<hbm>>
        tpu.wait_dma2 semaphore(%run_scoped3A : memref<!tpu.dma_semaphore, #tpu.memory_space<semaphore_mem>>) src(%dma_wait3A_108 : memref<640x128xf32, #tpu.memory_space<hbm>>) dst(%dma_wait3A_106 : memref<640x128xf32, #tpu.memory_space<vmem_shared>>)
        tpu.yield
      }) : () -> ()
    } else {
    }
    %add3A_13 = arith.constant 0 : i32
    %add3A_14 = arith.addi %add3A, %add3A_13 : i32
    %mul3A_15 = arith.constant 80 : i32
    %mul3A_16 = arith.muli %add3A_14, %mul3A_15 : i32
    %dma_start3A = arith.constant 0 : i32
    %dma_start3A_17 = arith.constant 0 : i32
    %dma_start3A_18 = tpu.memref_slice %arg10[%dma_start3A, %dma_start3A_17] : memref<3x80xi32, #tpu.memory_space<vmem>> -> memref<1x80xi32, #tpu.memory_space<vmem>>
    %dma_start3A_19 = tpu.memref_squeeze %dma_start3A_18 : memref<1x80xi32, #tpu.memory_space<vmem>> -> memref<80xi32, #tpu.memory_space<vmem>>
    %dma_start3A_20 = tpu.memref_slice %arg4[%mul3A_16] : memref<160000xi32, #tpu.memory_space<hbm>> -> memref<80xi32, #tpu.memory_space<hbm>>
    %dma_start3A_21 = arith.constant 0 : i32
    %dma_start3A_22 = tpu.memref_slice %arg10[%dma_start3A, %dma_start3A_21] : memref<3x80xi32, #tpu.memory_space<vmem>> -> memref<1x80xi32, #tpu.memory_space<vmem>>
    %dma_start3A_23 = tpu.memref_squeeze %dma_start3A_22 : memref<1x80xi32, #tpu.memory_space<vmem>> -> memref<80xi32, #tpu.memory_space<vmem>>
    %dma_start3A_24 = tpu.memref_slice %arg4[%mul3A_16] : memref<160000xi32, #tpu.memory_space<hbm>> -> memref<80xi32, #tpu.memory_space<hbm>>
    tpu.enqueue_dma source(%dma_start3A_24 : memref<80xi32, #tpu.memory_space<hbm>>) target(%dma_start3A_23 : memref<80xi32, #tpu.memory_space<vmem>>) target_semaphore(%arg12 : memref<!tpu.dma_semaphore, #tpu.memory_space<semaphore_mem>>)
    %eq3A_25 = arith.constant 0 : i32
    %eq3A_26 = arith.cmpi eq, %arg0, %eq3A_25 : i32
    %convert_element_type3A_27 = arith.extui %eq3A_26 : i1 to i32
    %cond3A_28 = arith.constant 0 : i32
    %cond3A_29 = arith.cmpi ne, %convert_element_type3A_27, %cond3A_28 : i32
    scf.if %cond3A_29 {
      %dma_start3A_98 = arith.constant 0 : i32
      %dma_start3A_99 = arith.constant 0 : i32
      %dma_start3A_100 = arith.constant 0 : i32
      %dma_start3A_101 = tpu.memref_slice %arg11[%dma_start3A_98, %dma_start3A_99, %dma_start3A_100] : memref<3x80x128xf32, #tpu.memory_space<vmem>> -> memref<1x80x128xf32, #tpu.memory_space<vmem>>
      %dma_start3A_102 = tpu.memref_squeeze %dma_start3A_101 : memref<1x80x128xf32, #tpu.memory_space<vmem>> -> memref<80x128xf32, #tpu.memory_space<vmem>>
      %dma_start3A_103 = arith.constant 0 : i32
      %dma_start3A_104 = tpu.memref_slice %arg2[%mul3A_16, %dma_start3A_103] : memref<160000x128xf32, #tpu.memory_space<hbm>> -> memref<80x128xf32, #tpu.memory_space<hbm>>
      %dma_start3A_105 = arith.constant 0 : i32
      %dma_start3A_106 = arith.constant 0 : i32
      %dma_start3A_107 = tpu.memref_slice %arg11[%dma_start3A_98, %dma_start3A_105, %dma_start3A_106] : memref<3x80x128xf32, #tpu.memory_space<vmem>> -> memref<1x80x128xf32, #tpu.memory_space<vmem>>
      %dma_start3A_108 = tpu.memref_squeeze %dma_start3A_107 : memref<1x80x128xf32, #tpu.memory_space<vmem>> -> memref<80x128xf32, #tpu.memory_space<vmem>>
      %dma_start3A_109 = arith.constant 0 : i32
      %dma_start3A_110 = tpu.memref_slice %arg2[%mul3A_16, %dma_start3A_109] : memref<160000x128xf32, #tpu.memory_space<hbm>> -> memref<80x128xf32, #tpu.memory_space<hbm>>
      tpu.enqueue_dma source(%dma_start3A_110 : memref<80x128xf32, #tpu.memory_space<hbm>>) target(%dma_start3A_108 : memref<80x128xf32, #tpu.memory_space<vmem>>) target_semaphore(%arg12 : memref<!tpu.dma_semaphore, #tpu.memory_space<semaphore_mem>>)
    } else {
    }
    %eq3A_30 = arith.constant 1 : i32
    %eq3A_31 = arith.cmpi eq, %arg0, %eq3A_30 : i32
    %convert_element_type3A_32 = arith.extui %eq3A_31 : i1 to i32
    %cond3A_33 = arith.constant 0 : i32
    %cond3A_34 = arith.cmpi ne, %convert_element_type3A_32, %cond3A_33 : i32
    scf.if %cond3A_34 {
      %dma_start3A_98 = arith.constant 0 : i32
      %dma_start3A_99 = arith.constant 0 : i32
      %dma_start3A_100 = arith.constant 0 : i32
      %dma_start3A_101 = tpu.memref_slice %arg11[%dma_start3A_98, %dma_start3A_99, %dma_start3A_100] : memref<3x80x128xf32, #tpu.memory_space<vmem>> -> memref<1x80x128xf32, #tpu.memory_space<vmem>>
      %dma_start3A_102 = tpu.memref_squeeze %dma_start3A_101 : memref<1x80x128xf32, #tpu.memory_space<vmem>> -> memref<80x128xf32, #tpu.memory_space<vmem>>
      %dma_start3A_103 = arith.constant 0 : i32
      %dma_start3A_104 = tpu.memref_slice %arg3[%mul3A_16, %dma_start3A_103] : memref<160000x128xf32, #tpu.memory_space<hbm>> -> memref<80x128xf32, #tpu.memory_space<hbm>>
      %dma_start3A_105 = arith.constant 0 : i32
      %dma_start3A_106 = arith.constant 0 : i32
      %dma_start3A_107 = tpu.memref_slice %arg11[%dma_start3A_98, %dma_start3A_105, %dma_start3A_106] : memref<3x80x128xf32, #tpu.memory_space<vmem>> -> memref<1x80x128xf32, #tpu.memory_space<vmem>>
      %dma_start3A_108 = tpu.memref_squeeze %dma_start3A_107 : memref<1x80x128xf32, #tpu.memory_space<vmem>> -> memref<80x128xf32, #tpu.memory_space<vmem>>
      %dma_start3A_109 = arith.constant 0 : i32
      %dma_start3A_110 = tpu.memref_slice %arg3[%mul3A_16, %dma_start3A_109] : memref<160000x128xf32, #tpu.memory_space<hbm>> -> memref<80x128xf32, #tpu.memory_space<hbm>>
      tpu.enqueue_dma source(%dma_start3A_110 : memref<80x128xf32, #tpu.memory_space<hbm>>) target(%dma_start3A_108 : memref<80x128xf32, #tpu.memory_space<vmem>>) target_semaphore(%arg12 : memref<!tpu.dma_semaphore, #tpu.memory_space<semaphore_mem>>)
    } else {
    }
    %add3A_35 = arith.constant 1 : i32
    %add3A_36 = arith.addi %add3A, %add3A_35 : i32
    %mul3A_37 = arith.constant 80 : i32
    %mul3A_38 = arith.muli %add3A_36, %mul3A_37 : i32
    %dma_start3A_39 = arith.constant 1 : i32
    %dma_start3A_40 = arith.constant 0 : i32
    %dma_start3A_41 = tpu.memref_slice %arg10[%dma_start3A_39, %dma_start3A_40] : memref<3x80xi32, #tpu.memory_space<vmem>> -> memref<1x80xi32, #tpu.memory_space<vmem>>
    %dma_start3A_42 = tpu.memref_squeeze %dma_start3A_41 : memref<1x80xi32, #tpu.memory_space<vmem>> -> memref<80xi32, #tpu.memory_space<vmem>>
    %dma_start3A_43 = tpu.memref_slice %arg4[%mul3A_38] : memref<160000xi32, #tpu.memory_space<hbm>> -> memref<80xi32, #tpu.memory_space<hbm>>
    %dma_start3A_44 = arith.constant 0 : i32
    %dma_start3A_45 = tpu.memref_slice %arg10[%dma_start3A_39, %dma_start3A_44] : memref<3x80xi32, #tpu.memory_space<vmem>> -> memref<1x80xi32, #tpu.memory_space<vmem>>
    %dma_start3A_46 = tpu.memref_squeeze %dma_start3A_45 : memref<1x80xi32, #tpu.memory_space<vmem>> -> memref<80xi32, #tpu.memory_space<vmem>>
    %dma_start3A_47 = tpu.memref_slice %arg4[%mul3A_38] : memref<160000xi32, #tpu.memory_space<hbm>> -> memref<80xi32, #tpu.memory_space<hbm>>
    tpu.enqueue_dma source(%dma_start3A_47 : memref<80xi32, #tpu.memory_space<hbm>>) target(%dma_start3A_46 : memref<80xi32, #tpu.memory_space<vmem>>) target_semaphore(%arg13 : memref<!tpu.dma_semaphore, #tpu.memory_space<semaphore_mem>>)
    %eq3A_48 = arith.constant 0 : i32
    %eq3A_49 = arith.cmpi eq, %arg0, %eq3A_48 : i32
    %convert_element_type3A_50 = arith.extui %eq3A_49 : i1 to i32
    %cond3A_51 = arith.constant 0 : i32
    %cond3A_52 = arith.cmpi ne, %convert_element_type3A_50, %cond3A_51 : i32
    scf.if %cond3A_52 {
      %dma_start3A_98 = arith.constant 1 : i32
      %dma_start3A_99 = arith.constant 0 : i32
      %dma_start3A_100 = arith.constant 0 : i32
      %dma_start3A_101 = tpu.memref_slice %arg11[%dma_start3A_98, %dma_start3A_99, %dma_start3A_100] : memref<3x80x128xf32, #tpu.memory_space<vmem>> -> memref<1x80x128xf32, #tpu.memory_space<vmem>>
      %dma_start3A_102 = tpu.memref_squeeze %dma_start3A_101 : memref<1x80x128xf32, #tpu.memory_space<vmem>> -> memref<80x128xf32, #tpu.memory_space<vmem>>
      %dma_start3A_103 = arith.constant 0 : i32
      %dma_start3A_104 = tpu.memref_slice %arg2[%mul3A_38, %dma_start3A_103] : memref<160000x128xf32, #tpu.memory_space<hbm>> -> memref<80x128xf32, #tpu.memory_space<hbm>>
      %dma_start3A_105 = arith.constant 0 : i32
      %dma_start3A_106 = arith.constant 0 : i32
      %dma_start3A_107 = tpu.memref_slice %arg11[%dma_start3A_98, %dma_start3A_105, %dma_start3A_106] : memref<3x80x128xf32, #tpu.memory_space<vmem>> -> memref<1x80x128xf32, #tpu.memory_space<vmem>>
      %dma_start3A_108 = tpu.memref_squeeze %dma_start3A_107 : memref<1x80x128xf32, #tpu.memory_space<vmem>> -> memref<80x128xf32, #tpu.memory_space<vmem>>
      %dma_start3A_109 = arith.constant 0 : i32
      %dma_start3A_110 = tpu.memref_slice %arg2[%mul3A_38, %dma_start3A_109] : memref<160000x128xf32, #tpu.memory_space<hbm>> -> memref<80x128xf32, #tpu.memory_space<hbm>>
      tpu.enqueue_dma source(%dma_start3A_110 : memref<80x128xf32, #tpu.memory_space<hbm>>) target(%dma_start3A_108 : memref<80x128xf32, #tpu.memory_space<vmem>>) target_semaphore(%arg13 : memref<!tpu.dma_semaphore, #tpu.memory_space<semaphore_mem>>)
    } else {
    }
    %eq3A_53 = arith.constant 1 : i32
    %eq3A_54 = arith.cmpi eq, %arg0, %eq3A_53 : i32
    %convert_element_type3A_55 = arith.extui %eq3A_54 : i1 to i32
    %cond3A_56 = arith.constant 0 : i32
    %cond3A_57 = arith.cmpi ne, %convert_element_type3A_55, %cond3A_56 : i32
    scf.if %cond3A_57 {
      %dma_start3A_98 = arith.constant 1 : i32
      %dma_start3A_99 = arith.constant 0 : i32
      %dma_start3A_100 = arith.constant 0 : i32
      %dma_start3A_101 = tpu.memref_slice %arg11[%dma_start3A_98, %dma_start3A_99, %dma_start3A_100] : memref<3x80x128xf32, #tpu.memory_space<vmem>> -> memref<1x80x128xf32, #tpu.memory_space<vmem>>
      %dma_start3A_102 = tpu.memref_squeeze %dma_start3A_101 : memref<1x80x128xf32, #tpu.memory_space<vmem>> -> memref<80x128xf32, #tpu.memory_space<vmem>>
      %dma_start3A_103 = arith.constant 0 : i32
      %dma_start3A_104 = tpu.memref_slice %arg3[%mul3A_38, %dma_start3A_103] : memref<160000x128xf32, #tpu.memory_space<hbm>> -> memref<80x128xf32, #tpu.memory_space<hbm>>
      %dma_start3A_105 = arith.constant 0 : i32
      %dma_start3A_106 = arith.constant 0 : i32
      %dma_start3A_107 = tpu.memref_slice %arg11[%dma_start3A_98, %dma_start3A_105, %dma_start3A_106] : memref<3x80x128xf32, #tpu.memory_space<vmem>> -> memref<1x80x128xf32, #tpu.memory_space<vmem>>
      %dma_start3A_108 = tpu.memref_squeeze %dma_start3A_107 : memref<1x80x128xf32, #tpu.memory_space<vmem>> -> memref<80x128xf32, #tpu.memory_space<vmem>>
      %dma_start3A_109 = arith.constant 0 : i32
      %dma_start3A_110 = tpu.memref_slice %arg3[%mul3A_38, %dma_start3A_109] : memref<160000x128xf32, #tpu.memory_space<hbm>> -> memref<80x128xf32, #tpu.memory_space<hbm>>
      tpu.enqueue_dma source(%dma_start3A_110 : memref<80x128xf32, #tpu.memory_space<hbm>>) target(%dma_start3A_108 : memref<80x128xf32, #tpu.memory_space<vmem>>) target_semaphore(%arg13 : memref<!tpu.dma_semaphore, #tpu.memory_space<semaphore_mem>>)
    } else {
    }
    %add3A_58 = arith.constant 2 : i32
    %add3A_59 = arith.addi %add3A, %add3A_58 : i32
    %mul3A_60 = arith.constant 80 : i32
    %mul3A_61 = arith.muli %add3A_59, %mul3A_60 : i32
    %dma_start3A_62 = arith.constant 2 : i32
    %dma_start3A_63 = arith.constant 0 : i32
    %dma_start3A_64 = tpu.memref_slice %arg10[%dma_start3A_62, %dma_start3A_63] : memref<3x80xi32, #tpu.memory_space<vmem>> -> memref<1x80xi32, #tpu.memory_space<vmem>>
    %dma_start3A_65 = tpu.memref_squeeze %dma_start3A_64 : memref<1x80xi32, #tpu.memory_space<vmem>> -> memref<80xi32, #tpu.memory_space<vmem>>
    %dma_start3A_66 = tpu.memref_slice %arg4[%mul3A_61] : memref<160000xi32, #tpu.memory_space<hbm>> -> memref<80xi32, #tpu.memory_space<hbm>>
    %dma_start3A_67 = arith.constant 0 : i32
    %dma_start3A_68 = tpu.memref_slice %arg10[%dma_start3A_62, %dma_start3A_67] : memref<3x80xi32, #tpu.memory_space<vmem>> -> memref<1x80xi32, #tpu.memory_space<vmem>>
    %dma_start3A_69 = tpu.memref_squeeze %dma_start3A_68 : memref<1x80xi32, #tpu.memory_space<vmem>> -> memref<80xi32, #tpu.memory_space<vmem>>
    %dma_start3A_70 = tpu.memref_slice %arg4[%mul3A_61] : memref<160000xi32, #tpu.memory_space<hbm>> -> memref<80xi32, #tpu.memory_space<hbm>>
    tpu.enqueue_dma source(%dma_start3A_70 : memref<80xi32, #tpu.memory_space<hbm>>) target(%dma_start3A_69 : memref<80xi32, #tpu.memory_space<vmem>>) target_semaphore(%arg14 : memref<!tpu.dma_semaphore, #tpu.memory_space<semaphore_mem>>)
    %eq3A_71 = arith.constant 0 : i32
    %eq3A_72 = arith.cmpi eq, %arg0, %eq3A_71 : i32
    %convert_element_type3A_73 = arith.extui %eq3A_72 : i1 to i32
    %cond3A_74 = arith.constant 0 : i32
    %cond3A_75 = arith.cmpi ne, %convert_element_type3A_73, %cond3A_74 : i32
    scf.if %cond3A_75 {
      %dma_start3A_98 = arith.constant 2 : i32
      %dma_start3A_99 = arith.constant 0 : i32
      %dma_start3A_100 = arith.constant 0 : i32
      %dma_start3A_101 = tpu.memref_slice %arg11[%dma_start3A_98, %dma_start3A_99, %dma_start3A_100] : memref<3x80x128xf32, #tpu.memory_space<vmem>> -> memref<1x80x128xf32, #tpu.memory_space<vmem>>
      %dma_start3A_102 = tpu.memref_squeeze %dma_start3A_101 : memref<1x80x128xf32, #tpu.memory_space<vmem>> -> memref<80x128xf32, #tpu.memory_space<vmem>>
      %dma_start3A_103 = arith.constant 0 : i32
      %dma_start3A_104 = tpu.memref_slice %arg2[%mul3A_61, %dma_start3A_103] : memref<160000x128xf32, #tpu.memory_space<hbm>> -> memref<80x128xf32, #tpu.memory_space<hbm>>
      %dma_start3A_105 = arith.constant 0 : i32
      %dma_start3A_106 = arith.constant 0 : i32
      %dma_start3A_107 = tpu.memref_slice %arg11[%dma_start3A_98, %dma_start3A_105, %dma_start3A_106] : memref<3x80x128xf32, #tpu.memory_space<vmem>> -> memref<1x80x128xf32, #tpu.memory_space<vmem>>
      %dma_start3A_108 = tpu.memref_squeeze %dma_start3A_107 : memref<1x80x128xf32, #tpu.memory_space<vmem>> -> memref<80x128xf32, #tpu.memory_space<vmem>>
      %dma_start3A_109 = arith.constant 0 : i32
      %dma_start3A_110 = tpu.memref_slice %arg2[%mul3A_61, %dma_start3A_109] : memref<160000x128xf32, #tpu.memory_space<hbm>> -> memref<80x128xf32, #tpu.memory_space<hbm>>
      tpu.enqueue_dma source(%dma_start3A_110 : memref<80x128xf32, #tpu.memory_space<hbm>>) target(%dma_start3A_108 : memref<80x128xf32, #tpu.memory_space<vmem>>) target_semaphore(%arg14 : memref<!tpu.dma_semaphore, #tpu.memory_space<semaphore_mem>>)
    } else {
    }
    %eq3A_76 = arith.constant 1 : i32
    %eq3A_77 = arith.cmpi eq, %arg0, %eq3A_76 : i32
    %convert_element_type3A_78 = arith.extui %eq3A_77 : i1 to i32
    %cond3A_79 = arith.constant 0 : i32
    %cond3A_80 = arith.cmpi ne, %convert_element_type3A_78, %cond3A_79 : i32
    scf.if %cond3A_80 {
      %dma_start3A_98 = arith.constant 2 : i32
      %dma_start3A_99 = arith.constant 0 : i32
      %dma_start3A_100 = arith.constant 0 : i32
      %dma_start3A_101 = tpu.memref_slice %arg11[%dma_start3A_98, %dma_start3A_99, %dma_start3A_100] : memref<3x80x128xf32, #tpu.memory_space<vmem>> -> memref<1x80x128xf32, #tpu.memory_space<vmem>>
      %dma_start3A_102 = tpu.memref_squeeze %dma_start3A_101 : memref<1x80x128xf32, #tpu.memory_space<vmem>> -> memref<80x128xf32, #tpu.memory_space<vmem>>
      %dma_start3A_103 = arith.constant 0 : i32
      %dma_start3A_104 = tpu.memref_slice %arg3[%mul3A_61, %dma_start3A_103] : memref<160000x128xf32, #tpu.memory_space<hbm>> -> memref<80x128xf32, #tpu.memory_space<hbm>>
      %dma_start3A_105 = arith.constant 0 : i32
      %dma_start3A_106 = arith.constant 0 : i32
      %dma_start3A_107 = tpu.memref_slice %arg11[%dma_start3A_98, %dma_start3A_105, %dma_start3A_106] : memref<3x80x128xf32, #tpu.memory_space<vmem>> -> memref<1x80x128xf32, #tpu.memory_space<vmem>>
      %dma_start3A_108 = tpu.memref_squeeze %dma_start3A_107 : memref<1x80x128xf32, #tpu.memory_space<vmem>> -> memref<80x128xf32, #tpu.memory_space<vmem>>
      %dma_start3A_109 = arith.constant 0 : i32
      %dma_start3A_110 = tpu.memref_slice %arg3[%mul3A_61, %dma_start3A_109] : memref<160000x128xf32, #tpu.memory_space<hbm>> -> memref<80x128xf32, #tpu.memory_space<hbm>>
      tpu.enqueue_dma source(%dma_start3A_110 : memref<80x128xf32, #tpu.memory_space<hbm>>) target(%dma_start3A_108 : memref<80x128xf32, #tpu.memory_space<vmem>>) target_semaphore(%arg14 : memref<!tpu.dma_semaphore, #tpu.memory_space<semaphore_mem>>)
    } else {
    }
    %barrier3A = arith.constant 0 : index
    tpu.barrier barrier_id(%barrier3A)
    %scan3A = arith.constant 0 : i32
    %scan3A_81 = arith.constant 0 : i32
    %scan3A_82 = arith.constant 42 : i32
    %scan3A_83 = arith.addi %scan3A_81, %scan3A_82 : i32
    %scan3A_84 = arith.constant 1 : i32
    %scan3A_85 = scf.for %scan3A_98 = %scan3A_81 to %scan3A_83 step %scan3A_84 iter_args(%scan3A_99 = %scan3A) -> (i32)  : i32 {
      %mul3A_100 = arith.constant 3 : i32
      %mul3A_101 = arith.muli %scan3A_98, %mul3A_100 : i32
      %add3A_102 = arith.constant 0 : i32
      %add3A_103 = arith.addi %mul3A_101, %add3A_102 : i32
      %lt3A_104 = arith.cmpi slt, %add3A_103, %add3A_5 : i32
      %convert_element_type3A_105 = arith.extui %lt3A_104 : i1 to i32
      %cond3A_106 = arith.constant 0 : i32
      %cond3A_107 = arith.cmpi ne, %convert_element_type3A_105, %cond3A_106 : i32
      scf.if %cond3A_107 {
        %dma_wait3A = arith.constant 0 : i32
        %dma_wait3A_125 = arith.constant 0 : i32
        %dma_wait3A_126 = tpu.memref_slice %arg10[%dma_wait3A, %dma_wait3A_125] : memref<3x80xi32, #tpu.memory_space<vmem>> -> memref<1x80xi32, #tpu.memory_space<vmem>>
        %dma_wait3A_127 = tpu.memref_squeeze %dma_wait3A_126 : memref<1x80xi32, #tpu.memory_space<vmem>> -> memref<80xi32, #tpu.memory_space<vmem>>
        %dma_wait3A_128 = arith.constant 0 : i32
        %dma_wait3A_129 = tpu.memref_slice %arg4[%dma_wait3A_128] : memref<160000xi32, #tpu.memory_space<hbm>> -> memref<80xi32, #tpu.memory_space<hbm>>
        %dma_wait3A_130 = arith.constant 0 : i32
        %dma_wait3A_131 = tpu.memref_slice %arg10[%dma_wait3A, %dma_wait3A_130] : memref<3x80xi32, #tpu.memory_space<vmem>> -> memref<1x80xi32, #tpu.memory_space<vmem>>
        %dma_wait3A_132 = tpu.memref_squeeze %dma_wait3A_131 : memref<1x80xi32, #tpu.memory_space<vmem>> -> memref<80xi32, #tpu.memory_space<vmem>>
        %dma_wait3A_133 = arith.constant 0 : i32
        %dma_wait3A_134 = tpu.memref_slice %arg4[%dma_wait3A_133] : memref<160000xi32, #tpu.memory_space<hbm>> -> memref<80xi32, #tpu.memory_space<hbm>>
        tpu.wait_dma2 semaphore(%arg12 : memref<!tpu.dma_semaphore, #tpu.memory_space<semaphore_mem>>) src(%dma_wait3A_134 : memref<80xi32, #tpu.memory_space<hbm>>) dst(%dma_wait3A_132 : memref<80xi32, #tpu.memory_space<vmem>>)
        %dma_wait3A_135 = arith.constant 0 : i32
        %dma_wait3A_136 = arith.constant 0 : i32
        %dma_wait3A_137 = arith.constant 0 : i32
        %dma_wait3A_138 = tpu.memref_slice %arg11[%dma_wait3A_135, %dma_wait3A_136, %dma_wait3A_137] : memref<3x80x128xf32, #tpu.memory_space<vmem>> -> memref<1x80x128xf32, #tpu.memory_space<vmem>>
        %dma_wait3A_139 = tpu.memref_squeeze %dma_wait3A_138 : memref<1x80x128xf32, #tpu.memory_space<vmem>> -> memref<80x128xf32, #tpu.memory_space<vmem>>
        %dma_wait3A_140 = arith.constant 0 : i32
        %dma_wait3A_141 = arith.constant 0 : i32
        %dma_wait3A_142 = tpu.memref_slice %arg2[%dma_wait3A_140, %dma_wait3A_141] : memref<160000x128xf32, #tpu.memory_space<hbm>> -> memref<80x128xf32, #tpu.memory_space<hbm>>
        %dma_wait3A_143 = arith.constant 0 : i32
        %dma_wait3A_144 = arith.constant 0 : i32
        %dma_wait3A_145 = tpu.memref_slice %arg11[%dma_wait3A_135, %dma_wait3A_143, %dma_wait3A_144] : memref<3x80x128xf32, #tpu.memory_space<vmem>> -> memref<1x80x128xf32, #tpu.memory_space<vmem>>
        %dma_wait3A_146 = tpu.memref_squeeze %dma_wait3A_145 : memref<1x80x128xf32, #tpu.memory_space<vmem>> -> memref<80x128xf32, #tpu.memory_space<vmem>>
        %dma_wait3A_147 = arith.constant 0 : i32
        %dma_wait3A_148 = arith.constant 0 : i32
        %dma_wait3A_149 = tpu.memref_slice %arg2[%dma_wait3A_147, %dma_wait3A_148] : memref<160000x128xf32, #tpu.memory_space<hbm>> -> memref<80x128xf32, #tpu.memory_space<hbm>>
        tpu.wait_dma2 semaphore(%arg12 : memref<!tpu.dma_semaphore, #tpu.memory_space<semaphore_mem>>) src(%dma_wait3A_149 : memref<80x128xf32, #tpu.memory_space<hbm>>) dst(%dma_wait3A_146 : memref<80x128xf32, #tpu.memory_space<vmem>>)
        %run_scoped3A = arith.constant 0 : i32
        %run_scoped3A_150 = arith.constant 0 : i32
        "tpu.region"() ({
          %run_scoped3A_157 = tpu.sem_alloc : memref<!tpu.dma_semaphore, #tpu.memory_space<semaphore_mem>>
          %dma_start3A_158 = arith.constant 0 : i32
          %dma_start3A_159 = arith.constant 0 : i32
          %dma_start3A_160 = tpu.memref_slice %arg11[%run_scoped3A, %dma_start3A_158, %dma_start3A_159] : memref<3x80x128xf32, #tpu.memory_space<vmem>> -> memref<1x80x128xf32, #tpu.memory_space<vmem>>
          %dma_start3A_161 = tpu.memref_squeeze %dma_start3A_160 : memref<1x80x128xf32, #tpu.memory_space<vmem>> -> memref<80x128xf32, #tpu.memory_space<vmem>>
          %dma_start3A_162 = arith.constant 0 : i32
          %dma_start3A_163 = tpu.memref_slice %arg10[%run_scoped3A_150, %dma_start3A_162] : memref<3x80xi32, #tpu.memory_space<vmem>> -> memref<1x80xi32, #tpu.memory_space<vmem>>
          %dma_start3A_164 = tpu.memref_squeeze %dma_start3A_163 : memref<1x80xi32, #tpu.memory_space<vmem>> -> memref<80xi32, #tpu.memory_space<vmem>>
          %dma_start3A_165 = arith.constant 0 : i32
          %dma_start3A_166 = arith.constant 0 : i32
          %dma_start3A_167 = tpu.memref_slice %arg9[%dma_start3A_165, %dma_start3A_166] : memref<10240x128xf32, #tpu.memory_space<vmem_shared>> -> memref<10240x128xf32, #tpu.memory_space<vmem_shared>>
          tpu.enqueue_indirect_dma source(%dma_start3A_161 : memref<80x128xf32, #tpu.memory_space<vmem>>) target(%dma_start3A_167 : memref<10240x128xf32, #tpu.memory_space<vmem_shared>>) offsets(%dma_start3A_164 : memref<80xi32, #tpu.memory_space<vmem>>) semaphore(%run_scoped3A_157 : memref<!tpu.dma_semaphore, #tpu.memory_space<semaphore_mem>>) {add = true}
          %dma_wait3A_168 = arith.constant 0 : i32
          %dma_wait3A_169 = arith.constant 0 : i32
          %dma_wait3A_170 = tpu.memref_slice %arg11[%run_scoped3A, %dma_wait3A_168, %dma_wait3A_169] : memref<3x80x128xf32, #tpu.memory_space<vmem>> -> memref<1x80x128xf32, #tpu.memory_space<vmem>>
          %dma_wait3A_171 = tpu.memref_squeeze %dma_wait3A_170 : memref<1x80x128xf32, #tpu.memory_space<vmem>> -> memref<80x128xf32, #tpu.memory_space<vmem>>
          %dma_wait3A_172 = arith.constant 0 : i32
          %dma_wait3A_173 = tpu.memref_slice %arg10[%run_scoped3A_150, %dma_wait3A_172] : memref<3x80xi32, #tpu.memory_space<vmem>> -> memref<1x80xi32, #tpu.memory_space<vmem>>
          %dma_wait3A_174 = tpu.memref_squeeze %dma_wait3A_173 : memref<1x80xi32, #tpu.memory_space<vmem>> -> memref<80xi32, #tpu.memory_space<vmem>>
          %dma_wait3A_175 = arith.constant 0 : i32
          %dma_wait3A_176 = arith.constant 0 : i32
          %dma_wait3A_177 = tpu.memref_slice %arg9[%dma_wait3A_175, %dma_wait3A_176] : memref<10240x128xf32, #tpu.memory_space<vmem_shared>> -> memref<10240x128xf32, #tpu.memory_space<vmem_shared>>
          tpu.wait_indirect_dma semaphore(%run_scoped3A_157 : memref<!tpu.dma_semaphore, #tpu.memory_space<semaphore_mem>>) src(%dma_wait3A_171 : memref<80x128xf32, #tpu.memory_space<vmem>>) dst(%dma_wait3A_177 : memref<10240x128xf32, #tpu.memory_space<vmem_shared>>)
          tpu.yield
        }) : () -> ()
        %add3A_151 = arith.constant 3 : i32
        %add3A_152 = arith.addi %add3A_103, %add3A_151 : i32
        %lt3A_153 = arith.cmpi slt, %add3A_152, %add3A_5 : i32
        %convert_element_type3A_154 = arith.extui %lt3A_153 : i1 to i32
        %cond3A_155 = arith.constant 0 : i32
        %cond3A_156 = arith.cmpi ne, %convert_element_type3A_154, %cond3A_155 : i32
        scf.if %cond3A_156 {
          %add3A_157 = arith.constant 3 : i32
          %add3A_158 = arith.addi %add3A_103, %add3A_157 : i32
          %add3A_159 = arith.addi %add3A, %add3A_158 : i32
          %mul3A_160 = arith.constant 80 : i32
          %mul3A_161 = arith.muli %add3A_159, %mul3A_160 : i32
          %dma_start3A_162 = arith.constant 0 : i32
          %dma_start3A_163 = arith.constant 0 : i32
          %dma_start3A_164 = tpu.memref_slice %arg10[%dma_start3A_162, %dma_start3A_163] : memref<3x80xi32, #tpu.memory_space<vmem>> -> memref<1x80xi32, #tpu.memory_space<vmem>>
          %dma_start3A_165 = tpu.memref_squeeze %dma_start3A_164 : memref<1x80xi32, #tpu.memory_space<vmem>> -> memref<80xi32, #tpu.memory_space<vmem>>
          %dma_start3A_166 = tpu.memref_slice %arg4[%mul3A_161] : memref<160000xi32, #tpu.memory_space<hbm>> -> memref<80xi32, #tpu.memory_space<hbm>>
          %dma_start3A_167 = arith.constant 0 : i32
          %dma_start3A_168 = tpu.memref_slice %arg10[%dma_start3A_162, %dma_start3A_167] : memref<3x80xi32, #tpu.memory_space<vmem>> -> memref<1x80xi32, #tpu.memory_space<vmem>>
          %dma_start3A_169 = tpu.memref_squeeze %dma_start3A_168 : memref<1x80xi32, #tpu.memory_space<vmem>> -> memref<80xi32, #tpu.memory_space<vmem>>
          %dma_start3A_170 = tpu.memref_slice %arg4[%mul3A_161] : memref<160000xi32, #tpu.memory_space<hbm>> -> memref<80xi32, #tpu.memory_space<hbm>>
          tpu.enqueue_dma source(%dma_start3A_170 : memref<80xi32, #tpu.memory_space<hbm>>) target(%dma_start3A_169 : memref<80xi32, #tpu.memory_space<vmem>>) target_semaphore(%arg12 : memref<!tpu.dma_semaphore, #tpu.memory_space<semaphore_mem>>)
          %eq3A_171 = arith.constant 0 : i32
          %eq3A_172 = arith.cmpi eq, %arg0, %eq3A_171 : i32
          %convert_element_type3A_173 = arith.extui %eq3A_172 : i1 to i32
          %cond3A_174 = arith.constant 0 : i32
          %cond3A_175 = arith.cmpi ne, %convert_element_type3A_173, %cond3A_174 : i32
          scf.if %cond3A_175 {
            %dma_start3A_181 = arith.constant 0 : i32
            %dma_start3A_182 = arith.constant 0 : i32
            %dma_start3A_183 = arith.constant 0 : i32
            %dma_start3A_184 = tpu.memref_slice %arg11[%dma_start3A_181, %dma_start3A_182, %dma_start3A_183] : memref<3x80x128xf32, #tpu.memory_space<vmem>> -> memref<1x80x128xf32, #tpu.memory_space<vmem>>
            %dma_start3A_185 = tpu.memref_squeeze %dma_start3A_184 : memref<1x80x128xf32, #tpu.memory_space<vmem>> -> memref<80x128xf32, #tpu.memory_space<vmem>>
            %dma_start3A_186 = arith.constant 0 : i32
            %dma_start3A_187 = tpu.memref_slice %arg2[%mul3A_161, %dma_start3A_186] : memref<160000x128xf32, #tpu.memory_space<hbm>> -> memref<80x128xf32, #tpu.memory_space<hbm>>
            %dma_start3A_188 = arith.constant 0 : i32
            %dma_start3A_189 = arith.constant 0 : i32
            %dma_start3A_190 = tpu.memref_slice %arg11[%dma_start3A_181, %dma_start3A_188, %dma_start3A_189] : memref<3x80x128xf32, #tpu.memory_space<vmem>> -> memref<1x80x128xf32, #tpu.memory_space<vmem>>
            %dma_start3A_191 = tpu.memref_squeeze %dma_start3A_190 : memref<1x80x128xf32, #tpu.memory_space<vmem>> -> memref<80x128xf32, #tpu.memory_space<vmem>>
            %dma_start3A_192 = arith.constant 0 : i32
            %dma_start3A_193 = tpu.memref_slice %arg2[%mul3A_161, %dma_start3A_192] : memref<160000x128xf32, #tpu.memory_space<hbm>> -> memref<80x128xf32, #tpu.memory_space<hbm>>
            tpu.enqueue_dma source(%dma_start3A_193 : memref<80x128xf32, #tpu.memory_space<hbm>>) target(%dma_start3A_191 : memref<80x128xf32, #tpu.memory_space<vmem>>) target_semaphore(%arg12 : memref<!tpu.dma_semaphore, #tpu.memory_space<semaphore_mem>>)
          } else {
          }
          %eq3A_176 = arith.constant 1 : i32
          %eq3A_177 = arith.cmpi eq, %arg0, %eq3A_176 : i32
          %convert_element_type3A_178 = arith.extui %eq3A_177 : i1 to i32
          %cond3A_179 = arith.constant 0 : i32
          %cond3A_180 = arith.cmpi ne, %convert_element_type3A_178, %cond3A_179 : i32
          scf.if %cond3A_180 {
            %dma_start3A_181 = arith.constant 0 : i32
            %dma_start3A_182 = arith.constant 0 : i32
            %dma_start3A_183 = arith.constant 0 : i32
            %dma_start3A_184 = tpu.memref_slice %arg11[%dma_start3A_181, %dma_start3A_182, %dma_start3A_183] : memref<3x80x128xf32, #tpu.memory_space<vmem>> -> memref<1x80x128xf32, #tpu.memory_space<vmem>>
            %dma_start3A_185 = tpu.memref_squeeze %dma_start3A_184 : memref<1x80x128xf32, #tpu.memory_space<vmem>> -> memref<80x128xf32, #tpu.memory_space<vmem>>
            %dma_start3A_186 = arith.constant 0 : i32
            %dma_start3A_187 = tpu.memref_slice %arg3[%mul3A_161, %dma_start3A_186] : memref<160000x128xf32, #tpu.memory_space<hbm>> -> memref<80x128xf32, #tpu.memory_space<hbm>>
            %dma_start3A_188 = arith.constant 0 : i32
            %dma_start3A_189 = arith.constant 0 : i32
            %dma_start3A_190 = tpu.memref_slice %arg11[%dma_start3A_181, %dma_start3A_188, %dma_start3A_189] : memref<3x80x128xf32, #tpu.memory_space<vmem>> -> memref<1x80x128xf32, #tpu.memory_space<vmem>>
            %dma_start3A_191 = tpu.memref_squeeze %dma_start3A_190 : memref<1x80x128xf32, #tpu.memory_space<vmem>> -> memref<80x128xf32, #tpu.memory_space<vmem>>
            %dma_start3A_192 = arith.constant 0 : i32
            %dma_start3A_193 = tpu.memref_slice %arg3[%mul3A_161, %dma_start3A_192] : memref<160000x128xf32, #tpu.memory_space<hbm>> -> memref<80x128xf32, #tpu.memory_space<hbm>>
            tpu.enqueue_dma source(%dma_start3A_193 : memref<80x128xf32, #tpu.memory_space<hbm>>) target(%dma_start3A_191 : memref<80x128xf32, #tpu.memory_space<vmem>>) target_semaphore(%arg12 : memref<!tpu.dma_semaphore, #tpu.memory_space<semaphore_mem>>)
          } else {
          }
        } else {
        }
      } else {
      }
      %mul3A_108 = arith.constant 3 : i32
      %mul3A_109 = arith.muli %scan3A_98, %mul3A_108 : i32
      %add3A_110 = arith.constant 1 : i32
      %add3A_111 = arith.addi %mul3A_109, %add3A_110 : i32
      %lt3A_112 = arith.cmpi slt, %add3A_111, %add3A_5 : i32
      %convert_element_type3A_113 = arith.extui %lt3A_112 : i1 to i32
      %cond3A_114 = arith.constant 0 : i32
      %cond3A_115 = arith.cmpi ne, %convert_element_type3A_113, %cond3A_114 : i32
      scf.if %cond3A_115 {
        %dma_wait3A = arith.constant 1 : i32
        %dma_wait3A_125 = arith.constant 0 : i32
        %dma_wait3A_126 = tpu.memref_slice %arg10[%dma_wait3A, %dma_wait3A_125] : memref<3x80xi32, #tpu.memory_space<vmem>> -> memref<1x80xi32, #tpu.memory_space<vmem>>
        %dma_wait3A_127 = tpu.memref_squeeze %dma_wait3A_126 : memref<1x80xi32, #tpu.memory_space<vmem>> -> memref<80xi32, #tpu.memory_space<vmem>>
        %dma_wait3A_128 = arith.constant 0 : i32
        %dma_wait3A_129 = tpu.memref_slice %arg4[%dma_wait3A_128] : memref<160000xi32, #tpu.memory_space<hbm>> -> memref<80xi32, #tpu.memory_space<hbm>>
        %dma_wait3A_130 = arith.constant 0 : i32
        %dma_wait3A_131 = tpu.memref_slice %arg10[%dma_wait3A, %dma_wait3A_130] : memref<3x80xi32, #tpu.memory_space<vmem>> -> memref<1x80xi32, #tpu.memory_space<vmem>>
        %dma_wait3A_132 = tpu.memref_squeeze %dma_wait3A_131 : memref<1x80xi32, #tpu.memory_space<vmem>> -> memref<80xi32, #tpu.memory_space<vmem>>
        %dma_wait3A_133 = arith.constant 0 : i32
        %dma_wait3A_134 = tpu.memref_slice %arg4[%dma_wait3A_133] : memref<160000xi32, #tpu.memory_space<hbm>> -> memref<80xi32, #tpu.memory_space<hbm>>
        tpu.wait_dma2 semaphore(%arg13 : memref<!tpu.dma_semaphore, #tpu.memory_space<semaphore_mem>>) src(%dma_wait3A_134 : memref<80xi32, #tpu.memory_space<hbm>>) dst(%dma_wait3A_132 : memref<80xi32, #tpu.memory_space<vmem>>)
        %dma_wait3A_135 = arith.constant 1 : i32
        %dma_wait3A_136 = arith.constant 0 : i32
        %dma_wait3A_137 = arith.constant 0 : i32
        %dma_wait3A_138 = tpu.memref_slice %arg11[%dma_wait3A_135, %dma_wait3A_136, %dma_wait3A_137] : memref<3x80x128xf32, #tpu.memory_space<vmem>> -> memref<1x80x128xf32, #tpu.memory_space<vmem>>
        %dma_wait3A_139 = tpu.memref_squeeze %dma_wait3A_138 : memref<1x80x128xf32, #tpu.memory_space<vmem>> -> memref<80x128xf32, #tpu.memory_space<vmem>>
        %dma_wait3A_140 = arith.constant 0 : i32
        %dma_wait3A_141 = arith.constant 0 : i32
        %dma_wait3A_142 = tpu.memref_slice %arg2[%dma_wait3A_140, %dma_wait3A_141] : memref<160000x128xf32, #tpu.memory_space<hbm>> -> memref<80x128xf32, #tpu.memory_space<hbm>>
        %dma_wait3A_143 = arith.constant 0 : i32
        %dma_wait3A_144 = arith.constant 0 : i32
        %dma_wait3A_145 = tpu.memref_slice %arg11[%dma_wait3A_135, %dma_wait3A_143, %dma_wait3A_144] : memref<3x80x128xf32, #tpu.memory_space<vmem>> -> memref<1x80x128xf32, #tpu.memory_space<vmem>>
        %dma_wait3A_146 = tpu.memref_squeeze %dma_wait3A_145 : memref<1x80x128xf32, #tpu.memory_space<vmem>> -> memref<80x128xf32, #tpu.memory_space<vmem>>
        %dma_wait3A_147 = arith.constant 0 : i32
        %dma_wait3A_148 = arith.constant 0 : i32
        %dma_wait3A_149 = tpu.memref_slice %arg2[%dma_wait3A_147, %dma_wait3A_148] : memref<160000x128xf32, #tpu.memory_space<hbm>> -> memref<80x128xf32, #tpu.memory_space<hbm>>
        tpu.wait_dma2 semaphore(%arg13 : memref<!tpu.dma_semaphore, #tpu.memory_space<semaphore_mem>>) src(%dma_wait3A_149 : memref<80x128xf32, #tpu.memory_space<hbm>>) dst(%dma_wait3A_146 : memref<80x128xf32, #tpu.memory_space<vmem>>)
        %run_scoped3A = arith.constant 1 : i32
        %run_scoped3A_150 = arith.constant 1 : i32
        "tpu.region"() ({
          %run_scoped3A_157 = tpu.sem_alloc : memref<!tpu.dma_semaphore, #tpu.memory_space<semaphore_mem>>
          %dma_start3A_158 = arith.constant 0 : i32
          %dma_start3A_159 = arith.constant 0 : i32
          %dma_start3A_160 = tpu.memref_slice %arg11[%run_scoped3A, %dma_start3A_158, %dma_start3A_159] : memref<3x80x128xf32, #tpu.memory_space<vmem>> -> memref<1x80x128xf32, #tpu.memory_space<vmem>>
          %dma_start3A_161 = tpu.memref_squeeze %dma_start3A_160 : memref<1x80x128xf32, #tpu.memory_space<vmem>> -> memref<80x128xf32, #tpu.memory_space<vmem>>
          %dma_start3A_162 = arith.constant 0 : i32
          %dma_start3A_163 = tpu.memref_slice %arg10[%run_scoped3A_150, %dma_start3A_162] : memref<3x80xi32, #tpu.memory_space<vmem>> -> memref<1x80xi32, #tpu.memory_space<vmem>>
          %dma_start3A_164 = tpu.memref_squeeze %dma_start3A_163 : memref<1x80xi32, #tpu.memory_space<vmem>> -> memref<80xi32, #tpu.memory_space<vmem>>
          %dma_start3A_165 = arith.constant 0 : i32
          %dma_start3A_166 = arith.constant 0 : i32
          %dma_start3A_167 = tpu.memref_slice %arg9[%dma_start3A_165, %dma_start3A_166] : memref<10240x128xf32, #tpu.memory_space<vmem_shared>> -> memref<10240x128xf32, #tpu.memory_space<vmem_shared>>
          tpu.enqueue_indirect_dma source(%dma_start3A_161 : memref<80x128xf32, #tpu.memory_space<vmem>>) target(%dma_start3A_167 : memref<10240x128xf32, #tpu.memory_space<vmem_shared>>) offsets(%dma_start3A_164 : memref<80xi32, #tpu.memory_space<vmem>>) semaphore(%run_scoped3A_157 : memref<!tpu.dma_semaphore, #tpu.memory_space<semaphore_mem>>) {add = true}
          %dma_wait3A_168 = arith.constant 0 : i32
          %dma_wait3A_169 = arith.constant 0 : i32
          %dma_wait3A_170 = tpu.memref_slice %arg11[%run_scoped3A, %dma_wait3A_168, %dma_wait3A_169] : memref<3x80x128xf32, #tpu.memory_space<vmem>> -> memref<1x80x128xf32, #tpu.memory_space<vmem>>
          %dma_wait3A_171 = tpu.memref_squeeze %dma_wait3A_170 : memref<1x80x128xf32, #tpu.memory_space<vmem>> -> memref<80x128xf32, #tpu.memory_space<vmem>>
          %dma_wait3A_172 = arith.constant 0 : i32
          %dma_wait3A_173 = tpu.memref_slice %arg10[%run_scoped3A_150, %dma_wait3A_172] : memref<3x80xi32, #tpu.memory_space<vmem>> -> memref<1x80xi32, #tpu.memory_space<vmem>>
          %dma_wait3A_174 = tpu.memref_squeeze %dma_wait3A_173 : memref<1x80xi32, #tpu.memory_space<vmem>> -> memref<80xi32, #tpu.memory_space<vmem>>
          %dma_wait3A_175 = arith.constant 0 : i32
          %dma_wait3A_176 = arith.constant 0 : i32
          %dma_wait3A_177 = tpu.memref_slice %arg9[%dma_wait3A_175, %dma_wait3A_176] : memref<10240x128xf32, #tpu.memory_space<vmem_shared>> -> memref<10240x128xf32, #tpu.memory_space<vmem_shared>>
          tpu.wait_indirect_dma semaphore(%run_scoped3A_157 : memref<!tpu.dma_semaphore, #tpu.memory_space<semaphore_mem>>) src(%dma_wait3A_171 : memref<80x128xf32, #tpu.memory_space<vmem>>) dst(%dma_wait3A_177 : memref<10240x128xf32, #tpu.memory_space<vmem_shared>>)
          tpu.yield
        }) : () -> ()
        %add3A_151 = arith.constant 3 : i32
        %add3A_152 = arith.addi %add3A_111, %add3A_151 : i32
        %lt3A_153 = arith.cmpi slt, %add3A_152, %add3A_5 : i32
        %convert_element_type3A_154 = arith.extui %lt3A_153 : i1 to i32
        %cond3A_155 = arith.constant 0 : i32
        %cond3A_156 = arith.cmpi ne, %convert_element_type3A_154, %cond3A_155 : i32
        scf.if %cond3A_156 {
          %add3A_157 = arith.constant 3 : i32
          %add3A_158 = arith.addi %add3A_111, %add3A_157 : i32
          %add3A_159 = arith.addi %add3A, %add3A_158 : i32
          %mul3A_160 = arith.constant 80 : i32
          %mul3A_161 = arith.muli %add3A_159, %mul3A_160 : i32
          %dma_start3A_162 = arith.constant 1 : i32
          %dma_start3A_163 = arith.constant 0 : i32
          %dma_start3A_164 = tpu.memref_slice %arg10[%dma_start3A_162, %dma_start3A_163] : memref<3x80xi32, #tpu.memory_space<vmem>> -> memref<1x80xi32, #tpu.memory_space<vmem>>
          %dma_start3A_165 = tpu.memref_squeeze %dma_start3A_164 : memref<1x80xi32, #tpu.memory_space<vmem>> -> memref<80xi32, #tpu.memory_space<vmem>>
          %dma_start3A_166 = tpu.memref_slice %arg4[%mul3A_161] : memref<160000xi32, #tpu.memory_space<hbm>> -> memref<80xi32, #tpu.memory_space<hbm>>
          %dma_start3A_167 = arith.constant 0 : i32
          %dma_start3A_168 = tpu.memref_slice %arg10[%dma_start3A_162, %dma_start3A_167] : memref<3x80xi32, #tpu.memory_space<vmem>> -> memref<1x80xi32, #tpu.memory_space<vmem>>
          %dma_start3A_169 = tpu.memref_squeeze %dma_start3A_168 : memref<1x80xi32, #tpu.memory_space<vmem>> -> memref<80xi32, #tpu.memory_space<vmem>>
          %dma_start3A_170 = tpu.memref_slice %arg4[%mul3A_161] : memref<160000xi32, #tpu.memory_space<hbm>> -> memref<80xi32, #tpu.memory_space<hbm>>
          tpu.enqueue_dma source(%dma_start3A_170 : memref<80xi32, #tpu.memory_space<hbm>>) target(%dma_start3A_169 : memref<80xi32, #tpu.memory_space<vmem>>) target_semaphore(%arg13 : memref<!tpu.dma_semaphore, #tpu.memory_space<semaphore_mem>>)
          %eq3A_171 = arith.constant 0 : i32
          %eq3A_172 = arith.cmpi eq, %arg0, %eq3A_171 : i32
          %convert_element_type3A_173 = arith.extui %eq3A_172 : i1 to i32
          %cond3A_174 = arith.constant 0 : i32
          %cond3A_175 = arith.cmpi ne, %convert_element_type3A_173, %cond3A_174 : i32
          scf.if %cond3A_175 {
            %dma_start3A_181 = arith.constant 1 : i32
            %dma_start3A_182 = arith.constant 0 : i32
            %dma_start3A_183 = arith.constant 0 : i32
            %dma_start3A_184 = tpu.memref_slice %arg11[%dma_start3A_181, %dma_start3A_182, %dma_start3A_183] : memref<3x80x128xf32, #tpu.memory_space<vmem>> -> memref<1x80x128xf32, #tpu.memory_space<vmem>>
            %dma_start3A_185 = tpu.memref_squeeze %dma_start3A_184 : memref<1x80x128xf32, #tpu.memory_space<vmem>> -> memref<80x128xf32, #tpu.memory_space<vmem>>
            %dma_start3A_186 = arith.constant 0 : i32
            %dma_start3A_187 = tpu.memref_slice %arg2[%mul3A_161, %dma_start3A_186] : memref<160000x128xf32, #tpu.memory_space<hbm>> -> memref<80x128xf32, #tpu.memory_space<hbm>>
            %dma_start3A_188 = arith.constant 0 : i32
            %dma_start3A_189 = arith.constant 0 : i32
            %dma_start3A_190 = tpu.memref_slice %arg11[%dma_start3A_181, %dma_start3A_188, %dma_start3A_189] : memref<3x80x128xf32, #tpu.memory_space<vmem>> -> memref<1x80x128xf32, #tpu.memory_space<vmem>>
            %dma_start3A_191 = tpu.memref_squeeze %dma_start3A_190 : memref<1x80x128xf32, #tpu.memory_space<vmem>> -> memref<80x128xf32, #tpu.memory_space<vmem>>
            %dma_start3A_192 = arith.constant 0 : i32
            %dma_start3A_193 = tpu.memref_slice %arg2[%mul3A_161, %dma_start3A_192] : memref<160000x128xf32, #tpu.memory_space<hbm>> -> memref<80x128xf32, #tpu.memory_space<hbm>>
            tpu.enqueue_dma source(%dma_start3A_193 : memref<80x128xf32, #tpu.memory_space<hbm>>) target(%dma_start3A_191 : memref<80x128xf32, #tpu.memory_space<vmem>>) target_semaphore(%arg13 : memref<!tpu.dma_semaphore, #tpu.memory_space<semaphore_mem>>)
          } else {
          }
          %eq3A_176 = arith.constant 1 : i32
          %eq3A_177 = arith.cmpi eq, %arg0, %eq3A_176 : i32
          %convert_element_type3A_178 = arith.extui %eq3A_177 : i1 to i32
          %cond3A_179 = arith.constant 0 : i32
          %cond3A_180 = arith.cmpi ne, %convert_element_type3A_178, %cond3A_179 : i32
          scf.if %cond3A_180 {
            %dma_start3A_181 = arith.constant 1 : i32
            %dma_start3A_182 = arith.constant 0 : i32
            %dma_start3A_183 = arith.constant 0 : i32
            %dma_start3A_184 = tpu.memref_slice %arg11[%dma_start3A_181, %dma_start3A_182, %dma_start3A_183] : memref<3x80x128xf32, #tpu.memory_space<vmem>> -> memref<1x80x128xf32, #tpu.memory_space<vmem>>
            %dma_start3A_185 = tpu.memref_squeeze %dma_start3A_184 : memref<1x80x128xf32, #tpu.memory_space<vmem>> -> memref<80x128xf32, #tpu.memory_space<vmem>>
            %dma_start3A_186 = arith.constant 0 : i32
            %dma_start3A_187 = tpu.memref_slice %arg3[%mul3A_161, %dma_start3A_186] : memref<160000x128xf32, #tpu.memory_space<hbm>> -> memref<80x128xf32, #tpu.memory_space<hbm>>
            %dma_start3A_188 = arith.constant 0 : i32
            %dma_start3A_189 = arith.constant 0 : i32
            %dma_start3A_190 = tpu.memref_slice %arg11[%dma_start3A_181, %dma_start3A_188, %dma_start3A_189] : memref<3x80x128xf32, #tpu.memory_space<vmem>> -> memref<1x80x128xf32, #tpu.memory_space<vmem>>
            %dma_start3A_191 = tpu.memref_squeeze %dma_start3A_190 : memref<1x80x128xf32, #tpu.memory_space<vmem>> -> memref<80x128xf32, #tpu.memory_space<vmem>>
            %dma_start3A_192 = arith.constant 0 : i32
            %dma_start3A_193 = tpu.memref_slice %arg3[%mul3A_161, %dma_start3A_192] : memref<160000x128xf32, #tpu.memory_space<hbm>> -> memref<80x128xf32, #tpu.memory_space<hbm>>
            tpu.enqueue_dma source(%dma_start3A_193 : memref<80x128xf32, #tpu.memory_space<hbm>>) target(%dma_start3A_191 : memref<80x128xf32, #tpu.memory_space<vmem>>) target_semaphore(%arg13 : memref<!tpu.dma_semaphore, #tpu.memory_space<semaphore_mem>>)
          } else {
          }
        } else {
        }
      } else {
      }
      %mul3A_116 = arith.constant 3 : i32
      %mul3A_117 = arith.muli %scan3A_98, %mul3A_116 : i32
      %add3A_118 = arith.constant 2 : i32
      %add3A_119 = arith.addi %mul3A_117, %add3A_118 : i32
      %lt3A_120 = arith.cmpi slt, %add3A_119, %add3A_5 : i32
      %convert_element_type3A_121 = arith.extui %lt3A_120 : i1 to i32
      %cond3A_122 = arith.constant 0 : i32
      %cond3A_123 = arith.cmpi ne, %convert_element_type3A_121, %cond3A_122 : i32
      scf.if %cond3A_123 {
        %dma_wait3A = arith.constant 2 : i32
        %dma_wait3A_125 = arith.constant 0 : i32
        %dma_wait3A_126 = tpu.memref_slice %arg10[%dma_wait3A, %dma_wait3A_125] : memref<3x80xi32, #tpu.memory_space<vmem>> -> memref<1x80xi32, #tpu.memory_space<vmem>>
        %dma_wait3A_127 = tpu.memref_squeeze %dma_wait3A_126 : memref<1x80xi32, #tpu.memory_space<vmem>> -> memref<80xi32, #tpu.memory_space<vmem>>
        %dma_wait3A_128 = arith.constant 0 : i32
        %dma_wait3A_129 = tpu.memref_slice %arg4[%dma_wait3A_128] : memref<160000xi32, #tpu.memory_space<hbm>> -> memref<80xi32, #tpu.memory_space<hbm>>
        %dma_wait3A_130 = arith.constant 0 : i32
        %dma_wait3A_131 = tpu.memref_slice %arg10[%dma_wait3A, %dma_wait3A_130] : memref<3x80xi32, #tpu.memory_space<vmem>> -> memref<1x80xi32, #tpu.memory_space<vmem>>
        %dma_wait3A_132 = tpu.memref_squeeze %dma_wait3A_131 : memref<1x80xi32, #tpu.memory_space<vmem>> -> memref<80xi32, #tpu.memory_space<vmem>>
        %dma_wait3A_133 = arith.constant 0 : i32
        %dma_wait3A_134 = tpu.memref_slice %arg4[%dma_wait3A_133] : memref<160000xi32, #tpu.memory_space<hbm>> -> memref<80xi32, #tpu.memory_space<hbm>>
        tpu.wait_dma2 semaphore(%arg14 : memref<!tpu.dma_semaphore, #tpu.memory_space<semaphore_mem>>) src(%dma_wait3A_134 : memref<80xi32, #tpu.memory_space<hbm>>) dst(%dma_wait3A_132 : memref<80xi32, #tpu.memory_space<vmem>>)
        %dma_wait3A_135 = arith.constant 2 : i32
        %dma_wait3A_136 = arith.constant 0 : i32
        %dma_wait3A_137 = arith.constant 0 : i32
        %dma_wait3A_138 = tpu.memref_slice %arg11[%dma_wait3A_135, %dma_wait3A_136, %dma_wait3A_137] : memref<3x80x128xf32, #tpu.memory_space<vmem>> -> memref<1x80x128xf32, #tpu.memory_space<vmem>>
        %dma_wait3A_139 = tpu.memref_squeeze %dma_wait3A_138 : memref<1x80x128xf32, #tpu.memory_space<vmem>> -> memref<80x128xf32, #tpu.memory_space<vmem>>
        %dma_wait3A_140 = arith.constant 0 : i32
        %dma_wait3A_141 = arith.constant 0 : i32
        %dma_wait3A_142 = tpu.memref_slice %arg2[%dma_wait3A_140, %dma_wait3A_141] : memref<160000x128xf32, #tpu.memory_space<hbm>> -> memref<80x128xf32, #tpu.memory_space<hbm>>
        %dma_wait3A_143 = arith.constant 0 : i32
        %dma_wait3A_144 = arith.constant 0 : i32
        %dma_wait3A_145 = tpu.memref_slice %arg11[%dma_wait3A_135, %dma_wait3A_143, %dma_wait3A_144] : memref<3x80x128xf32, #tpu.memory_space<vmem>> -> memref<1x80x128xf32, #tpu.memory_space<vmem>>
        %dma_wait3A_146 = tpu.memref_squeeze %dma_wait3A_145 : memref<1x80x128xf32, #tpu.memory_space<vmem>> -> memref<80x128xf32, #tpu.memory_space<vmem>>
        %dma_wait3A_147 = arith.constant 0 : i32
        %dma_wait3A_148 = arith.constant 0 : i32
        %dma_wait3A_149 = tpu.memref_slice %arg2[%dma_wait3A_147, %dma_wait3A_148] : memref<160000x128xf32, #tpu.memory_space<hbm>> -> memref<80x128xf32, #tpu.memory_space<hbm>>
        tpu.wait_dma2 semaphore(%arg14 : memref<!tpu.dma_semaphore, #tpu.memory_space<semaphore_mem>>) src(%dma_wait3A_149 : memref<80x128xf32, #tpu.memory_space<hbm>>) dst(%dma_wait3A_146 : memref<80x128xf32, #tpu.memory_space<vmem>>)
        %run_scoped3A = arith.constant 2 : i32
        %run_scoped3A_150 = arith.constant 2 : i32
        "tpu.region"() ({
          %run_scoped3A_157 = tpu.sem_alloc : memref<!tpu.dma_semaphore, #tpu.memory_space<semaphore_mem>>
          %dma_start3A_158 = arith.constant 0 : i32
          %dma_start3A_159 = arith.constant 0 : i32
          %dma_start3A_160 = tpu.memref_slice %arg11[%run_scoped3A, %dma_start3A_158, %dma_start3A_159] : memref<3x80x128xf32, #tpu.memory_space<vmem>> -> memref<1x80x128xf32, #tpu.memory_space<vmem>>
          %dma_start3A_161 = tpu.memref_squeeze %dma_start3A_160 : memref<1x80x128xf32, #tpu.memory_space<vmem>> -> memref<80x128xf32, #tpu.memory_space<vmem>>
          %dma_start3A_162 = arith.constant 0 : i32
          %dma_start3A_163 = tpu.memref_slice %arg10[%run_scoped3A_150, %dma_start3A_162] : memref<3x80xi32, #tpu.memory_space<vmem>> -> memref<1x80xi32, #tpu.memory_space<vmem>>
          %dma_start3A_164 = tpu.memref_squeeze %dma_start3A_163 : memref<1x80xi32, #tpu.memory_space<vmem>> -> memref<80xi32, #tpu.memory_space<vmem>>
          %dma_start3A_165 = arith.constant 0 : i32
          %dma_start3A_166 = arith.constant 0 : i32
          %dma_start3A_167 = tpu.memref_slice %arg9[%dma_start3A_165, %dma_start3A_166] : memref<10240x128xf32, #tpu.memory_space<vmem_shared>> -> memref<10240x128xf32, #tpu.memory_space<vmem_shared>>
          tpu.enqueue_indirect_dma source(%dma_start3A_161 : memref<80x128xf32, #tpu.memory_space<vmem>>) target(%dma_start3A_167 : memref<10240x128xf32, #tpu.memory_space<vmem_shared>>) offsets(%dma_start3A_164 : memref<80xi32, #tpu.memory_space<vmem>>) semaphore(%run_scoped3A_157 : memref<!tpu.dma_semaphore, #tpu.memory_space<semaphore_mem>>) {add = true}
          %dma_wait3A_168 = arith.constant 0 : i32
          %dma_wait3A_169 = arith.constant 0 : i32
          %dma_wait3A_170 = tpu.memref_slice %arg11[%run_scoped3A, %dma_wait3A_168, %dma_wait3A_169] : memref<3x80x128xf32, #tpu.memory_space<vmem>> -> memref<1x80x128xf32, #tpu.memory_space<vmem>>
          %dma_wait3A_171 = tpu.memref_squeeze %dma_wait3A_170 : memref<1x80x128xf32, #tpu.memory_space<vmem>> -> memref<80x128xf32, #tpu.memory_space<vmem>>
          %dma_wait3A_172 = arith.constant 0 : i32
          %dma_wait3A_173 = tpu.memref_slice %arg10[%run_scoped3A_150, %dma_wait3A_172] : memref<3x80xi32, #tpu.memory_space<vmem>> -> memref<1x80xi32, #tpu.memory_space<vmem>>
          %dma_wait3A_174 = tpu.memref_squeeze %dma_wait3A_173 : memref<1x80xi32, #tpu.memory_space<vmem>> -> memref<80xi32, #tpu.memory_space<vmem>>
          %dma_wait3A_175 = arith.constant 0 : i32
          %dma_wait3A_176 = arith.constant 0 : i32
          %dma_wait3A_177 = tpu.memref_slice %arg9[%dma_wait3A_175, %dma_wait3A_176] : memref<10240x128xf32, #tpu.memory_space<vmem_shared>> -> memref<10240x128xf32, #tpu.memory_space<vmem_shared>>
          tpu.wait_indirect_dma semaphore(%run_scoped3A_157 : memref<!tpu.dma_semaphore, #tpu.memory_space<semaphore_mem>>) src(%dma_wait3A_171 : memref<80x128xf32, #tpu.memory_space<vmem>>) dst(%dma_wait3A_177 : memref<10240x128xf32, #tpu.memory_space<vmem_shared>>)
          tpu.yield
        }) : () -> ()
        %add3A_151 = arith.constant 3 : i32
        %add3A_152 = arith.addi %add3A_119, %add3A_151 : i32
        %lt3A_153 = arith.cmpi slt, %add3A_152, %add3A_5 : i32
        %convert_element_type3A_154 = arith.extui %lt3A_153 : i1 to i32
        %cond3A_155 = arith.constant 0 : i32
        %cond3A_156 = arith.cmpi ne, %convert_element_type3A_154, %cond3A_155 : i32
        scf.if %cond3A_156 {
          %add3A_157 = arith.constant 3 : i32
          %add3A_158 = arith.addi %add3A_119, %add3A_157 : i32
          %add3A_159 = arith.addi %add3A, %add3A_158 : i32
          %mul3A_160 = arith.constant 80 : i32
          %mul3A_161 = arith.muli %add3A_159, %mul3A_160 : i32
          %dma_start3A_162 = arith.constant 2 : i32
          %dma_start3A_163 = arith.constant 0 : i32
          %dma_start3A_164 = tpu.memref_slice %arg10[%dma_start3A_162, %dma_start3A_163] : memref<3x80xi32, #tpu.memory_space<vmem>> -> memref<1x80xi32, #tpu.memory_space<vmem>>
          %dma_start3A_165 = tpu.memref_squeeze %dma_start3A_164 : memref<1x80xi32, #tpu.memory_space<vmem>> -> memref<80xi32, #tpu.memory_space<vmem>>
          %dma_start3A_166 = tpu.memref_slice %arg4[%mul3A_161] : memref<160000xi32, #tpu.memory_space<hbm>> -> memref<80xi32, #tpu.memory_space<hbm>>
          %dma_start3A_167 = arith.constant 0 : i32
          %dma_start3A_168 = tpu.memref_slice %arg10[%dma_start3A_162, %dma_start3A_167] : memref<3x80xi32, #tpu.memory_space<vmem>> -> memref<1x80xi32, #tpu.memory_space<vmem>>
          %dma_start3A_169 = tpu.memref_squeeze %dma_start3A_168 : memref<1x80xi32, #tpu.memory_space<vmem>> -> memref<80xi32, #tpu.memory_space<vmem>>
          %dma_start3A_170 = tpu.memref_slice %arg4[%mul3A_161] : memref<160000xi32, #tpu.memory_space<hbm>> -> memref<80xi32, #tpu.memory_space<hbm>>
          tpu.enqueue_dma source(%dma_start3A_170 : memref<80xi32, #tpu.memory_space<hbm>>) target(%dma_start3A_169 : memref<80xi32, #tpu.memory_space<vmem>>) target_semaphore(%arg14 : memref<!tpu.dma_semaphore, #tpu.memory_space<semaphore_mem>>)
          %eq3A_171 = arith.constant 0 : i32
          %eq3A_172 = arith.cmpi eq, %arg0, %eq3A_171 : i32
          %convert_element_type3A_173 = arith.extui %eq3A_172 : i1 to i32
          %cond3A_174 = arith.constant 0 : i32
          %cond3A_175 = arith.cmpi ne, %convert_element_type3A_173, %cond3A_174 : i32
          scf.if %cond3A_175 {
            %dma_start3A_181 = arith.constant 2 : i32
            %dma_start3A_182 = arith.constant 0 : i32
            %dma_start3A_183 = arith.constant 0 : i32
            %dma_start3A_184 = tpu.memref_slice %arg11[%dma_start3A_181, %dma_start3A_182, %dma_start3A_183] : memref<3x80x128xf32, #tpu.memory_space<vmem>> -> memref<1x80x128xf32, #tpu.memory_space<vmem>>
            %dma_start3A_185 = tpu.memref_squeeze %dma_start3A_184 : memref<1x80x128xf32, #tpu.memory_space<vmem>> -> memref<80x128xf32, #tpu.memory_space<vmem>>
            %dma_start3A_186 = arith.constant 0 : i32
            %dma_start3A_187 = tpu.memref_slice %arg2[%mul3A_161, %dma_start3A_186] : memref<160000x128xf32, #tpu.memory_space<hbm>> -> memref<80x128xf32, #tpu.memory_space<hbm>>
            %dma_start3A_188 = arith.constant 0 : i32
            %dma_start3A_189 = arith.constant 0 : i32
            %dma_start3A_190 = tpu.memref_slice %arg11[%dma_start3A_181, %dma_start3A_188, %dma_start3A_189] : memref<3x80x128xf32, #tpu.memory_space<vmem>> -> memref<1x80x128xf32, #tpu.memory_space<vmem>>
            %dma_start3A_191 = tpu.memref_squeeze %dma_start3A_190 : memref<1x80x128xf32, #tpu.memory_space<vmem>> -> memref<80x128xf32, #tpu.memory_space<vmem>>
            %dma_start3A_192 = arith.constant 0 : i32
            %dma_start3A_193 = tpu.memref_slice %arg2[%mul3A_161, %dma_start3A_192] : memref<160000x128xf32, #tpu.memory_space<hbm>> -> memref<80x128xf32, #tpu.memory_space<hbm>>
            tpu.enqueue_dma source(%dma_start3A_193 : memref<80x128xf32, #tpu.memory_space<hbm>>) target(%dma_start3A_191 : memref<80x128xf32, #tpu.memory_space<vmem>>) target_semaphore(%arg14 : memref<!tpu.dma_semaphore, #tpu.memory_space<semaphore_mem>>)
          } else {
          }
          %eq3A_176 = arith.constant 1 : i32
          %eq3A_177 = arith.cmpi eq, %arg0, %eq3A_176 : i32
          %convert_element_type3A_178 = arith.extui %eq3A_177 : i1 to i32
          %cond3A_179 = arith.constant 0 : i32
          %cond3A_180 = arith.cmpi ne, %convert_element_type3A_178, %cond3A_179 : i32
          scf.if %cond3A_180 {
            %dma_start3A_181 = arith.constant 2 : i32
            %dma_start3A_182 = arith.constant 0 : i32
            %dma_start3A_183 = arith.constant 0 : i32
            %dma_start3A_184 = tpu.memref_slice %arg11[%dma_start3A_181, %dma_start3A_182, %dma_start3A_183] : memref<3x80x128xf32, #tpu.memory_space<vmem>> -> memref<1x80x128xf32, #tpu.memory_space<vmem>>
            %dma_start3A_185 = tpu.memref_squeeze %dma_start3A_184 : memref<1x80x128xf32, #tpu.memory_space<vmem>> -> memref<80x128xf32, #tpu.memory_space<vmem>>
            %dma_start3A_186 = arith.constant 0 : i32
            %dma_start3A_187 = tpu.memref_slice %arg3[%mul3A_161, %dma_start3A_186] : memref<160000x128xf32, #tpu.memory_space<hbm>> -> memref<80x128xf32, #tpu.memory_space<hbm>>
            %dma_start3A_188 = arith.constant 0 : i32
            %dma_start3A_189 = arith.constant 0 : i32
            %dma_start3A_190 = tpu.memref_slice %arg11[%dma_start3A_181, %dma_start3A_188, %dma_start3A_189] : memref<3x80x128xf32, #tpu.memory_space<vmem>> -> memref<1x80x128xf32, #tpu.memory_space<vmem>>
            %dma_start3A_191 = tpu.memref_squeeze %dma_start3A_190 : memref<1x80x128xf32, #tpu.memory_space<vmem>> -> memref<80x128xf32, #tpu.memory_space<vmem>>
            %dma_start3A_192 = arith.constant 0 : i32
            %dma_start3A_193 = tpu.memref_slice %arg3[%mul3A_161, %dma_start3A_192] : memref<160000x128xf32, #tpu.memory_space<hbm>> -> memref<80x128xf32, #tpu.memory_space<hbm>>
            tpu.enqueue_dma source(%dma_start3A_193 : memref<80x128xf32, #tpu.memory_space<hbm>>) target(%dma_start3A_191 : memref<80x128xf32, #tpu.memory_space<vmem>>) target_semaphore(%arg14 : memref<!tpu.dma_semaphore, #tpu.memory_space<semaphore_mem>>)
          } else {
          }
        } else {
        }
      } else {
      }
      %scan3A_124 = arith.constant 0 : i32
      scf.yield %scan3A_124 : i32
    }
    %scan3A_86 = arith.constant 42 : i32
    %barrier3A_87 = arith.constant 0 : index
    tpu.barrier barrier_id(%barrier3A_87)
    %eq3A_88 = arith.constant 0 : i32
    %eq3A_89 = arith.cmpi eq, %arg0, %eq3A_88 : i32
    %convert_element_type3A_90 = arith.extui %eq3A_89 : i1 to i32
    %cond3A_91 = arith.constant 0 : i32
    %cond3A_92 = arith.cmpi ne, %convert_element_type3A_90, %cond3A_91 : i32
    scf.if %cond3A_92 {
      %mul3A_98 = arith.constant 640 : i32
      %mul3A_99 = arith.muli %arg1, %mul3A_98 : i32
      %mul3A_100 = arith.constant 640 : i32
      %mul3A_101 = arith.muli %arg1, %mul3A_100 : i32
      "tpu.region"() ({
        %run_scoped3A = tpu.sem_alloc : memref<!tpu.dma_semaphore, #tpu.memory_space<semaphore_mem>>
        %dma_start3A_102 = arith.constant 0 : i32
        %dma_start3A_103 = tpu.memref_slice %arg7[%mul3A_101, %dma_start3A_102] : memref<10240x128xf32, #tpu.memory_space<hbm>> -> memref<640x128xf32, #tpu.memory_space<hbm>>
        %dma_start3A_104 = arith.constant 0 : i32
        %dma_start3A_105 = tpu.memref_slice %arg9[%mul3A_99, %dma_start3A_104] : memref<10240x128xf32, #tpu.memory_space<vmem_shared>> -> memref<640x128xf32, #tpu.memory_space<vmem_shared>>
        tpu.enqueue_dma source(%dma_start3A_105 : memref<640x128xf32, #tpu.memory_space<vmem_shared>>) target(%dma_start3A_103 : memref<640x128xf32, #tpu.memory_space<hbm>>) target_semaphore(%run_scoped3A : memref<!tpu.dma_semaphore, #tpu.memory_space<semaphore_mem>>)
        %dma_wait3A = arith.constant 0 : i32
        %dma_wait3A_106 = tpu.memref_slice %arg7[%mul3A_101, %dma_wait3A] : memref<10240x128xf32, #tpu.memory_space<hbm>> -> memref<640x128xf32, #tpu.memory_space<hbm>>
        %dma_wait3A_107 = arith.constant 0 : i32
        %dma_wait3A_108 = tpu.memref_slice %arg9[%mul3A_99, %dma_wait3A_107] : memref<10240x128xf32, #tpu.memory_space<vmem_shared>> -> memref<640x128xf32, #tpu.memory_space<vmem_shared>>
        tpu.wait_dma2 semaphore(%run_scoped3A : memref<!tpu.dma_semaphore, #tpu.memory_space<semaphore_mem>>) src(%dma_wait3A_108 : memref<640x128xf32, #tpu.memory_space<vmem_shared>>) dst(%dma_wait3A_106 : memref<640x128xf32, #tpu.memory_space<hbm>>)
        tpu.yield
      }) : () -> ()
    } else {
    }
    %eq3A_93 = arith.constant 1 : i32
    %eq3A_94 = arith.cmpi eq, %arg0, %eq3A_93 : i32
    %convert_element_type3A_95 = arith.extui %eq3A_94 : i1 to i32
    %cond3A_96 = arith.constant 0 : i32
    %cond3A_97 = arith.cmpi ne, %convert_element_type3A_95, %cond3A_96 : i32
    scf.if %cond3A_97 {
      %mul3A_98 = arith.constant 640 : i32
      %mul3A_99 = arith.muli %arg1, %mul3A_98 : i32
      %mul3A_100 = arith.constant 640 : i32
      %mul3A_101 = arith.muli %arg1, %mul3A_100 : i32
      "tpu.region"() ({
        %run_scoped3A = tpu.sem_alloc : memref<!tpu.dma_semaphore, #tpu.memory_space<semaphore_mem>>
        %dma_start3A_102 = arith.constant 0 : i32
        %dma_start3A_103 = tpu.memref_slice %arg8[%mul3A_101, %dma_start3A_102] : memref<10240x128xf32, #tpu.memory_space<hbm>> -> memref<640x128xf32, #tpu.memory_space<hbm>>
        %dma_start3A_104 = arith.constant 0 : i32
        %dma_start3A_105 = tpu.memref_slice %arg9[%mul3A_99, %dma_start3A_104] : memref<10240x128xf32, #tpu.memory_space<vmem_shared>> -> memref<640x128xf32, #tpu.memory_space<vmem_shared>>
        tpu.enqueue_dma source(%dma_start3A_105 : memref<640x128xf32, #tpu.memory_space<vmem_shared>>) target(%dma_start3A_103 : memref<640x128xf32, #tpu.memory_space<hbm>>) target_semaphore(%run_scoped3A : memref<!tpu.dma_semaphore, #tpu.memory_space<semaphore_mem>>)
        %dma_wait3A = arith.constant 0 : i32
        %dma_wait3A_106 = tpu.memref_slice %arg8[%mul3A_101, %dma_wait3A] : memref<10240x128xf32, #tpu.memory_space<hbm>> -> memref<640x128xf32, #tpu.memory_space<hbm>>
        %dma_wait3A_107 = arith.constant 0 : i32
        %dma_wait3A_108 = tpu.memref_slice %arg9[%mul3A_99, %dma_wait3A_107] : memref<10240x128xf32, #tpu.memory_space<vmem_shared>> -> memref<640x128xf32, #tpu.memory_space<vmem_shared>>
        tpu.wait_dma2 semaphore(%run_scoped3A : memref<!tpu.dma_semaphore, #tpu.memory_space<semaphore_mem>>) src(%dma_wait3A_108 : memref<640x128xf32, #tpu.memory_space<vmem_shared>>) dst(%dma_wait3A_106 : memref<640x128xf32, #tpu.memory_space<hbm>>)
        tpu.yield
      }) : () -> ()
    } else {
    }
    return
  }
}

#map = affine_map<(d0, d1) -> (0, 0)>
#map1 = affine_map<(d0, d1) -> (0)>
module attributes {stable_mosaic.version = 14 : i64} {
  func.func @k(%arg0: i32, %arg1: i32, %arg2: memref<10000x128xi32, #tpu.memory_space<hbm>>, %arg3: memref<10000x128xf32, #tpu.memory_space<hbm>>, %arg4: memref<160000xi32, #tpu.memory_space<hbm>>, %arg5: memref<160000xi32, #tpu.memory_space<hbm>>, %arg6: memref<160000x128xi32, #tpu.memory_space<hbm>>, %arg7: memref<160000x128xf32, #tpu.memory_space<hbm>>, %arg8: memref<2x128xi32, #tpu.memory_space<vmem>>, %arg9: memref<2x128xi32, #tpu.memory_space<vmem>>, %arg10: memref<2x128x128xi32, #tpu.memory_space<vmem>>, %arg11: memref<2x128x128xf32, #tpu.memory_space<vmem>>, %arg12: memref<!tpu.dma_semaphore, #tpu.memory_space<semaphore_mem>>, %arg13: memref<!tpu.dma_semaphore, #tpu.memory_space<semaphore_mem>>, %arg14: memref<!tpu.dma_semaphore, #tpu.memory_space<semaphore_mem>>, %arg15: memref<!tpu.dma_semaphore, #tpu.memory_space<semaphore_mem>>, %arg16: memref<!tpu.dma_semaphore, #tpu.memory_space<semaphore_mem>>, %arg17: memref<!tpu.dma_semaphore, #tpu.memory_space<semaphore_mem>>) attributes {dimension_semantics = [#tpu.dimension_semantics<core_parallel>, #tpu.dimension_semantics<subcore_parallel>], iteration_bounds = array<i64: 2, 16>, scalar_prefetch = 0 : i64, scratch_operands = 10 : i64, tpu.core_type = #tpu.core_type<sc_vector_subcore>, window_params = [{transform_indices = #map}, {transform_indices = #map}, {transform_indices = #map1}, {transform_indices = #map1}, {transform_indices = #map}, {transform_indices = #map}]} {
    %mul3A = arith.constant 2 : i32
    %mul3A_0 = arith.muli %arg1, %mul3A : i32
    %add3A = arith.addi %mul3A_0, %arg0 : i32
    %mul3A_1 = arith.constant 39 : i32
    %mul3A_2 = arith.muli %add3A, %mul3A_1 : i32
    %min3A = arith.constant 2 : i32
    %min3A_3 = arith.minsi %add3A, %min3A : i32
    %add3A_4 = arith.addi %mul3A_2, %min3A_3 : i32
    %lt3A = arith.constant 2 : i32
    %lt3A_5 = arith.cmpi slt, %add3A, %lt3A : i32
    %jit3A = arith.constant 1 : i32
    %jit3A_6 = arith.constant 0 : i32
    %select_n3A = arith.select %lt3A_5, %jit3A, %jit3A_6 : i32
    %add3A_7 = arith.constant 39 : i32
    %add3A_8 = arith.addi %add3A_7, %select_n3A : i32
    %add3A_9 = arith.constant 0 : i32
    %add3A_10 = arith.addi %add3A_4, %add3A_9 : i32
    %mul3A_11 = arith.constant 128 : i32
    %mul3A_12 = arith.muli %add3A_10, %mul3A_11 : i32
    %dma_start3A = arith.constant 0 : i32
    %dma_start3A_13 = arith.constant 0 : i32
    %dma_start3A_14 = tpu.memref_slice %arg8[%dma_start3A, %dma_start3A_13] : memref<2x128xi32, #tpu.memory_space<vmem>> -> memref<1x128xi32, #tpu.memory_space<vmem>>
    %dma_start3A_15 = tpu.memref_squeeze %dma_start3A_14 : memref<1x128xi32, #tpu.memory_space<vmem>> -> memref<128xi32, #tpu.memory_space<vmem>>
    %dma_start3A_16 = tpu.memref_slice %arg4[%mul3A_12] : memref<160000xi32, #tpu.memory_space<hbm>> -> memref<128xi32, #tpu.memory_space<hbm>>
    %dma_start3A_17 = arith.constant 0 : i32
    %dma_start3A_18 = tpu.memref_slice %arg8[%dma_start3A, %dma_start3A_17] : memref<2x128xi32, #tpu.memory_space<vmem>> -> memref<1x128xi32, #tpu.memory_space<vmem>>
    %dma_start3A_19 = tpu.memref_squeeze %dma_start3A_18 : memref<1x128xi32, #tpu.memory_space<vmem>> -> memref<128xi32, #tpu.memory_space<vmem>>
    %dma_start3A_20 = tpu.memref_slice %arg4[%mul3A_12] : memref<160000xi32, #tpu.memory_space<hbm>> -> memref<128xi32, #tpu.memory_space<hbm>>
    tpu.enqueue_dma source(%dma_start3A_20 : memref<128xi32, #tpu.memory_space<hbm>>) target(%dma_start3A_19 : memref<128xi32, #tpu.memory_space<vmem>>) target_semaphore(%arg12 : memref<!tpu.dma_semaphore, #tpu.memory_space<semaphore_mem>>)
    %add3A_21 = arith.constant 0 : i32
    %add3A_22 = arith.addi %add3A_4, %add3A_21 : i32
    %mul3A_23 = arith.constant 128 : i32
    %mul3A_24 = arith.muli %add3A_22, %mul3A_23 : i32
    %dma_start3A_25 = arith.constant 0 : i32
    %dma_start3A_26 = arith.constant 0 : i32
    %dma_start3A_27 = tpu.memref_slice %arg9[%dma_start3A_25, %dma_start3A_26] : memref<2x128xi32, #tpu.memory_space<vmem>> -> memref<1x128xi32, #tpu.memory_space<vmem>>
    %dma_start3A_28 = tpu.memref_squeeze %dma_start3A_27 : memref<1x128xi32, #tpu.memory_space<vmem>> -> memref<128xi32, #tpu.memory_space<vmem>>
    %dma_start3A_29 = tpu.memref_slice %arg5[%mul3A_24] : memref<160000xi32, #tpu.memory_space<hbm>> -> memref<128xi32, #tpu.memory_space<hbm>>
    %dma_start3A_30 = arith.constant 0 : i32
    %dma_start3A_31 = tpu.memref_slice %arg9[%dma_start3A_25, %dma_start3A_30] : memref<2x128xi32, #tpu.memory_space<vmem>> -> memref<1x128xi32, #tpu.memory_space<vmem>>
    %dma_start3A_32 = tpu.memref_squeeze %dma_start3A_31 : memref<1x128xi32, #tpu.memory_space<vmem>> -> memref<128xi32, #tpu.memory_space<vmem>>
    %dma_start3A_33 = tpu.memref_slice %arg5[%mul3A_24] : memref<160000xi32, #tpu.memory_space<hbm>> -> memref<128xi32, #tpu.memory_space<hbm>>
    tpu.enqueue_dma source(%dma_start3A_33 : memref<128xi32, #tpu.memory_space<hbm>>) target(%dma_start3A_32 : memref<128xi32, #tpu.memory_space<vmem>>) target_semaphore(%arg12 : memref<!tpu.dma_semaphore, #tpu.memory_space<semaphore_mem>>)
    %dma_wait3A = arith.constant 0 : i32
    %dma_wait3A_34 = arith.constant 0 : i32
    %dma_wait3A_35 = tpu.memref_slice %arg8[%dma_wait3A, %dma_wait3A_34] : memref<2x128xi32, #tpu.memory_space<vmem>> -> memref<1x128xi32, #tpu.memory_space<vmem>>
    %dma_wait3A_36 = tpu.memref_squeeze %dma_wait3A_35 : memref<1x128xi32, #tpu.memory_space<vmem>> -> memref<128xi32, #tpu.memory_space<vmem>>
    %dma_wait3A_37 = arith.constant 0 : i32
    %dma_wait3A_38 = tpu.memref_slice %arg4[%dma_wait3A_37] : memref<160000xi32, #tpu.memory_space<hbm>> -> memref<128xi32, #tpu.memory_space<hbm>>
    %dma_wait3A_39 = arith.constant 0 : i32
    %dma_wait3A_40 = tpu.memref_slice %arg8[%dma_wait3A, %dma_wait3A_39] : memref<2x128xi32, #tpu.memory_space<vmem>> -> memref<1x128xi32, #tpu.memory_space<vmem>>
    %dma_wait3A_41 = tpu.memref_squeeze %dma_wait3A_40 : memref<1x128xi32, #tpu.memory_space<vmem>> -> memref<128xi32, #tpu.memory_space<vmem>>
    %dma_wait3A_42 = arith.constant 0 : i32
    %dma_wait3A_43 = tpu.memref_slice %arg4[%dma_wait3A_42] : memref<160000xi32, #tpu.memory_space<hbm>> -> memref<128xi32, #tpu.memory_space<hbm>>
    tpu.wait_dma2 semaphore(%arg12 : memref<!tpu.dma_semaphore, #tpu.memory_space<semaphore_mem>>) src(%dma_wait3A_43 : memref<128xi32, #tpu.memory_space<hbm>>) dst(%dma_wait3A_41 : memref<128xi32, #tpu.memory_space<vmem>>)
    %dma_wait3A_44 = arith.constant 0 : i32
    %dma_wait3A_45 = arith.constant 0 : i32
    %dma_wait3A_46 = tpu.memref_slice %arg9[%dma_wait3A_44, %dma_wait3A_45] : memref<2x128xi32, #tpu.memory_space<vmem>> -> memref<1x128xi32, #tpu.memory_space<vmem>>
    %dma_wait3A_47 = tpu.memref_squeeze %dma_wait3A_46 : memref<1x128xi32, #tpu.memory_space<vmem>> -> memref<128xi32, #tpu.memory_space<vmem>>
    %dma_wait3A_48 = arith.constant 0 : i32
    %dma_wait3A_49 = tpu.memref_slice %arg5[%dma_wait3A_48] : memref<160000xi32, #tpu.memory_space<hbm>> -> memref<128xi32, #tpu.memory_space<hbm>>
    %dma_wait3A_50 = arith.constant 0 : i32
    %dma_wait3A_51 = tpu.memref_slice %arg9[%dma_wait3A_44, %dma_wait3A_50] : memref<2x128xi32, #tpu.memory_space<vmem>> -> memref<1x128xi32, #tpu.memory_space<vmem>>
    %dma_wait3A_52 = tpu.memref_squeeze %dma_wait3A_51 : memref<1x128xi32, #tpu.memory_space<vmem>> -> memref<128xi32, #tpu.memory_space<vmem>>
    %dma_wait3A_53 = arith.constant 0 : i32
    %dma_wait3A_54 = tpu.memref_slice %arg5[%dma_wait3A_53] : memref<160000xi32, #tpu.memory_space<hbm>> -> memref<128xi32, #tpu.memory_space<hbm>>
    tpu.wait_dma2 semaphore(%arg12 : memref<!tpu.dma_semaphore, #tpu.memory_space<semaphore_mem>>) src(%dma_wait3A_54 : memref<128xi32, #tpu.memory_space<hbm>>) dst(%dma_wait3A_52 : memref<128xi32, #tpu.memory_space<vmem>>)
    %dma_start3A_55 = arith.constant 0 : i32
    %dma_start3A_56 = arith.constant 0 : i32
    %dma_start3A_57 = arith.constant 0 : i32
    %dma_start3A_58 = arith.constant 0 : i32
    %dma_start3A_59 = tpu.memref_slice %arg10[%dma_start3A_56, %dma_start3A_57, %dma_start3A_58] : memref<2x128x128xi32, #tpu.memory_space<vmem>> -> memref<1x128x128xi32, #tpu.memory_space<vmem>>
    %dma_start3A_60 = tpu.memref_squeeze %dma_start3A_59 : memref<1x128x128xi32, #tpu.memory_space<vmem>> -> memref<128x128xi32, #tpu.memory_space<vmem>>
    %dma_start3A_61 = arith.constant 0 : i32
    %dma_start3A_62 = tpu.memref_slice %arg8[%dma_start3A_55, %dma_start3A_61] : memref<2x128xi32, #tpu.memory_space<vmem>> -> memref<1x128xi32, #tpu.memory_space<vmem>>
    %dma_start3A_63 = tpu.memref_squeeze %dma_start3A_62 : memref<1x128xi32, #tpu.memory_space<vmem>> -> memref<128xi32, #tpu.memory_space<vmem>>
    %dma_start3A_64 = arith.constant 0 : i32
    %dma_start3A_65 = arith.constant 0 : i32
    %dma_start3A_66 = tpu.memref_slice %arg2[%dma_start3A_64, %dma_start3A_65] : memref<10000x128xi32, #tpu.memory_space<hbm>> -> memref<10000x128xi32, #tpu.memory_space<hbm>>
    tpu.enqueue_indirect_dma source(%dma_start3A_66 : memref<10000x128xi32, #tpu.memory_space<hbm>>) target(%dma_start3A_60 : memref<128x128xi32, #tpu.memory_space<vmem>>) offsets(%dma_start3A_63 : memref<128xi32, #tpu.memory_space<vmem>>) semaphore(%arg14 : memref<!tpu.dma_semaphore, #tpu.memory_space<semaphore_mem>>)
    %dma_start3A_67 = arith.constant 0 : i32
    %dma_start3A_68 = arith.constant 0 : i32
    %dma_start3A_69 = arith.constant 0 : i32
    %dma_start3A_70 = arith.constant 0 : i32
    %dma_start3A_71 = tpu.memref_slice %arg11[%dma_start3A_68, %dma_start3A_69, %dma_start3A_70] : memref<2x128x128xf32, #tpu.memory_space<vmem>> -> memref<1x128x128xf32, #tpu.memory_space<vmem>>
    %dma_start3A_72 = tpu.memref_squeeze %dma_start3A_71 : memref<1x128x128xf32, #tpu.memory_space<vmem>> -> memref<128x128xf32, #tpu.memory_space<vmem>>
    %dma_start3A_73 = arith.constant 0 : i32
    %dma_start3A_74 = tpu.memref_slice %arg9[%dma_start3A_67, %dma_start3A_73] : memref<2x128xi32, #tpu.memory_space<vmem>> -> memref<1x128xi32, #tpu.memory_space<vmem>>
    %dma_start3A_75 = tpu.memref_squeeze %dma_start3A_74 : memref<1x128xi32, #tpu.memory_space<vmem>> -> memref<128xi32, #tpu.memory_space<vmem>>
    %dma_start3A_76 = arith.constant 0 : i32
    %dma_start3A_77 = arith.constant 0 : i32
    %dma_start3A_78 = tpu.memref_slice %arg3[%dma_start3A_76, %dma_start3A_77] : memref<10000x128xf32, #tpu.memory_space<hbm>> -> memref<10000x128xf32, #tpu.memory_space<hbm>>
    tpu.enqueue_indirect_dma source(%dma_start3A_78 : memref<10000x128xf32, #tpu.memory_space<hbm>>) target(%dma_start3A_72 : memref<128x128xf32, #tpu.memory_space<vmem>>) offsets(%dma_start3A_75 : memref<128xi32, #tpu.memory_space<vmem>>) semaphore(%arg14 : memref<!tpu.dma_semaphore, #tpu.memory_space<semaphore_mem>>)
    %add3A_79 = arith.constant 1 : i32
    %add3A_80 = arith.addi %add3A_4, %add3A_79 : i32
    %mul3A_81 = arith.constant 128 : i32
    %mul3A_82 = arith.muli %add3A_80, %mul3A_81 : i32
    %dma_start3A_83 = arith.constant 1 : i32
    %dma_start3A_84 = arith.constant 0 : i32
    %dma_start3A_85 = tpu.memref_slice %arg8[%dma_start3A_83, %dma_start3A_84] : memref<2x128xi32, #tpu.memory_space<vmem>> -> memref<1x128xi32, #tpu.memory_space<vmem>>
    %dma_start3A_86 = tpu.memref_squeeze %dma_start3A_85 : memref<1x128xi32, #tpu.memory_space<vmem>> -> memref<128xi32, #tpu.memory_space<vmem>>
    %dma_start3A_87 = tpu.memref_slice %arg4[%mul3A_82] : memref<160000xi32, #tpu.memory_space<hbm>> -> memref<128xi32, #tpu.memory_space<hbm>>
    %dma_start3A_88 = arith.constant 0 : i32
    %dma_start3A_89 = tpu.memref_slice %arg8[%dma_start3A_83, %dma_start3A_88] : memref<2x128xi32, #tpu.memory_space<vmem>> -> memref<1x128xi32, #tpu.memory_space<vmem>>
    %dma_start3A_90 = tpu.memref_squeeze %dma_start3A_89 : memref<1x128xi32, #tpu.memory_space<vmem>> -> memref<128xi32, #tpu.memory_space<vmem>>
    %dma_start3A_91 = tpu.memref_slice %arg4[%mul3A_82] : memref<160000xi32, #tpu.memory_space<hbm>> -> memref<128xi32, #tpu.memory_space<hbm>>
    tpu.enqueue_dma source(%dma_start3A_91 : memref<128xi32, #tpu.memory_space<hbm>>) target(%dma_start3A_90 : memref<128xi32, #tpu.memory_space<vmem>>) target_semaphore(%arg13 : memref<!tpu.dma_semaphore, #tpu.memory_space<semaphore_mem>>)
    %add3A_92 = arith.constant 1 : i32
    %add3A_93 = arith.addi %add3A_4, %add3A_92 : i32
    %mul3A_94 = arith.constant 128 : i32
    %mul3A_95 = arith.muli %add3A_93, %mul3A_94 : i32
    %dma_start3A_96 = arith.constant 1 : i32
    %dma_start3A_97 = arith.constant 0 : i32
    %dma_start3A_98 = tpu.memref_slice %arg9[%dma_start3A_96, %dma_start3A_97] : memref<2x128xi32, #tpu.memory_space<vmem>> -> memref<1x128xi32, #tpu.memory_space<vmem>>
    %dma_start3A_99 = tpu.memref_squeeze %dma_start3A_98 : memref<1x128xi32, #tpu.memory_space<vmem>> -> memref<128xi32, #tpu.memory_space<vmem>>
    %dma_start3A_100 = tpu.memref_slice %arg5[%mul3A_95] : memref<160000xi32, #tpu.memory_space<hbm>> -> memref<128xi32, #tpu.memory_space<hbm>>
    %dma_start3A_101 = arith.constant 0 : i32
    %dma_start3A_102 = tpu.memref_slice %arg9[%dma_start3A_96, %dma_start3A_101] : memref<2x128xi32, #tpu.memory_space<vmem>> -> memref<1x128xi32, #tpu.memory_space<vmem>>
    %dma_start3A_103 = tpu.memref_squeeze %dma_start3A_102 : memref<1x128xi32, #tpu.memory_space<vmem>> -> memref<128xi32, #tpu.memory_space<vmem>>
    %dma_start3A_104 = tpu.memref_slice %arg5[%mul3A_95] : memref<160000xi32, #tpu.memory_space<hbm>> -> memref<128xi32, #tpu.memory_space<hbm>>
    tpu.enqueue_dma source(%dma_start3A_104 : memref<128xi32, #tpu.memory_space<hbm>>) target(%dma_start3A_103 : memref<128xi32, #tpu.memory_space<vmem>>) target_semaphore(%arg13 : memref<!tpu.dma_semaphore, #tpu.memory_space<semaphore_mem>>)
    %scan3A = arith.constant 0 : i32
    %scan3A_105 = arith.constant 0 : i32
    %scan3A_106 = arith.constant 20 : i32
    %scan3A_107 = arith.addi %scan3A_105, %scan3A_106 : i32
    %scan3A_108 = arith.constant 1 : i32
    %scan3A_109 = scf.for %scan3A_171 = %scan3A_105 to %scan3A_107 step %scan3A_108 iter_args(%scan3A_172 = %scan3A) -> (i32)  : i32 {
      %mul3A_173 = arith.constant 2 : i32
      %mul3A_174 = arith.muli %scan3A_171, %mul3A_173 : i32
      %add3A_175 = arith.constant 0 : i32
      %add3A_176 = arith.addi %mul3A_174, %add3A_175 : i32
      %add3A_177 = arith.constant 1 : i32
      %add3A_178 = arith.addi %add3A_176, %add3A_177 : i32
      %lt3A_179 = arith.cmpi slt, %add3A_178, %add3A_8 : i32
      %convert_element_type3A = arith.extui %lt3A_179 : i1 to i32
      %cond3A = arith.constant 0 : i32
      %cond3A_180 = arith.cmpi ne, %convert_element_type3A, %cond3A : i32
      scf.if %cond3A_180 {
        %dma_wait3A_212 = arith.constant 1 : i32
        %dma_wait3A_213 = arith.constant 0 : i32
        %dma_wait3A_214 = tpu.memref_slice %arg8[%dma_wait3A_212, %dma_wait3A_213] : memref<2x128xi32, #tpu.memory_space<vmem>> -> memref<1x128xi32, #tpu.memory_space<vmem>>
        %dma_wait3A_215 = tpu.memref_squeeze %dma_wait3A_214 : memref<1x128xi32, #tpu.memory_space<vmem>> -> memref<128xi32, #tpu.memory_space<vmem>>
        %dma_wait3A_216 = arith.constant 0 : i32
        %dma_wait3A_217 = tpu.memref_slice %arg4[%dma_wait3A_216] : memref<160000xi32, #tpu.memory_space<hbm>> -> memref<128xi32, #tpu.memory_space<hbm>>
        %dma_wait3A_218 = arith.constant 0 : i32
        %dma_wait3A_219 = tpu.memref_slice %arg8[%dma_wait3A_212, %dma_wait3A_218] : memref<2x128xi32, #tpu.memory_space<vmem>> -> memref<1x128xi32, #tpu.memory_space<vmem>>
        %dma_wait3A_220 = tpu.memref_squeeze %dma_wait3A_219 : memref<1x128xi32, #tpu.memory_space<vmem>> -> memref<128xi32, #tpu.memory_space<vmem>>
        %dma_wait3A_221 = arith.constant 0 : i32
        %dma_wait3A_222 = tpu.memref_slice %arg4[%dma_wait3A_221] : memref<160000xi32, #tpu.memory_space<hbm>> -> memref<128xi32, #tpu.memory_space<hbm>>
        tpu.wait_dma2 semaphore(%arg13 : memref<!tpu.dma_semaphore, #tpu.memory_space<semaphore_mem>>) src(%dma_wait3A_222 : memref<128xi32, #tpu.memory_space<hbm>>) dst(%dma_wait3A_220 : memref<128xi32, #tpu.memory_space<vmem>>)
        %dma_wait3A_223 = arith.constant 1 : i32
        %dma_wait3A_224 = arith.constant 0 : i32
        %dma_wait3A_225 = tpu.memref_slice %arg9[%dma_wait3A_223, %dma_wait3A_224] : memref<2x128xi32, #tpu.memory_space<vmem>> -> memref<1x128xi32, #tpu.memory_space<vmem>>
        %dma_wait3A_226 = tpu.memref_squeeze %dma_wait3A_225 : memref<1x128xi32, #tpu.memory_space<vmem>> -> memref<128xi32, #tpu.memory_space<vmem>>
        %dma_wait3A_227 = arith.constant 0 : i32
        %dma_wait3A_228 = tpu.memref_slice %arg5[%dma_wait3A_227] : memref<160000xi32, #tpu.memory_space<hbm>> -> memref<128xi32, #tpu.memory_space<hbm>>
        %dma_wait3A_229 = arith.constant 0 : i32
        %dma_wait3A_230 = tpu.memref_slice %arg9[%dma_wait3A_223, %dma_wait3A_229] : memref<2x128xi32, #tpu.memory_space<vmem>> -> memref<1x128xi32, #tpu.memory_space<vmem>>
        %dma_wait3A_231 = tpu.memref_squeeze %dma_wait3A_230 : memref<1x128xi32, #tpu.memory_space<vmem>> -> memref<128xi32, #tpu.memory_space<vmem>>
        %dma_wait3A_232 = arith.constant 0 : i32
        %dma_wait3A_233 = tpu.memref_slice %arg5[%dma_wait3A_232] : memref<160000xi32, #tpu.memory_space<hbm>> -> memref<128xi32, #tpu.memory_space<hbm>>
        tpu.wait_dma2 semaphore(%arg13 : memref<!tpu.dma_semaphore, #tpu.memory_space<semaphore_mem>>) src(%dma_wait3A_233 : memref<128xi32, #tpu.memory_space<hbm>>) dst(%dma_wait3A_231 : memref<128xi32, #tpu.memory_space<vmem>>)
        %ge3A = arith.constant 1 : i32
        %ge3A_234 = arith.cmpi sge, %add3A_176, %ge3A : i32
        %convert_element_type3A_235 = arith.extui %ge3A_234 : i1 to i32
        %cond3A_236 = arith.constant 0 : i32
        %cond3A_237 = arith.cmpi ne, %convert_element_type3A_235, %cond3A_236 : i32
        scf.if %cond3A_237 {
          %dma_wait3A_262 = arith.constant 1 : i32
          %dma_wait3A_263 = arith.constant 0 : i32
          %dma_wait3A_264 = arith.constant 0 : i32
          %dma_wait3A_265 = tpu.memref_slice %arg10[%dma_wait3A_262, %dma_wait3A_263, %dma_wait3A_264] : memref<2x128x128xi32, #tpu.memory_space<vmem>> -> memref<1x128x128xi32, #tpu.memory_space<vmem>>
          %dma_wait3A_266 = tpu.memref_squeeze %dma_wait3A_265 : memref<1x128x128xi32, #tpu.memory_space<vmem>> -> memref<128x128xi32, #tpu.memory_space<vmem>>
          %dma_wait3A_267 = arith.constant 0 : i32
          %dma_wait3A_268 = arith.constant 0 : i32
          %dma_wait3A_269 = tpu.memref_slice %arg6[%dma_wait3A_267, %dma_wait3A_268] : memref<160000x128xi32, #tpu.memory_space<hbm>> -> memref<128x128xi32, #tpu.memory_space<hbm>>
          %dma_wait3A_270 = arith.constant 0 : i32
          %dma_wait3A_271 = arith.constant 0 : i32
          %dma_wait3A_272 = tpu.memref_slice %arg6[%dma_wait3A_270, %dma_wait3A_271] : memref<160000x128xi32, #tpu.memory_space<hbm>> -> memref<128x128xi32, #tpu.memory_space<hbm>>
          %dma_wait3A_273 = arith.constant 0 : i32
          %dma_wait3A_274 = arith.constant 0 : i32
          %dma_wait3A_275 = tpu.memref_slice %arg10[%dma_wait3A_262, %dma_wait3A_273, %dma_wait3A_274] : memref<2x128x128xi32, #tpu.memory_space<vmem>> -> memref<1x128x128xi32, #tpu.memory_space<vmem>>
          %dma_wait3A_276 = tpu.memref_squeeze %dma_wait3A_275 : memref<1x128x128xi32, #tpu.memory_space<vmem>> -> memref<128x128xi32, #tpu.memory_space<vmem>>
          tpu.wait_dma2 semaphore(%arg17 : memref<!tpu.dma_semaphore, #tpu.memory_space<semaphore_mem>>) src(%dma_wait3A_276 : memref<128x128xi32, #tpu.memory_space<vmem>>) dst(%dma_wait3A_272 : memref<128x128xi32, #tpu.memory_space<hbm>>)
          %dma_wait3A_277 = arith.constant 1 : i32
          %dma_wait3A_278 = arith.constant 0 : i32
          %dma_wait3A_279 = arith.constant 0 : i32
          %dma_wait3A_280 = tpu.memref_slice %arg11[%dma_wait3A_277, %dma_wait3A_278, %dma_wait3A_279] : memref<2x128x128xf32, #tpu.memory_space<vmem>> -> memref<1x128x128xf32, #tpu.memory_space<vmem>>
          %dma_wait3A_281 = tpu.memref_squeeze %dma_wait3A_280 : memref<1x128x128xf32, #tpu.memory_space<vmem>> -> memref<128x128xf32, #tpu.memory_space<vmem>>
          %dma_wait3A_282 = arith.constant 0 : i32
          %dma_wait3A_283 = arith.constant 0 : i32
          %dma_wait3A_284 = tpu.memref_slice %arg7[%dma_wait3A_282, %dma_wait3A_283] : memref<160000x128xf32, #tpu.memory_space<hbm>> -> memref<128x128xf32, #tpu.memory_space<hbm>>
          %dma_wait3A_285 = arith.constant 0 : i32
          %dma_wait3A_286 = arith.constant 0 : i32
          %dma_wait3A_287 = tpu.memref_slice %arg7[%dma_wait3A_285, %dma_wait3A_286] : memref<160000x128xf32, #tpu.memory_space<hbm>> -> memref<128x128xf32, #tpu.memory_space<hbm>>
          %dma_wait3A_288 = arith.constant 0 : i32
          %dma_wait3A_289 = arith.constant 0 : i32
          %dma_wait3A_290 = tpu.memref_slice %arg11[%dma_wait3A_277, %dma_wait3A_288, %dma_wait3A_289] : memref<2x128x128xf32, #tpu.memory_space<vmem>> -> memref<1x128x128xf32, #tpu.memory_space<vmem>>
          %dma_wait3A_291 = tpu.memref_squeeze %dma_wait3A_290 : memref<1x128x128xf32, #tpu.memory_space<vmem>> -> memref<128x128xf32, #tpu.memory_space<vmem>>
          tpu.wait_dma2 semaphore(%arg17 : memref<!tpu.dma_semaphore, #tpu.memory_space<semaphore_mem>>) src(%dma_wait3A_291 : memref<128x128xf32, #tpu.memory_space<vmem>>) dst(%dma_wait3A_287 : memref<128x128xf32, #tpu.memory_space<hbm>>)
        } else {
        }
        %dma_start3A_238 = arith.constant 1 : i32
        %dma_start3A_239 = arith.constant 1 : i32
        %dma_start3A_240 = arith.constant 0 : i32
        %dma_start3A_241 = arith.constant 0 : i32
        %dma_start3A_242 = tpu.memref_slice %arg10[%dma_start3A_239, %dma_start3A_240, %dma_start3A_241] : memref<2x128x128xi32, #tpu.memory_space<vmem>> -> memref<1x128x128xi32, #tpu.memory_space<vmem>>
        %dma_start3A_243 = tpu.memref_squeeze %dma_start3A_242 : memref<1x128x128xi32, #tpu.memory_space<vmem>> -> memref<128x128xi32, #tpu.memory_space<vmem>>
        %dma_start3A_244 = arith.constant 0 : i32
        %dma_start3A_245 = tpu.memref_slice %arg8[%dma_start3A_238, %dma_start3A_244] : memref<2x128xi32, #tpu.memory_space<vmem>> -> memref<1x128xi32, #tpu.memory_space<vmem>>
        %dma_start3A_246 = tpu.memref_squeeze %dma_start3A_245 : memref<1x128xi32, #tpu.memory_space<vmem>> -> memref<128xi32, #tpu.memory_space<vmem>>
        %dma_start3A_247 = arith.constant 0 : i32
        %dma_start3A_248 = arith.constant 0 : i32
        %dma_start3A_249 = tpu.memref_slice %arg2[%dma_start3A_247, %dma_start3A_248] : memref<10000x128xi32, #tpu.memory_space<hbm>> -> memref<10000x128xi32, #tpu.memory_space<hbm>>
        tpu.enqueue_indirect_dma source(%dma_start3A_249 : memref<10000x128xi32, #tpu.memory_space<hbm>>) target(%dma_start3A_243 : memref<128x128xi32, #tpu.memory_space<vmem>>) offsets(%dma_start3A_246 : memref<128xi32, #tpu.memory_space<vmem>>) semaphore(%arg15 : memref<!tpu.dma_semaphore, #tpu.memory_space<semaphore_mem>>)
        %dma_start3A_250 = arith.constant 1 : i32
        %dma_start3A_251 = arith.constant 1 : i32
        %dma_start3A_252 = arith.constant 0 : i32
        %dma_start3A_253 = arith.constant 0 : i32
        %dma_start3A_254 = tpu.memref_slice %arg11[%dma_start3A_251, %dma_start3A_252, %dma_start3A_253] : memref<2x128x128xf32, #tpu.memory_space<vmem>> -> memref<1x128x128xf32, #tpu.memory_space<vmem>>
        %dma_start3A_255 = tpu.memref_squeeze %dma_start3A_254 : memref<1x128x128xf32, #tpu.memory_space<vmem>> -> memref<128x128xf32, #tpu.memory_space<vmem>>
        %dma_start3A_256 = arith.constant 0 : i32
        %dma_start3A_257 = tpu.memref_slice %arg9[%dma_start3A_250, %dma_start3A_256] : memref<2x128xi32, #tpu.memory_space<vmem>> -> memref<1x128xi32, #tpu.memory_space<vmem>>
        %dma_start3A_258 = tpu.memref_squeeze %dma_start3A_257 : memref<1x128xi32, #tpu.memory_space<vmem>> -> memref<128xi32, #tpu.memory_space<vmem>>
        %dma_start3A_259 = arith.constant 0 : i32
        %dma_start3A_260 = arith.constant 0 : i32
        %dma_start3A_261 = tpu.memref_slice %arg3[%dma_start3A_259, %dma_start3A_260] : memref<10000x128xf32, #tpu.memory_space<hbm>> -> memref<10000x128xf32, #tpu.memory_space<hbm>>
        tpu.enqueue_indirect_dma source(%dma_start3A_261 : memref<10000x128xf32, #tpu.memory_space<hbm>>) target(%dma_start3A_255 : memref<128x128xf32, #tpu.memory_space<vmem>>) offsets(%dma_start3A_258 : memref<128xi32, #tpu.memory_space<vmem>>) semaphore(%arg15 : memref<!tpu.dma_semaphore, #tpu.memory_space<semaphore_mem>>)
      } else {
      }
      %lt3A_181 = arith.cmpi slt, %add3A_176, %add3A_8 : i32
      %convert_element_type3A_182 = arith.extui %lt3A_181 : i1 to i32
      %cond3A_183 = arith.constant 0 : i32
      %cond3A_184 = arith.cmpi ne, %convert_element_type3A_182, %cond3A_183 : i32
      scf.if %cond3A_184 {
        %dma_wait3A_212 = arith.constant 0 : i32
        %dma_wait3A_213 = arith.constant 0 : i32
        %dma_wait3A_214 = arith.constant 0 : i32
        %dma_wait3A_215 = arith.constant 0 : i32
        %dma_wait3A_216 = tpu.memref_slice %arg10[%dma_wait3A_213, %dma_wait3A_214, %dma_wait3A_215] : memref<2x128x128xi32, #tpu.memory_space<vmem>> -> memref<1x128x128xi32, #tpu.memory_space<vmem>>
        %dma_wait3A_217 = tpu.memref_squeeze %dma_wait3A_216 : memref<1x128x128xi32, #tpu.memory_space<vmem>> -> memref<128x128xi32, #tpu.memory_space<vmem>>
        %dma_wait3A_218 = arith.constant 0 : i32
        %dma_wait3A_219 = tpu.memref_slice %arg8[%dma_wait3A_212, %dma_wait3A_218] : memref<2x128xi32, #tpu.memory_space<vmem>> -> memref<1x128xi32, #tpu.memory_space<vmem>>
        %dma_wait3A_220 = tpu.memref_squeeze %dma_wait3A_219 : memref<1x128xi32, #tpu.memory_space<vmem>> -> memref<128xi32, #tpu.memory_space<vmem>>
        %dma_wait3A_221 = arith.constant 0 : i32
        %dma_wait3A_222 = arith.constant 0 : i32
        %dma_wait3A_223 = tpu.memref_slice %arg2[%dma_wait3A_221, %dma_wait3A_222] : memref<10000x128xi32, #tpu.memory_space<hbm>> -> memref<10000x128xi32, #tpu.memory_space<hbm>>
        tpu.wait_indirect_dma semaphore(%arg14 : memref<!tpu.dma_semaphore, #tpu.memory_space<semaphore_mem>>) src(%dma_wait3A_223 : memref<10000x128xi32, #tpu.memory_space<hbm>>) dst(%dma_wait3A_217 : memref<128x128xi32, #tpu.memory_space<vmem>>)
        %dma_wait3A_224 = arith.constant 0 : i32
        %dma_wait3A_225 = arith.constant 0 : i32
        %dma_wait3A_226 = arith.constant 0 : i32
        %dma_wait3A_227 = arith.constant 0 : i32
        %dma_wait3A_228 = tpu.memref_slice %arg11[%dma_wait3A_225, %dma_wait3A_226, %dma_wait3A_227] : memref<2x128x128xf32, #tpu.memory_space<vmem>> -> memref<1x128x128xf32, #tpu.memory_space<vmem>>
        %dma_wait3A_229 = tpu.memref_squeeze %dma_wait3A_228 : memref<1x128x128xf32, #tpu.memory_space<vmem>> -> memref<128x128xf32, #tpu.memory_space<vmem>>
        %dma_wait3A_230 = arith.constant 0 : i32
        %dma_wait3A_231 = tpu.memref_slice %arg9[%dma_wait3A_224, %dma_wait3A_230] : memref<2x128xi32, #tpu.memory_space<vmem>> -> memref<1x128xi32, #tpu.memory_space<vmem>>
        %dma_wait3A_232 = tpu.memref_squeeze %dma_wait3A_231 : memref<1x128xi32, #tpu.memory_space<vmem>> -> memref<128xi32, #tpu.memory_space<vmem>>
        %dma_wait3A_233 = arith.constant 0 : i32
        %dma_wait3A_234 = arith.constant 0 : i32
        %dma_wait3A_235 = tpu.memref_slice %arg3[%dma_wait3A_233, %dma_wait3A_234] : memref<10000x128xf32, #tpu.memory_space<hbm>> -> memref<10000x128xf32, #tpu.memory_space<hbm>>
        tpu.wait_indirect_dma semaphore(%arg14 : memref<!tpu.dma_semaphore, #tpu.memory_space<semaphore_mem>>) src(%dma_wait3A_235 : memref<10000x128xf32, #tpu.memory_space<hbm>>) dst(%dma_wait3A_229 : memref<128x128xf32, #tpu.memory_space<vmem>>)
        %add3A_236 = arith.addi %add3A_4, %add3A_176 : i32
        %mul3A_237 = arith.constant 128 : i32
        %mul3A_238 = arith.muli %add3A_236, %mul3A_237 : i32
        %dma_start3A_239 = arith.constant 0 : i32
        %dma_start3A_240 = arith.constant 0 : i32
        %dma_start3A_241 = arith.constant 0 : i32
        %dma_start3A_242 = tpu.memref_slice %arg10[%dma_start3A_239, %dma_start3A_240, %dma_start3A_241] : memref<2x128x128xi32, #tpu.memory_space<vmem>> -> memref<1x128x128xi32, #tpu.memory_space<vmem>>
        %dma_start3A_243 = tpu.memref_squeeze %dma_start3A_242 : memref<1x128x128xi32, #tpu.memory_space<vmem>> -> memref<128x128xi32, #tpu.memory_space<vmem>>
        %dma_start3A_244 = arith.constant 0 : i32
        %dma_start3A_245 = tpu.memref_slice %arg6[%mul3A_238, %dma_start3A_244] : memref<160000x128xi32, #tpu.memory_space<hbm>> -> memref<128x128xi32, #tpu.memory_space<hbm>>
        %dma_start3A_246 = arith.constant 0 : i32
        %dma_start3A_247 = tpu.memref_slice %arg6[%mul3A_238, %dma_start3A_246] : memref<160000x128xi32, #tpu.memory_space<hbm>> -> memref<128x128xi32, #tpu.memory_space<hbm>>
        %dma_start3A_248 = arith.constant 0 : i32
        %dma_start3A_249 = arith.constant 0 : i32
        %dma_start3A_250 = tpu.memref_slice %arg10[%dma_start3A_239, %dma_start3A_248, %dma_start3A_249] : memref<2x128x128xi32, #tpu.memory_space<vmem>> -> memref<1x128x128xi32, #tpu.memory_space<vmem>>
        %dma_start3A_251 = tpu.memref_squeeze %dma_start3A_250 : memref<1x128x128xi32, #tpu.memory_space<vmem>> -> memref<128x128xi32, #tpu.memory_space<vmem>>
        tpu.enqueue_dma source(%dma_start3A_251 : memref<128x128xi32, #tpu.memory_space<vmem>>) target(%dma_start3A_247 : memref<128x128xi32, #tpu.memory_space<hbm>>) target_semaphore(%arg16 : memref<!tpu.dma_semaphore, #tpu.memory_space<semaphore_mem>>)
        %add3A_252 = arith.addi %add3A_4, %add3A_176 : i32
        %mul3A_253 = arith.constant 128 : i32
        %mul3A_254 = arith.muli %add3A_252, %mul3A_253 : i32
        %dma_start3A_255 = arith.constant 0 : i32
        %dma_start3A_256 = arith.constant 0 : i32
        %dma_start3A_257 = arith.constant 0 : i32
        %dma_start3A_258 = tpu.memref_slice %arg11[%dma_start3A_255, %dma_start3A_256, %dma_start3A_257] : memref<2x128x128xf32, #tpu.memory_space<vmem>> -> memref<1x128x128xf32, #tpu.memory_space<vmem>>
        %dma_start3A_259 = tpu.memref_squeeze %dma_start3A_258 : memref<1x128x128xf32, #tpu.memory_space<vmem>> -> memref<128x128xf32, #tpu.memory_space<vmem>>
        %dma_start3A_260 = arith.constant 0 : i32
        %dma_start3A_261 = tpu.memref_slice %arg7[%mul3A_254, %dma_start3A_260] : memref<160000x128xf32, #tpu.memory_space<hbm>> -> memref<128x128xf32, #tpu.memory_space<hbm>>
        %dma_start3A_262 = arith.constant 0 : i32
        %dma_start3A_263 = tpu.memref_slice %arg7[%mul3A_254, %dma_start3A_262] : memref<160000x128xf32, #tpu.memory_space<hbm>> -> memref<128x128xf32, #tpu.memory_space<hbm>>
        %dma_start3A_264 = arith.constant 0 : i32
        %dma_start3A_265 = arith.constant 0 : i32
        %dma_start3A_266 = tpu.memref_slice %arg11[%dma_start3A_255, %dma_start3A_264, %dma_start3A_265] : memref<2x128x128xf32, #tpu.memory_space<vmem>> -> memref<1x128x128xf32, #tpu.memory_space<vmem>>
        %dma_start3A_267 = tpu.memref_squeeze %dma_start3A_266 : memref<1x128x128xf32, #tpu.memory_space<vmem>> -> memref<128x128xf32, #tpu.memory_space<vmem>>
        tpu.enqueue_dma source(%dma_start3A_267 : memref<128x128xf32, #tpu.memory_space<vmem>>) target(%dma_start3A_263 : memref<128x128xf32, #tpu.memory_space<hbm>>) target_semaphore(%arg16 : memref<!tpu.dma_semaphore, #tpu.memory_space<semaphore_mem>>)
      } else {
      }
      %add3A_185 = arith.constant 2 : i32
      %add3A_186 = arith.addi %add3A_176, %add3A_185 : i32
      %lt3A_187 = arith.cmpi slt, %add3A_186, %add3A_8 : i32
      %convert_element_type3A_188 = arith.extui %lt3A_187 : i1 to i32
      %cond3A_189 = arith.constant 0 : i32
      %cond3A_190 = arith.cmpi ne, %convert_element_type3A_188, %cond3A_189 : i32
      scf.if %cond3A_190 {
        %add3A_212 = arith.constant 2 : i32
        %add3A_213 = arith.addi %add3A_176, %add3A_212 : i32
        %add3A_214 = arith.addi %add3A_4, %add3A_213 : i32
        %mul3A_215 = arith.constant 128 : i32
        %mul3A_216 = arith.muli %add3A_214, %mul3A_215 : i32
        %dma_start3A_217 = arith.constant 0 : i32
        %dma_start3A_218 = arith.constant 0 : i32
        %dma_start3A_219 = tpu.memref_slice %arg8[%dma_start3A_217, %dma_start3A_218] : memref<2x128xi32, #tpu.memory_space<vmem>> -> memref<1x128xi32, #tpu.memory_space<vmem>>
        %dma_start3A_220 = tpu.memref_squeeze %dma_start3A_219 : memref<1x128xi32, #tpu.memory_space<vmem>> -> memref<128xi32, #tpu.memory_space<vmem>>
        %dma_start3A_221 = tpu.memref_slice %arg4[%mul3A_216] : memref<160000xi32, #tpu.memory_space<hbm>> -> memref<128xi32, #tpu.memory_space<hbm>>
        %dma_start3A_222 = arith.constant 0 : i32
        %dma_start3A_223 = tpu.memref_slice %arg8[%dma_start3A_217, %dma_start3A_222] : memref<2x128xi32, #tpu.memory_space<vmem>> -> memref<1x128xi32, #tpu.memory_space<vmem>>
        %dma_start3A_224 = tpu.memref_squeeze %dma_start3A_223 : memref<1x128xi32, #tpu.memory_space<vmem>> -> memref<128xi32, #tpu.memory_space<vmem>>
        %dma_start3A_225 = tpu.memref_slice %arg4[%mul3A_216] : memref<160000xi32, #tpu.memory_space<hbm>> -> memref<128xi32, #tpu.memory_space<hbm>>
        tpu.enqueue_dma source(%dma_start3A_225 : memref<128xi32, #tpu.memory_space<hbm>>) target(%dma_start3A_224 : memref<128xi32, #tpu.memory_space<vmem>>) target_semaphore(%arg12 : memref<!tpu.dma_semaphore, #tpu.memory_space<semaphore_mem>>)
        %add3A_226 = arith.addi %add3A_4, %add3A_213 : i32
        %mul3A_227 = arith.constant 128 : i32
        %mul3A_228 = arith.muli %add3A_226, %mul3A_227 : i32
        %dma_start3A_229 = arith.constant 0 : i32
        %dma_start3A_230 = arith.constant 0 : i32
        %dma_start3A_231 = tpu.memref_slice %arg9[%dma_start3A_229, %dma_start3A_230] : memref<2x128xi32, #tpu.memory_space<vmem>> -> memref<1x128xi32, #tpu.memory_space<vmem>>
        %dma_start3A_232 = tpu.memref_squeeze %dma_start3A_231 : memref<1x128xi32, #tpu.memory_space<vmem>> -> memref<128xi32, #tpu.memory_space<vmem>>
        %dma_start3A_233 = tpu.memref_slice %arg5[%mul3A_228] : memref<160000xi32, #tpu.memory_space<hbm>> -> memref<128xi32, #tpu.memory_space<hbm>>
        %dma_start3A_234 = arith.constant 0 : i32
        %dma_start3A_235 = tpu.memref_slice %arg9[%dma_start3A_229, %dma_start3A_234] : memref<2x128xi32, #tpu.memory_space<vmem>> -> memref<1x128xi32, #tpu.memory_space<vmem>>
        %dma_start3A_236 = tpu.memref_squeeze %dma_start3A_235 : memref<1x128xi32, #tpu.memory_space<vmem>> -> memref<128xi32, #tpu.memory_space<vmem>>
        %dma_start3A_237 = tpu.memref_slice %arg5[%mul3A_228] : memref<160000xi32, #tpu.memory_space<hbm>> -> memref<128xi32, #tpu.memory_space<hbm>>
        tpu.enqueue_dma source(%dma_start3A_237 : memref<128xi32, #tpu.memory_space<hbm>>) target(%dma_start3A_236 : memref<128xi32, #tpu.memory_space<vmem>>) target_semaphore(%arg12 : memref<!tpu.dma_semaphore, #tpu.memory_space<semaphore_mem>>)
      } else {
      }
      %mul3A_191 = arith.constant 2 : i32
      %mul3A_192 = arith.muli %scan3A_171, %mul3A_191 : i32
      %add3A_193 = arith.constant 1 : i32
      %add3A_194 = arith.addi %mul3A_192, %add3A_193 : i32
      %add3A_195 = arith.constant 1 : i32
      %add3A_196 = arith.addi %add3A_194, %add3A_195 : i32
      %lt3A_197 = arith.cmpi slt, %add3A_196, %add3A_8 : i32
      %convert_element_type3A_198 = arith.extui %lt3A_197 : i1 to i32
      %cond3A_199 = arith.constant 0 : i32
      %cond3A_200 = arith.cmpi ne, %convert_element_type3A_198, %cond3A_199 : i32
      scf.if %cond3A_200 {
        %dma_wait3A_212 = arith.constant 0 : i32
        %dma_wait3A_213 = arith.constant 0 : i32
        %dma_wait3A_214 = tpu.memref_slice %arg8[%dma_wait3A_212, %dma_wait3A_213] : memref<2x128xi32, #tpu.memory_space<vmem>> -> memref<1x128xi32, #tpu.memory_space<vmem>>
        %dma_wait3A_215 = tpu.memref_squeeze %dma_wait3A_214 : memref<1x128xi32, #tpu.memory_space<vmem>> -> memref<128xi32, #tpu.memory_space<vmem>>
        %dma_wait3A_216 = arith.constant 0 : i32
        %dma_wait3A_217 = tpu.memref_slice %arg4[%dma_wait3A_216] : memref<160000xi32, #tpu.memory_space<hbm>> -> memref<128xi32, #tpu.memory_space<hbm>>
        %dma_wait3A_218 = arith.constant 0 : i32
        %dma_wait3A_219 = tpu.memref_slice %arg8[%dma_wait3A_212, %dma_wait3A_218] : memref<2x128xi32, #tpu.memory_space<vmem>> -> memref<1x128xi32, #tpu.memory_space<vmem>>
        %dma_wait3A_220 = tpu.memref_squeeze %dma_wait3A_219 : memref<1x128xi32, #tpu.memory_space<vmem>> -> memref<128xi32, #tpu.memory_space<vmem>>
        %dma_wait3A_221 = arith.constant 0 : i32
        %dma_wait3A_222 = tpu.memref_slice %arg4[%dma_wait3A_221] : memref<160000xi32, #tpu.memory_space<hbm>> -> memref<128xi32, #tpu.memory_space<hbm>>
        tpu.wait_dma2 semaphore(%arg12 : memref<!tpu.dma_semaphore, #tpu.memory_space<semaphore_mem>>) src(%dma_wait3A_222 : memref<128xi32, #tpu.memory_space<hbm>>) dst(%dma_wait3A_220 : memref<128xi32, #tpu.memory_space<vmem>>)
        %dma_wait3A_223 = arith.constant 0 : i32
        %dma_wait3A_224 = arith.constant 0 : i32
        %dma_wait3A_225 = tpu.memref_slice %arg9[%dma_wait3A_223, %dma_wait3A_224] : memref<2x128xi32, #tpu.memory_space<vmem>> -> memref<1x128xi32, #tpu.memory_space<vmem>>
        %dma_wait3A_226 = tpu.memref_squeeze %dma_wait3A_225 : memref<1x128xi32, #tpu.memory_space<vmem>> -> memref<128xi32, #tpu.memory_space<vmem>>
        %dma_wait3A_227 = arith.constant 0 : i32
        %dma_wait3A_228 = tpu.memref_slice %arg5[%dma_wait3A_227] : memref<160000xi32, #tpu.memory_space<hbm>> -> memref<128xi32, #tpu.memory_space<hbm>>
        %dma_wait3A_229 = arith.constant 0 : i32
        %dma_wait3A_230 = tpu.memref_slice %arg9[%dma_wait3A_223, %dma_wait3A_229] : memref<2x128xi32, #tpu.memory_space<vmem>> -> memref<1x128xi32, #tpu.memory_space<vmem>>
        %dma_wait3A_231 = tpu.memref_squeeze %dma_wait3A_230 : memref<1x128xi32, #tpu.memory_space<vmem>> -> memref<128xi32, #tpu.memory_space<vmem>>
        %dma_wait3A_232 = arith.constant 0 : i32
        %dma_wait3A_233 = tpu.memref_slice %arg5[%dma_wait3A_232] : memref<160000xi32, #tpu.memory_space<hbm>> -> memref<128xi32, #tpu.memory_space<hbm>>
        tpu.wait_dma2 semaphore(%arg12 : memref<!tpu.dma_semaphore, #tpu.memory_space<semaphore_mem>>) src(%dma_wait3A_233 : memref<128xi32, #tpu.memory_space<hbm>>) dst(%dma_wait3A_231 : memref<128xi32, #tpu.memory_space<vmem>>)
        %ge3A = arith.constant 1 : i32
        %ge3A_234 = arith.cmpi sge, %add3A_194, %ge3A : i32
        %convert_element_type3A_235 = arith.extui %ge3A_234 : i1 to i32
        %cond3A_236 = arith.constant 0 : i32
        %cond3A_237 = arith.cmpi ne, %convert_element_type3A_235, %cond3A_236 : i32
        scf.if %cond3A_237 {
          %dma_wait3A_262 = arith.constant 0 : i32
          %dma_wait3A_263 = arith.constant 0 : i32
          %dma_wait3A_264 = arith.constant 0 : i32
          %dma_wait3A_265 = tpu.memref_slice %arg10[%dma_wait3A_262, %dma_wait3A_263, %dma_wait3A_264] : memref<2x128x128xi32, #tpu.memory_space<vmem>> -> memref<1x128x128xi32, #tpu.memory_space<vmem>>
          %dma_wait3A_266 = tpu.memref_squeeze %dma_wait3A_265 : memref<1x128x128xi32, #tpu.memory_space<vmem>> -> memref<128x128xi32, #tpu.memory_space<vmem>>
          %dma_wait3A_267 = arith.constant 0 : i32
          %dma_wait3A_268 = arith.constant 0 : i32
          %dma_wait3A_269 = tpu.memref_slice %arg6[%dma_wait3A_267, %dma_wait3A_268] : memref<160000x128xi32, #tpu.memory_space<hbm>> -> memref<128x128xi32, #tpu.memory_space<hbm>>
          %dma_wait3A_270 = arith.constant 0 : i32
          %dma_wait3A_271 = arith.constant 0 : i32
          %dma_wait3A_272 = tpu.memref_slice %arg6[%dma_wait3A_270, %dma_wait3A_271] : memref<160000x128xi32, #tpu.memory_space<hbm>> -> memref<128x128xi32, #tpu.memory_space<hbm>>
          %dma_wait3A_273 = arith.constant 0 : i32
          %dma_wait3A_274 = arith.constant 0 : i32
          %dma_wait3A_275 = tpu.memref_slice %arg10[%dma_wait3A_262, %dma_wait3A_273, %dma_wait3A_274] : memref<2x128x128xi32, #tpu.memory_space<vmem>> -> memref<1x128x128xi32, #tpu.memory_space<vmem>>
          %dma_wait3A_276 = tpu.memref_squeeze %dma_wait3A_275 : memref<1x128x128xi32, #tpu.memory_space<vmem>> -> memref<128x128xi32, #tpu.memory_space<vmem>>
          tpu.wait_dma2 semaphore(%arg16 : memref<!tpu.dma_semaphore, #tpu.memory_space<semaphore_mem>>) src(%dma_wait3A_276 : memref<128x128xi32, #tpu.memory_space<vmem>>) dst(%dma_wait3A_272 : memref<128x128xi32, #tpu.memory_space<hbm>>)
          %dma_wait3A_277 = arith.constant 0 : i32
          %dma_wait3A_278 = arith.constant 0 : i32
          %dma_wait3A_279 = arith.constant 0 : i32
          %dma_wait3A_280 = tpu.memref_slice %arg11[%dma_wait3A_277, %dma_wait3A_278, %dma_wait3A_279] : memref<2x128x128xf32, #tpu.memory_space<vmem>> -> memref<1x128x128xf32, #tpu.memory_space<vmem>>
          %dma_wait3A_281 = tpu.memref_squeeze %dma_wait3A_280 : memref<1x128x128xf32, #tpu.memory_space<vmem>> -> memref<128x128xf32, #tpu.memory_space<vmem>>
          %dma_wait3A_282 = arith.constant 0 : i32
          %dma_wait3A_283 = arith.constant 0 : i32
          %dma_wait3A_284 = tpu.memref_slice %arg7[%dma_wait3A_282, %dma_wait3A_283] : memref<160000x128xf32, #tpu.memory_space<hbm>> -> memref<128x128xf32, #tpu.memory_space<hbm>>
          %dma_wait3A_285 = arith.constant 0 : i32
          %dma_wait3A_286 = arith.constant 0 : i32
          %dma_wait3A_287 = tpu.memref_slice %arg7[%dma_wait3A_285, %dma_wait3A_286] : memref<160000x128xf32, #tpu.memory_space<hbm>> -> memref<128x128xf32, #tpu.memory_space<hbm>>
          %dma_wait3A_288 = arith.constant 0 : i32
          %dma_wait3A_289 = arith.constant 0 : i32
          %dma_wait3A_290 = tpu.memref_slice %arg11[%dma_wait3A_277, %dma_wait3A_288, %dma_wait3A_289] : memref<2x128x128xf32, #tpu.memory_space<vmem>> -> memref<1x128x128xf32, #tpu.memory_space<vmem>>
          %dma_wait3A_291 = tpu.memref_squeeze %dma_wait3A_290 : memref<1x128x128xf32, #tpu.memory_space<vmem>> -> memref<128x128xf32, #tpu.memory_space<vmem>>
          tpu.wait_dma2 semaphore(%arg16 : memref<!tpu.dma_semaphore, #tpu.memory_space<semaphore_mem>>) src(%dma_wait3A_291 : memref<128x128xf32, #tpu.memory_space<vmem>>) dst(%dma_wait3A_287 : memref<128x128xf32, #tpu.memory_space<hbm>>)
        } else {
        }
        %dma_start3A_238 = arith.constant 0 : i32
        %dma_start3A_239 = arith.constant 0 : i32
        %dma_start3A_240 = arith.constant 0 : i32
        %dma_start3A_241 = arith.constant 0 : i32
        %dma_start3A_242 = tpu.memref_slice %arg10[%dma_start3A_239, %dma_start3A_240, %dma_start3A_241] : memref<2x128x128xi32, #tpu.memory_space<vmem>> -> memref<1x128x128xi32, #tpu.memory_space<vmem>>
        %dma_start3A_243 = tpu.memref_squeeze %dma_start3A_242 : memref<1x128x128xi32, #tpu.memory_space<vmem>> -> memref<128x128xi32, #tpu.memory_space<vmem>>
        %dma_start3A_244 = arith.constant 0 : i32
        %dma_start3A_245 = tpu.memref_slice %arg8[%dma_start3A_238, %dma_start3A_244] : memref<2x128xi32, #tpu.memory_space<vmem>> -> memref<1x128xi32, #tpu.memory_space<vmem>>
        %dma_start3A_246 = tpu.memref_squeeze %dma_start3A_245 : memref<1x128xi32, #tpu.memory_space<vmem>> -> memref<128xi32, #tpu.memory_space<vmem>>
        %dma_start3A_247 = arith.constant 0 : i32
        %dma_start3A_248 = arith.constant 0 : i32
        %dma_start3A_249 = tpu.memref_slice %arg2[%dma_start3A_247, %dma_start3A_248] : memref<10000x128xi32, #tpu.memory_space<hbm>> -> memref<10000x128xi32, #tpu.memory_space<hbm>>
        tpu.enqueue_indirect_dma source(%dma_start3A_249 : memref<10000x128xi32, #tpu.memory_space<hbm>>) target(%dma_start3A_243 : memref<128x128xi32, #tpu.memory_space<vmem>>) offsets(%dma_start3A_246 : memref<128xi32, #tpu.memory_space<vmem>>) semaphore(%arg14 : memref<!tpu.dma_semaphore, #tpu.memory_space<semaphore_mem>>)
        %dma_start3A_250 = arith.constant 0 : i32
        %dma_start3A_251 = arith.constant 0 : i32
        %dma_start3A_252 = arith.constant 0 : i32
        %dma_start3A_253 = arith.constant 0 : i32
        %dma_start3A_254 = tpu.memref_slice %arg11[%dma_start3A_251, %dma_start3A_252, %dma_start3A_253] : memref<2x128x128xf32, #tpu.memory_space<vmem>> -> memref<1x128x128xf32, #tpu.memory_space<vmem>>
        %dma_start3A_255 = tpu.memref_squeeze %dma_start3A_254 : memref<1x128x128xf32, #tpu.memory_space<vmem>> -> memref<128x128xf32, #tpu.memory_space<vmem>>
        %dma_start3A_256 = arith.constant 0 : i32
        %dma_start3A_257 = tpu.memref_slice %arg9[%dma_start3A_250, %dma_start3A_256] : memref<2x128xi32, #tpu.memory_space<vmem>> -> memref<1x128xi32, #tpu.memory_space<vmem>>
        %dma_start3A_258 = tpu.memref_squeeze %dma_start3A_257 : memref<1x128xi32, #tpu.memory_space<vmem>> -> memref<128xi32, #tpu.memory_space<vmem>>
        %dma_start3A_259 = arith.constant 0 : i32
        %dma_start3A_260 = arith.constant 0 : i32
        %dma_start3A_261 = tpu.memref_slice %arg3[%dma_start3A_259, %dma_start3A_260] : memref<10000x128xf32, #tpu.memory_space<hbm>> -> memref<10000x128xf32, #tpu.memory_space<hbm>>
        tpu.enqueue_indirect_dma source(%dma_start3A_261 : memref<10000x128xf32, #tpu.memory_space<hbm>>) target(%dma_start3A_255 : memref<128x128xf32, #tpu.memory_space<vmem>>) offsets(%dma_start3A_258 : memref<128xi32, #tpu.memory_space<vmem>>) semaphore(%arg14 : memref<!tpu.dma_semaphore, #tpu.memory_space<semaphore_mem>>)
      } else {
      }
      %lt3A_201 = arith.cmpi slt, %add3A_194, %add3A_8 : i32
      %convert_element_type3A_202 = arith.extui %lt3A_201 : i1 to i32
      %cond3A_203 = arith.constant 0 : i32
      %cond3A_204 = arith.cmpi ne, %convert_element_type3A_202, %cond3A_203 : i32
      scf.if %cond3A_204 {
        %dma_wait3A_212 = arith.constant 1 : i32
        %dma_wait3A_213 = arith.constant 1 : i32
        %dma_wait3A_214 = arith.constant 0 : i32
        %dma_wait3A_215 = arith.constant 0 : i32
        %dma_wait3A_216 = tpu.memref_slice %arg10[%dma_wait3A_213, %dma_wait3A_214, %dma_wait3A_215] : memref<2x128x128xi32, #tpu.memory_space<vmem>> -> memref<1x128x128xi32, #tpu.memory_space<vmem>>
        %dma_wait3A_217 = tpu.memref_squeeze %dma_wait3A_216 : memref<1x128x128xi32, #tpu.memory_space<vmem>> -> memref<128x128xi32, #tpu.memory_space<vmem>>
        %dma_wait3A_218 = arith.constant 0 : i32
        %dma_wait3A_219 = tpu.memref_slice %arg8[%dma_wait3A_212, %dma_wait3A_218] : memref<2x128xi32, #tpu.memory_space<vmem>> -> memref<1x128xi32, #tpu.memory_space<vmem>>
        %dma_wait3A_220 = tpu.memref_squeeze %dma_wait3A_219 : memref<1x128xi32, #tpu.memory_space<vmem>> -> memref<128xi32, #tpu.memory_space<vmem>>
        %dma_wait3A_221 = arith.constant 0 : i32
        %dma_wait3A_222 = arith.constant 0 : i32
        %dma_wait3A_223 = tpu.memref_slice %arg2[%dma_wait3A_221, %dma_wait3A_222] : memref<10000x128xi32, #tpu.memory_space<hbm>> -> memref<10000x128xi32, #tpu.memory_space<hbm>>
        tpu.wait_indirect_dma semaphore(%arg15 : memref<!tpu.dma_semaphore, #tpu.memory_space<semaphore_mem>>) src(%dma_wait3A_223 : memref<10000x128xi32, #tpu.memory_space<hbm>>) dst(%dma_wait3A_217 : memref<128x128xi32, #tpu.memory_space<vmem>>)
        %dma_wait3A_224 = arith.constant 1 : i32
        %dma_wait3A_225 = arith.constant 1 : i32
        %dma_wait3A_226 = arith.constant 0 : i32
        %dma_wait3A_227 = arith.constant 0 : i32
        %dma_wait3A_228 = tpu.memref_slice %arg11[%dma_wait3A_225, %dma_wait3A_226, %dma_wait3A_227] : memref<2x128x128xf32, #tpu.memory_space<vmem>> -> memref<1x128x128xf32, #tpu.memory_space<vmem>>
        %dma_wait3A_229 = tpu.memref_squeeze %dma_wait3A_228 : memref<1x128x128xf32, #tpu.memory_space<vmem>> -> memref<128x128xf32, #tpu.memory_space<vmem>>
        %dma_wait3A_230 = arith.constant 0 : i32
        %dma_wait3A_231 = tpu.memref_slice %arg9[%dma_wait3A_224, %dma_wait3A_230] : memref<2x128xi32, #tpu.memory_space<vmem>> -> memref<1x128xi32, #tpu.memory_space<vmem>>
        %dma_wait3A_232 = tpu.memref_squeeze %dma_wait3A_231 : memref<1x128xi32, #tpu.memory_space<vmem>> -> memref<128xi32, #tpu.memory_space<vmem>>
        %dma_wait3A_233 = arith.constant 0 : i32
        %dma_wait3A_234 = arith.constant 0 : i32
        %dma_wait3A_235 = tpu.memref_slice %arg3[%dma_wait3A_233, %dma_wait3A_234] : memref<10000x128xf32, #tpu.memory_space<hbm>> -> memref<10000x128xf32, #tpu.memory_space<hbm>>
        tpu.wait_indirect_dma semaphore(%arg15 : memref<!tpu.dma_semaphore, #tpu.memory_space<semaphore_mem>>) src(%dma_wait3A_235 : memref<10000x128xf32, #tpu.memory_space<hbm>>) dst(%dma_wait3A_229 : memref<128x128xf32, #tpu.memory_space<vmem>>)
        %add3A_236 = arith.addi %add3A_4, %add3A_194 : i32
        %mul3A_237 = arith.constant 128 : i32
        %mul3A_238 = arith.muli %add3A_236, %mul3A_237 : i32
        %dma_start3A_239 = arith.constant 1 : i32
        %dma_start3A_240 = arith.constant 0 : i32
        %dma_start3A_241 = arith.constant 0 : i32
        %dma_start3A_242 = tpu.memref_slice %arg10[%dma_start3A_239, %dma_start3A_240, %dma_start3A_241] : memref<2x128x128xi32, #tpu.memory_space<vmem>> -> memref<1x128x128xi32, #tpu.memory_space<vmem>>
        %dma_start3A_243 = tpu.memref_squeeze %dma_start3A_242 : memref<1x128x128xi32, #tpu.memory_space<vmem>> -> memref<128x128xi32, #tpu.memory_space<vmem>>
        %dma_start3A_244 = arith.constant 0 : i32
        %dma_start3A_245 = tpu.memref_slice %arg6[%mul3A_238, %dma_start3A_244] : memref<160000x128xi32, #tpu.memory_space<hbm>> -> memref<128x128xi32, #tpu.memory_space<hbm>>
        %dma_start3A_246 = arith.constant 0 : i32
        %dma_start3A_247 = tpu.memref_slice %arg6[%mul3A_238, %dma_start3A_246] : memref<160000x128xi32, #tpu.memory_space<hbm>> -> memref<128x128xi32, #tpu.memory_space<hbm>>
        %dma_start3A_248 = arith.constant 0 : i32
        %dma_start3A_249 = arith.constant 0 : i32
        %dma_start3A_250 = tpu.memref_slice %arg10[%dma_start3A_239, %dma_start3A_248, %dma_start3A_249] : memref<2x128x128xi32, #tpu.memory_space<vmem>> -> memref<1x128x128xi32, #tpu.memory_space<vmem>>
        %dma_start3A_251 = tpu.memref_squeeze %dma_start3A_250 : memref<1x128x128xi32, #tpu.memory_space<vmem>> -> memref<128x128xi32, #tpu.memory_space<vmem>>
        tpu.enqueue_dma source(%dma_start3A_251 : memref<128x128xi32, #tpu.memory_space<vmem>>) target(%dma_start3A_247 : memref<128x128xi32, #tpu.memory_space<hbm>>) target_semaphore(%arg17 : memref<!tpu.dma_semaphore, #tpu.memory_space<semaphore_mem>>)
        %add3A_252 = arith.addi %add3A_4, %add3A_194 : i32
        %mul3A_253 = arith.constant 128 : i32
        %mul3A_254 = arith.muli %add3A_252, %mul3A_253 : i32
        %dma_start3A_255 = arith.constant 1 : i32
        %dma_start3A_256 = arith.constant 0 : i32
        %dma_start3A_257 = arith.constant 0 : i32
        %dma_start3A_258 = tpu.memref_slice %arg11[%dma_start3A_255, %dma_start3A_256, %dma_start3A_257] : memref<2x128x128xf32, #tpu.memory_space<vmem>> -> memref<1x128x128xf32, #tpu.memory_space<vmem>>
        %dma_start3A_259 = tpu.memref_squeeze %dma_start3A_258 : memref<1x128x128xf32, #tpu.memory_space<vmem>> -> memref<128x128xf32, #tpu.memory_space<vmem>>
        %dma_start3A_260 = arith.constant 0 : i32
        %dma_start3A_261 = tpu.memref_slice %arg7[%mul3A_254, %dma_start3A_260] : memref<160000x128xf32, #tpu.memory_space<hbm>> -> memref<128x128xf32, #tpu.memory_space<hbm>>
        %dma_start3A_262 = arith.constant 0 : i32
        %dma_start3A_263 = tpu.memref_slice %arg7[%mul3A_254, %dma_start3A_262] : memref<160000x128xf32, #tpu.memory_space<hbm>> -> memref<128x128xf32, #tpu.memory_space<hbm>>
        %dma_start3A_264 = arith.constant 0 : i32
        %dma_start3A_265 = arith.constant 0 : i32
        %dma_start3A_266 = tpu.memref_slice %arg11[%dma_start3A_255, %dma_start3A_264, %dma_start3A_265] : memref<2x128x128xf32, #tpu.memory_space<vmem>> -> memref<1x128x128xf32, #tpu.memory_space<vmem>>
        %dma_start3A_267 = tpu.memref_squeeze %dma_start3A_266 : memref<1x128x128xf32, #tpu.memory_space<vmem>> -> memref<128x128xf32, #tpu.memory_space<vmem>>
        tpu.enqueue_dma source(%dma_start3A_267 : memref<128x128xf32, #tpu.memory_space<vmem>>) target(%dma_start3A_263 : memref<128x128xf32, #tpu.memory_space<hbm>>) target_semaphore(%arg17 : memref<!tpu.dma_semaphore, #tpu.memory_space<semaphore_mem>>)
      } else {
      }
      %add3A_205 = arith.constant 2 : i32
      %add3A_206 = arith.addi %add3A_194, %add3A_205 : i32
      %lt3A_207 = arith.cmpi slt, %add3A_206, %add3A_8 : i32
      %convert_element_type3A_208 = arith.extui %lt3A_207 : i1 to i32
      %cond3A_209 = arith.constant 0 : i32
      %cond3A_210 = arith.cmpi ne, %convert_element_type3A_208, %cond3A_209 : i32
      scf.if %cond3A_210 {
        %add3A_212 = arith.constant 2 : i32
        %add3A_213 = arith.addi %add3A_194, %add3A_212 : i32
        %add3A_214 = arith.addi %add3A_4, %add3A_213 : i32
        %mul3A_215 = arith.constant 128 : i32
        %mul3A_216 = arith.muli %add3A_214, %mul3A_215 : i32
        %dma_start3A_217 = arith.constant 1 : i32
        %dma_start3A_218 = arith.constant 0 : i32
        %dma_start3A_219 = tpu.memref_slice %arg8[%dma_start3A_217, %dma_start3A_218] : memref<2x128xi32, #tpu.memory_space<vmem>> -> memref<1x128xi32, #tpu.memory_space<vmem>>
        %dma_start3A_220 = tpu.memref_squeeze %dma_start3A_219 : memref<1x128xi32, #tpu.memory_space<vmem>> -> memref<128xi32, #tpu.memory_space<vmem>>
        %dma_start3A_221 = tpu.memref_slice %arg4[%mul3A_216] : memref<160000xi32, #tpu.memory_space<hbm>> -> memref<128xi32, #tpu.memory_space<hbm>>
        %dma_start3A_222 = arith.constant 0 : i32
        %dma_start3A_223 = tpu.memref_slice %arg8[%dma_start3A_217, %dma_start3A_222] : memref<2x128xi32, #tpu.memory_space<vmem>> -> memref<1x128xi32, #tpu.memory_space<vmem>>
        %dma_start3A_224 = tpu.memref_squeeze %dma_start3A_223 : memref<1x128xi32, #tpu.memory_space<vmem>> -> memref<128xi32, #tpu.memory_space<vmem>>
        %dma_start3A_225 = tpu.memref_slice %arg4[%mul3A_216] : memref<160000xi32, #tpu.memory_space<hbm>> -> memref<128xi32, #tpu.memory_space<hbm>>
        tpu.enqueue_dma source(%dma_start3A_225 : memref<128xi32, #tpu.memory_space<hbm>>) target(%dma_start3A_224 : memref<128xi32, #tpu.memory_space<vmem>>) target_semaphore(%arg13 : memref<!tpu.dma_semaphore, #tpu.memory_space<semaphore_mem>>)
        %add3A_226 = arith.addi %add3A_4, %add3A_213 : i32
        %mul3A_227 = arith.constant 128 : i32
        %mul3A_228 = arith.muli %add3A_226, %mul3A_227 : i32
        %dma_start3A_229 = arith.constant 1 : i32
        %dma_start3A_230 = arith.constant 0 : i32
        %dma_start3A_231 = tpu.memref_slice %arg9[%dma_start3A_229, %dma_start3A_230] : memref<2x128xi32, #tpu.memory_space<vmem>> -> memref<1x128xi32, #tpu.memory_space<vmem>>
        %dma_start3A_232 = tpu.memref_squeeze %dma_start3A_231 : memref<1x128xi32, #tpu.memory_space<vmem>> -> memref<128xi32, #tpu.memory_space<vmem>>
        %dma_start3A_233 = tpu.memref_slice %arg5[%mul3A_228] : memref<160000xi32, #tpu.memory_space<hbm>> -> memref<128xi32, #tpu.memory_space<hbm>>
        %dma_start3A_234 = arith.constant 0 : i32
        %dma_start3A_235 = tpu.memref_slice %arg9[%dma_start3A_229, %dma_start3A_234] : memref<2x128xi32, #tpu.memory_space<vmem>> -> memref<1x128xi32, #tpu.memory_space<vmem>>
        %dma_start3A_236 = tpu.memref_squeeze %dma_start3A_235 : memref<1x128xi32, #tpu.memory_space<vmem>> -> memref<128xi32, #tpu.memory_space<vmem>>
        %dma_start3A_237 = tpu.memref_slice %arg5[%mul3A_228] : memref<160000xi32, #tpu.memory_space<hbm>> -> memref<128xi32, #tpu.memory_space<hbm>>
        tpu.enqueue_dma source(%dma_start3A_237 : memref<128xi32, #tpu.memory_space<hbm>>) target(%dma_start3A_236 : memref<128xi32, #tpu.memory_space<vmem>>) target_semaphore(%arg13 : memref<!tpu.dma_semaphore, #tpu.memory_space<semaphore_mem>>)
      } else {
      }
      %scan3A_211 = arith.constant 0 : i32
      scf.yield %scan3A_211 : i32
    }
    %scan3A_110 = arith.constant 20 : i32
    %dma_wait3A_111 = arith.constant 0 : i32
    %dma_wait3A_112 = arith.constant 0 : i32
    %dma_wait3A_113 = arith.constant 0 : i32
    %dma_wait3A_114 = tpu.memref_slice %arg10[%dma_wait3A_111, %dma_wait3A_112, %dma_wait3A_113] : memref<2x128x128xi32, #tpu.memory_space<vmem>> -> memref<1x128x128xi32, #tpu.memory_space<vmem>>
    %dma_wait3A_115 = tpu.memref_squeeze %dma_wait3A_114 : memref<1x128x128xi32, #tpu.memory_space<vmem>> -> memref<128x128xi32, #tpu.memory_space<vmem>>
    %dma_wait3A_116 = arith.constant 0 : i32
    %dma_wait3A_117 = arith.constant 0 : i32
    %dma_wait3A_118 = tpu.memref_slice %arg6[%dma_wait3A_116, %dma_wait3A_117] : memref<160000x128xi32, #tpu.memory_space<hbm>> -> memref<128x128xi32, #tpu.memory_space<hbm>>
    %dma_wait3A_119 = arith.constant 0 : i32
    %dma_wait3A_120 = arith.constant 0 : i32
    %dma_wait3A_121 = tpu.memref_slice %arg6[%dma_wait3A_119, %dma_wait3A_120] : memref<160000x128xi32, #tpu.memory_space<hbm>> -> memref<128x128xi32, #tpu.memory_space<hbm>>
    %dma_wait3A_122 = arith.constant 0 : i32
    %dma_wait3A_123 = arith.constant 0 : i32
    %dma_wait3A_124 = tpu.memref_slice %arg10[%dma_wait3A_111, %dma_wait3A_122, %dma_wait3A_123] : memref<2x128x128xi32, #tpu.memory_space<vmem>> -> memref<1x128x128xi32, #tpu.memory_space<vmem>>
    %dma_wait3A_125 = tpu.memref_squeeze %dma_wait3A_124 : memref<1x128x128xi32, #tpu.memory_space<vmem>> -> memref<128x128xi32, #tpu.memory_space<vmem>>
    tpu.wait_dma2 semaphore(%arg16 : memref<!tpu.dma_semaphore, #tpu.memory_space<semaphore_mem>>) src(%dma_wait3A_125 : memref<128x128xi32, #tpu.memory_space<vmem>>) dst(%dma_wait3A_121 : memref<128x128xi32, #tpu.memory_space<hbm>>)
    %dma_wait3A_126 = arith.constant 0 : i32
    %dma_wait3A_127 = arith.constant 0 : i32
    %dma_wait3A_128 = arith.constant 0 : i32
    %dma_wait3A_129 = tpu.memref_slice %arg11[%dma_wait3A_126, %dma_wait3A_127, %dma_wait3A_128] : memref<2x128x128xf32, #tpu.memory_space<vmem>> -> memref<1x128x128xf32, #tpu.memory_space<vmem>>
    %dma_wait3A_130 = tpu.memref_squeeze %dma_wait3A_129 : memref<1x128x128xf32, #tpu.memory_space<vmem>> -> memref<128x128xf32, #tpu.memory_space<vmem>>
    %dma_wait3A_131 = arith.constant 0 : i32
    %dma_wait3A_132 = arith.constant 0 : i32
    %dma_wait3A_133 = tpu.memref_slice %arg7[%dma_wait3A_131, %dma_wait3A_132] : memref<160000x128xf32, #tpu.memory_space<hbm>> -> memref<128x128xf32, #tpu.memory_space<hbm>>
    %dma_wait3A_134 = arith.constant 0 : i32
    %dma_wait3A_135 = arith.constant 0 : i32
    %dma_wait3A_136 = tpu.memref_slice %arg7[%dma_wait3A_134, %dma_wait3A_135] : memref<160000x128xf32, #tpu.memory_space<hbm>> -> memref<128x128xf32, #tpu.memory_space<hbm>>
    %dma_wait3A_137 = arith.constant 0 : i32
    %dma_wait3A_138 = arith.constant 0 : i32
    %dma_wait3A_139 = tpu.memref_slice %arg11[%dma_wait3A_126, %dma_wait3A_137, %dma_wait3A_138] : memref<2x128x128xf32, #tpu.memory_space<vmem>> -> memref<1x128x128xf32, #tpu.memory_space<vmem>>
    %dma_wait3A_140 = tpu.memref_squeeze %dma_wait3A_139 : memref<1x128x128xf32, #tpu.memory_space<vmem>> -> memref<128x128xf32, #tpu.memory_space<vmem>>
    tpu.wait_dma2 semaphore(%arg16 : memref<!tpu.dma_semaphore, #tpu.memory_space<semaphore_mem>>) src(%dma_wait3A_140 : memref<128x128xf32, #tpu.memory_space<vmem>>) dst(%dma_wait3A_136 : memref<128x128xf32, #tpu.memory_space<hbm>>)
    %dma_wait3A_141 = arith.constant 1 : i32
    %dma_wait3A_142 = arith.constant 0 : i32
    %dma_wait3A_143 = arith.constant 0 : i32
    %dma_wait3A_144 = tpu.memref_slice %arg10[%dma_wait3A_141, %dma_wait3A_142, %dma_wait3A_143] : memref<2x128x128xi32, #tpu.memory_space<vmem>> -> memref<1x128x128xi32, #tpu.memory_space<vmem>>
    %dma_wait3A_145 = tpu.memref_squeeze %dma_wait3A_144 : memref<1x128x128xi32, #tpu.memory_space<vmem>> -> memref<128x128xi32, #tpu.memory_space<vmem>>
    %dma_wait3A_146 = arith.constant 0 : i32
    %dma_wait3A_147 = arith.constant 0 : i32
    %dma_wait3A_148 = tpu.memref_slice %arg6[%dma_wait3A_146, %dma_wait3A_147] : memref<160000x128xi32, #tpu.memory_space<hbm>> -> memref<128x128xi32, #tpu.memory_space<hbm>>
    %dma_wait3A_149 = arith.constant 0 : i32
    %dma_wait3A_150 = arith.constant 0 : i32
    %dma_wait3A_151 = tpu.memref_slice %arg6[%dma_wait3A_149, %dma_wait3A_150] : memref<160000x128xi32, #tpu.memory_space<hbm>> -> memref<128x128xi32, #tpu.memory_space<hbm>>
    %dma_wait3A_152 = arith.constant 0 : i32
    %dma_wait3A_153 = arith.constant 0 : i32
    %dma_wait3A_154 = tpu.memref_slice %arg10[%dma_wait3A_141, %dma_wait3A_152, %dma_wait3A_153] : memref<2x128x128xi32, #tpu.memory_space<vmem>> -> memref<1x128x128xi32, #tpu.memory_space<vmem>>
    %dma_wait3A_155 = tpu.memref_squeeze %dma_wait3A_154 : memref<1x128x128xi32, #tpu.memory_space<vmem>> -> memref<128x128xi32, #tpu.memory_space<vmem>>
    tpu.wait_dma2 semaphore(%arg17 : memref<!tpu.dma_semaphore, #tpu.memory_space<semaphore_mem>>) src(%dma_wait3A_155 : memref<128x128xi32, #tpu.memory_space<vmem>>) dst(%dma_wait3A_151 : memref<128x128xi32, #tpu.memory_space<hbm>>)
    %dma_wait3A_156 = arith.constant 1 : i32
    %dma_wait3A_157 = arith.constant 0 : i32
    %dma_wait3A_158 = arith.constant 0 : i32
    %dma_wait3A_159 = tpu.memref_slice %arg11[%dma_wait3A_156, %dma_wait3A_157, %dma_wait3A_158] : memref<2x128x128xf32, #tpu.memory_space<vmem>> -> memref<1x128x128xf32, #tpu.memory_space<vmem>>
    %dma_wait3A_160 = tpu.memref_squeeze %dma_wait3A_159 : memref<1x128x128xf32, #tpu.memory_space<vmem>> -> memref<128x128xf32, #tpu.memory_space<vmem>>
    %dma_wait3A_161 = arith.constant 0 : i32
    %dma_wait3A_162 = arith.constant 0 : i32
    %dma_wait3A_163 = tpu.memref_slice %arg7[%dma_wait3A_161, %dma_wait3A_162] : memref<160000x128xf32, #tpu.memory_space<hbm>> -> memref<128x128xf32, #tpu.memory_space<hbm>>
    %dma_wait3A_164 = arith.constant 0 : i32
    %dma_wait3A_165 = arith.constant 0 : i32
    %dma_wait3A_166 = tpu.memref_slice %arg7[%dma_wait3A_164, %dma_wait3A_165] : memref<160000x128xf32, #tpu.memory_space<hbm>> -> memref<128x128xf32, #tpu.memory_space<hbm>>
    %dma_wait3A_167 = arith.constant 0 : i32
    %dma_wait3A_168 = arith.constant 0 : i32
    %dma_wait3A_169 = tpu.memref_slice %arg11[%dma_wait3A_156, %dma_wait3A_167, %dma_wait3A_168] : memref<2x128x128xf32, #tpu.memory_space<vmem>> -> memref<1x128x128xf32, #tpu.memory_space<vmem>>
    %dma_wait3A_170 = tpu.memref_squeeze %dma_wait3A_169 : memref<1x128x128xf32, #tpu.memory_space<vmem>> -> memref<128x128xf32, #tpu.memory_space<vmem>>
    tpu.wait_dma2 semaphore(%arg17 : memref<!tpu.dma_semaphore, #tpu.memory_space<semaphore_mem>>) src(%dma_wait3A_170 : memref<128x128xf32, #tpu.memory_space<vmem>>) dst(%dma_wait3A_166 : memref<128x128xf32, #tpu.memory_space<hbm>>)
    return
  }
}

#map = affine_map<(d0, d1) -> (0, 0)>
#map1 = affine_map<(d0, d1) -> (0)>
module attributes {stable_mosaic.version = 14 : i64} {
  func.func @k(%arg0: i32, %arg1: i32, %arg2: memref<160000x128xf32, #tpu.memory_space<hbm>>, %arg3: memref<160000x128xf32, #tpu.memory_space<hbm>>, %arg4: memref<160000xi32, #tpu.memory_space<hbm>>, %arg5: memref<10240x128xf32, #tpu.memory_space<hbm>>, %arg6: memref<10240x128xf32, #tpu.memory_space<hbm>>, %arg7: memref<10240x128xf32, #tpu.memory_space<hbm>>, %arg8: memref<10240x128xf32, #tpu.memory_space<hbm>>, %arg9: memref<10240x128xf32, #tpu.memory_space<vmem_shared>>, %arg10: memref<3x80xi32, #tpu.memory_space<vmem>>, %arg11: memref<3x80x128xf32, #tpu.memory_space<vmem>>, %arg12: memref<!tpu.dma_semaphore, #tpu.memory_space<semaphore_mem>>, %arg13: memref<!tpu.dma_semaphore, #tpu.memory_space<semaphore_mem>>, %arg14: memref<!tpu.dma_semaphore, #tpu.memory_space<semaphore_mem>>) attributes {dimension_semantics = [#tpu.dimension_semantics<core_parallel>, #tpu.dimension_semantics<subcore_parallel>], iteration_bounds = array<i64: 2, 16>, scalar_prefetch = 0 : i64, scratch_operands = 6 : i64, tpu.core_type = #tpu.core_type<sc_vector_subcore>, window_params = [{transform_indices = #map}, {transform_indices = #map}, {transform_indices = #map1}, {transform_indices = #map}, {transform_indices = #map}, {transform_indices = #map}, {transform_indices = #map}]} {
    %mul3A = arith.constant 125 : i32
    %mul3A_0 = arith.muli %arg1, %mul3A : i32
    %min3A = arith.constant 0 : i32
    %min3A_1 = arith.minsi %arg1, %min3A : i32
    %add3A = arith.addi %mul3A_0, %min3A_1 : i32
    %lt3A = arith.constant 0 : i32
    %lt3A_2 = arith.cmpi slt, %arg1, %lt3A : i32
    %jit3A = arith.constant 1 : i32
    %jit3A_3 = arith.constant 0 : i32
    %select_n3A = arith.select %lt3A_2, %jit3A, %jit3A_3 : i32
    %add3A_4 = arith.constant 125 : i32
    %add3A_5 = arith.addi %add3A_4, %select_n3A : i32
    %eq3A = arith.constant 0 : i32
    %eq3A_6 = arith.cmpi eq, %arg0, %eq3A : i32
    %convert_element_type3A = arith.extui %eq3A_6 : i1 to i32
    %cond3A = arith.constant 0 : i32
    %cond3A_7 = arith.cmpi ne, %convert_element_type3A, %cond3A : i32
    scf.if %cond3A_7 {
      %mul3A_98 = arith.constant 640 : i32
      %mul3A_99 = arith.muli %arg1, %mul3A_98 : i32
      %mul3A_100 = arith.constant 640 : i32
      %mul3A_101 = arith.muli %arg1, %mul3A_100 : i32
      "tpu.region"() ({
        %run_scoped3A = tpu.sem_alloc : memref<!tpu.dma_semaphore, #tpu.memory_space<semaphore_mem>>
        %dma_start3A_102 = arith.constant 0 : i32
        %dma_start3A_103 = tpu.memref_slice %arg9[%mul3A_101, %dma_start3A_102] : memref<10240x128xf32, #tpu.memory_space<vmem_shared>> -> memref<640x128xf32, #tpu.memory_space<vmem_shared>>
        %dma_start3A_104 = arith.constant 0 : i32
        %dma_start3A_105 = tpu.memref_slice %arg5[%mul3A_99, %dma_start3A_104] : memref<10240x128xf32, #tpu.memory_space<hbm>> -> memref<640x128xf32, #tpu.memory_space<hbm>>
        tpu.enqueue_dma source(%dma_start3A_105 : memref<640x128xf32, #tpu.memory_space<hbm>>) target(%dma_start3A_103 : memref<640x128xf32, #tpu.memory_space<vmem_shared>>) target_semaphore(%run_scoped3A : memref<!tpu.dma_semaphore, #tpu.memory_space<semaphore_mem>>)
        %dma_wait3A = arith.constant 0 : i32
        %dma_wait3A_106 = tpu.memref_slice %arg9[%mul3A_101, %dma_wait3A] : memref<10240x128xf32, #tpu.memory_space<vmem_shared>> -> memref<640x128xf32, #tpu.memory_space<vmem_shared>>
        %dma_wait3A_107 = arith.constant 0 : i32
        %dma_wait3A_108 = tpu.memref_slice %arg5[%mul3A_99, %dma_wait3A_107] : memref<10240x128xf32, #tpu.memory_space<hbm>> -> memref<640x128xf32, #tpu.memory_space<hbm>>
        tpu.wait_dma2 semaphore(%run_scoped3A : memref<!tpu.dma_semaphore, #tpu.memory_space<semaphore_mem>>) src(%dma_wait3A_108 : memref<640x128xf32, #tpu.memory_space<hbm>>) dst(%dma_wait3A_106 : memref<640x128xf32, #tpu.memory_space<vmem_shared>>)
        tpu.yield
      }) : () -> ()
    } else {
    }
    %eq3A_8 = arith.constant 1 : i32
    %eq3A_9 = arith.cmpi eq, %arg0, %eq3A_8 : i32
    %convert_element_type3A_10 = arith.extui %eq3A_9 : i1 to i32
    %cond3A_11 = arith.constant 0 : i32
    %cond3A_12 = arith.cmpi ne, %convert_element_type3A_10, %cond3A_11 : i32
    scf.if %cond3A_12 {
      %mul3A_98 = arith.constant 640 : i32
      %mul3A_99 = arith.muli %arg1, %mul3A_98 : i32
      %mul3A_100 = arith.constant 640 : i32
      %mul3A_101 = arith.muli %arg1, %mul3A_100 : i32
      "tpu.region"() ({
        %run_scoped3A = tpu.sem_alloc : memref<!tpu.dma_semaphore, #tpu.memory_space<semaphore_mem>>
        %dma_start3A_102 = arith.constant 0 : i32
        %dma_start3A_103 = tpu.memref_slice %arg9[%mul3A_101, %dma_start3A_102] : memref<10240x128xf32, #tpu.memory_space<vmem_shared>> -> memref<640x128xf32, #tpu.memory_space<vmem_shared>>
        %dma_start3A_104 = arith.constant 0 : i32
        %dma_start3A_105 = tpu.memref_slice %arg6[%mul3A_99, %dma_start3A_104] : memref<10240x128xf32, #tpu.memory_space<hbm>> -> memref<640x128xf32, #tpu.memory_space<hbm>>
        tpu.enqueue_dma source(%dma_start3A_105 : memref<640x128xf32, #tpu.memory_space<hbm>>) target(%dma_start3A_103 : memref<640x128xf32, #tpu.memory_space<vmem_shared>>) target_semaphore(%run_scoped3A : memref<!tpu.dma_semaphore, #tpu.memory_space<semaphore_mem>>)
        %dma_wait3A = arith.constant 0 : i32
        %dma_wait3A_106 = tpu.memref_slice %arg9[%mul3A_101, %dma_wait3A] : memref<10240x128xf32, #tpu.memory_space<vmem_shared>> -> memref<640x128xf32, #tpu.memory_space<vmem_shared>>
        %dma_wait3A_107 = arith.constant 0 : i32
        %dma_wait3A_108 = tpu.memref_slice %arg6[%mul3A_99, %dma_wait3A_107] : memref<10240x128xf32, #tpu.memory_space<hbm>> -> memref<640x128xf32, #tpu.memory_space<hbm>>
        tpu.wait_dma2 semaphore(%run_scoped3A : memref<!tpu.dma_semaphore, #tpu.memory_space<semaphore_mem>>) src(%dma_wait3A_108 : memref<640x128xf32, #tpu.memory_space<hbm>>) dst(%dma_wait3A_106 : memref<640x128xf32, #tpu.memory_space<vmem_shared>>)
        tpu.yield
      }) : () -> ()
    } else {
    }
    %add3A_13 = arith.constant 0 : i32
    %add3A_14 = arith.addi %add3A, %add3A_13 : i32
    %mul3A_15 = arith.constant 80 : i32
    %mul3A_16 = arith.muli %add3A_14, %mul3A_15 : i32
    %dma_start3A = arith.constant 0 : i32
    %dma_start3A_17 = arith.constant 0 : i32
    %dma_start3A_18 = tpu.memref_slice %arg10[%dma_start3A, %dma_start3A_17] : memref<3x80xi32, #tpu.memory_space<vmem>> -> memref<1x80xi32, #tpu.memory_space<vmem>>
    %dma_start3A_19 = tpu.memref_squeeze %dma_start3A_18 : memref<1x80xi32, #tpu.memory_space<vmem>> -> memref<80xi32, #tpu.memory_space<vmem>>
    %dma_start3A_20 = tpu.memref_slice %arg4[%mul3A_16] : memref<160000xi32, #tpu.memory_space<hbm>> -> memref<80xi32, #tpu.memory_space<hbm>>
    %dma_start3A_21 = arith.constant 0 : i32
    %dma_start3A_22 = tpu.memref_slice %arg10[%dma_start3A, %dma_start3A_21] : memref<3x80xi32, #tpu.memory_space<vmem>> -> memref<1x80xi32, #tpu.memory_space<vmem>>
    %dma_start3A_23 = tpu.memref_squeeze %dma_start3A_22 : memref<1x80xi32, #tpu.memory_space<vmem>> -> memref<80xi32, #tpu.memory_space<vmem>>
    %dma_start3A_24 = tpu.memref_slice %arg4[%mul3A_16] : memref<160000xi32, #tpu.memory_space<hbm>> -> memref<80xi32, #tpu.memory_space<hbm>>
    tpu.enqueue_dma source(%dma_start3A_24 : memref<80xi32, #tpu.memory_space<hbm>>) target(%dma_start3A_23 : memref<80xi32, #tpu.memory_space<vmem>>) target_semaphore(%arg12 : memref<!tpu.dma_semaphore, #tpu.memory_space<semaphore_mem>>)
    %eq3A_25 = arith.constant 0 : i32
    %eq3A_26 = arith.cmpi eq, %arg0, %eq3A_25 : i32
    %convert_element_type3A_27 = arith.extui %eq3A_26 : i1 to i32
    %cond3A_28 = arith.constant 0 : i32
    %cond3A_29 = arith.cmpi ne, %convert_element_type3A_27, %cond3A_28 : i32
    scf.if %cond3A_29 {
      %dma_start3A_98 = arith.constant 0 : i32
      %dma_start3A_99 = arith.constant 0 : i32
      %dma_start3A_100 = arith.constant 0 : i32
      %dma_start3A_101 = tpu.memref_slice %arg11[%dma_start3A_98, %dma_start3A_99, %dma_start3A_100] : memref<3x80x128xf32, #tpu.memory_space<vmem>> -> memref<1x80x128xf32, #tpu.memory_space<vmem>>
      %dma_start3A_102 = tpu.memref_squeeze %dma_start3A_101 : memref<1x80x128xf32, #tpu.memory_space<vmem>> -> memref<80x128xf32, #tpu.memory_space<vmem>>
      %dma_start3A_103 = arith.constant 0 : i32
      %dma_start3A_104 = tpu.memref_slice %arg2[%mul3A_16, %dma_start3A_103] : memref<160000x128xf32, #tpu.memory_space<hbm>> -> memref<80x128xf32, #tpu.memory_space<hbm>>
      %dma_start3A_105 = arith.constant 0 : i32
      %dma_start3A_106 = arith.constant 0 : i32
      %dma_start3A_107 = tpu.memref_slice %arg11[%dma_start3A_98, %dma_start3A_105, %dma_start3A_106] : memref<3x80x128xf32, #tpu.memory_space<vmem>> -> memref<1x80x128xf32, #tpu.memory_space<vmem>>
      %dma_start3A_108 = tpu.memref_squeeze %dma_start3A_107 : memref<1x80x128xf32, #tpu.memory_space<vmem>> -> memref<80x128xf32, #tpu.memory_space<vmem>>
      %dma_start3A_109 = arith.constant 0 : i32
      %dma_start3A_110 = tpu.memref_slice %arg2[%mul3A_16, %dma_start3A_109] : memref<160000x128xf32, #tpu.memory_space<hbm>> -> memref<80x128xf32, #tpu.memory_space<hbm>>
      tpu.enqueue_dma source(%dma_start3A_110 : memref<80x128xf32, #tpu.memory_space<hbm>>) target(%dma_start3A_108 : memref<80x128xf32, #tpu.memory_space<vmem>>) target_semaphore(%arg12 : memref<!tpu.dma_semaphore, #tpu.memory_space<semaphore_mem>>)
    } else {
    }
    %eq3A_30 = arith.constant 1 : i32
    %eq3A_31 = arith.cmpi eq, %arg0, %eq3A_30 : i32
    %convert_element_type3A_32 = arith.extui %eq3A_31 : i1 to i32
    %cond3A_33 = arith.constant 0 : i32
    %cond3A_34 = arith.cmpi ne, %convert_element_type3A_32, %cond3A_33 : i32
    scf.if %cond3A_34 {
      %dma_start3A_98 = arith.constant 0 : i32
      %dma_start3A_99 = arith.constant 0 : i32
      %dma_start3A_100 = arith.constant 0 : i32
      %dma_start3A_101 = tpu.memref_slice %arg11[%dma_start3A_98, %dma_start3A_99, %dma_start3A_100] : memref<3x80x128xf32, #tpu.memory_space<vmem>> -> memref<1x80x128xf32, #tpu.memory_space<vmem>>
      %dma_start3A_102 = tpu.memref_squeeze %dma_start3A_101 : memref<1x80x128xf32, #tpu.memory_space<vmem>> -> memref<80x128xf32, #tpu.memory_space<vmem>>
      %dma_start3A_103 = arith.constant 0 : i32
      %dma_start3A_104 = tpu.memref_slice %arg3[%mul3A_16, %dma_start3A_103] : memref<160000x128xf32, #tpu.memory_space<hbm>> -> memref<80x128xf32, #tpu.memory_space<hbm>>
      %dma_start3A_105 = arith.constant 0 : i32
      %dma_start3A_106 = arith.constant 0 : i32
      %dma_start3A_107 = tpu.memref_slice %arg11[%dma_start3A_98, %dma_start3A_105, %dma_start3A_106] : memref<3x80x128xf32, #tpu.memory_space<vmem>> -> memref<1x80x128xf32, #tpu.memory_space<vmem>>
      %dma_start3A_108 = tpu.memref_squeeze %dma_start3A_107 : memref<1x80x128xf32, #tpu.memory_space<vmem>> -> memref<80x128xf32, #tpu.memory_space<vmem>>
      %dma_start3A_109 = arith.constant 0 : i32
      %dma_start3A_110 = tpu.memref_slice %arg3[%mul3A_16, %dma_start3A_109] : memref<160000x128xf32, #tpu.memory_space<hbm>> -> memref<80x128xf32, #tpu.memory_space<hbm>>
      tpu.enqueue_dma source(%dma_start3A_110 : memref<80x128xf32, #tpu.memory_space<hbm>>) target(%dma_start3A_108 : memref<80x128xf32, #tpu.memory_space<vmem>>) target_semaphore(%arg12 : memref<!tpu.dma_semaphore, #tpu.memory_space<semaphore_mem>>)
    } else {
    }
    %add3A_35 = arith.constant 1 : i32
    %add3A_36 = arith.addi %add3A, %add3A_35 : i32
    %mul3A_37 = arith.constant 80 : i32
    %mul3A_38 = arith.muli %add3A_36, %mul3A_37 : i32
    %dma_start3A_39 = arith.constant 1 : i32
    %dma_start3A_40 = arith.constant 0 : i32
    %dma_start3A_41 = tpu.memref_slice %arg10[%dma_start3A_39, %dma_start3A_40] : memref<3x80xi32, #tpu.memory_space<vmem>> -> memref<1x80xi32, #tpu.memory_space<vmem>>
    %dma_start3A_42 = tpu.memref_squeeze %dma_start3A_41 : memref<1x80xi32, #tpu.memory_space<vmem>> -> memref<80xi32, #tpu.memory_space<vmem>>
    %dma_start3A_43 = tpu.memref_slice %arg4[%mul3A_38] : memref<160000xi32, #tpu.memory_space<hbm>> -> memref<80xi32, #tpu.memory_space<hbm>>
    %dma_start3A_44 = arith.constant 0 : i32
    %dma_start3A_45 = tpu.memref_slice %arg10[%dma_start3A_39, %dma_start3A_44] : memref<3x80xi32, #tpu.memory_space<vmem>> -> memref<1x80xi32, #tpu.memory_space<vmem>>
    %dma_start3A_46 = tpu.memref_squeeze %dma_start3A_45 : memref<1x80xi32, #tpu.memory_space<vmem>> -> memref<80xi32, #tpu.memory_space<vmem>>
    %dma_start3A_47 = tpu.memref_slice %arg4[%mul3A_38] : memref<160000xi32, #tpu.memory_space<hbm>> -> memref<80xi32, #tpu.memory_space<hbm>>
    tpu.enqueue_dma source(%dma_start3A_47 : memref<80xi32, #tpu.memory_space<hbm>>) target(%dma_start3A_46 : memref<80xi32, #tpu.memory_space<vmem>>) target_semaphore(%arg13 : memref<!tpu.dma_semaphore, #tpu.memory_space<semaphore_mem>>)
    %eq3A_48 = arith.constant 0 : i32
    %eq3A_49 = arith.cmpi eq, %arg0, %eq3A_48 : i32
    %convert_element_type3A_50 = arith.extui %eq3A_49 : i1 to i32
    %cond3A_51 = arith.constant 0 : i32
    %cond3A_52 = arith.cmpi ne, %convert_element_type3A_50, %cond3A_51 : i32
    scf.if %cond3A_52 {
      %dma_start3A_98 = arith.constant 1 : i32
      %dma_start3A_99 = arith.constant 0 : i32
      %dma_start3A_100 = arith.constant 0 : i32
      %dma_start3A_101 = tpu.memref_slice %arg11[%dma_start3A_98, %dma_start3A_99, %dma_start3A_100] : memref<3x80x128xf32, #tpu.memory_space<vmem>> -> memref<1x80x128xf32, #tpu.memory_space<vmem>>
      %dma_start3A_102 = tpu.memref_squeeze %dma_start3A_101 : memref<1x80x128xf32, #tpu.memory_space<vmem>> -> memref<80x128xf32, #tpu.memory_space<vmem>>
      %dma_start3A_103 = arith.constant 0 : i32
      %dma_start3A_104 = tpu.memref_slice %arg2[%mul3A_38, %dma_start3A_103] : memref<160000x128xf32, #tpu.memory_space<hbm>> -> memref<80x128xf32, #tpu.memory_space<hbm>>
      %dma_start3A_105 = arith.constant 0 : i32
      %dma_start3A_106 = arith.constant 0 : i32
      %dma_start3A_107 = tpu.memref_slice %arg11[%dma_start3A_98, %dma_start3A_105, %dma_start3A_106] : memref<3x80x128xf32, #tpu.memory_space<vmem>> -> memref<1x80x128xf32, #tpu.memory_space<vmem>>
      %dma_start3A_108 = tpu.memref_squeeze %dma_start3A_107 : memref<1x80x128xf32, #tpu.memory_space<vmem>> -> memref<80x128xf32, #tpu.memory_space<vmem>>
      %dma_start3A_109 = arith.constant 0 : i32
      %dma_start3A_110 = tpu.memref_slice %arg2[%mul3A_38, %dma_start3A_109] : memref<160000x128xf32, #tpu.memory_space<hbm>> -> memref<80x128xf32, #tpu.memory_space<hbm>>
      tpu.enqueue_dma source(%dma_start3A_110 : memref<80x128xf32, #tpu.memory_space<hbm>>) target(%dma_start3A_108 : memref<80x128xf32, #tpu.memory_space<vmem>>) target_semaphore(%arg13 : memref<!tpu.dma_semaphore, #tpu.memory_space<semaphore_mem>>)
    } else {
    }
    %eq3A_53 = arith.constant 1 : i32
    %eq3A_54 = arith.cmpi eq, %arg0, %eq3A_53 : i32
    %convert_element_type3A_55 = arith.extui %eq3A_54 : i1 to i32
    %cond3A_56 = arith.constant 0 : i32
    %cond3A_57 = arith.cmpi ne, %convert_element_type3A_55, %cond3A_56 : i32
    scf.if %cond3A_57 {
      %dma_start3A_98 = arith.constant 1 : i32
      %dma_start3A_99 = arith.constant 0 : i32
      %dma_start3A_100 = arith.constant 0 : i32
      %dma_start3A_101 = tpu.memref_slice %arg11[%dma_start3A_98, %dma_start3A_99, %dma_start3A_100] : memref<3x80x128xf32, #tpu.memory_space<vmem>> -> memref<1x80x128xf32, #tpu.memory_space<vmem>>
      %dma_start3A_102 = tpu.memref_squeeze %dma_start3A_101 : memref<1x80x128xf32, #tpu.memory_space<vmem>> -> memref<80x128xf32, #tpu.memory_space<vmem>>
      %dma_start3A_103 = arith.constant 0 : i32
      %dma_start3A_104 = tpu.memref_slice %arg3[%mul3A_38, %dma_start3A_103] : memref<160000x128xf32, #tpu.memory_space<hbm>> -> memref<80x128xf32, #tpu.memory_space<hbm>>
      %dma_start3A_105 = arith.constant 0 : i32
      %dma_start3A_106 = arith.constant 0 : i32
      %dma_start3A_107 = tpu.memref_slice %arg11[%dma_start3A_98, %dma_start3A_105, %dma_start3A_106] : memref<3x80x128xf32, #tpu.memory_space<vmem>> -> memref<1x80x128xf32, #tpu.memory_space<vmem>>
      %dma_start3A_108 = tpu.memref_squeeze %dma_start3A_107 : memref<1x80x128xf32, #tpu.memory_space<vmem>> -> memref<80x128xf32, #tpu.memory_space<vmem>>
      %dma_start3A_109 = arith.constant 0 : i32
      %dma_start3A_110 = tpu.memref_slice %arg3[%mul3A_38, %dma_start3A_109] : memref<160000x128xf32, #tpu.memory_space<hbm>> -> memref<80x128xf32, #tpu.memory_space<hbm>>
      tpu.enqueue_dma source(%dma_start3A_110 : memref<80x128xf32, #tpu.memory_space<hbm>>) target(%dma_start3A_108 : memref<80x128xf32, #tpu.memory_space<vmem>>) target_semaphore(%arg13 : memref<!tpu.dma_semaphore, #tpu.memory_space<semaphore_mem>>)
    } else {
    }
    %add3A_58 = arith.constant 2 : i32
    %add3A_59 = arith.addi %add3A, %add3A_58 : i32
    %mul3A_60 = arith.constant 80 : i32
    %mul3A_61 = arith.muli %add3A_59, %mul3A_60 : i32
    %dma_start3A_62 = arith.constant 2 : i32
    %dma_start3A_63 = arith.constant 0 : i32
    %dma_start3A_64 = tpu.memref_slice %arg10[%dma_start3A_62, %dma_start3A_63] : memref<3x80xi32, #tpu.memory_space<vmem>> -> memref<1x80xi32, #tpu.memory_space<vmem>>
    %dma_start3A_65 = tpu.memref_squeeze %dma_start3A_64 : memref<1x80xi32, #tpu.memory_space<vmem>> -> memref<80xi32, #tpu.memory_space<vmem>>
    %dma_start3A_66 = tpu.memref_slice %arg4[%mul3A_61] : memref<160000xi32, #tpu.memory_space<hbm>> -> memref<80xi32, #tpu.memory_space<hbm>>
    %dma_start3A_67 = arith.constant 0 : i32
    %dma_start3A_68 = tpu.memref_slice %arg10[%dma_start3A_62, %dma_start3A_67] : memref<3x80xi32, #tpu.memory_space<vmem>> -> memref<1x80xi32, #tpu.memory_space<vmem>>
    %dma_start3A_69 = tpu.memref_squeeze %dma_start3A_68 : memref<1x80xi32, #tpu.memory_space<vmem>> -> memref<80xi32, #tpu.memory_space<vmem>>
    %dma_start3A_70 = tpu.memref_slice %arg4[%mul3A_61] : memref<160000xi32, #tpu.memory_space<hbm>> -> memref<80xi32, #tpu.memory_space<hbm>>
    tpu.enqueue_dma source(%dma_start3A_70 : memref<80xi32, #tpu.memory_space<hbm>>) target(%dma_start3A_69 : memref<80xi32, #tpu.memory_space<vmem>>) target_semaphore(%arg14 : memref<!tpu.dma_semaphore, #tpu.memory_space<semaphore_mem>>)
    %eq3A_71 = arith.constant 0 : i32
    %eq3A_72 = arith.cmpi eq, %arg0, %eq3A_71 : i32
    %convert_element_type3A_73 = arith.extui %eq3A_72 : i1 to i32
    %cond3A_74 = arith.constant 0 : i32
    %cond3A_75 = arith.cmpi ne, %convert_element_type3A_73, %cond3A_74 : i32
    scf.if %cond3A_75 {
      %dma_start3A_98 = arith.constant 2 : i32
      %dma_start3A_99 = arith.constant 0 : i32
      %dma_start3A_100 = arith.constant 0 : i32
      %dma_start3A_101 = tpu.memref_slice %arg11[%dma_start3A_98, %dma_start3A_99, %dma_start3A_100] : memref<3x80x128xf32, #tpu.memory_space<vmem>> -> memref<1x80x128xf32, #tpu.memory_space<vmem>>
      %dma_start3A_102 = tpu.memref_squeeze %dma_start3A_101 : memref<1x80x128xf32, #tpu.memory_space<vmem>> -> memref<80x128xf32, #tpu.memory_space<vmem>>
      %dma_start3A_103 = arith.constant 0 : i32
      %dma_start3A_104 = tpu.memref_slice %arg2[%mul3A_61, %dma_start3A_103] : memref<160000x128xf32, #tpu.memory_space<hbm>> -> memref<80x128xf32, #tpu.memory_space<hbm>>
      %dma_start3A_105 = arith.constant 0 : i32
      %dma_start3A_106 = arith.constant 0 : i32
      %dma_start3A_107 = tpu.memref_slice %arg11[%dma_start3A_98, %dma_start3A_105, %dma_start3A_106] : memref<3x80x128xf32, #tpu.memory_space<vmem>> -> memref<1x80x128xf32, #tpu.memory_space<vmem>>
      %dma_start3A_108 = tpu.memref_squeeze %dma_start3A_107 : memref<1x80x128xf32, #tpu.memory_space<vmem>> -> memref<80x128xf32, #tpu.memory_space<vmem>>
      %dma_start3A_109 = arith.constant 0 : i32
      %dma_start3A_110 = tpu.memref_slice %arg2[%mul3A_61, %dma_start3A_109] : memref<160000x128xf32, #tpu.memory_space<hbm>> -> memref<80x128xf32, #tpu.memory_space<hbm>>
      tpu.enqueue_dma source(%dma_start3A_110 : memref<80x128xf32, #tpu.memory_space<hbm>>) target(%dma_start3A_108 : memref<80x128xf32, #tpu.memory_space<vmem>>) target_semaphore(%arg14 : memref<!tpu.dma_semaphore, #tpu.memory_space<semaphore_mem>>)
    } else {
    }
    %eq3A_76 = arith.constant 1 : i32
    %eq3A_77 = arith.cmpi eq, %arg0, %eq3A_76 : i32
    %convert_element_type3A_78 = arith.extui %eq3A_77 : i1 to i32
    %cond3A_79 = arith.constant 0 : i32
    %cond3A_80 = arith.cmpi ne, %convert_element_type3A_78, %cond3A_79 : i32
    scf.if %cond3A_80 {
      %dma_start3A_98 = arith.constant 2 : i32
      %dma_start3A_99 = arith.constant 0 : i32
      %dma_start3A_100 = arith.constant 0 : i32
      %dma_start3A_101 = tpu.memref_slice %arg11[%dma_start3A_98, %dma_start3A_99, %dma_start3A_100] : memref<3x80x128xf32, #tpu.memory_space<vmem>> -> memref<1x80x128xf32, #tpu.memory_space<vmem>>
      %dma_start3A_102 = tpu.memref_squeeze %dma_start3A_101 : memref<1x80x128xf32, #tpu.memory_space<vmem>> -> memref<80x128xf32, #tpu.memory_space<vmem>>
      %dma_start3A_103 = arith.constant 0 : i32
      %dma_start3A_104 = tpu.memref_slice %arg3[%mul3A_61, %dma_start3A_103] : memref<160000x128xf32, #tpu.memory_space<hbm>> -> memref<80x128xf32, #tpu.memory_space<hbm>>
      %dma_start3A_105 = arith.constant 0 : i32
      %dma_start3A_106 = arith.constant 0 : i32
      %dma_start3A_107 = tpu.memref_slice %arg11[%dma_start3A_98, %dma_start3A_105, %dma_start3A_106] : memref<3x80x128xf32, #tpu.memory_space<vmem>> -> memref<1x80x128xf32, #tpu.memory_space<vmem>>
      %dma_start3A_108 = tpu.memref_squeeze %dma_start3A_107 : memref<1x80x128xf32, #tpu.memory_space<vmem>> -> memref<80x128xf32, #tpu.memory_space<vmem>>
      %dma_start3A_109 = arith.constant 0 : i32
      %dma_start3A_110 = tpu.memref_slice %arg3[%mul3A_61, %dma_start3A_109] : memref<160000x128xf32, #tpu.memory_space<hbm>> -> memref<80x128xf32, #tpu.memory_space<hbm>>
      tpu.enqueue_dma source(%dma_start3A_110 : memref<80x128xf32, #tpu.memory_space<hbm>>) target(%dma_start3A_108 : memref<80x128xf32, #tpu.memory_space<vmem>>) target_semaphore(%arg14 : memref<!tpu.dma_semaphore, #tpu.memory_space<semaphore_mem>>)
    } else {
    }
    %barrier3A = arith.constant 0 : index
    tpu.barrier barrier_id(%barrier3A)
    %scan3A = arith.constant 0 : i32
    %scan3A_81 = arith.constant 0 : i32
    %scan3A_82 = arith.constant 42 : i32
    %scan3A_83 = arith.addi %scan3A_81, %scan3A_82 : i32
    %scan3A_84 = arith.constant 1 : i32
    %scan3A_85 = scf.for %scan3A_98 = %scan3A_81 to %scan3A_83 step %scan3A_84 iter_args(%scan3A_99 = %scan3A) -> (i32)  : i32 {
      %mul3A_100 = arith.constant 3 : i32
      %mul3A_101 = arith.muli %scan3A_98, %mul3A_100 : i32
      %add3A_102 = arith.constant 0 : i32
      %add3A_103 = arith.addi %mul3A_101, %add3A_102 : i32
      %lt3A_104 = arith.cmpi slt, %add3A_103, %add3A_5 : i32
      %convert_element_type3A_105 = arith.extui %lt3A_104 : i1 to i32
      %cond3A_106 = arith.constant 0 : i32
      %cond3A_107 = arith.cmpi ne, %convert_element_type3A_105, %cond3A_106 : i32
      scf.if %cond3A_107 {
        %dma_wait3A = arith.constant 0 : i32
        %dma_wait3A_125 = arith.constant 0 : i32
        %dma_wait3A_126 = tpu.memref_slice %arg10[%dma_wait3A, %dma_wait3A_125] : memref<3x80xi32, #tpu.memory_space<vmem>> -> memref<1x80xi32, #tpu.memory_space<vmem>>
        %dma_wait3A_127 = tpu.memref_squeeze %dma_wait3A_126 : memref<1x80xi32, #tpu.memory_space<vmem>> -> memref<80xi32, #tpu.memory_space<vmem>>
        %dma_wait3A_128 = arith.constant 0 : i32
        %dma_wait3A_129 = tpu.memref_slice %arg4[%dma_wait3A_128] : memref<160000xi32, #tpu.memory_space<hbm>> -> memref<80xi32, #tpu.memory_space<hbm>>
        %dma_wait3A_130 = arith.constant 0 : i32
        %dma_wait3A_131 = tpu.memref_slice %arg10[%dma_wait3A, %dma_wait3A_130] : memref<3x80xi32, #tpu.memory_space<vmem>> -> memref<1x80xi32, #tpu.memory_space<vmem>>
        %dma_wait3A_132 = tpu.memref_squeeze %dma_wait3A_131 : memref<1x80xi32, #tpu.memory_space<vmem>> -> memref<80xi32, #tpu.memory_space<vmem>>
        %dma_wait3A_133 = arith.constant 0 : i32
        %dma_wait3A_134 = tpu.memref_slice %arg4[%dma_wait3A_133] : memref<160000xi32, #tpu.memory_space<hbm>> -> memref<80xi32, #tpu.memory_space<hbm>>
        tpu.wait_dma2 semaphore(%arg12 : memref<!tpu.dma_semaphore, #tpu.memory_space<semaphore_mem>>) src(%dma_wait3A_134 : memref<80xi32, #tpu.memory_space<hbm>>) dst(%dma_wait3A_132 : memref<80xi32, #tpu.memory_space<vmem>>)
        %dma_wait3A_135 = arith.constant 0 : i32
        %dma_wait3A_136 = arith.constant 0 : i32
        %dma_wait3A_137 = arith.constant 0 : i32
        %dma_wait3A_138 = tpu.memref_slice %arg11[%dma_wait3A_135, %dma_wait3A_136, %dma_wait3A_137] : memref<3x80x128xf32, #tpu.memory_space<vmem>> -> memref<1x80x128xf32, #tpu.memory_space<vmem>>
        %dma_wait3A_139 = tpu.memref_squeeze %dma_wait3A_138 : memref<1x80x128xf32, #tpu.memory_space<vmem>> -> memref<80x128xf32, #tpu.memory_space<vmem>>
        %dma_wait3A_140 = arith.constant 0 : i32
        %dma_wait3A_141 = arith.constant 0 : i32
        %dma_wait3A_142 = tpu.memref_slice %arg2[%dma_wait3A_140, %dma_wait3A_141] : memref<160000x128xf32, #tpu.memory_space<hbm>> -> memref<80x128xf32, #tpu.memory_space<hbm>>
        %dma_wait3A_143 = arith.constant 0 : i32
        %dma_wait3A_144 = arith.constant 0 : i32
        %dma_wait3A_145 = tpu.memref_slice %arg11[%dma_wait3A_135, %dma_wait3A_143, %dma_wait3A_144] : memref<3x80x128xf32, #tpu.memory_space<vmem>> -> memref<1x80x128xf32, #tpu.memory_space<vmem>>
        %dma_wait3A_146 = tpu.memref_squeeze %dma_wait3A_145 : memref<1x80x128xf32, #tpu.memory_space<vmem>> -> memref<80x128xf32, #tpu.memory_space<vmem>>
        %dma_wait3A_147 = arith.constant 0 : i32
        %dma_wait3A_148 = arith.constant 0 : i32
        %dma_wait3A_149 = tpu.memref_slice %arg2[%dma_wait3A_147, %dma_wait3A_148] : memref<160000x128xf32, #tpu.memory_space<hbm>> -> memref<80x128xf32, #tpu.memory_space<hbm>>
        tpu.wait_dma2 semaphore(%arg12 : memref<!tpu.dma_semaphore, #tpu.memory_space<semaphore_mem>>) src(%dma_wait3A_149 : memref<80x128xf32, #tpu.memory_space<hbm>>) dst(%dma_wait3A_146 : memref<80x128xf32, #tpu.memory_space<vmem>>)
        %run_scoped3A = arith.constant 0 : i32
        %run_scoped3A_150 = arith.constant 0 : i32
        "tpu.region"() ({
          %run_scoped3A_157 = tpu.sem_alloc : memref<!tpu.dma_semaphore, #tpu.memory_space<semaphore_mem>>
          %dma_start3A_158 = arith.constant 0 : i32
          %dma_start3A_159 = arith.constant 0 : i32
          %dma_start3A_160 = tpu.memref_slice %arg11[%run_scoped3A, %dma_start3A_158, %dma_start3A_159] : memref<3x80x128xf32, #tpu.memory_space<vmem>> -> memref<1x80x128xf32, #tpu.memory_space<vmem>>
          %dma_start3A_161 = tpu.memref_squeeze %dma_start3A_160 : memref<1x80x128xf32, #tpu.memory_space<vmem>> -> memref<80x128xf32, #tpu.memory_space<vmem>>
          %dma_start3A_162 = arith.constant 0 : i32
          %dma_start3A_163 = tpu.memref_slice %arg10[%run_scoped3A_150, %dma_start3A_162] : memref<3x80xi32, #tpu.memory_space<vmem>> -> memref<1x80xi32, #tpu.memory_space<vmem>>
          %dma_start3A_164 = tpu.memref_squeeze %dma_start3A_163 : memref<1x80xi32, #tpu.memory_space<vmem>> -> memref<80xi32, #tpu.memory_space<vmem>>
          %dma_start3A_165 = arith.constant 0 : i32
          %dma_start3A_166 = arith.constant 0 : i32
          %dma_start3A_167 = tpu.memref_slice %arg9[%dma_start3A_165, %dma_start3A_166] : memref<10240x128xf32, #tpu.memory_space<vmem_shared>> -> memref<10240x128xf32, #tpu.memory_space<vmem_shared>>
          tpu.enqueue_indirect_dma source(%dma_start3A_161 : memref<80x128xf32, #tpu.memory_space<vmem>>) target(%dma_start3A_167 : memref<10240x128xf32, #tpu.memory_space<vmem_shared>>) offsets(%dma_start3A_164 : memref<80xi32, #tpu.memory_space<vmem>>) semaphore(%run_scoped3A_157 : memref<!tpu.dma_semaphore, #tpu.memory_space<semaphore_mem>>) {add = true}
          %dma_wait3A_168 = arith.constant 0 : i32
          %dma_wait3A_169 = arith.constant 0 : i32
          %dma_wait3A_170 = tpu.memref_slice %arg11[%run_scoped3A, %dma_wait3A_168, %dma_wait3A_169] : memref<3x80x128xf32, #tpu.memory_space<vmem>> -> memref<1x80x128xf32, #tpu.memory_space<vmem>>
          %dma_wait3A_171 = tpu.memref_squeeze %dma_wait3A_170 : memref<1x80x128xf32, #tpu.memory_space<vmem>> -> memref<80x128xf32, #tpu.memory_space<vmem>>
          %dma_wait3A_172 = arith.constant 0 : i32
          %dma_wait3A_173 = tpu.memref_slice %arg10[%run_scoped3A_150, %dma_wait3A_172] : memref<3x80xi32, #tpu.memory_space<vmem>> -> memref<1x80xi32, #tpu.memory_space<vmem>>
          %dma_wait3A_174 = tpu.memref_squeeze %dma_wait3A_173 : memref<1x80xi32, #tpu.memory_space<vmem>> -> memref<80xi32, #tpu.memory_space<vmem>>
          %dma_wait3A_175 = arith.constant 0 : i32
          %dma_wait3A_176 = arith.constant 0 : i32
          %dma_wait3A_177 = tpu.memref_slice %arg9[%dma_wait3A_175, %dma_wait3A_176] : memref<10240x128xf32, #tpu.memory_space<vmem_shared>> -> memref<10240x128xf32, #tpu.memory_space<vmem_shared>>
          tpu.wait_indirect_dma semaphore(%run_scoped3A_157 : memref<!tpu.dma_semaphore, #tpu.memory_space<semaphore_mem>>) src(%dma_wait3A_171 : memref<80x128xf32, #tpu.memory_space<vmem>>) dst(%dma_wait3A_177 : memref<10240x128xf32, #tpu.memory_space<vmem_shared>>)
          tpu.yield
        }) : () -> ()
        %add3A_151 = arith.constant 3 : i32
        %add3A_152 = arith.addi %add3A_103, %add3A_151 : i32
        %lt3A_153 = arith.cmpi slt, %add3A_152, %add3A_5 : i32
        %convert_element_type3A_154 = arith.extui %lt3A_153 : i1 to i32
        %cond3A_155 = arith.constant 0 : i32
        %cond3A_156 = arith.cmpi ne, %convert_element_type3A_154, %cond3A_155 : i32
        scf.if %cond3A_156 {
          %add3A_157 = arith.constant 3 : i32
          %add3A_158 = arith.addi %add3A_103, %add3A_157 : i32
          %add3A_159 = arith.addi %add3A, %add3A_158 : i32
          %mul3A_160 = arith.constant 80 : i32
          %mul3A_161 = arith.muli %add3A_159, %mul3A_160 : i32
          %dma_start3A_162 = arith.constant 0 : i32
          %dma_start3A_163 = arith.constant 0 : i32
          %dma_start3A_164 = tpu.memref_slice %arg10[%dma_start3A_162, %dma_start3A_163] : memref<3x80xi32, #tpu.memory_space<vmem>> -> memref<1x80xi32, #tpu.memory_space<vmem>>
          %dma_start3A_165 = tpu.memref_squeeze %dma_start3A_164 : memref<1x80xi32, #tpu.memory_space<vmem>> -> memref<80xi32, #tpu.memory_space<vmem>>
          %dma_start3A_166 = tpu.memref_slice %arg4[%mul3A_161] : memref<160000xi32, #tpu.memory_space<hbm>> -> memref<80xi32, #tpu.memory_space<hbm>>
          %dma_start3A_167 = arith.constant 0 : i32
          %dma_start3A_168 = tpu.memref_slice %arg10[%dma_start3A_162, %dma_start3A_167] : memref<3x80xi32, #tpu.memory_space<vmem>> -> memref<1x80xi32, #tpu.memory_space<vmem>>
          %dma_start3A_169 = tpu.memref_squeeze %dma_start3A_168 : memref<1x80xi32, #tpu.memory_space<vmem>> -> memref<80xi32, #tpu.memory_space<vmem>>
          %dma_start3A_170 = tpu.memref_slice %arg4[%mul3A_161] : memref<160000xi32, #tpu.memory_space<hbm>> -> memref<80xi32, #tpu.memory_space<hbm>>
          tpu.enqueue_dma source(%dma_start3A_170 : memref<80xi32, #tpu.memory_space<hbm>>) target(%dma_start3A_169 : memref<80xi32, #tpu.memory_space<vmem>>) target_semaphore(%arg12 : memref<!tpu.dma_semaphore, #tpu.memory_space<semaphore_mem>>)
          %eq3A_171 = arith.constant 0 : i32
          %eq3A_172 = arith.cmpi eq, %arg0, %eq3A_171 : i32
          %convert_element_type3A_173 = arith.extui %eq3A_172 : i1 to i32
          %cond3A_174 = arith.constant 0 : i32
          %cond3A_175 = arith.cmpi ne, %convert_element_type3A_173, %cond3A_174 : i32
          scf.if %cond3A_175 {
            %dma_start3A_181 = arith.constant 0 : i32
            %dma_start3A_182 = arith.constant 0 : i32
            %dma_start3A_183 = arith.constant 0 : i32
            %dma_start3A_184 = tpu.memref_slice %arg11[%dma_start3A_181, %dma_start3A_182, %dma_start3A_183] : memref<3x80x128xf32, #tpu.memory_space<vmem>> -> memref<1x80x128xf32, #tpu.memory_space<vmem>>
            %dma_start3A_185 = tpu.memref_squeeze %dma_start3A_184 : memref<1x80x128xf32, #tpu.memory_space<vmem>> -> memref<80x128xf32, #tpu.memory_space<vmem>>
            %dma_start3A_186 = arith.constant 0 : i32
            %dma_start3A_187 = tpu.memref_slice %arg2[%mul3A_161, %dma_start3A_186] : memref<160000x128xf32, #tpu.memory_space<hbm>> -> memref<80x128xf32, #tpu.memory_space<hbm>>
            %dma_start3A_188 = arith.constant 0 : i32
            %dma_start3A_189 = arith.constant 0 : i32
            %dma_start3A_190 = tpu.memref_slice %arg11[%dma_start3A_181, %dma_start3A_188, %dma_start3A_189] : memref<3x80x128xf32, #tpu.memory_space<vmem>> -> memref<1x80x128xf32, #tpu.memory_space<vmem>>
            %dma_start3A_191 = tpu.memref_squeeze %dma_start3A_190 : memref<1x80x128xf32, #tpu.memory_space<vmem>> -> memref<80x128xf32, #tpu.memory_space<vmem>>
            %dma_start3A_192 = arith.constant 0 : i32
            %dma_start3A_193 = tpu.memref_slice %arg2[%mul3A_161, %dma_start3A_192] : memref<160000x128xf32, #tpu.memory_space<hbm>> -> memref<80x128xf32, #tpu.memory_space<hbm>>
            tpu.enqueue_dma source(%dma_start3A_193 : memref<80x128xf32, #tpu.memory_space<hbm>>) target(%dma_start3A_191 : memref<80x128xf32, #tpu.memory_space<vmem>>) target_semaphore(%arg12 : memref<!tpu.dma_semaphore, #tpu.memory_space<semaphore_mem>>)
          } else {
          }
          %eq3A_176 = arith.constant 1 : i32
          %eq3A_177 = arith.cmpi eq, %arg0, %eq3A_176 : i32
          %convert_element_type3A_178 = arith.extui %eq3A_177 : i1 to i32
          %cond3A_179 = arith.constant 0 : i32
          %cond3A_180 = arith.cmpi ne, %convert_element_type3A_178, %cond3A_179 : i32
          scf.if %cond3A_180 {
            %dma_start3A_181 = arith.constant 0 : i32
            %dma_start3A_182 = arith.constant 0 : i32
            %dma_start3A_183 = arith.constant 0 : i32
            %dma_start3A_184 = tpu.memref_slice %arg11[%dma_start3A_181, %dma_start3A_182, %dma_start3A_183] : memref<3x80x128xf32, #tpu.memory_space<vmem>> -> memref<1x80x128xf32, #tpu.memory_space<vmem>>
            %dma_start3A_185 = tpu.memref_squeeze %dma_start3A_184 : memref<1x80x128xf32, #tpu.memory_space<vmem>> -> memref<80x128xf32, #tpu.memory_space<vmem>>
            %dma_start3A_186 = arith.constant 0 : i32
            %dma_start3A_187 = tpu.memref_slice %arg3[%mul3A_161, %dma_start3A_186] : memref<160000x128xf32, #tpu.memory_space<hbm>> -> memref<80x128xf32, #tpu.memory_space<hbm>>
            %dma_start3A_188 = arith.constant 0 : i32
            %dma_start3A_189 = arith.constant 0 : i32
            %dma_start3A_190 = tpu.memref_slice %arg11[%dma_start3A_181, %dma_start3A_188, %dma_start3A_189] : memref<3x80x128xf32, #tpu.memory_space<vmem>> -> memref<1x80x128xf32, #tpu.memory_space<vmem>>
            %dma_start3A_191 = tpu.memref_squeeze %dma_start3A_190 : memref<1x80x128xf32, #tpu.memory_space<vmem>> -> memref<80x128xf32, #tpu.memory_space<vmem>>
            %dma_start3A_192 = arith.constant 0 : i32
            %dma_start3A_193 = tpu.memref_slice %arg3[%mul3A_161, %dma_start3A_192] : memref<160000x128xf32, #tpu.memory_space<hbm>> -> memref<80x128xf32, #tpu.memory_space<hbm>>
            tpu.enqueue_dma source(%dma_start3A_193 : memref<80x128xf32, #tpu.memory_space<hbm>>) target(%dma_start3A_191 : memref<80x128xf32, #tpu.memory_space<vmem>>) target_semaphore(%arg12 : memref<!tpu.dma_semaphore, #tpu.memory_space<semaphore_mem>>)
          } else {
          }
        } else {
        }
      } else {
      }
      %mul3A_108 = arith.constant 3 : i32
      %mul3A_109 = arith.muli %scan3A_98, %mul3A_108 : i32
      %add3A_110 = arith.constant 1 : i32
      %add3A_111 = arith.addi %mul3A_109, %add3A_110 : i32
      %lt3A_112 = arith.cmpi slt, %add3A_111, %add3A_5 : i32
      %convert_element_type3A_113 = arith.extui %lt3A_112 : i1 to i32
      %cond3A_114 = arith.constant 0 : i32
      %cond3A_115 = arith.cmpi ne, %convert_element_type3A_113, %cond3A_114 : i32
      scf.if %cond3A_115 {
        %dma_wait3A = arith.constant 1 : i32
        %dma_wait3A_125 = arith.constant 0 : i32
        %dma_wait3A_126 = tpu.memref_slice %arg10[%dma_wait3A, %dma_wait3A_125] : memref<3x80xi32, #tpu.memory_space<vmem>> -> memref<1x80xi32, #tpu.memory_space<vmem>>
        %dma_wait3A_127 = tpu.memref_squeeze %dma_wait3A_126 : memref<1x80xi32, #tpu.memory_space<vmem>> -> memref<80xi32, #tpu.memory_space<vmem>>
        %dma_wait3A_128 = arith.constant 0 : i32
        %dma_wait3A_129 = tpu.memref_slice %arg4[%dma_wait3A_128] : memref<160000xi32, #tpu.memory_space<hbm>> -> memref<80xi32, #tpu.memory_space<hbm>>
        %dma_wait3A_130 = arith.constant 0 : i32
        %dma_wait3A_131 = tpu.memref_slice %arg10[%dma_wait3A, %dma_wait3A_130] : memref<3x80xi32, #tpu.memory_space<vmem>> -> memref<1x80xi32, #tpu.memory_space<vmem>>
        %dma_wait3A_132 = tpu.memref_squeeze %dma_wait3A_131 : memref<1x80xi32, #tpu.memory_space<vmem>> -> memref<80xi32, #tpu.memory_space<vmem>>
        %dma_wait3A_133 = arith.constant 0 : i32
        %dma_wait3A_134 = tpu.memref_slice %arg4[%dma_wait3A_133] : memref<160000xi32, #tpu.memory_space<hbm>> -> memref<80xi32, #tpu.memory_space<hbm>>
        tpu.wait_dma2 semaphore(%arg13 : memref<!tpu.dma_semaphore, #tpu.memory_space<semaphore_mem>>) src(%dma_wait3A_134 : memref<80xi32, #tpu.memory_space<hbm>>) dst(%dma_wait3A_132 : memref<80xi32, #tpu.memory_space<vmem>>)
        %dma_wait3A_135 = arith.constant 1 : i32
        %dma_wait3A_136 = arith.constant 0 : i32
        %dma_wait3A_137 = arith.constant 0 : i32
        %dma_wait3A_138 = tpu.memref_slice %arg11[%dma_wait3A_135, %dma_wait3A_136, %dma_wait3A_137] : memref<3x80x128xf32, #tpu.memory_space<vmem>> -> memref<1x80x128xf32, #tpu.memory_space<vmem>>
        %dma_wait3A_139 = tpu.memref_squeeze %dma_wait3A_138 : memref<1x80x128xf32, #tpu.memory_space<vmem>> -> memref<80x128xf32, #tpu.memory_space<vmem>>
        %dma_wait3A_140 = arith.constant 0 : i32
        %dma_wait3A_141 = arith.constant 0 : i32
        %dma_wait3A_142 = tpu.memref_slice %arg2[%dma_wait3A_140, %dma_wait3A_141] : memref<160000x128xf32, #tpu.memory_space<hbm>> -> memref<80x128xf32, #tpu.memory_space<hbm>>
        %dma_wait3A_143 = arith.constant 0 : i32
        %dma_wait3A_144 = arith.constant 0 : i32
        %dma_wait3A_145 = tpu.memref_slice %arg11[%dma_wait3A_135, %dma_wait3A_143, %dma_wait3A_144] : memref<3x80x128xf32, #tpu.memory_space<vmem>> -> memref<1x80x128xf32, #tpu.memory_space<vmem>>
        %dma_wait3A_146 = tpu.memref_squeeze %dma_wait3A_145 : memref<1x80x128xf32, #tpu.memory_space<vmem>> -> memref<80x128xf32, #tpu.memory_space<vmem>>
        %dma_wait3A_147 = arith.constant 0 : i32
        %dma_wait3A_148 = arith.constant 0 : i32
        %dma_wait3A_149 = tpu.memref_slice %arg2[%dma_wait3A_147, %dma_wait3A_148] : memref<160000x128xf32, #tpu.memory_space<hbm>> -> memref<80x128xf32, #tpu.memory_space<hbm>>
        tpu.wait_dma2 semaphore(%arg13 : memref<!tpu.dma_semaphore, #tpu.memory_space<semaphore_mem>>) src(%dma_wait3A_149 : memref<80x128xf32, #tpu.memory_space<hbm>>) dst(%dma_wait3A_146 : memref<80x128xf32, #tpu.memory_space<vmem>>)
        %run_scoped3A = arith.constant 1 : i32
        %run_scoped3A_150 = arith.constant 1 : i32
        "tpu.region"() ({
          %run_scoped3A_157 = tpu.sem_alloc : memref<!tpu.dma_semaphore, #tpu.memory_space<semaphore_mem>>
          %dma_start3A_158 = arith.constant 0 : i32
          %dma_start3A_159 = arith.constant 0 : i32
          %dma_start3A_160 = tpu.memref_slice %arg11[%run_scoped3A, %dma_start3A_158, %dma_start3A_159] : memref<3x80x128xf32, #tpu.memory_space<vmem>> -> memref<1x80x128xf32, #tpu.memory_space<vmem>>
          %dma_start3A_161 = tpu.memref_squeeze %dma_start3A_160 : memref<1x80x128xf32, #tpu.memory_space<vmem>> -> memref<80x128xf32, #tpu.memory_space<vmem>>
          %dma_start3A_162 = arith.constant 0 : i32
          %dma_start3A_163 = tpu.memref_slice %arg10[%run_scoped3A_150, %dma_start3A_162] : memref<3x80xi32, #tpu.memory_space<vmem>> -> memref<1x80xi32, #tpu.memory_space<vmem>>
          %dma_start3A_164 = tpu.memref_squeeze %dma_start3A_163 : memref<1x80xi32, #tpu.memory_space<vmem>> -> memref<80xi32, #tpu.memory_space<vmem>>
          %dma_start3A_165 = arith.constant 0 : i32
          %dma_start3A_166 = arith.constant 0 : i32
          %dma_start3A_167 = tpu.memref_slice %arg9[%dma_start3A_165, %dma_start3A_166] : memref<10240x128xf32, #tpu.memory_space<vmem_shared>> -> memref<10240x128xf32, #tpu.memory_space<vmem_shared>>
          tpu.enqueue_indirect_dma source(%dma_start3A_161 : memref<80x128xf32, #tpu.memory_space<vmem>>) target(%dma_start3A_167 : memref<10240x128xf32, #tpu.memory_space<vmem_shared>>) offsets(%dma_start3A_164 : memref<80xi32, #tpu.memory_space<vmem>>) semaphore(%run_scoped3A_157 : memref<!tpu.dma_semaphore, #tpu.memory_space<semaphore_mem>>) {add = true}
          %dma_wait3A_168 = arith.constant 0 : i32
          %dma_wait3A_169 = arith.constant 0 : i32
          %dma_wait3A_170 = tpu.memref_slice %arg11[%run_scoped3A, %dma_wait3A_168, %dma_wait3A_169] : memref<3x80x128xf32, #tpu.memory_space<vmem>> -> memref<1x80x128xf32, #tpu.memory_space<vmem>>
          %dma_wait3A_171 = tpu.memref_squeeze %dma_wait3A_170 : memref<1x80x128xf32, #tpu.memory_space<vmem>> -> memref<80x128xf32, #tpu.memory_space<vmem>>
          %dma_wait3A_172 = arith.constant 0 : i32
          %dma_wait3A_173 = tpu.memref_slice %arg10[%run_scoped3A_150, %dma_wait3A_172] : memref<3x80xi32, #tpu.memory_space<vmem>> -> memref<1x80xi32, #tpu.memory_space<vmem>>
          %dma_wait3A_174 = tpu.memref_squeeze %dma_wait3A_173 : memref<1x80xi32, #tpu.memory_space<vmem>> -> memref<80xi32, #tpu.memory_space<vmem>>
          %dma_wait3A_175 = arith.constant 0 : i32
          %dma_wait3A_176 = arith.constant 0 : i32
          %dma_wait3A_177 = tpu.memref_slice %arg9[%dma_wait3A_175, %dma_wait3A_176] : memref<10240x128xf32, #tpu.memory_space<vmem_shared>> -> memref<10240x128xf32, #tpu.memory_space<vmem_shared>>
          tpu.wait_indirect_dma semaphore(%run_scoped3A_157 : memref<!tpu.dma_semaphore, #tpu.memory_space<semaphore_mem>>) src(%dma_wait3A_171 : memref<80x128xf32, #tpu.memory_space<vmem>>) dst(%dma_wait3A_177 : memref<10240x128xf32, #tpu.memory_space<vmem_shared>>)
          tpu.yield
        }) : () -> ()
        %add3A_151 = arith.constant 3 : i32
        %add3A_152 = arith.addi %add3A_111, %add3A_151 : i32
        %lt3A_153 = arith.cmpi slt, %add3A_152, %add3A_5 : i32
        %convert_element_type3A_154 = arith.extui %lt3A_153 : i1 to i32
        %cond3A_155 = arith.constant 0 : i32
        %cond3A_156 = arith.cmpi ne, %convert_element_type3A_154, %cond3A_155 : i32
        scf.if %cond3A_156 {
          %add3A_157 = arith.constant 3 : i32
          %add3A_158 = arith.addi %add3A_111, %add3A_157 : i32
          %add3A_159 = arith.addi %add3A, %add3A_158 : i32
          %mul3A_160 = arith.constant 80 : i32
          %mul3A_161 = arith.muli %add3A_159, %mul3A_160 : i32
          %dma_start3A_162 = arith.constant 1 : i32
          %dma_start3A_163 = arith.constant 0 : i32
          %dma_start3A_164 = tpu.memref_slice %arg10[%dma_start3A_162, %dma_start3A_163] : memref<3x80xi32, #tpu.memory_space<vmem>> -> memref<1x80xi32, #tpu.memory_space<vmem>>
          %dma_start3A_165 = tpu.memref_squeeze %dma_start3A_164 : memref<1x80xi32, #tpu.memory_space<vmem>> -> memref<80xi32, #tpu.memory_space<vmem>>
          %dma_start3A_166 = tpu.memref_slice %arg4[%mul3A_161] : memref<160000xi32, #tpu.memory_space<hbm>> -> memref<80xi32, #tpu.memory_space<hbm>>
          %dma_start3A_167 = arith.constant 0 : i32
          %dma_start3A_168 = tpu.memref_slice %arg10[%dma_start3A_162, %dma_start3A_167] : memref<3x80xi32, #tpu.memory_space<vmem>> -> memref<1x80xi32, #tpu.memory_space<vmem>>
          %dma_start3A_169 = tpu.memref_squeeze %dma_start3A_168 : memref<1x80xi32, #tpu.memory_space<vmem>> -> memref<80xi32, #tpu.memory_space<vmem>>
          %dma_start3A_170 = tpu.memref_slice %arg4[%mul3A_161] : memref<160000xi32, #tpu.memory_space<hbm>> -> memref<80xi32, #tpu.memory_space<hbm>>
          tpu.enqueue_dma source(%dma_start3A_170 : memref<80xi32, #tpu.memory_space<hbm>>) target(%dma_start3A_169 : memref<80xi32, #tpu.memory_space<vmem>>) target_semaphore(%arg13 : memref<!tpu.dma_semaphore, #tpu.memory_space<semaphore_mem>>)
          %eq3A_171 = arith.constant 0 : i32
          %eq3A_172 = arith.cmpi eq, %arg0, %eq3A_171 : i32
          %convert_element_type3A_173 = arith.extui %eq3A_172 : i1 to i32
          %cond3A_174 = arith.constant 0 : i32
          %cond3A_175 = arith.cmpi ne, %convert_element_type3A_173, %cond3A_174 : i32
          scf.if %cond3A_175 {
            %dma_start3A_181 = arith.constant 1 : i32
            %dma_start3A_182 = arith.constant 0 : i32
            %dma_start3A_183 = arith.constant 0 : i32
            %dma_start3A_184 = tpu.memref_slice %arg11[%dma_start3A_181, %dma_start3A_182, %dma_start3A_183] : memref<3x80x128xf32, #tpu.memory_space<vmem>> -> memref<1x80x128xf32, #tpu.memory_space<vmem>>
            %dma_start3A_185 = tpu.memref_squeeze %dma_start3A_184 : memref<1x80x128xf32, #tpu.memory_space<vmem>> -> memref<80x128xf32, #tpu.memory_space<vmem>>
            %dma_start3A_186 = arith.constant 0 : i32
            %dma_start3A_187 = tpu.memref_slice %arg2[%mul3A_161, %dma_start3A_186] : memref<160000x128xf32, #tpu.memory_space<hbm>> -> memref<80x128xf32, #tpu.memory_space<hbm>>
            %dma_start3A_188 = arith.constant 0 : i32
            %dma_start3A_189 = arith.constant 0 : i32
            %dma_start3A_190 = tpu.memref_slice %arg11[%dma_start3A_181, %dma_start3A_188, %dma_start3A_189] : memref<3x80x128xf32, #tpu.memory_space<vmem>> -> memref<1x80x128xf32, #tpu.memory_space<vmem>>
            %dma_start3A_191 = tpu.memref_squeeze %dma_start3A_190 : memref<1x80x128xf32, #tpu.memory_space<vmem>> -> memref<80x128xf32, #tpu.memory_space<vmem>>
            %dma_start3A_192 = arith.constant 0 : i32
            %dma_start3A_193 = tpu.memref_slice %arg2[%mul3A_161, %dma_start3A_192] : memref<160000x128xf32, #tpu.memory_space<hbm>> -> memref<80x128xf32, #tpu.memory_space<hbm>>
            tpu.enqueue_dma source(%dma_start3A_193 : memref<80x128xf32, #tpu.memory_space<hbm>>) target(%dma_start3A_191 : memref<80x128xf32, #tpu.memory_space<vmem>>) target_semaphore(%arg13 : memref<!tpu.dma_semaphore, #tpu.memory_space<semaphore_mem>>)
          } else {
          }
          %eq3A_176 = arith.constant 1 : i32
          %eq3A_177 = arith.cmpi eq, %arg0, %eq3A_176 : i32
          %convert_element_type3A_178 = arith.extui %eq3A_177 : i1 to i32
          %cond3A_179 = arith.constant 0 : i32
          %cond3A_180 = arith.cmpi ne, %convert_element_type3A_178, %cond3A_179 : i32
          scf.if %cond3A_180 {
            %dma_start3A_181 = arith.constant 1 : i32
            %dma_start3A_182 = arith.constant 0 : i32
            %dma_start3A_183 = arith.constant 0 : i32
            %dma_start3A_184 = tpu.memref_slice %arg11[%dma_start3A_181, %dma_start3A_182, %dma_start3A_183] : memref<3x80x128xf32, #tpu.memory_space<vmem>> -> memref<1x80x128xf32, #tpu.memory_space<vmem>>
            %dma_start3A_185 = tpu.memref_squeeze %dma_start3A_184 : memref<1x80x128xf32, #tpu.memory_space<vmem>> -> memref<80x128xf32, #tpu.memory_space<vmem>>
            %dma_start3A_186 = arith.constant 0 : i32
            %dma_start3A_187 = tpu.memref_slice %arg3[%mul3A_161, %dma_start3A_186] : memref<160000x128xf32, #tpu.memory_space<hbm>> -> memref<80x128xf32, #tpu.memory_space<hbm>>
            %dma_start3A_188 = arith.constant 0 : i32
            %dma_start3A_189 = arith.constant 0 : i32
            %dma_start3A_190 = tpu.memref_slice %arg11[%dma_start3A_181, %dma_start3A_188, %dma_start3A_189] : memref<3x80x128xf32, #tpu.memory_space<vmem>> -> memref<1x80x128xf32, #tpu.memory_space<vmem>>
            %dma_start3A_191 = tpu.memref_squeeze %dma_start3A_190 : memref<1x80x128xf32, #tpu.memory_space<vmem>> -> memref<80x128xf32, #tpu.memory_space<vmem>>
            %dma_start3A_192 = arith.constant 0 : i32
            %dma_start3A_193 = tpu.memref_slice %arg3[%mul3A_161, %dma_start3A_192] : memref<160000x128xf32, #tpu.memory_space<hbm>> -> memref<80x128xf32, #tpu.memory_space<hbm>>
            tpu.enqueue_dma source(%dma_start3A_193 : memref<80x128xf32, #tpu.memory_space<hbm>>) target(%dma_start3A_191 : memref<80x128xf32, #tpu.memory_space<vmem>>) target_semaphore(%arg13 : memref<!tpu.dma_semaphore, #tpu.memory_space<semaphore_mem>>)
          } else {
          }
        } else {
        }
      } else {
      }
      %mul3A_116 = arith.constant 3 : i32
      %mul3A_117 = arith.muli %scan3A_98, %mul3A_116 : i32
      %add3A_118 = arith.constant 2 : i32
      %add3A_119 = arith.addi %mul3A_117, %add3A_118 : i32
      %lt3A_120 = arith.cmpi slt, %add3A_119, %add3A_5 : i32
      %convert_element_type3A_121 = arith.extui %lt3A_120 : i1 to i32
      %cond3A_122 = arith.constant 0 : i32
      %cond3A_123 = arith.cmpi ne, %convert_element_type3A_121, %cond3A_122 : i32
      scf.if %cond3A_123 {
        %dma_wait3A = arith.constant 2 : i32
        %dma_wait3A_125 = arith.constant 0 : i32
        %dma_wait3A_126 = tpu.memref_slice %arg10[%dma_wait3A, %dma_wait3A_125] : memref<3x80xi32, #tpu.memory_space<vmem>> -> memref<1x80xi32, #tpu.memory_space<vmem>>
        %dma_wait3A_127 = tpu.memref_squeeze %dma_wait3A_126 : memref<1x80xi32, #tpu.memory_space<vmem>> -> memref<80xi32, #tpu.memory_space<vmem>>
        %dma_wait3A_128 = arith.constant 0 : i32
        %dma_wait3A_129 = tpu.memref_slice %arg4[%dma_wait3A_128] : memref<160000xi32, #tpu.memory_space<hbm>> -> memref<80xi32, #tpu.memory_space<hbm>>
        %dma_wait3A_130 = arith.constant 0 : i32
        %dma_wait3A_131 = tpu.memref_slice %arg10[%dma_wait3A, %dma_wait3A_130] : memref<3x80xi32, #tpu.memory_space<vmem>> -> memref<1x80xi32, #tpu.memory_space<vmem>>
        %dma_wait3A_132 = tpu.memref_squeeze %dma_wait3A_131 : memref<1x80xi32, #tpu.memory_space<vmem>> -> memref<80xi32, #tpu.memory_space<vmem>>
        %dma_wait3A_133 = arith.constant 0 : i32
        %dma_wait3A_134 = tpu.memref_slice %arg4[%dma_wait3A_133] : memref<160000xi32, #tpu.memory_space<hbm>> -> memref<80xi32, #tpu.memory_space<hbm>>
        tpu.wait_dma2 semaphore(%arg14 : memref<!tpu.dma_semaphore, #tpu.memory_space<semaphore_mem>>) src(%dma_wait3A_134 : memref<80xi32, #tpu.memory_space<hbm>>) dst(%dma_wait3A_132 : memref<80xi32, #tpu.memory_space<vmem>>)
        %dma_wait3A_135 = arith.constant 2 : i32
        %dma_wait3A_136 = arith.constant 0 : i32
        %dma_wait3A_137 = arith.constant 0 : i32
        %dma_wait3A_138 = tpu.memref_slice %arg11[%dma_wait3A_135, %dma_wait3A_136, %dma_wait3A_137] : memref<3x80x128xf32, #tpu.memory_space<vmem>> -> memref<1x80x128xf32, #tpu.memory_space<vmem>>
        %dma_wait3A_139 = tpu.memref_squeeze %dma_wait3A_138 : memref<1x80x128xf32, #tpu.memory_space<vmem>> -> memref<80x128xf32, #tpu.memory_space<vmem>>
        %dma_wait3A_140 = arith.constant 0 : i32
        %dma_wait3A_141 = arith.constant 0 : i32
        %dma_wait3A_142 = tpu.memref_slice %arg2[%dma_wait3A_140, %dma_wait3A_141] : memref<160000x128xf32, #tpu.memory_space<hbm>> -> memref<80x128xf32, #tpu.memory_space<hbm>>
        %dma_wait3A_143 = arith.constant 0 : i32
        %dma_wait3A_144 = arith.constant 0 : i32
        %dma_wait3A_145 = tpu.memref_slice %arg11[%dma_wait3A_135, %dma_wait3A_143, %dma_wait3A_144] : memref<3x80x128xf32, #tpu.memory_space<vmem>> -> memref<1x80x128xf32, #tpu.memory_space<vmem>>
        %dma_wait3A_146 = tpu.memref_squeeze %dma_wait3A_145 : memref<1x80x128xf32, #tpu.memory_space<vmem>> -> memref<80x128xf32, #tpu.memory_space<vmem>>
        %dma_wait3A_147 = arith.constant 0 : i32
        %dma_wait3A_148 = arith.constant 0 : i32
        %dma_wait3A_149 = tpu.memref_slice %arg2[%dma_wait3A_147, %dma_wait3A_148] : memref<160000x128xf32, #tpu.memory_space<hbm>> -> memref<80x128xf32, #tpu.memory_space<hbm>>
        tpu.wait_dma2 semaphore(%arg14 : memref<!tpu.dma_semaphore, #tpu.memory_space<semaphore_mem>>) src(%dma_wait3A_149 : memref<80x128xf32, #tpu.memory_space<hbm>>) dst(%dma_wait3A_146 : memref<80x128xf32, #tpu.memory_space<vmem>>)
        %run_scoped3A = arith.constant 2 : i32
        %run_scoped3A_150 = arith.constant 2 : i32
        "tpu.region"() ({
          %run_scoped3A_157 = tpu.sem_alloc : memref<!tpu.dma_semaphore, #tpu.memory_space<semaphore_mem>>
          %dma_start3A_158 = arith.constant 0 : i32
          %dma_start3A_159 = arith.constant 0 : i32
          %dma_start3A_160 = tpu.memref_slice %arg11[%run_scoped3A, %dma_start3A_158, %dma_start3A_159] : memref<3x80x128xf32, #tpu.memory_space<vmem>> -> memref<1x80x128xf32, #tpu.memory_space<vmem>>
          %dma_start3A_161 = tpu.memref_squeeze %dma_start3A_160 : memref<1x80x128xf32, #tpu.memory_space<vmem>> -> memref<80x128xf32, #tpu.memory_space<vmem>>
          %dma_start3A_162 = arith.constant 0 : i32
          %dma_start3A_163 = tpu.memref_slice %arg10[%run_scoped3A_150, %dma_start3A_162] : memref<3x80xi32, #tpu.memory_space<vmem>> -> memref<1x80xi32, #tpu.memory_space<vmem>>
          %dma_start3A_164 = tpu.memref_squeeze %dma_start3A_163 : memref<1x80xi32, #tpu.memory_space<vmem>> -> memref<80xi32, #tpu.memory_space<vmem>>
          %dma_start3A_165 = arith.constant 0 : i32
          %dma_start3A_166 = arith.constant 0 : i32
          %dma_start3A_167 = tpu.memref_slice %arg9[%dma_start3A_165, %dma_start3A_166] : memref<10240x128xf32, #tpu.memory_space<vmem_shared>> -> memref<10240x128xf32, #tpu.memory_space<vmem_shared>>
          tpu.enqueue_indirect_dma source(%dma_start3A_161 : memref<80x128xf32, #tpu.memory_space<vmem>>) target(%dma_start3A_167 : memref<10240x128xf32, #tpu.memory_space<vmem_shared>>) offsets(%dma_start3A_164 : memref<80xi32, #tpu.memory_space<vmem>>) semaphore(%run_scoped3A_157 : memref<!tpu.dma_semaphore, #tpu.memory_space<semaphore_mem>>) {add = true}
          %dma_wait3A_168 = arith.constant 0 : i32
          %dma_wait3A_169 = arith.constant 0 : i32
          %dma_wait3A_170 = tpu.memref_slice %arg11[%run_scoped3A, %dma_wait3A_168, %dma_wait3A_169] : memref<3x80x128xf32, #tpu.memory_space<vmem>> -> memref<1x80x128xf32, #tpu.memory_space<vmem>>
          %dma_wait3A_171 = tpu.memref_squeeze %dma_wait3A_170 : memref<1x80x128xf32, #tpu.memory_space<vmem>> -> memref<80x128xf32, #tpu.memory_space<vmem>>
          %dma_wait3A_172 = arith.constant 0 : i32
          %dma_wait3A_173 = tpu.memref_slice %arg10[%run_scoped3A_150, %dma_wait3A_172] : memref<3x80xi32, #tpu.memory_space<vmem>> -> memref<1x80xi32, #tpu.memory_space<vmem>>
          %dma_wait3A_174 = tpu.memref_squeeze %dma_wait3A_173 : memref<1x80xi32, #tpu.memory_space<vmem>> -> memref<80xi32, #tpu.memory_space<vmem>>
          %dma_wait3A_175 = arith.constant 0 : i32
          %dma_wait3A_176 = arith.constant 0 : i32
          %dma_wait3A_177 = tpu.memref_slice %arg9[%dma_wait3A_175, %dma_wait3A_176] : memref<10240x128xf32, #tpu.memory_space<vmem_shared>> -> memref<10240x128xf32, #tpu.memory_space<vmem_shared>>
          tpu.wait_indirect_dma semaphore(%run_scoped3A_157 : memref<!tpu.dma_semaphore, #tpu.memory_space<semaphore_mem>>) src(%dma_wait3A_171 : memref<80x128xf32, #tpu.memory_space<vmem>>) dst(%dma_wait3A_177 : memref<10240x128xf32, #tpu.memory_space<vmem_shared>>)
          tpu.yield
        }) : () -> ()
        %add3A_151 = arith.constant 3 : i32
        %add3A_152 = arith.addi %add3A_119, %add3A_151 : i32
        %lt3A_153 = arith.cmpi slt, %add3A_152, %add3A_5 : i32
        %convert_element_type3A_154 = arith.extui %lt3A_153 : i1 to i32
        %cond3A_155 = arith.constant 0 : i32
        %cond3A_156 = arith.cmpi ne, %convert_element_type3A_154, %cond3A_155 : i32
        scf.if %cond3A_156 {
          %add3A_157 = arith.constant 3 : i32
          %add3A_158 = arith.addi %add3A_119, %add3A_157 : i32
          %add3A_159 = arith.addi %add3A, %add3A_158 : i32
          %mul3A_160 = arith.constant 80 : i32
          %mul3A_161 = arith.muli %add3A_159, %mul3A_160 : i32
          %dma_start3A_162 = arith.constant 2 : i32
          %dma_start3A_163 = arith.constant 0 : i32
          %dma_start3A_164 = tpu.memref_slice %arg10[%dma_start3A_162, %dma_start3A_163] : memref<3x80xi32, #tpu.memory_space<vmem>> -> memref<1x80xi32, #tpu.memory_space<vmem>>
          %dma_start3A_165 = tpu.memref_squeeze %dma_start3A_164 : memref<1x80xi32, #tpu.memory_space<vmem>> -> memref<80xi32, #tpu.memory_space<vmem>>
          %dma_start3A_166 = tpu.memref_slice %arg4[%mul3A_161] : memref<160000xi32, #tpu.memory_space<hbm>> -> memref<80xi32, #tpu.memory_space<hbm>>
          %dma_start3A_167 = arith.constant 0 : i32
          %dma_start3A_168 = tpu.memref_slice %arg10[%dma_start3A_162, %dma_start3A_167] : memref<3x80xi32, #tpu.memory_space<vmem>> -> memref<1x80xi32, #tpu.memory_space<vmem>>
          %dma_start3A_169 = tpu.memref_squeeze %dma_start3A_168 : memref<1x80xi32, #tpu.memory_space<vmem>> -> memref<80xi32, #tpu.memory_space<vmem>>
          %dma_start3A_170 = tpu.memref_slice %arg4[%mul3A_161] : memref<160000xi32, #tpu.memory_space<hbm>> -> memref<80xi32, #tpu.memory_space<hbm>>
          tpu.enqueue_dma source(%dma_start3A_170 : memref<80xi32, #tpu.memory_space<hbm>>) target(%dma_start3A_169 : memref<80xi32, #tpu.memory_space<vmem>>) target_semaphore(%arg14 : memref<!tpu.dma_semaphore, #tpu.memory_space<semaphore_mem>>)
          %eq3A_171 = arith.constant 0 : i32
          %eq3A_172 = arith.cmpi eq, %arg0, %eq3A_171 : i32
          %convert_element_type3A_173 = arith.extui %eq3A_172 : i1 to i32
          %cond3A_174 = arith.constant 0 : i32
          %cond3A_175 = arith.cmpi ne, %convert_element_type3A_173, %cond3A_174 : i32
          scf.if %cond3A_175 {
            %dma_start3A_181 = arith.constant 2 : i32
            %dma_start3A_182 = arith.constant 0 : i32
            %dma_start3A_183 = arith.constant 0 : i32
            %dma_start3A_184 = tpu.memref_slice %arg11[%dma_start3A_181, %dma_start3A_182, %dma_start3A_183] : memref<3x80x128xf32, #tpu.memory_space<vmem>> -> memref<1x80x128xf32, #tpu.memory_space<vmem>>
            %dma_start3A_185 = tpu.memref_squeeze %dma_start3A_184 : memref<1x80x128xf32, #tpu.memory_space<vmem>> -> memref<80x128xf32, #tpu.memory_space<vmem>>
            %dma_start3A_186 = arith.constant 0 : i32
            %dma_start3A_187 = tpu.memref_slice %arg2[%mul3A_161, %dma_start3A_186] : memref<160000x128xf32, #tpu.memory_space<hbm>> -> memref<80x128xf32, #tpu.memory_space<hbm>>
            %dma_start3A_188 = arith.constant 0 : i32
            %dma_start3A_189 = arith.constant 0 : i32
            %dma_start3A_190 = tpu.memref_slice %arg11[%dma_start3A_181, %dma_start3A_188, %dma_start3A_189] : memref<3x80x128xf32, #tpu.memory_space<vmem>> -> memref<1x80x128xf32, #tpu.memory_space<vmem>>
            %dma_start3A_191 = tpu.memref_squeeze %dma_start3A_190 : memref<1x80x128xf32, #tpu.memory_space<vmem>> -> memref<80x128xf32, #tpu.memory_space<vmem>>
            %dma_start3A_192 = arith.constant 0 : i32
            %dma_start3A_193 = tpu.memref_slice %arg2[%mul3A_161, %dma_start3A_192] : memref<160000x128xf32, #tpu.memory_space<hbm>> -> memref<80x128xf32, #tpu.memory_space<hbm>>
            tpu.enqueue_dma source(%dma_start3A_193 : memref<80x128xf32, #tpu.memory_space<hbm>>) target(%dma_start3A_191 : memref<80x128xf32, #tpu.memory_space<vmem>>) target_semaphore(%arg14 : memref<!tpu.dma_semaphore, #tpu.memory_space<semaphore_mem>>)
          } else {
          }
          %eq3A_176 = arith.constant 1 : i32
          %eq3A_177 = arith.cmpi eq, %arg0, %eq3A_176 : i32
          %convert_element_type3A_178 = arith.extui %eq3A_177 : i1 to i32
          %cond3A_179 = arith.constant 0 : i32
          %cond3A_180 = arith.cmpi ne, %convert_element_type3A_178, %cond3A_179 : i32
          scf.if %cond3A_180 {
            %dma_start3A_181 = arith.constant 2 : i32
            %dma_start3A_182 = arith.constant 0 : i32
            %dma_start3A_183 = arith.constant 0 : i32
            %dma_start3A_184 = tpu.memref_slice %arg11[%dma_start3A_181, %dma_start3A_182, %dma_start3A_183] : memref<3x80x128xf32, #tpu.memory_space<vmem>> -> memref<1x80x128xf32, #tpu.memory_space<vmem>>
            %dma_start3A_185 = tpu.memref_squeeze %dma_start3A_184 : memref<1x80x128xf32, #tpu.memory_space<vmem>> -> memref<80x128xf32, #tpu.memory_space<vmem>>
            %dma_start3A_186 = arith.constant 0 : i32
            %dma_start3A_187 = tpu.memref_slice %arg3[%mul3A_161, %dma_start3A_186] : memref<160000x128xf32, #tpu.memory_space<hbm>> -> memref<80x128xf32, #tpu.memory_space<hbm>>
            %dma_start3A_188 = arith.constant 0 : i32
            %dma_start3A_189 = arith.constant 0 : i32
            %dma_start3A_190 = tpu.memref_slice %arg11[%dma_start3A_181, %dma_start3A_188, %dma_start3A_189] : memref<3x80x128xf32, #tpu.memory_space<vmem>> -> memref<1x80x128xf32, #tpu.memory_space<vmem>>
            %dma_start3A_191 = tpu.memref_squeeze %dma_start3A_190 : memref<1x80x128xf32, #tpu.memory_space<vmem>> -> memref<80x128xf32, #tpu.memory_space<vmem>>
            %dma_start3A_192 = arith.constant 0 : i32
            %dma_start3A_193 = tpu.memref_slice %arg3[%mul3A_161, %dma_start3A_192] : memref<160000x128xf32, #tpu.memory_space<hbm>> -> memref<80x128xf32, #tpu.memory_space<hbm>>
            tpu.enqueue_dma source(%dma_start3A_193 : memref<80x128xf32, #tpu.memory_space<hbm>>) target(%dma_start3A_191 : memref<80x128xf32, #tpu.memory_space<vmem>>) target_semaphore(%arg14 : memref<!tpu.dma_semaphore, #tpu.memory_space<semaphore_mem>>)
          } else {
          }
        } else {
        }
      } else {
      }
      %scan3A_124 = arith.constant 0 : i32
      scf.yield %scan3A_124 : i32
    }
    %scan3A_86 = arith.constant 42 : i32
    %barrier3A_87 = arith.constant 0 : index
    tpu.barrier barrier_id(%barrier3A_87)
    %eq3A_88 = arith.constant 0 : i32
    %eq3A_89 = arith.cmpi eq, %arg0, %eq3A_88 : i32
    %convert_element_type3A_90 = arith.extui %eq3A_89 : i1 to i32
    %cond3A_91 = arith.constant 0 : i32
    %cond3A_92 = arith.cmpi ne, %convert_element_type3A_90, %cond3A_91 : i32
    scf.if %cond3A_92 {
      %mul3A_98 = arith.constant 640 : i32
      %mul3A_99 = arith.muli %arg1, %mul3A_98 : i32
      %mul3A_100 = arith.constant 640 : i32
      %mul3A_101 = arith.muli %arg1, %mul3A_100 : i32
      "tpu.region"() ({
        %run_scoped3A = tpu.sem_alloc : memref<!tpu.dma_semaphore, #tpu.memory_space<semaphore_mem>>
        %dma_start3A_102 = arith.constant 0 : i32
        %dma_start3A_103 = tpu.memref_slice %arg7[%mul3A_101, %dma_start3A_102] : memref<10240x128xf32, #tpu.memory_space<hbm>> -> memref<640x128xf32, #tpu.memory_space<hbm>>
        %dma_start3A_104 = arith.constant 0 : i32
        %dma_start3A_105 = tpu.memref_slice %arg9[%mul3A_99, %dma_start3A_104] : memref<10240x128xf32, #tpu.memory_space<vmem_shared>> -> memref<640x128xf32, #tpu.memory_space<vmem_shared>>
        tpu.enqueue_dma source(%dma_start3A_105 : memref<640x128xf32, #tpu.memory_space<vmem_shared>>) target(%dma_start3A_103 : memref<640x128xf32, #tpu.memory_space<hbm>>) target_semaphore(%run_scoped3A : memref<!tpu.dma_semaphore, #tpu.memory_space<semaphore_mem>>)
        %dma_wait3A = arith.constant 0 : i32
        %dma_wait3A_106 = tpu.memref_slice %arg7[%mul3A_101, %dma_wait3A] : memref<10240x128xf32, #tpu.memory_space<hbm>> -> memref<640x128xf32, #tpu.memory_space<hbm>>
        %dma_wait3A_107 = arith.constant 0 : i32
        %dma_wait3A_108 = tpu.memref_slice %arg9[%mul3A_99, %dma_wait3A_107] : memref<10240x128xf32, #tpu.memory_space<vmem_shared>> -> memref<640x128xf32, #tpu.memory_space<vmem_shared>>
        tpu.wait_dma2 semaphore(%run_scoped3A : memref<!tpu.dma_semaphore, #tpu.memory_space<semaphore_mem>>) src(%dma_wait3A_108 : memref<640x128xf32, #tpu.memory_space<vmem_shared>>) dst(%dma_wait3A_106 : memref<640x128xf32, #tpu.memory_space<hbm>>)
        tpu.yield
      }) : () -> ()
    } else {
    }
    %eq3A_93 = arith.constant 1 : i32
    %eq3A_94 = arith.cmpi eq, %arg0, %eq3A_93 : i32
    %convert_element_type3A_95 = arith.extui %eq3A_94 : i1 to i32
    %cond3A_96 = arith.constant 0 : i32
    %cond3A_97 = arith.cmpi ne, %convert_element_type3A_95, %cond3A_96 : i32
    scf.if %cond3A_97 {
      %mul3A_98 = arith.constant 640 : i32
      %mul3A_99 = arith.muli %arg1, %mul3A_98 : i32
      %mul3A_100 = arith.constant 640 : i32
      %mul3A_101 = arith.muli %arg1, %mul3A_100 : i32
      "tpu.region"() ({
        %run_scoped3A = tpu.sem_alloc : memref<!tpu.dma_semaphore, #tpu.memory_space<semaphore_mem>>
        %dma_start3A_102 = arith.constant 0 : i32
        %dma_start3A_103 = tpu.memref_slice %arg8[%mul3A_101, %dma_start3A_102] : memref<10240x128xf32, #tpu.memory_space<hbm>> -> memref<640x128xf32, #tpu.memory_space<hbm>>
        %dma_start3A_104 = arith.constant 0 : i32
        %dma_start3A_105 = tpu.memref_slice %arg9[%mul3A_99, %dma_start3A_104] : memref<10240x128xf32, #tpu.memory_space<vmem_shared>> -> memref<640x128xf32, #tpu.memory_space<vmem_shared>>
        tpu.enqueue_dma source(%dma_start3A_105 : memref<640x128xf32, #tpu.memory_space<vmem_shared>>) target(%dma_start3A_103 : memref<640x128xf32, #tpu.memory_space<hbm>>) target_semaphore(%run_scoped3A : memref<!tpu.dma_semaphore, #tpu.memory_space<semaphore_mem>>)
        %dma_wait3A = arith.constant 0 : i32
        %dma_wait3A_106 = tpu.memref_slice %arg8[%mul3A_101, %dma_wait3A] : memref<10240x128xf32, #tpu.memory_space<hbm>> -> memref<640x128xf32, #tpu.memory_space<hbm>>
        %dma_wait3A_107 = arith.constant 0 : i32
        %dma_wait3A_108 = tpu.memref_slice %arg9[%mul3A_99, %dma_wait3A_107] : memref<10240x128xf32, #tpu.memory_space<vmem_shared>> -> memref<640x128xf32, #tpu.memory_space<vmem_shared>>
        tpu.wait_dma2 semaphore(%run_scoped3A : memref<!tpu.dma_semaphore, #tpu.memory_space<semaphore_mem>>) src(%dma_wait3A_108 : memref<640x128xf32, #tpu.memory_space<vmem_shared>>) dst(%dma_wait3A_106 : memref<640x128xf32, #tpu.memory_space<hbm>>)
        tpu.yield
      }) : () -> ()
    } else {
    }
    return
  }
}

module attributes {stable_mosaic.version = 14 : i64} {
  func.func @body(%arg0: memref<10000x128xf32, #tpu.memory_space<vmem>>, %arg1: memref<10000x6xf32, #tpu.memory_space<vmem>>, %arg2: memref<128x128xf32, #tpu.memory_space<vmem>>, %arg3: memref<1x128xf32, #tpu.memory_space<vmem>>, %arg4: memref<128x128xf32, #tpu.memory_space<vmem>>, %arg5: memref<128x128xf32, #tpu.memory_space<vmem>>, %arg6: memref<128x128xf32, #tpu.memory_space<vmem>>, %arg7: memref<6x64xf32, #tpu.memory_space<vmem>>, %arg8: memref<64x128xf32, #tpu.memory_space<vmem>>, %arg9: memref<1x64xf32, #tpu.memory_space<vmem>>, %arg10: memref<1x128xf32, #tpu.memory_space<vmem>>, %arg11: memref<128x64xf32, #tpu.memory_space<vmem>>, %arg12: memref<1x64xf32, #tpu.memory_space<vmem>>, %arg13: memref<64x128xf32, #tpu.memory_space<vmem>>, %arg14: memref<1x128xf32, #tpu.memory_space<vmem>>, %arg15: memref<10000x128xi32, #tpu.memory_space<vmem>>, %arg16: memref<10000x128xf32, #tpu.memory_space<vmem>>, %arg17: memref<10240x128xf32, #tpu.memory_space<vmem>>, %arg18: memref<10240x128xf32, #tpu.memory_space<vmem>>) attributes {dimension_semantics = [], scalar_prefetch = 0 : i64, scratch_operands = 0 : i64, tpu.core_type = #tpu.core_type<tc>} {
    %get3A = arith.constant 0 : index
    %get3A_0 = arith.constant 0 : index
    %get3A_1 = vector.load %arg0[%get3A, %get3A_0] : memref<10000x128xf32, #tpu.memory_space<vmem>>, vector<10000x128xf32>
    %get3A_2 = arith.constant 0 : index
    %get3A_3 = arith.constant 0 : index
    %get3A_4 = vector.load %arg2[%get3A_2, %get3A_3] : memref<128x128xf32, #tpu.memory_space<vmem>>, vector<128x128xf32>
    %dot_general3A = arith.constant dense<0.000000e+00> : vector<10000x128xf32>
    %dot_general3A_5 = tpu.matmul %get3A_1, %get3A_4, %dot_general3A {dimension_numbers = #tpu.dot_dimension_numbers<[1], [0], [0], [1], [0, 0, 1, 1], [], []>, transpose_lhs_hint = false} : vector<10000x128xf32>, vector<128x128xf32>, vector<10000x128xf32> -> vector<10000x128xf32>
    %get3A_6 = arith.constant 0 : index
    %get3A_7 = arith.constant 0 : index
    %get3A_8 = vector.load %arg3[%get3A_6, %get3A_7] : memref<1x128xf32, #tpu.memory_space<vmem>>, vector<1x128xf32>
    %add3A = vector.broadcast %get3A_8 : vector<1x128xf32> to vector<10000x128xf32>
    %add3A_9 = arith.addf %dot_general3A_5, %add3A : vector<10000x128xf32>
    %max3A = arith.constant 0.000000e+00 : f32
    %max3A_10 = vector.broadcast %max3A : f32 to vector<10000x128xf32>
    %max3A_11 = arith.maximumf %add3A_9, %max3A_10 : vector<10000x128xf32>
    %get3A_12 = arith.constant 0 : index
    %get3A_13 = arith.constant 0 : index
    %get3A_14 = vector.load %arg5[%get3A_12, %get3A_13] : memref<128x128xf32, #tpu.memory_space<vmem>>, vector<128x128xf32>
    %dot_general3A_15 = arith.constant dense<0.000000e+00> : vector<10000x128xf32>
    %dot_general3A_16 = tpu.matmul %max3A_11, %get3A_14, %dot_general3A_15 {dimension_numbers = #tpu.dot_dimension_numbers<[1], [0], [0], [1], [0, 0, 1, 1], [], []>, transpose_lhs_hint = false} : vector<10000x128xf32>, vector<128x128xf32>, vector<10000x128xf32> -> vector<10000x128xf32>
    %get3A_17 = arith.constant 0 : index
    %get3A_18 = arith.constant 0 : index
    %get3A_19 = vector.load %arg6[%get3A_17, %get3A_18] : memref<128x128xf32, #tpu.memory_space<vmem>>, vector<128x128xf32>
    %dot_general3A_20 = arith.constant dense<0.000000e+00> : vector<10000x128xf32>
    %dot_general3A_21 = tpu.matmul %max3A_11, %get3A_19, %dot_general3A_20 {dimension_numbers = #tpu.dot_dimension_numbers<[1], [0], [0], [1], [0, 0, 1, 1], [], []>, transpose_lhs_hint = false} : vector<10000x128xf32>, vector<128x128xf32>, vector<10000x128xf32> -> vector<10000x128xf32>
    %get3A_22 = arith.constant 0 : index
    %get3A_23 = arith.constant 0 : index
    %get3A_24 = vector.load %arg4[%get3A_22, %get3A_23] : memref<128x128xf32, #tpu.memory_space<vmem>>, vector<128x128xf32>
    %dot_general3A_25 = arith.constant dense<0.000000e+00> : vector<10000x128xf32>
    %dot_general3A_26 = tpu.matmul %max3A_11, %get3A_24, %dot_general3A_25 {dimension_numbers = #tpu.dot_dimension_numbers<[1], [0], [0], [1], [0, 0, 1, 1], [], []>, transpose_lhs_hint = false} : vector<10000x128xf32>, vector<128x128xf32>, vector<10000x128xf32> -> vector<10000x128xf32>
    %get3A_27 = arith.constant 0 : index
    %get3A_28 = arith.constant 0 : index
    %get3A_29 = vector.load %arg1[%get3A_27, %get3A_28] : memref<10000x6xf32, #tpu.memory_space<vmem>>, vector<10000x6xf32>
    %get3A_30 = arith.constant 0 : index
    %get3A_31 = arith.constant 0 : index
    %get3A_32 = vector.load %arg7[%get3A_30, %get3A_31] : memref<6x64xf32, #tpu.memory_space<vmem>>, vector<6x64xf32>
    %dot_general3A_33 = arith.constant dense<0.000000e+00> : vector<10000x64xf32>
    %dot_general3A_34 = tpu.matmul %get3A_29, %get3A_32, %dot_general3A_33 {dimension_numbers = #tpu.dot_dimension_numbers<[1], [0], [0], [1], [0, 0, 1, 1], [], []>, transpose_lhs_hint = false} : vector<10000x6xf32>, vector<6x64xf32>, vector<10000x64xf32> -> vector<10000x64xf32>
    %get3A_35 = arith.constant 0 : index
    %get3A_36 = arith.constant 0 : index
    %get3A_37 = vector.load %arg11[%get3A_35, %get3A_36] : memref<128x64xf32, #tpu.memory_space<vmem>>, vector<128x64xf32>
    %dot_general3A_38 = arith.constant dense<0.000000e+00> : vector<10000x64xf32>
    %dot_general3A_39 = tpu.matmul %dot_general3A_16, %get3A_37, %dot_general3A_38 {dimension_numbers = #tpu.dot_dimension_numbers<[1], [0], [0], [1], [0, 0, 1, 1], [], []>, transpose_lhs_hint = false} : vector<10000x128xf32>, vector<128x64xf32>, vector<10000x64xf32> -> vector<10000x64xf32>
    %dot_general3A_40 = arith.constant dense<0.000000e+00> : vector<10000x64xf32>
    %dot_general3A_41 = tpu.matmul %dot_general3A_21, %get3A_37, %dot_general3A_40 {dimension_numbers = #tpu.dot_dimension_numbers<[1], [0], [0], [1], [0, 0, 1, 1], [], []>, transpose_lhs_hint = false} : vector<10000x128xf32>, vector<128x64xf32>, vector<10000x64xf32> -> vector<10000x64xf32>
    %get3A_42 = arith.constant 0 : index
    %get3A_43 = arith.constant 0 : index
    %get3A_44 = vector.load %arg9[%get3A_42, %get3A_43] : memref<1x64xf32, #tpu.memory_space<vmem>>, vector<1x64xf32>
    %max3A_45 = arith.constant 0.000000e+00 : f32
    %max3A_46 = vector.broadcast %max3A_45 : f32 to vector<1x64xf32>
    %max3A_47 = arith.maximumf %get3A_44, %max3A_46 : vector<1x64xf32>
    %get3A_48 = arith.constant 0 : index
    %get3A_49 = arith.constant 0 : index
    %get3A_50 = vector.load %arg8[%get3A_48, %get3A_49] : memref<64x128xf32, #tpu.memory_space<vmem>>, vector<64x128xf32>
    %dot_general3A_51 = arith.constant dense<0.000000e+00> : vector<1x128xf32>
    %dot_general3A_52 = tpu.matmul %max3A_47, %get3A_50, %dot_general3A_51 {dimension_numbers = #tpu.dot_dimension_numbers<[1], [0], [0], [1], [0, 0, 1, 1], [], []>, transpose_lhs_hint = false} : vector<1x64xf32>, vector<64x128xf32>, vector<1x128xf32> -> vector<1x128xf32>
    %get3A_53 = arith.constant 0 : index
    %get3A_54 = arith.constant 0 : index
    %get3A_55 = vector.load %arg10[%get3A_53, %get3A_54] : memref<1x128xf32, #tpu.memory_space<vmem>>, vector<1x128xf32>
    %add3A_56 = arith.addf %dot_general3A_52, %get3A_55 : vector<1x128xf32>
    %max3A_57 = arith.constant 0.000000e+00 : f32
    %max3A_58 = vector.broadcast %max3A_57 : f32 to vector<1x128xf32>
    %max3A_59 = arith.maximumf %add3A_56, %max3A_58 : vector<1x128xf32>
    %dot_general3A_60 = arith.constant dense<0.000000e+00> : vector<1x64xf32>
    %dot_general3A_61 = tpu.matmul %max3A_59, %get3A_37, %dot_general3A_60 {dimension_numbers = #tpu.dot_dimension_numbers<[1], [0], [0], [1], [0, 0, 1, 1], [], []>, transpose_lhs_hint = false} : vector<1x128xf32>, vector<128x64xf32>, vector<1x64xf32> -> vector<1x64xf32>
    %sub3A = arith.subf %dot_general3A_41, %dot_general3A_39 : vector<10000x64xf32>
    %add3A_62 = vector.broadcast %dot_general3A_61 : vector<1x64xf32> to vector<10000x64xf32>
    %add3A_63 = arith.addf %sub3A, %add3A_62 : vector<10000x64xf32>
    %get3A_64 = arith.constant 0 : index
    %get3A_65 = arith.constant 0 : index
    %get3A_66 = vector.load %arg12[%get3A_64, %get3A_65] : memref<1x64xf32, #tpu.memory_space<vmem>>, vector<1x64xf32>
    %add3A_67 = vector.broadcast %get3A_66 : vector<1x64xf32> to vector<10000x64xf32>
    %add3A_68 = arith.addf %add3A_63, %add3A_67 : vector<10000x64xf32>
    %max3A_69 = arith.constant 0.000000e+00 : f32
    %max3A_70 = vector.broadcast %max3A_69 : f32 to vector<10000x64xf32>
    %max3A_71 = arith.maximumf %add3A_68, %max3A_70 : vector<10000x64xf32>
    %get3A_72 = arith.constant 0 : index
    %get3A_73 = arith.constant 0 : index
    %get3A_74 = vector.load %arg13[%get3A_72, %get3A_73] : memref<64x128xf32, #tpu.memory_space<vmem>>, vector<64x128xf32>
    %dot_general3A_75 = arith.constant dense<0.000000e+00> : vector<10000x128xf32>
    %dot_general3A_76 = tpu.matmul %max3A_71, %get3A_74, %dot_general3A_75 {dimension_numbers = #tpu.dot_dimension_numbers<[1], [0], [0], [1], [0, 0, 1, 1], [], []>, transpose_lhs_hint = false} : vector<10000x64xf32>, vector<64x128xf32>, vector<10000x128xf32> -> vector<10000x128xf32>
    %get3A_77 = arith.constant 0 : index
    %get3A_78 = arith.constant 0 : index
    %get3A_79 = vector.load %arg14[%get3A_77, %get3A_78] : memref<1x128xf32, #tpu.memory_space<vmem>>, vector<1x128xf32>
    %add3A_80 = vector.broadcast %get3A_79 : vector<1x128xf32> to vector<10000x128xf32>
    %add3A_81 = arith.addf %dot_general3A_76, %add3A_80 : vector<10000x128xf32>
    %max3A_82 = arith.constant 0.000000e+00 : f32
    %max3A_83 = vector.broadcast %max3A_82 : f32 to vector<10000x128xf32>
    %max3A_84 = arith.maximumf %add3A_81, %max3A_83 : vector<10000x128xf32>
    %exp3A = math.exp %max3A_84 : vector<10000x128xf32>
    %broadcast_in_dim3A = arith.constant 0.000000e+00 : f32
    %broadcast_in_dim3A_85 = vector.broadcast %broadcast_in_dim3A : f32 to vector<240x128xf32>
    %concatenate3A = tpu.concatenate %exp3A, %broadcast_in_dim3A_85 in 0 : vector<10000x128xf32>, vector<240x128xf32> -> vector<10240x128xf32>
    %swap3A = arith.constant 0 : index
    %swap3A_86 = arith.constant 0 : index
    %swap3A_87 = vector.load %arg17[%swap3A, %swap3A_86] : memref<10240x128xf32, #tpu.memory_space<vmem>>, vector<10240x128xf32>
    tpu.vector_store %arg17[%swap3A, %swap3A_86], %concatenate3A {strides = array<i32>} : memref<10240x128xf32, #tpu.memory_space<vmem>>, vector<10240x128xf32>,
    %add3A_88 = vector.broadcast %max3A_59 : vector<1x128xf32> to vector<10000x128xf32>
    %add3A_89 = arith.addf %dot_general3A_26, %add3A_88 : vector<10000x128xf32>
    %mul3A = arith.mulf %exp3A, %add3A_89 : vector<10000x128xf32>
    %concatenate3A_90 = tpu.concatenate %mul3A, %broadcast_in_dim3A_85 in 0 : vector<10000x128xf32>, vector<240x128xf32> -> vector<10240x128xf32>
    %swap3A_91 = arith.constant 0 : index
    %swap3A_92 = arith.constant 0 : index
    %swap3A_93 = vector.load %arg18[%swap3A_91, %swap3A_92] : memref<10240x128xf32, #tpu.memory_space<vmem>>, vector<10240x128xf32>
    tpu.vector_store %arg18[%swap3A_91, %swap3A_92], %concatenate3A_90 {strides = array<i32>} : memref<10240x128xf32, #tpu.memory_space<vmem>>, vector<10240x128xf32>,
    %concatenate3A_94 = tpu.concatenate %dot_general3A_39, %dot_general3A_34 in 1 : vector<10000x64xf32>, vector<10000x64xf32> -> vector<10000x128xf32>
    %bitcast_convert_type3A = tpu.bitcast %concatenate3A_94 : vector<10000x128xf32> -> vector<10000x128xi32>
    %add3A_95 = arith.constant 32768 : i32
    %add3A_96 = vector.broadcast %add3A_95 : i32 to vector<10000x128xi32>
    %add3A_97 = arith.addi %bitcast_convert_type3A, %add3A_96 : vector<10000x128xi32>
    %bitcast_convert_type3A_98 = tpu.bitcast %dot_general3A_26 : vector<10000x128xf32> -> vector<10000x128xi32>
    %add3A_99 = arith.constant 32768 : i32
    %add3A_100 = vector.broadcast %add3A_99 : i32 to vector<10000x128xi32>
    %add3A_101 = arith.addi %bitcast_convert_type3A_98, %add3A_100 : vector<10000x128xi32>
    %shift_right_logical3A = arith.constant 16 : i32
    %shift_right_logical3A_102 = vector.broadcast %shift_right_logical3A : i32 to vector<10000x128xi32>
    %shift_right_logical3A_103 = arith.shrui %add3A_97, %shift_right_logical3A_102 : vector<10000x128xi32>
    %and3A = arith.constant -65536 : i32
    %and3A_104 = vector.broadcast %and3A : i32 to vector<10000x128xi32>
    %and3A_105 = arith.andi %add3A_101, %and3A_104 : vector<10000x128xi32>
    %or3A = arith.ori %shift_right_logical3A_103, %and3A_105 : vector<10000x128xi32>
    %swap3A_106 = arith.constant 0 : index
    %swap3A_107 = arith.constant 0 : index
    %swap3A_108 = vector.load %arg15[%swap3A_106, %swap3A_107] : memref<10000x128xi32, #tpu.memory_space<vmem>>, vector<10000x128xi32>
    tpu.vector_store %arg15[%swap3A_106, %swap3A_107], %or3A {strides = array<i32>} : memref<10000x128xi32, #tpu.memory_space<vmem>>, vector<10000x128xi32>,
    %concatenate3A_109 = tpu.concatenate %dot_general3A_41, %dot_general3A_34 in 1 : vector<10000x64xf32>, vector<10000x64xf32> -> vector<10000x128xf32>
    %swap3A_110 = arith.constant 0 : index
    %swap3A_111 = arith.constant 0 : index
    %swap3A_112 = vector.load %arg16[%swap3A_110, %swap3A_111] : memref<10000x128xf32, #tpu.memory_space<vmem>>, vector<10000x128xf32>
    tpu.vector_store %arg16[%swap3A_110, %swap3A_111], %concatenate3A_109 {strides = array<i32>} : memref<10000x128xf32, #tpu.memory_space<vmem>>, vector<10000x128xf32>,
    return
  }
}

module attributes {stable_mosaic.version = 14 : i64} {
  func.func @body(%arg0: i32, %arg1: memref<2000x128xi32, #tpu.memory_space<vmem>>, %arg2: memref<2000x128xf32, #tpu.memory_space<vmem>>, %arg3: memref<1x64xf32, #tpu.memory_space<vmem>>, %arg4: memref<64x128xf32, #tpu.memory_space<vmem>>, %arg5: memref<1x128xf32, #tpu.memory_space<vmem>>, %arg6: memref<128x64xf32, #tpu.memory_space<vmem>>, %arg7: memref<1x64xf32, #tpu.memory_space<vmem>>, %arg8: memref<64x128xf32, #tpu.memory_space<vmem>>, %arg9: memref<1x128xf32, #tpu.memory_space<vmem>>, %arg10: memref<2000x128xf32, #tpu.memory_space<vmem>>, %arg11: memref<2000x128xf32, #tpu.memory_space<vmem>>) attributes {dimension_semantics = [#tpu.dimension_semantics<arbitrary>], iteration_bounds = array<i64: 80>, scalar_prefetch = 0 : i64, scratch_operands = 0 : i64, tpu.core_type = #tpu.core_type<tc>, window_params = [{transform_indices = @transform_0, window_bounds = array<i64: 2000, 128>}, {transform_indices = @transform_1, window_bounds = array<i64: 2000, 128>}, {pipeline_mode = #tpu.pipeline_mode<synchronous>, transform_indices = @transform_2, window_bounds = array<i64: 1, 64>}, {pipeline_mode = #tpu.pipeline_mode<synchronous>, transform_indices = @transform_3, window_bounds = array<i64: 64, 128>}, {pipeline_mode = #tpu.pipeline_mode<synchronous>, transform_indices = @transform_4, window_bounds = array<i64: 1, 128>}, {pipeline_mode = #tpu.pipeline_mode<synchronous>, transform_indices = @transform_5, window_bounds = array<i64: 128, 64>}, {pipeline_mode = #tpu.pipeline_mode<synchronous>, transform_indices = @transform_6, window_bounds = array<i64: 1, 64>}, {pipeline_mode = #tpu.pipeline_mode<synchronous>, transform_indices = @transform_7, window_bounds = array<i64: 64, 128>}, {pipeline_mode = #tpu.pipeline_mode<synchronous>, transform_indices = @transform_8, window_bounds = array<i64: 1, 128>}, {transform_indices = @transform_9, window_bounds = array<i64: 2000, 128>}, {transform_indices = @transform_10, window_bounds = array<i64: 2000, 128>}]} {
    %get3A = arith.constant 0 : index
    %get3A_0 = arith.constant 0 : index
    %get3A_1 = vector.load %arg1[%get3A, %get3A_0] : memref<2000x128xi32, #tpu.memory_space<vmem>>, vector<2000x128xi32>
    %shift_left3A = arith.constant 16 : i32
    %shift_left3A_2 = vector.broadcast %shift_left3A : i32 to vector<2000x128xi32>
    %shift_left3A_3 = arith.shli %get3A_1, %shift_left3A_2 : vector<2000x128xi32>
    %bitcast_convert_type3A = tpu.bitcast %shift_left3A_3 : vector<2000x128xi32> -> vector<2000x128xf32>
    %and3A = arith.constant -65536 : i32
    %and3A_4 = vector.broadcast %and3A : i32 to vector<2000x128xi32>
    %and3A_5 = arith.andi %get3A_1, %and3A_4 : vector<2000x128xi32>
    %bitcast_convert_type3A_6 = tpu.bitcast %and3A_5 : vector<2000x128xi32> -> vector<2000x128xf32>
    %get3A_7 = arith.constant 0 : index
    %get3A_8 = arith.constant 0 : index
    %get3A_9 = vector.load %arg2[%get3A_7, %get3A_8] : memref<2000x128xf32, #tpu.memory_space<vmem>>, vector<2000x128xf32>
    %sub3A = arith.subf %get3A_9, %bitcast_convert_type3A : vector<2000x128xf32>
    %slice3A = vector.extract_strided_slice %sub3A {offsets = [0, 64], sizes = [2000, 64], strides = [1, 1]} : vector<2000x128xf32> to vector<2000x64xf32>
    %get3A_10 = arith.constant 0 : index
    %get3A_11 = arith.constant 0 : index
    %get3A_12 = vector.load %arg3[%get3A_10, %get3A_11] : memref<1x64xf32, #tpu.memory_space<vmem>>, vector<1x64xf32>
    %add3A = vector.broadcast %get3A_12 : vector<1x64xf32> to vector<2000x64xf32>
    %add3A_13 = arith.addf %slice3A, %add3A : vector<2000x64xf32>
    %max3A = arith.constant 0.000000e+00 : f32
    %max3A_14 = vector.broadcast %max3A : f32 to vector<2000x64xf32>
    %max3A_15 = arith.maximumf %add3A_13, %max3A_14 : vector<2000x64xf32>
    %get3A_16 = arith.constant 0 : index
    %get3A_17 = arith.constant 0 : index
    %get3A_18 = vector.load %arg4[%get3A_16, %get3A_17] : memref<64x128xf32, #tpu.memory_space<vmem>>, vector<64x128xf32>
    %dot_general3A = arith.constant dense<0.000000e+00> : vector<2000x128xf32>
    %dot_general3A_19 = tpu.matmul %max3A_15, %get3A_18, %dot_general3A {dimension_numbers = #tpu.dot_dimension_numbers<[1], [0], [0], [1], [0, 0, 1, 1], [], []>, transpose_lhs_hint = false} : vector<2000x64xf32>, vector<64x128xf32>, vector<2000x128xf32> -> vector<2000x128xf32>
    %get3A_20 = arith.constant 0 : index
    %get3A_21 = arith.constant 0 : index
    %get3A_22 = vector.load %arg5[%get3A_20, %get3A_21] : memref<1x128xf32, #tpu.memory_space<vmem>>, vector<1x128xf32>
    %add3A_23 = vector.broadcast %get3A_22 : vector<1x128xf32> to vector<2000x128xf32>
    %add3A_24 = arith.addf %dot_general3A_19, %add3A_23 : vector<2000x128xf32>
    %max3A_25 = arith.constant 0.000000e+00 : f32
    %max3A_26 = vector.broadcast %max3A_25 : f32 to vector<2000x128xf32>
    %max3A_27 = arith.maximumf %add3A_24, %max3A_26 : vector<2000x128xf32>
    %slice3A_28 = vector.extract_strided_slice %sub3A {offsets = [0, 0], sizes = [2000, 64], strides = [1, 1]} : vector<2000x128xf32> to vector<2000x64xf32>
    %get3A_29 = arith.constant 0 : index
    %get3A_30 = arith.constant 0 : index
    %get3A_31 = vector.load %arg6[%get3A_29, %get3A_30] : memref<128x64xf32, #tpu.memory_space<vmem>>, vector<128x64xf32>
    %dot_general3A_32 = arith.constant dense<0.000000e+00> : vector<2000x64xf32>
    %dot_general3A_33 = tpu.matmul %max3A_27, %get3A_31, %dot_general3A_32 {dimension_numbers = #tpu.dot_dimension_numbers<[1], [0], [0], [1], [0, 0, 1, 1], [], []>, transpose_lhs_hint = false} : vector<2000x128xf32>, vector<128x64xf32>, vector<2000x64xf32> -> vector<2000x64xf32>
    %add3A_34 = arith.addf %slice3A_28, %dot_general3A_33 : vector<2000x64xf32>
    %get3A_35 = arith.constant 0 : index
    %get3A_36 = arith.constant 0 : index
    %get3A_37 = vector.load %arg7[%get3A_35, %get3A_36] : memref<1x64xf32, #tpu.memory_space<vmem>>, vector<1x64xf32>
    %add3A_38 = vector.broadcast %get3A_37 : vector<1x64xf32> to vector<2000x64xf32>
    %add3A_39 = arith.addf %add3A_34, %add3A_38 : vector<2000x64xf32>
    %max3A_40 = arith.constant 0.000000e+00 : f32
    %max3A_41 = vector.broadcast %max3A_40 : f32 to vector<2000x64xf32>
    %max3A_42 = arith.maximumf %add3A_39, %max3A_41 : vector<2000x64xf32>
    %get3A_43 = arith.constant 0 : index
    %get3A_44 = arith.constant 0 : index
    %get3A_45 = vector.load %arg8[%get3A_43, %get3A_44] : memref<64x128xf32, #tpu.memory_space<vmem>>, vector<64x128xf32>
    %dot_general3A_46 = arith.constant dense<0.000000e+00> : vector<2000x128xf32>
    %dot_general3A_47 = tpu.matmul %max3A_42, %get3A_45, %dot_general3A_46 {dimension_numbers = #tpu.dot_dimension_numbers<[1], [0], [0], [1], [0, 0, 1, 1], [], []>, transpose_lhs_hint = false} : vector<2000x64xf32>, vector<64x128xf32>, vector<2000x128xf32> -> vector<2000x128xf32>
    %get3A_48 = arith.constant 0 : index
    %get3A_49 = arith.constant 0 : index
    %get3A_50 = vector.load %arg9[%get3A_48, %get3A_49] : memref<1x128xf32, #tpu.memory_space<vmem>>, vector<1x128xf32>
    %add3A_51 = vector.broadcast %get3A_50 : vector<1x128xf32> to vector<2000x128xf32>
    %add3A_52 = arith.addf %dot_general3A_47, %add3A_51 : vector<2000x128xf32>
    %max3A_53 = arith.constant 0.000000e+00 : f32
    %max3A_54 = vector.broadcast %max3A_53 : f32 to vector<2000x128xf32>
    %max3A_55 = arith.maximumf %add3A_52, %max3A_54 : vector<2000x128xf32>
    %exp3A = math.exp %max3A_55 : vector<2000x128xf32>
    %swap3A = arith.constant 0 : index
    %swap3A_56 = arith.constant 0 : index
    %swap3A_57 = vector.load %arg10[%swap3A, %swap3A_56] : memref<2000x128xf32, #tpu.memory_space<vmem>>, vector<2000x128xf32>
    tpu.vector_store %arg10[%swap3A, %swap3A_56], %exp3A {strides = array<i32>} : memref<2000x128xf32, #tpu.memory_space<vmem>>, vector<2000x128xf32>,
    %add3A_58 = arith.addf %bitcast_convert_type3A_6, %max3A_27 : vector<2000x128xf32>
    %mul3A = arith.mulf %exp3A, %add3A_58 : vector<2000x128xf32>
    %swap3A_59 = arith.constant 0 : index
    %swap3A_60 = arith.constant 0 : index
    %swap3A_61 = vector.load %arg11[%swap3A_59, %swap3A_60] : memref<2000x128xf32, #tpu.memory_space<vmem>>, vector<2000x128xf32>
    tpu.vector_store %arg11[%swap3A_59, %swap3A_60], %mul3A {strides = array<i32>} : memref<2000x128xf32, #tpu.memory_space<vmem>>, vector<2000x128xf32>,
    return
  }
  func.func @transform_0(%arg0: i32) -> (i32, i32) {
    %c0_i32 = arith.constant 0 : i32
    %c0_i32_0 = arith.constant 0 : i32
    return %arg0, %c0_i32 : i32, i32
  }
  func.func @transform_1(%arg0: i32) -> (i32, i32) {
    %c0_i32 = arith.constant 0 : i32
    %c0_i32_0 = arith.constant 0 : i32
    return %arg0, %c0_i32 : i32, i32
  }
  func.func @transform_2(%arg0: i32) -> (i32, i32) {
    %c0_i32 = arith.constant 0 : i32
    %c0_i32_0 = arith.constant 0 : i32
    %c0_i32_1 = arith.constant 0 : i32
    return %c0_i32, %c0_i32_0 : i32, i32
  }
  func.func @transform_3(%arg0: i32) -> (i32, i32) {
    %c0_i32 = arith.constant 0 : i32
    %c0_i32_0 = arith.constant 0 : i32
    %c0_i32_1 = arith.constant 0 : i32
    return %c0_i32, %c0_i32_0 : i32, i32
  }
  func.func @transform_4(%arg0: i32) -> (i32, i32) {
    %c0_i32 = arith.constant 0 : i32
    %c0_i32_0 = arith.constant 0 : i32
    %c0_i32_1 = arith.constant 0 : i32
    return %c0_i32, %c0_i32_0 : i32, i32
  }
  func.func @transform_5(%arg0: i32) -> (i32, i32) {
    %c0_i32 = arith.constant 0 : i32
    %c0_i32_0 = arith.constant 0 : i32
    %c0_i32_1 = arith.constant 0 : i32
    return %c0_i32, %c0_i32_0 : i32, i32
  }
  func.func @transform_6(%arg0: i32) -> (i32, i32) {
    %c0_i32 = arith.constant 0 : i32
    %c0_i32_0 = arith.constant 0 : i32
    %c0_i32_1 = arith.constant 0 : i32
    return %c0_i32, %c0_i32_0 : i32, i32
  }
  func.func @transform_7(%arg0: i32) -> (i32, i32) {
    %c0_i32 = arith.constant 0 : i32
    %c0_i32_0 = arith.constant 0 : i32
    %c0_i32_1 = arith.constant 0 : i32
    return %c0_i32, %c0_i32_0 : i32, i32
  }
  func.func @transform_8(%arg0: i32) -> (i32, i32) {
    %c0_i32 = arith.constant 0 : i32
    %c0_i32_0 = arith.constant 0 : i32
    %c0_i32_1 = arith.constant 0 : i32
    return %c0_i32, %c0_i32_0 : i32, i32
  }
  func.func @transform_9(%arg0: i32) -> (i32, i32) {
    %c0_i32 = arith.constant 0 : i32
    %c0_i32_0 = arith.constant 0 : i32
    return %arg0, %c0_i32 : i32, i32
  }
  func.func @transform_10(%arg0: i32) -> (i32, i32) {
    %c0_i32 = arith.constant 0 : i32
    %c0_i32_0 = arith.constant 0 : i32
    return %arg0, %c0_i32 : i32, i32
  }
}

module attributes {stable_mosaic.version = 14 : i64} {
  func.func @body(%arg0: memref<10240x128xf32, #tpu.memory_space<vmem>>, %arg1: memref<10240x128xf32, #tpu.memory_space<vmem>>, %arg2: memref<10000x128xf32, #tpu.memory_space<vmem>>, %arg3: memref<128x128xf32, #tpu.memory_space<vmem>>, %arg4: memref<1x128xf32, #tpu.memory_space<vmem>>, %arg5: memref<10000x128xf32, #tpu.memory_space<vmem>>) attributes {dimension_semantics = [], scalar_prefetch = 0 : i64, scratch_operands = 0 : i64, tpu.core_type = #tpu.core_type<tc>} {
    %get3A = arith.constant 0 : index
    %get3A_0 = arith.constant 0 : index
    %get3A_1 = vector.load %arg1[%get3A, %get3A_0] : memref<10240x128xf32, #tpu.memory_space<vmem>>, vector<10000x128xf32>
    %get3A_2 = arith.constant 0 : index
    %get3A_3 = arith.constant 0 : index
    %get3A_4 = vector.load %arg0[%get3A_2, %get3A_3] : memref<10240x128xf32, #tpu.memory_space<vmem>>, vector<10000x128xf32>
    %div3A = arith.divf %get3A_1, %get3A_4 : vector<10000x128xf32>
    %get3A_5 = arith.constant 0 : index
    %get3A_6 = arith.constant 0 : index
    %get3A_7 = vector.load %arg3[%get3A_5, %get3A_6] : memref<128x128xf32, #tpu.memory_space<vmem>>, vector<128x128xf32>
    %dot_general3A = arith.constant dense<0.000000e+00> : vector<10000x128xf32>
    %dot_general3A_8 = tpu.matmul %div3A, %get3A_7, %dot_general3A {dimension_numbers = #tpu.dot_dimension_numbers<[1], [0], [0], [1], [0, 0, 1, 1], [], []>, transpose_lhs_hint = false} : vector<10000x128xf32>, vector<128x128xf32>, vector<10000x128xf32> -> vector<10000x128xf32>
    %get3A_9 = arith.constant 0 : index
    %get3A_10 = arith.constant 0 : index
    %get3A_11 = vector.load %arg4[%get3A_9, %get3A_10] : memref<1x128xf32, #tpu.memory_space<vmem>>, vector<1x128xf32>
    %add3A = vector.broadcast %get3A_11 : vector<1x128xf32> to vector<10000x128xf32>
    %add3A_12 = arith.addf %dot_general3A_8, %add3A : vector<10000x128xf32>
    %max3A = arith.constant 0.000000e+00 : f32
    %max3A_13 = vector.broadcast %max3A : f32 to vector<10000x128xf32>
    %max3A_14 = arith.maximumf %add3A_12, %max3A_13 : vector<10000x128xf32>
    %get3A_15 = arith.constant 0 : index
    %get3A_16 = arith.constant 0 : index
    %get3A_17 = vector.load %arg2[%get3A_15, %get3A_16] : memref<10000x128xf32, #tpu.memory_space<vmem>>, vector<10000x128xf32>
    %add3A_18 = arith.addf %max3A_14, %get3A_17 : vector<10000x128xf32>
    %swap3A = arith.constant 0 : index
    %swap3A_19 = arith.constant 0 : index
    %swap3A_20 = vector.load %arg5[%swap3A, %swap3A_19] : memref<10000x128xf32, #tpu.memory_space<vmem>>, vector<10000x128xf32>
    tpu.vector_store %arg5[%swap3A, %swap3A_19], %add3A_18 {strides = array<i32>} : memref<10000x128xf32, #tpu.memory_space<vmem>>, vector<10000x128xf32>,
    return
  }
}

</mosaic_0001>

<sc_bundles>
// kernel: kernel.10.cloned.1.call-start
scs
__scs_entry_jumppad:
0x0: {  	(pc) =	sbr.rel $0x88, $3  }
0x1: {  	(tag) =	ssettag $0x0;
	lr =	simm.s32 $0x1  }
0x2: {  	[smem:$0x3F8F] =	sst lr;
	_ =	strace $0xD0000000  }
0x3: {  	_ = 	snop  }
0x4: {  	_ = 	snop  }
0x5: {  	_ = 	snop  }
0x6: {  	_ = 	snop  }
0x7: {  	_ = 	snop  }
__scs_overlays_trampoline_lowered:
0x8: {  	[smem:$0x3F9E] =	sst s0  }
0x9: {  	[smem:$0x3F9F] =	sst s1  }
0xa: {  	[smem:$0x3FA0] =	sst s2  }
0xb: {  	[smem:$0x3FA1] =	sst s3  }
0xc: {  	[smem:$0x3FA2] =	sst s4  }
0xd: {  	[smem:$0x3FA3] =	sst s5  }
0xe: {  	[smem:$0x3FA4] =	sst s6  }
0xf: {  	[smem:$0x3FA5] =	sst s7  }
0x10: {  	[smem:$0x3FA6] =	sst s8  }
0x11: {  	[smem:$0x3FA7] =	sst s9;
	s0 =	simm.s32 @!p0 $0x0  }
0x12: {  	s1 =	sld [smem:$0x3F8D];
	s0 =	simm.s32 @p0 $0x1  }
0x13: {  	[smem:$0x3FA8] =	sst s0;
	s0 =	simm.s32 @!p1 $0x0  }
0x14: {  	s2 =	sld [smem:$0x3F8C];
	s0 =	simm.s32 @p1 $0x1  }
0x15: {  	[smem:$0x3FA9] =	sst s0;
	s0 =	simm.s32 @!p2 $0x0  }
0x16: {  	s3 =	sld [smem:$0x3FDB];
	s0 =	simm.s32 @p2 $0x1  }
0x17: {  	s4 =	simm.s32 $0x1BF5;
	[smem:$0x3FAB] =	sst s0  }
0x18: {  	s0 =	sld [smem:$0x3F8E];
	_ =	swait.ge [sflag:s4], $0x0  }
0x19: {  	s7 =	sld [smem:$0x3F8F]  }
0x1a: {  	s8 =	sadd.s32 $0xFFFFE003, lr  }
0x1b: {  	s9 =	sadd.s32 $0xFFFFFEF7, lr;
	s5 =	simm.s32 $0xFFFFFFFF;
	p2 =	slt.u32 s8, $0xFFFFF086  }
0x1c: {  	p1 =	slt.u32 s9, $0xF7A;
	s5 =	simm.s32 @!p2 $0x0  }
0x1d: {  	s5 =	simm.s32 @p1 $0x1;
	p0 =	seq.s32 s7, s2  }
0x1e: {  	s7 =	smul.u32 @!p0 $0xF7A, s2;
	p2 =	seq.s32 @!p0 s5, $0x0  }
0x1f: {  	s9 =	smul.u32 $0xF7A, s1;
	s8 =	simm.s32 @!p0 $0x1BF5;
	p2 =	por !p2, p0  }
0x20: {  	[sflag:s8] =	ssyncset.s32 @!p0 $0xFFFFF086;
	s6 =	sadd.s32 @!p0 s3, s7;
	s7 =	simm.s32 @!p0 $0x108  }
0x21: {  	s3 =	sadd.s32 s3, s9;
	s6 =	sadd.s32 @!p0 $0x88, s6;
	s7 =	simm.s32 @p2 $0x1082  }
0x22: {  	[simem:s7], [sflag:s8] =	dma.local @!p0 [hbm:s6], $0xF7A  }
0x23: {  	s9 =	sor.u32 $0xD0000000, s2;
	s6 =	simm.s32 $0x108;
	_ =	swait.ge @!p0 [sflag:s8], $0x0  }
0x24: {  	s3 =	sadd.s32 $0x88, s3;
	s6 =	simm.s32 @!p1 $0x1082;
	[sflag:s4] =	ssyncset.s32 $0xFFFFF086  }
0x25: {  	[simem:s6], [sflag:s4] =	dma.local [hbm:s3], $0xF7A  }
0x26: {  	[smem:$0x3F8F] =	sst s1;
	(tag) =	ssettag s2;
	_ =	strace s9  }
0x27: {  	s1 =	sld [smem:$0x3F9F]  }
0x28: {  	s2 =	sld [smem:$0x3FA0]  }
0x29: {  	s4 =	sld [smem:$0x3FA2]  }
0x2a: {  	p0 =	seq.s32 s5, $0x0;
	s5 =	sld [smem:$0x3FA3]  }
0x2b: {  	s6 =	sld [smem:$0x3FA4]  }
0x2c: {  	s7 =	sld [smem:$0x3FA5]  }
0x2d: {  	s3 =	simm.s32 $0x108;
	s8 =	sld [smem:$0x3FA6]  }
0x2e: {  	s3 =	simm.s32 @!p0 $0x1082;
	s9 =	sld [smem:$0x3FA7]  }
0x2f: {  	lr =	sadd.s32 s0, s3;
	s0 =	sld [smem:$0x3F9E]  }
0x30: {  	s3 =	sld [smem:$0x3FA1]  }
0x31: {  	[smem:$0x3FAA] =	sst s10  }
0x32: {  	s10 =	sld [smem:$0x3FA8];
	_ =	sdelay $0x3  }
0x33: {  	p0 =	seq.s32 s10, $0x1;
	s10 =	sld [smem:$0x3FAA];
	_ =	sdelay $0x3  }
0x34: {  	[smem:$0x3FAA] =	sst s10  }
0x35: {  	s10 =	sld [smem:$0x3FA9];
	_ =	sdelay $0x3  }
0x36: {  	p1 =	seq.s32 s10, $0x1;
	s10 =	sld [smem:$0x3FAA];
	_ =	sdelay $0x3  }
0x37: {  	[smem:$0x3FAA] =	sst s10  }
0x38: {  	s10 =	sld [smem:$0x3FAB]  }
0x39: {  	_ = 	snop;
	(pc) =	sbr.ind lr, $3  }
0x3a: {  	_ = 	snop  }
0x3b: {  	_ = 	snop  }
0x3c: {  	p2 =	seq.s32 s10, $0x1;
	s10 =	sld [smem:$0x3FAA]  }
0x3d: {  	_ =	shalt  }
0x3e: {  	_ =	shalt  }
0x3f: {  	_ =	shalt  }
0x40: {  	_ =	shalt  }
0x41: {  	_ =	shalt  }
0x42: {  	_ =	shalt  }
0x43: {  	_ =	shalt  }
0x44: {  	_ =	shalt  }
0x45: {  	_ =	shalt  }
0x46: {  	_ =	shalt  }
0x47: {  	_ =	shalt  }
0x48: {  	_ =	shalt  }
0x49: {  	_ =	shalt  }
0x4a: {  	_ =	shalt  }
0x4b: {  	_ =	shalt  }
0x4c: {  	_ =	shalt  }
0x4d: {  	_ =	shalt  }
0x4e: {  	_ =	shalt  }
0x4f: {  	_ =	shalt  }
0x50: {  	_ =	shalt  }
0x51: {  	_ =	shalt  }
0x52: {  	_ =	shalt  }
0x53: {  	_ =	shalt  }
0x54: {  	_ =	shalt  }
0x55: {  	_ =	shalt  }
0x56: {  	_ =	shalt  }
0x57: {  	_ =	shalt  }
0x58: {  	_ =	shalt  }
0x59: {  	_ =	shalt  }
0x5a: {  	_ =	shalt  }
0x5b: {  	_ =	shalt  }
0x5c: {  	_ =	shalt  }
0x5d: {  	_ =	shalt  }
0x5e: {  	_ =	shalt  }
0x5f: {  	_ =	shalt  }
0x60: {  	_ =	shalt  }
0x61: {  	_ =	shalt  }
0x62: {  	_ =	shalt  }
0x63: {  	_ =	shalt  }
0x64: {  	_ =	shalt  }
0x65: {  	_ =	shalt  }
0x66: {  	_ =	shalt  }
0x67: {  	_ =	shalt  }
0x68: {  	_ =	shalt  }
0x69: {  	_ =	shalt  }
0x6a: {  	_ =	shalt  }
0x6b: {  	_ =	shalt  }
0x6c: {  	_ =	shalt  }
0x6d: {  	_ =	shalt  }
0x6e: {  	_ =	shalt  }
0x6f: {  	_ =	shalt  }
0x70: {  	_ =	shalt  }
0x71: {  	_ =	shalt  }
0x72: {  	_ =	shalt  }
0x73: {  	_ =	shalt  }
0x74: {  	_ =	shalt  }
0x75: {  	_ =	shalt  }
0x76: {  	_ =	shalt  }
0x77: {  	_ =	shalt  }
0x78: {  	_ =	shalt  }
0x79: {  	_ =	shalt  }
0x7a: {  	_ =	shalt  }
0x7b: {  	_ =	shalt  }
0x7c: {  	_ =	shalt  }
0x7d: {  	_ =	shalt  }
0x7e: {  	_ =	shalt  }
0x7f: {  	_ =	shalt  }
0x80: {  	_ =	shalt  }
0x81: {  	_ =	shalt  }
0x82: {  	_ =	shalt  }
0x83: {  	_ =	shalt  }
0x84: {  	_ =	shalt  }
0x85: {  	_ =	shalt  }
0x86: {  	_ =	shalt  }
0x87: {  	_ =	shalt  }
.Lfunc_end0:
.L_simem_size_0:
called_computation_lowered:
.L_overlay_start_0:
0x88: {  	s2 =	sld [smem:$0x3FD9]  }
0x89: {  	s3 =	sld [smem:$0x3FFE];
	_ =	sdelay $0x1  }
0x8a: {  	s1 =	srdreg.scid  }
0x8b: {  	s0 =	sand.u32 $0x1, s1  }
0x8c: {  	s17 =	sshll.u32 s0, $0xA;
	s2 =	sadd.s32 s3, s2  }
0x8d: {  	s2 =	sadd.s32 s2, s17  }
0x8e: {  	[smem:$0x3FB6] =	sst s2  }
0x8f: {  	_ = 	snop  }
0x90: {  	s2 =	sld [smem:$0x3FD0];
	(tm) =	ssettm $0x1  }
0x91: {  	s18 =	sld [smem:$0x3FFB];
	_ =	sdelay $0x3  }
0x92: {  	_ =	strace s18  }
0x93: {  	s3 =	sld [smem:$0x3FFC];
	_ =	sdelay $0x3  }
0x94: {  	_ =	strace s3  }
0x95: {  	s3 =	sld [smem:$0x3FFD];
	_ =	sdelay $0x3  }
0x96: {  	_ =	strace s3  }
0x97: {  	_ =	strace $0x8FFFFFFF  }
0x98: {  	s19 =	sld [smem:$0x3FDB];
	_ =	sdelay $0x1  }
0x99: {  	s4 =	simm.s32 $_scs_section_size  }
0x9a: {  	s5 =	simm.s32 $_size__tile_overlayer_lowered;
	s6 =	simm.s32 $_tile_overlayer_lowered  }
0x9b: {  	s22 =	simm.s32 $0x1BFF;
	s21 =	sshll.u32 s6, $0x1;
	s3 =	sadd.s32 s4, s19  }
0x9c: {  	s7 =	simm.s32 $0x0;
	s20 =	sshll.u32 s5, $0x1;
	s5 =	sadd.s32 s21, s3  }
0x9d: {  	[timem:s7], [sflag:s22] =	dma.local [hbm:s5], s20  }
0x9e: {  	_ =	swait.ge [sflag:s22], s20  }
0x9f: {  	s4 =	ssub.s32 $0x0, s20;
	[sflag:s22] =	ssyncset.done $0x0  }
0xa0: {  	[sflag:s22] =	ssyncadd.s32 s4;
	_ =	sdelay $0x1  }
0xa1: {  	s23 =	simm.s32 $0x1B8B  }
0xa2: {  	_ =	swait.ge [sflag:s23], $0x1  }
0xa3: {  	[sflag:s23] =	ssyncset.done $0x0  }
0xa4: {  	s25 =	simm.s32 $0x1B8E;
	s24 =	sld [smem:$0x3FFE];
	[sflag:s23] =	ssyncadd.s32 $0xFFFFFFFF  }
0xa5: {  	s26 =	simm.s32 $execute0_lowered;
	[smem:$0x3FD2] =	sst s25  }
0xa6: {  	s5 =	sshll.u32 s26, $0x1;
	_ =	strace $0x80000046;
	[dreg:$0x1] =	wrdreg $0xFFFFFFFF  }
0xa7: {  	s28 =	simm.s32 $_size_execute0_lowered;
	s3 =	sadd.s32 s3, s5;
	[dreg:$0x0] =	wrdreg $0x0  }
0xa8: {  	s5 =	sshll.u32 s28, $0x1;
	[dreg:$0x2] =	wrdreg s3  }
0xa9: {  	[dreg:$0x3] =	wrdreg s5  }
0xaa: {  	[dreg:$0x4] =	wrdreg $0xC0  }
0xab: {  	_ =	task [dreg:s7], $0x5FFFF  }
0xac: {  	[dreg:$0x1] =	wrdreg $0xFFFFFFFF  }
0xad: {  	[dreg:$0x0] =	wrdreg $0x60  }
0xae: {  	[dreg:$0x2] =	wrdreg s2  }
0xaf: {  	[dreg:$0x3] =	wrdreg s24  }
0xb0: {  	[dreg:$0x4] =	wrdreg $0xA  }
0xb1: {  	_ =	task.clear_ibuf [dreg:s7], $0x5FFFF;
	_ =	strace $0x90000046  }
0xb2: {  	s29 =	simm.s32 $0xA;
	_ =	strace $0x80000048  }
0xb3: {  	_ =	swait.ge [sflag:s29], $0x1  }
0xb4: {  	[sflag:s29] =	ssyncadd.s32 $0xFFFFFFFF  }
0xb5: {  	_ =	strace $0x90000048  }
0xb6: {  	_ =	sfence  }
0xb7: {  	s30 =	sld [smem:$0x0];
	_ =	sdelay $0x2  }
0xb8: {  	s31 =	sshll.u32 s1, $0xD;
	s1 =	sshrl.u32 s1, $0x2  }
0xb9: {  	s3 =	sand.u32 $0x4000, s31;
	s1 =	sadd.s32 s1, s30  }
0xba: {  	s0 =	sor.u32 s3, s0;
	s1 =	sshll.u32 s1, $0x11  }
0xbb: {  	s0 =	sor.u32 s1, s0  }
0xbc: {  	s0 =	sadd.s32 $0x8F2B, s0  }
0xbd: {  	[sflag:s0] =	ssyncadd.remote.s32 $0x1  }
0xbe: {  	_ =	sfence.sel $0xFFFF  }
0xbf: {  	[dreg:$0x0] =	wrdreg $0xFFFFFFFF;
	(pc) =	sbr.abs _section_cstart, $3  }
0xc0: {  	[dreg:$0x1] =	wrdreg $0xFFFFFFFF  }
0xc1: {  	_ =	task.clear_ibuf [dreg:s7], $0x2FFFF;
	_ =	strace $0x9FFFFFFF  }
0xc2: {  	(tm) =	ssettm $0x7FFFFFFF  }
0xc3: {  	_ =	shalt  }
tec
execute0_lowered:
.L_overlay_start_1:
0x0: {  	(tag) =	ssettag $0x1  }
0x1: {  	s1 =	rddreg [dreg:$0x0]  }
0x2: {  	s0 =	rddreg [dreg:$0x1];
	s3 =	simm.s32 $0x0;
	s2 =	srdreg.scid  }
0x3: {  	s15 =	stileid.u32;
	s17 =	simm.s32 $0x80;
	s21 =	simm.s32 $0x5  }
0x4: {  	s22 =	simm.s32 $0x6;
	s23 =	simm.s32 $0x0;
	[smem:$0x7FF] =	sst s3  }
0x5: {  	s2 =	sand.u32 $0x1, s2;
	s6 =	sshll.u32 s15, $0x1;
	s4 =	sadd.s32 $0x5DE00, s0  }
0x6: {  	s5 =	sadd.s32 $0x3E00, s0;
	s13 =	sadd.s32 $0x85000, s0;
	s10 =	smul.u32 $0x4E, s15  }
0x7: {  	p0 =	seq.s32 s15, $0x0;
	_ =	strace $0x80000047;
	s7 =	sor.u32 s2, s6  }
0x8: {  	s6 =	sadd.s32 $0x8E00, s0;
	s9 =	ssub.s32 $0x2, s2;
	s8 =	smul.u32 $0x27, s7  }
0x9: {  	s2 =	smul.u32 $0x27, s2;
	s11 =	sshrl.u32 s9, $0x1;
	s12 =	smin.u32 s7, $0x2  }
0xa: {  	s0 =	sadd.s32 $0x2F6000, s0;
	s14 =	ssub.s32 s9, s11;
	s8 =	sadd.s32 s12, s8  }
0xb: {  	s2 =	sadd.s32 s2, s10;
	s31 =	smax.u32 s14, $0x1;
	s24 =	sshll.u32 s8, $0x4  }
0xc: {  	s2 =	sadd.s32 s12, s2;
	[dreg:$0xb] =	wrdreg s31;
	s8 =	sadd.s32 s5, s24  }
0xd: {  	s12 =	sshll.u32 s2, $0xB;
	s25 =	sadd.s32 s6, s24;
	[dreg:$0x7] =	wrdreg s8  }
0xe: {  	s7 =	simm.s32 $0x28;
	s29 =	sadd.s32 s12, s13;
	[dreg:$0x8] =	wrdreg s25  }
0xf: {  	s11 =	sadd.s32 $0x10, s24;
	s30 =	sadd.s32 s12, s0;
	[dreg:$0x3] =	wrdreg s29  }
0x10: {  	s7 =	simm.s32 @!p0 $0x27;
	s26 =	sadd.s32 s5, s11;
	[dreg:$0x4] =	wrdreg s30  }
0x11: {  	s16 =	sadd.s32 $0x800, s12;
	s28 =	sadd.s32 s6, s11;
	[dreg:$0x9] =	wrdreg s26  }
0x12: {  	s2 =	sshll.u32 s2, $0x4;
	s13 =	sadd.s32 s16, s13;
	[dreg:$0xa] =	wrdreg s28  }
0x13: {  	s0 =	sadd.s32 s16, s0;
	s16 =	simm.s32 $0x1;
	[dreg:$0x5] =	wrdreg s13  }
0x14: {  	[dreg:$0x6] =	wrdreg s0;
	s13 =	sadd.s32 $0x20, s2;
	s2 =	sadd.s32 $0x30, s2  }
.LBB2_1:
0x15: {  	s0 =	rddreg [dreg:$0x7]  }
0x16: {  	[tilespmem:s3], [sflag:$0x1] =	stream.linear.gather [hbm4b:s0+s3], $0x80, $0x38;
	[tilespmem:$0x10200] =	vst v63  }
0x17: {  	s18 =	rddreg [dreg:$0x8];
	s8 =	simm.s32 $0x100  }
0x18: {  	[tilespmem:s8], [sflag:$0x1] =	stream.linear.gather [hbm4b:s18+s3], $0x80, $0x38;
	[tilespmem:$0x10200] =	vst v63  }
0x19: {  	_ =	swait.ge [sflag:s16], $0x80  }
0x1a: {  	[sflag:s16] =	ssyncset.done $0x0  }
0x1b: {  	[sflag:s16] =	ssyncadd.s32 $0xFFFFFF80  }
0x1c: {  	_ =	swait.ge [sflag:s16], $0x80  }
0x1d: {  	[sflag:s16] =	ssyncset.done $0x0  }
0x1e: {  	s19 =	simm.s32 $0x200;
	[sflag:s16] =	ssyncadd.s32 $0xFFFFFF80  }
0x1f: {  	[tilespmem:s19], [sflag:$0x3] =	stream.indirect.gather [hbm4b:s1+s17], $0x80, s3, s17, $0xb8;
	[tilespmem:$0x10200] =	vst v63  }
0x20: {  	s20 =	simm.s32 $0x8200  }
0x21: {  	[tilespmem:s20], [sflag:$0x3] =	stream.indirect.gather [hbm4b:s4+s17], $0x80, s8, s17, $0xb8;
	[tilespmem:$0x10200] =	vst v63  }
0x22: {  	p1 =	sle.u32 s7, $0x1;
	s24 =	rddreg [dreg:$0x9]  }
0x23: {  	[tilespmem:s17], [sflag:$0x2] =	stream.linear.gather [hbm4b:s24+s3], $0x80, $0x38;
	[tilespmem:$0x10200] =	vst v63  }
0x24: {  	s26 =	simm.s32 $0x180;
	s0 =	simm.s32 @!p1 $0x2;
	s25 =	rddreg [dreg:$0xa]  }
0x25: {  	[tilespmem:s26], [sflag:$0x2] =	stream.linear.gather [hbm4b:s25+s3], $0x80, $0x38;
	[tilespmem:$0x10200] =	vst v63  }
0x26: {  	_ =	swait.ge @!p1 [sflag:s0], $0x80  }
0x27: {  	[sflag:s0] =	ssyncset.done @!p1 $0x0  }
0x28: {  	[sflag:s0] =	ssyncadd.s32 @!p1 $0xFFFFFF80  }
0x29: {  	p2 =	por @!p1 $0x1, $0x1;
	p0 =	por p1, p1;
	_ =	swait.ge @!p1 [sflag:s0], $0x80  }
0x2a: {  	p3 =	por p2, p1;
	[sflag:s0] =	ssyncset.done @!p0 $0x0  }
0x2b: {  	s14 =	simm.s32 @!p3 $0x6;
	[sflag:s0] =	ssyncadd.s32 @!p0 $0xFFFFFF80  }
0x2c: {  	_ =	swait.ge @!p3 [sflag:s14], $0x4000  }
0x2d: {  	[sflag:s14] =	ssyncset.done @!p3 $0x0  }
0x2e: {  	[sflag:s14] =	ssyncadd.s32 @!p3 $0xFFFFC000  }
0x2f: {  	_ =	swait.ge @!p3 [sflag:s14], $0x4000  }
0x30: {  	s30 =	simm.s32 @!p1 $0x4200;
	[sflag:s14] =	ssyncset.done @!p3 $0x0  }
0x31: {  	p2 =	sle.u32 s7, $0x0;
	s0 =	simm.s32 @!p1 $0x80;
	[sflag:s14] =	ssyncadd.s32 @!p3 $0xFFFFC000  }
0x32: {  	[tilespmem:s30], [sflag:$0x4] =	stream.indirect.gather @!p0 [hbm4b:s1+s0], $0x80, s0, s0, $0xb8;
	[tilespmem:$0x10200] =	vst v63  }
0x33: {  	s31 =	simm.s32 @!p0 $0xC200;
	s18 =	simm.s32 @!p2 $0x3;
	s14 =	simm.s32 @!p0 $0x180  }
0x34: {  	[tilespmem:s31], [sflag:$0x4] =	stream.indirect.gather @!p0 [hbm4b:s4+s0], $0x80, s14, s0, $0xb8;
	[tilespmem:$0x10200] =	vst v63  }
0x35: {  	_ =	swait.ge @!p2 [sflag:s18], $0x4000  }
0x36: {  	[sflag:s18] =	ssyncset.done @!p2 $0x0  }
0x37: {  	[sflag:s18] =	ssyncadd.s32 @!p2 $0xFFFFC000  }
0x38: {  	s20 =	simm.s32 @!p2 $0x0;
	_ =	swait.ge @!p2 [sflag:s18], $0x4000  }
0x39: {  	s14 =	simm.s32 @!p2 $0x200;
	s0 =	rddreg [dreg:$0x3];
	[sflag:s18] =	ssyncset.done @!p2 $0x0  }
0x3a: {  	s19 =	rddreg [dreg:$0x4];
	[sflag:s18] =	ssyncadd.s32 @!p2 $0xFFFFC000;
	s0 =	sadd.s32 @!p2 $0x0, s0  }
0x3b: {  	[hbm4b:s0+s20] =	stream.linear.scatter @!p2 [tilespmem:s14], [sflag:$0x5], $0x4000, $0x38;
	[tilespmem:$0x10200] =	vst v63  }
0x3c: {  	p1 =	sle.u32 s7, $0x2;
	s0 =	sadd.s32 @!p2 $0x0, s19;
	s14 =	simm.s32 @!p2 $0x8200  }
0x3d: {  	[hbm4b:s0+s20] =	stream.linear.scatter @!p2 [tilespmem:s14], [sflag:$0x5], $0x4000, $0x38;
	[tilespmem:$0x10200] =	vst v63  }
0x3e: {  	s0 =	sadd.s32 @!p1 s13, s5;
	s14 =	simm.s32 @!p1 $0x0  }
0x3f: {  	[tilespmem:s14], [sflag:$0x1] =	stream.linear.gather @!p1 [hbm4b:s0+s14], $0x80, $0x38;
	[tilespmem:$0x10200] =	vst v63  }
0x40: {  	s18 =	simm.s32 @!p1 $0x100;
	s19 =	simm.s32 @!p1 $0x1;
	s0 =	sadd.s32 @!p1 s13, s6  }
0x41: {  	[tilespmem:s18], [sflag:$0x1] =	stream.linear.gather @!p1 [hbm4b:s0+s14], $0x80, $0x38;
	[tilespmem:$0x10200] =	vst v63  }
0x42: {  	_ =	swait.ge @!p1 [sflag:s19], $0x80  }
0x43: {  	[sflag:s19] =	ssyncset.done @!p1 $0x0  }
0x44: {  	[sflag:s19] =	ssyncadd.s32 @!p1 $0xFFFFFF80  }
0x45: {  	_ =	swait.ge @!p1 [sflag:s19], $0x80  }
0x46: {  	[sflag:s19] =	ssyncset.done @!p1 $0x0  }
0x47: {  	s0 =	simm.s32 @!p1 $0x5;
	[sflag:s19] =	ssyncadd.s32 @!p1 $0xFFFFFF80  }
0x48: {  	_ =	swait.ge @!p1 [sflag:s0], $0x4000  }
0x49: {  	[sflag:s0] =	ssyncset.done @!p1 $0x0  }
0x4a: {  	s28 =	simm.s32 $0x0;
	[sflag:s0] =	ssyncadd.s32 @!p1 $0xFFFFC000  }
0x4b: {  	s29 =	smov.u32 s13;
	s24 =	smov.u32 s2;
	_ =	swait.ge @!p1 [sflag:s0], $0x4000  }
0x4c: {  	s25 =	simm.s32 $0x2;
	s26 =	simm.s32 $0x4;
	[sflag:s0] =	ssyncset.done @!p1 $0x0  }
0x4d: {  	s20 =	simm.s32 @!p1 $0x200;
	s19 =	simm.s32 @!p1 $0x80;
	[sflag:s0] =	ssyncadd.s32 @!p1 $0xFFFFC000  }
0x4e: {  	[tilespmem:s20], [sflag:$0x3] =	stream.indirect.gather @!p1 [hbm4b:s1+s19], $0x80, s14, s19, $0xb8;
	[tilespmem:$0x10200] =	vst v63  }
0x4f: {  	s0 =	simm.s32 @!p1 $0x8200;
	s20 =	simm.s32 @!p0 $0x4;
	s14 =	smov.u32 s2  }
0x50: {  	[tilespmem:s0], [sflag:$0x3] =	stream.indirect.gather @!p1 [hbm4b:s4+s19], $0x80, s18, s19, $0xb8;
	[tilespmem:$0x10200] =	vst v63  }
0x51: {  	s0 =	simm.s32 $0x4;
	s19 =	simm.s32 $0x0;
	s18 =	simm.s32 $0x0  }
.LBB2_2:
0x52: {  	_ =	swait.ge @!p0 [sflag:s20], $0x4000  }
0x53: {  	[sflag:s20] =	ssyncset.done @!p0 $0x0  }
0x54: {  	[sflag:s20] =	ssyncadd.s32 @!p0 $0xFFFFC000  }
0x55: {  	s9 =	simm.s32 @!p0 $0x0;
	s11 =	sadd.s32 $0x1, s25;
	_ =	swait.ge @!p0 [sflag:s20], $0x4000  }
0x56: {  	s19 =	sadd.s32 $0x3, s19;
	s10 =	rddreg [dreg:$0x5];
	[sflag:s20] =	ssyncset.done @!p0 $0x0  }
0x57: {  	s12 =	rddreg [dreg:$0x6];
	[sflag:s20] =	ssyncadd.s32 @!p0 $0xFFFFC000;
	s10 =	sadd.s32 @!p0 s18, s10  }
0x58: {  	[hbm4b:s10+s9] =	stream.linear.scatter @!p0 [tilespmem:s30], [sflag:$0x6], $0x4000, $0x38;
	[tilespmem:$0x10200] =	vst v63  }
0x59: {  	p3 =	sge.u32 s11, s7;
	p4 =	sge.u32 s19, s7;
	s10 =	sadd.s32 @!p0 s18, s12  }
0x5a: {  	[hbm4b:s10+s9] =	stream.linear.scatter @!p0 [tilespmem:s31], [sflag:$0x6], $0x4000, $0x38;
	[tilespmem:$0x10200] =	vst v63  }
0x5b: {  	s11 =	simm.s32 @!p4 $0x80;
	s9 =	sadd.s32 @!p4 s14, s5;
	s10 =	simm.s32 @!p4 $0x0  }
0x5c: {  	[tilespmem:s11], [sflag:$0x2] =	stream.linear.gather @!p4 [hbm4b:s9+s10], $0x80, $0x38;
	[tilespmem:$0x10200] =	vst v63  }
0x5d: {  	s12 =	simm.s32 @!p4 $0x180;
	s9 =	simm.s32 @!p3 $0x2;
	s11 =	sadd.s32 @!p4 s14, s6  }
0x5e: {  	[tilespmem:s12], [sflag:$0x2] =	stream.linear.gather @!p4 [hbm4b:s11+s10], $0x80, $0x38;
	[tilespmem:$0x10200] =	vst v63  }
0x5f: {  	_ =	swait.ge @!p3 [sflag:s9], $0x80  }
0x60: {  	[sflag:s9] =	ssyncset.done @!p3 $0x0  }
0x61: {  	[sflag:s9] =	ssyncadd.s32 @!p3 $0xFFFFFF80  }
0x62: {  	p2 =	seq.s32 @!p3 s25, $0x0;
	p0 =	por p3, p3;
	_ =	swait.ge @!p3 [sflag:s9], $0x80  }
0x63: {  	p2 =	por p2, p3;
	[sflag:s9] =	ssyncset.done @!p0 $0x0  }
0x64: {  	s11 =	simm.s32 @!p2 $0x6;
	[sflag:s9] =	ssyncadd.s32 @!p0 $0xFFFFFF80  }
0x65: {  	_ =	swait.ge @!p2 [sflag:s11], $0x4000  }
0x66: {  	[sflag:s11] =	ssyncset.done @!p2 $0x0  }
0x67: {  	[sflag:s11] =	ssyncadd.s32 @!p2 $0xFFFFC000  }
0x68: {  	s8 =	smov.u32 s0;
	s19 =	smov.u32 s25;
	_ =	swait.ge @!p2 [sflag:s11], $0x4000  }
0x69: {  	s25 =	smov.u32 s8;
	s30 =	simm.s32 @!p3 $0x4200;
	[sflag:s11] =	ssyncset.done @!p2 $0x0  }
0x6a: {  	s10 =	simm.s32 @!p3 $0x80;
	p3 =	sge.u32 s19, s7;
	[sflag:s11] =	ssyncadd.s32 @!p2 $0xFFFFC000  }
0x6b: {  	[tilespmem:s30], [sflag:$0x4] =	stream.indirect.gather @!p0 [hbm4b:s1+s10], $0x80, s10, s10, $0xb8;
	[tilespmem:$0x10200] =	vst v63  }
0x6c: {  	s8 =	simm.s32 @!p0 $0x180;
	s31 =	simm.s32 @!p0 $0xC200;
	s9 =	simm.s32 @!p3 $0x3  }
0x6d: {  	[tilespmem:s31], [sflag:$0x4] =	stream.indirect.gather @!p0 [hbm4b:s4+s10], $0x80, s8, s10, $0xb8;
	[tilespmem:$0x10200] =	vst v63  }
0x6e: {  	_ =	swait.ge @!p3 [sflag:s9], $0x4000  }
0x6f: {  	[sflag:s9] =	ssyncset.done @!p3 $0x0  }
0x70: {  	s28 =	sadd.s32 $0x1000, s28;
	[sflag:s9] =	ssyncadd.s32 @!p3 $0xFFFFC000  }
0x71: {  	s29 =	sadd.s32 $0x20, s29;
	s8 =	simm.s32 @!p3 $0x200;
	_ =	swait.ge @!p3 [sflag:s9], $0x4000  }
0x72: {  	s10 =	simm.s32 @!p3 $0x0;
	[sflag:s9] =	ssyncset.done @!p3 $0x0;
	s12 =	rddreg [dreg:$0x3]  }
0x73: {  	s11 =	rddreg [dreg:$0x4];
	[sflag:s9] =	ssyncadd.s32 @!p3 $0xFFFFC000;
	s9 =	sadd.s32 @!p3 s28, s12  }
0x74: {  	[hbm4b:s9+s10] =	stream.linear.scatter @!p3 [tilespmem:s8], [sflag:$0x5], $0x4000, $0x38;
	[tilespmem:$0x10200] =	vst v63  }
0x75: {  	p2 =	sge.u32 s26, s7;
	s11 =	sadd.s32 @!p3 s28, s11;
	s8 =	simm.s32 @!p3 $0x8200  }
0x76: {  	[hbm4b:s11+s10] =	stream.linear.scatter @!p3 [tilespmem:s8], [sflag:$0x5], $0x4000, $0x38;
	[tilespmem:$0x10200] =	vst v63  }
0x77: {  	s9 =	simm.s32 @!p2 $0x0;
	s8 =	sadd.s32 @!p2 s29, s5  }
0x78: {  	[tilespmem:s9], [sflag:$0x1] =	stream.linear.gather @!p2 [hbm4b:s8+s9], $0x80, $0x38;
	[tilespmem:$0x10200] =	vst v63  }
0x79: {  	s10 =	simm.s32 @!p2 $0x100;
	s11 =	simm.s32 @!p2 $0x1;
	s8 =	sadd.s32 @!p2 s29, s6  }
0x7a: {  	[tilespmem:s10], [sflag:$0x1] =	stream.linear.gather @!p2 [hbm4b:s8+s9], $0x80, $0x38;
	[tilespmem:$0x10200] =	vst v63  }
0x7b: {  	_ =	swait.ge @!p2 [sflag:s11], $0x80  }
0x7c: {  	[sflag:s11] =	ssyncset.done @!p2 $0x0  }
0x7d: {  	[sflag:s11] =	ssyncadd.s32 @!p2 $0xFFFFFF80  }
0x7e: {  	_ =	swait.ge @!p2 [sflag:s11], $0x80  }
0x7f: {  	[sflag:s11] =	ssyncset.done @!p2 $0x0  }
0x80: {  	s8 =	simm.s32 @!p2 $0x5;
	[sflag:s11] =	ssyncadd.s32 @!p2 $0xFFFFFF80  }
0x81: {  	_ =	swait.ge @!p2 [sflag:s8], $0x4000  }
0x82: {  	[sflag:s8] =	ssyncset.done @!p2 $0x0  }
0x83: {  	s0 =	sadd.s32 $0x2, s0;
	s24 =	sadd.s32 $0x20, s24;
	[sflag:s8] =	ssyncadd.s32 @!p2 $0xFFFFC000  }
0x84: {  	p1 =	sne.s32 s0, $0x28;
	s18 =	smov.u32 s28;
	_ =	swait.ge @!p2 [sflag:s8], $0x4000  }
.Ltmp0:
0x85: {  	s20 =	simm.s32 @!p0 $0x4;
	[sflag:s8] =	ssyncset.done @!p2 $0x0;
	(pc) =	sbr.rel @p1 .LBB2_2-.Ltmp0, $4  }
0x86: {  	s12 =	simm.s32 @!p2 $0x200;
	s11 =	simm.s32 @!p2 $0x80;
	[sflag:s8] =	ssyncadd.s32 @!p2 $0xFFFFC000  }
0x87: {  	[tilespmem:s12], [sflag:$0x3] =	stream.indirect.gather @!p2 [hbm4b:s1+s11], $0x80, s9, s11, $0xb8;
	[tilespmem:$0x10200] =	vst v63  }
0x88: {  	s14 =	smov.u32 s24;
	s26 =	smov.u32 s0;
	s15 =	simm.s32 @!p2 $0x8200  }
0x89: {  	[tilespmem:s15], [sflag:$0x3] =	stream.indirect.gather @!p2 [hbm4b:s4+s11], $0x80, s10, s11, $0xb8;
	[tilespmem:$0x10200] =	vst v63  }
0x8a: {  	_ =	swait.ge @!p0 [sflag:s20], $0x4000  }
0x8b: {  	[sflag:s20] =	ssyncset.done @!p0 $0x0  }
0x8c: {  	[sflag:s20] =	ssyncadd.s32 @!p0 $0xFFFFC000  }
0x8d: {  	s8 =	simm.s32 @!p0 $0x0;
	s9 =	sadd.s32 $0x1, s25;
	_ =	swait.ge @!p0 [sflag:s20], $0x4000  }
0x8e: {  	s11 =	sadd.s32 $0x3, s19;
	s0 =	rddreg [dreg:$0x5];
	[sflag:s20] =	ssyncset.done @!p0 $0x0  }
0x8f: {  	s10 =	rddreg [dreg:$0x6];
	[sflag:s20] =	ssyncadd.s32 @!p0 $0xFFFFC000;
	s0 =	sadd.s32 @!p0 s18, s0  }
0x90: {  	[hbm4b:s0+s8] =	stream.linear.scatter @!p0 [tilespmem:s30], [sflag:$0x6], $0x4000, $0x38;
	[tilespmem:$0x10200] =	vst v63  }
0x91: {  	p1 =	sge.u32 s9, s7;
	p2 =	sge.u32 s11, s7;
	s0 =	sadd.s32 @!p0 s18, s10  }
0x92: {  	[hbm4b:s0+s8] =	stream.linear.scatter @!p0 [tilespmem:s31], [sflag:$0x6], $0x4000, $0x38;
	[tilespmem:$0x10200] =	vst v63  }
0x93: {  	s9 =	simm.s32 @!p2 $0x80;
	s0 =	sadd.s32 @!p2 s14, s5;
	s8 =	simm.s32 @!p2 $0x0  }
0x94: {  	[tilespmem:s9], [sflag:$0x2] =	stream.linear.gather @!p2 [hbm4b:s0+s8], $0x80, $0x38;
	[tilespmem:$0x10200] =	vst v63  }
0x95: {  	s10 =	simm.s32 @!p2 $0x180;
	s0 =	simm.s32 @!p1 $0x2;
	s9 =	sadd.s32 @!p2 s14, s6  }
0x96: {  	[tilespmem:s10], [sflag:$0x2] =	stream.linear.gather @!p2 [hbm4b:s9+s8], $0x80, $0x38;
	[tilespmem:$0x10200] =	vst v63  }
0x97: {  	_ =	swait.ge @!p1 [sflag:s0], $0x80  }
0x98: {  	[sflag:s0] =	ssyncset.done @!p1 $0x0  }
0x99: {  	[sflag:s0] =	ssyncadd.s32 @!p1 $0xFFFFFF80  }
0x9a: {  	p0 =	por p1, p1;
	p2 =	seq.s32 @!p1 s25, $0x0;
	_ =	swait.ge @!p1 [sflag:s0], $0x80  }
0x9b: {  	p3 =	por p2, p1;
	[sflag:s0] =	ssyncset.done @!p0 $0x0  }
0x9c: {  	s8 =	simm.s32 @!p3 $0x6;
	[sflag:s0] =	ssyncadd.s32 @!p0 $0xFFFFFF80  }
0x9d: {  	_ =	swait.ge @!p3 [sflag:s8], $0x4000  }
0x9e: {  	[sflag:s8] =	ssyncset.done @!p3 $0x0  }
0x9f: {  	[sflag:s8] =	ssyncadd.s32 @!p3 $0xFFFFC000  }
0xa0: {  	_ =	swait.ge @!p3 [sflag:s8], $0x4000  }
0xa1: {  	s9 =	simm.s32 @!p1 $0x80;
	[sflag:s8] =	ssyncset.done @!p3 $0x0  }
0xa2: {  	p2 =	sge.u32 s25, s7;
	s0 =	simm.s32 @!p1 $0x4200;
	[sflag:s8] =	ssyncadd.s32 @!p3 $0xFFFFC000  }
0xa3: {  	[tilespmem:s0], [sflag:$0x4] =	stream.indirect.gather @!p0 [hbm4b:s1+s9], $0x80, s9, s9, $0xb8;
	[tilespmem:$0x10200] =	vst v63  }
0xa4: {  	s11 =	simm.s32 @!p0 $0xC200;
	s10 =	simm.s32 @!p2 $0x3;
	s8 =	simm.s32 @!p0 $0x180  }
0xa5: {  	[tilespmem:s11], [sflag:$0x4] =	stream.indirect.gather @!p0 [hbm4b:s4+s9], $0x80, s8, s9, $0xb8;
	[tilespmem:$0x10200] =	vst v63  }
0xa6: {  	_ =	swait.ge @!p2 [sflag:s10], $0x4000  }
0xa7: {  	[sflag:s10] =	ssyncset.done @!p2 $0x0  }
0xa8: {  	s12 =	sadd.s32 $0x20, s29;
	[sflag:s10] =	ssyncadd.s32 @!p2 $0xFFFFC000  }
0xa9: {  	s14 =	simm.s32 @!p2 $0x200;
	s18 =	simm.s32 @!p2 $0x0;
	_ =	swait.ge @!p2 [sflag:s10], $0x4000  }
0xaa: {  	s9 =	sadd.s32 $0x1000, s28;
	s8 =	rddreg [dreg:$0x3];
	[sflag:s10] =	ssyncset.done @!p2 $0x0  }
0xab: {  	s15 =	rddreg [dreg:$0x4];
	[sflag:s10] =	ssyncadd.s32 @!p2 $0xFFFFC000;
	s8 =	sadd.s32 @!p2 s9, s8  }
0xac: {  	[hbm4b:s8+s18] =	stream.linear.scatter @!p2 [tilespmem:s14], [sflag:$0x5], $0x4000, $0x38;
	[tilespmem:$0x10200] =	vst v63  }
0xad: {  	p1 =	sge.u32 s26, s7;
	s10 =	simm.s32 @!p2 $0x8200;
	s8 =	sadd.s32 @!p2 s9, s15  }
0xae: {  	[hbm4b:s8+s18] =	stream.linear.scatter @!p2 [tilespmem:s10], [sflag:$0x5], $0x4000, $0x38;
	[tilespmem:$0x10200] =	vst v63  }
0xaf: {  	s8 =	sadd.s32 @!p1 s12, s5;
	s10 =	simm.s32 @!p1 $0x0  }
0xb0: {  	[tilespmem:s10], [sflag:$0x1] =	stream.linear.gather @!p1 [hbm4b:s8+s10], $0x80, $0x38;
	[tilespmem:$0x10200] =	vst v63  }
0xb1: {  	s14 =	simm.s32 @!p1 $0x1;
	s8 =	sadd.s32 @!p1 s12, s6;
	s12 =	simm.s32 @!p1 $0x100  }
0xb2: {  	[tilespmem:s12], [sflag:$0x1] =	stream.linear.gather @!p1 [hbm4b:s8+s10], $0x80, $0x38;
	[tilespmem:$0x10200] =	vst v63  }
0xb3: {  	_ =	swait.ge @!p1 [sflag:s14], $0x80  }
0xb4: {  	[sflag:s14] =	ssyncset.done @!p1 $0x0  }
0xb5: {  	[sflag:s14] =	ssyncadd.s32 @!p1 $0xFFFFFF80  }
0xb6: {  	_ =	swait.ge @!p1 [sflag:s14], $0x80  }
0xb7: {  	[sflag:s14] =	ssyncset.done @!p1 $0x0  }
0xb8: {  	s8 =	simm.s32 @!p1 $0x5;
	[sflag:s14] =	ssyncadd.s32 @!p1 $0xFFFFFF80  }
0xb9: {  	_ =	swait.ge @!p1 [sflag:s8], $0x4000  }
0xba: {  	[sflag:s8] =	ssyncset.done @!p1 $0x0  }
0xbb: {  	[sflag:s8] =	ssyncadd.s32 @!p1 $0xFFFFC000  }
0xbc: {  	_ =	swait.ge @!p1 [sflag:s8], $0x4000  }
0xbd: {  	[sflag:s8] =	ssyncset.done @!p1 $0x0  }
0xbe: {  	s15 =	simm.s32 @!p1 $0x200;
	s14 =	simm.s32 @!p1 $0x80;
	[sflag:s8] =	ssyncadd.s32 @!p1 $0xFFFFC000  }
0xbf: {  	[tilespmem:s15], [sflag:$0x3] =	stream.indirect.gather @!p1 [hbm4b:s1+s14], $0x80, s10, s14, $0xb8;
	[tilespmem:$0x10200] =	vst v63  }
0xc0: {  	s8 =	simm.s32 @!p1 $0x8200;
	s10 =	simm.s32 @!p0 $0x4  }
0xc1: {  	[tilespmem:s8], [sflag:$0x3] =	stream.indirect.gather @!p1 [hbm4b:s4+s14], $0x80, s12, s14, $0xb8;
	[tilespmem:$0x10200] =	vst v63  }
0xc2: {  	_ =	swait.ge @!p0 [sflag:s10], $0x4000  }
0xc3: {  	[sflag:s10] =	ssyncset.done @!p0 $0x0  }
0xc4: {  	[sflag:s10] =	ssyncadd.s32 @!p0 $0xFFFFC000  }
0xc5: {  	s30 =	sadd.s32 $0x3, s25;
	_ =	swait.ge @!p0 [sflag:s10], $0x4000  }
0xc6: {  	s12 =	simm.s32 @!p0 $0x0;
	s8 =	rddreg [dreg:$0x5];
	[sflag:s10] =	ssyncset.done @!p0 $0x0  }
0xc7: {  	s14 =	rddreg [dreg:$0x6];
	[sflag:s10] =	ssyncadd.s32 @!p0 $0xFFFFC000;
	s8 =	sadd.s32 @!p0 s9, s8  }
0xc8: {  	[hbm4b:s8+s12] =	stream.linear.scatter @!p0 [tilespmem:s0], [sflag:$0x6], $0x4000, $0x38;
	[tilespmem:$0x10200] =	vst v63  }
0xc9: {  	p1 =	sge.u32 s30, s7;
	s0 =	sadd.s32 $0x20, s24;
	s8 =	sadd.s32 @!p0 s9, s14  }
0xca: {  	[hbm4b:s8+s12] =	stream.linear.scatter @!p0 [tilespmem:s11], [sflag:$0x6], $0x4000, $0x38;
	[tilespmem:$0x10200] =	vst v63  }
0xcb: {  	s10 =	simm.s32 @!p1 $0x80;
	s9 =	simm.s32 @!p1 $0x0;
	s8 =	sadd.s32 @!p1 s0, s5  }
0xcc: {  	[tilespmem:s10], [sflag:$0x2] =	stream.linear.gather @!p1 [hbm4b:s8+s9], $0x80, $0x38;
	[tilespmem:$0x10200] =	vst v63  }
0xcd: {  	s0 =	sadd.s32 @!p1 s0, s6;
	s8 =	simm.s32 @!p1 $0x180  }
0xce: {  	[tilespmem:s8], [sflag:$0x2] =	stream.linear.gather @!p1 [hbm4b:s0+s9], $0x80, $0x38;
	[tilespmem:$0x10200] =	vst v63  }
0xcf: {  	_ =	swait.ge [sflag:s21], $0x4000  }
0xd0: {  	[sflag:s21] =	ssyncset.done $0x0  }
0xd1: {  	[sflag:s21] =	ssyncadd.s32 $0xFFFFC000  }
0xd2: {  	_ =	swait.ge [sflag:s21], $0x4000  }
0xd3: {  	[sflag:s21] =	ssyncset.done $0x0  }
0xd4: {  	[sflag:s21] =	ssyncadd.s32 $0xFFFFC000  }
0xd5: {  	_ =	swait.ge [sflag:s22], $0x4000  }
0xd6: {  	[sflag:s22] =	ssyncset.done $0x0  }
0xd7: {  	[sflag:s22] =	ssyncadd.s32 $0xFFFFC000  }
0xd8: {  	_ =	swait.ge [sflag:s22], $0x4000  }
0xd9: {  	s23 =	sadd.s32 $0x1, s23;
	s31 =	rddreg [dreg:$0xb]  }
0xda: {  	p0 =	sne.s32 s23, s31  }
.Ltmp1:
0xdb: {  	_ = 	snop;
	(pc) =	sbr.rel @p0 .LBB2_1-.Ltmp1, $3  }
0xdc: {  	_ =	sdelay $0x1  }
0xdd: {  	[sflag:s22] =	ssyncset.done $0x0  }
0xde: {  	[sflag:s22] =	ssyncadd.s32 $0xFFFFC000  }
0xdf: {  	_ =	sfence.sel $0x180000  }
0xe0: {  	[bflag:$0x0] =	sbarrier.arrive $0xFFFF  }
0xe1: {  	_ =	strace $0x90000047  }
0xe2: {  	s0 =	stileid.u32;
	[bflag:$0x2] =	sbarrier.arrive $0xFFFF  }
0xe3: {  	p0 =	sne.s32 s0, $0x0;
	s0 =	rddreg [dreg:$0x2]  }
0xe4: {  	s0 =	sadd.s32 @!p0 $0x100000, s0  }
0xe5: {  	[sflag:s0] =	ssyncadd.tile.s32 @!p0 $0x1;
	_ =	shalt  }
.Lfunc_end2:
_tile_overlayer_lowered:
.L_overlay_start_2:
0xe6: {  	(tag) =	ssettag $0x2  }
0xe7: {  	s0 =	rddreg [dreg:$0x0];
	s2 =	stileid.u32  }
0xe8: {  	s1 =	rddreg [dreg:$0x1];
	p0 =	sne.s32 s2, $0x0  }
0xe9: {  	s3 =	rddreg [dreg:$0x2];
	[bflag:$0x3] =	sbarrier.arrive $0xFFFF;
	s2 =	simm.s32 @!p0 $0x1C07  }
0xea: {  	[timem:s3], [sflag:s2] =	dma.local @!p0 [hbm:s0], s1  }
0xeb: {  	s0 =	simm.s32 @!p0 $0x7  }
0xec: {  	_ =	swait.ge @!p0 [sflag:s0], s1  }
0xed: {  	s1 =	ssub.s32 @!p0 $0x0, s1;
	[sflag:s0] =	ssyncset.done @!p0 $0x0  }
0xee: {  	[sflag:s0] =	ssyncadd.s32 @!p0 s1  }
0xef: {  	[bflag:$0x3] =	sbarrier.arrive $0xFFFF  }
0xf0: {  	_ =	shalt  }

// kernel: kernel.13.cloned.1.call-start
scs
__scs_entry_jumppad:
0x0: {  	(pc) =	sbr.rel $0x88, $3  }
0x1: {  	(tag) =	ssettag $0x0;
	lr =	simm.s32 $0x1  }
0x2: {  	[smem:$0x3F8F] =	sst lr;
	_ =	strace $0xD0000000  }
0x3: {  	_ = 	snop  }
0x4: {  	_ = 	snop  }
0x5: {  	_ = 	snop  }
0x6: {  	_ = 	snop  }
0x7: {  	_ = 	snop  }
__scs_overlays_trampoline_lowered:
0x8: {  	[smem:$0x3F9E] =	sst s0  }
0x9: {  	[smem:$0x3F9F] =	sst s1  }
0xa: {  	[smem:$0x3FA0] =	sst s2  }
0xb: {  	[smem:$0x3FA1] =	sst s3  }
0xc: {  	[smem:$0x3FA2] =	sst s4  }
0xd: {  	[smem:$0x3FA3] =	sst s5  }
0xe: {  	[smem:$0x3FA4] =	sst s6  }
0xf: {  	[smem:$0x3FA5] =	sst s7  }
0x10: {  	[smem:$0x3FA6] =	sst s8  }
0x11: {  	[smem:$0x3FA7] =	sst s9;
	s0 =	simm.s32 @!p0 $0x0  }
0x12: {  	s1 =	sld [smem:$0x3F8D];
	s0 =	simm.s32 @p0 $0x1  }
0x13: {  	[smem:$0x3FA8] =	sst s0;
	s0 =	simm.s32 @!p1 $0x0  }
0x14: {  	s2 =	sld [smem:$0x3F8C];
	s0 =	simm.s32 @p1 $0x1  }
0x15: {  	[smem:$0x3FA9] =	sst s0;
	s0 =	simm.s32 @!p2 $0x0  }
0x16: {  	s3 =	sld [smem:$0x3FDB];
	s0 =	simm.s32 @p2 $0x1  }
0x17: {  	s4 =	simm.s32 $0x1BF5;
	[smem:$0x3FAB] =	sst s0  }
0x18: {  	s0 =	sld [smem:$0x3F8E];
	_ =	swait.ge [sflag:s4], $0x0  }
0x19: {  	s7 =	sld [smem:$0x3F8F]  }
0x1a: {  	s8 =	sadd.s32 $0xFFFFE003, lr  }
0x1b: {  	s9 =	sadd.s32 $0xFFFFFEF7, lr;
	s5 =	simm.s32 $0xFFFFFFFF;
	p2 =	slt.u32 s8, $0xFFFFF086  }
0x1c: {  	p1 =	slt.u32 s9, $0xF7A;
	s5 =	simm.s32 @!p2 $0x0  }
0x1d: {  	s5 =	simm.s32 @p1 $0x1;
	p0 =	seq.s32 s7, s2  }
0x1e: {  	s7 =	smul.u32 @!p0 $0xF7A, s2;
	p2 =	seq.s32 @!p0 s5, $0x0  }
0x1f: {  	s9 =	smul.u32 $0xF7A, s1;
	s8 =	simm.s32 @!p0 $0x1BF5;
	p2 =	por !p2, p0  }
0x20: {  	[sflag:s8] =	ssyncset.s32 @!p0 $0xFFFFF086;
	s6 =	sadd.s32 @!p0 s3, s7;
	s7 =	simm.s32 @!p0 $0x108  }
0x21: {  	s3 =	sadd.s32 s3, s9;
	s6 =	sadd.s32 @!p0 $0x88, s6;
	s7 =	simm.s32 @p2 $0x1082  }
0x22: {  	[simem:s7], [sflag:s8] =	dma.local @!p0 [hbm:s6], $0xF7A  }
0x23: {  	s9 =	sor.u32 $0xD0000000, s2;
	s6 =	simm.s32 $0x108;
	_ =	swait.ge @!p0 [sflag:s8], $0x0  }
0x24: {  	s3 =	sadd.s32 $0x88, s3;
	s6 =	simm.s32 @!p1 $0x1082;
	[sflag:s4] =	ssyncset.s32 $0xFFFFF086  }
0x25: {  	[simem:s6], [sflag:s4] =	dma.local [hbm:s3], $0xF7A  }
0x26: {  	[smem:$0x3F8F] =	sst s1;
	(tag) =	ssettag s2;
	_ =	strace s9  }
0x27: {  	s1 =	sld [smem:$0x3F9F]  }
0x28: {  	s2 =	sld [smem:$0x3FA0]  }
0x29: {  	s4 =	sld [smem:$0x3FA2]  }
0x2a: {  	p0 =	seq.s32 s5, $0x0;
	s5 =	sld [smem:$0x3FA3]  }
0x2b: {  	s6 =	sld [smem:$0x3FA4]  }
0x2c: {  	s7 =	sld [smem:$0x3FA5]  }
0x2d: {  	s3 =	simm.s32 $0x108;
	s8 =	sld [smem:$0x3FA6]  }
0x2e: {  	s3 =	simm.s32 @!p0 $0x1082;
	s9 =	sld [smem:$0x3FA7]  }
0x2f: {  	lr =	sadd.s32 s0, s3;
	s0 =	sld [smem:$0x3F9E]  }
0x30: {  	s3 =	sld [smem:$0x3FA1]  }
0x31: {  	[smem:$0x3FAA] =	sst s10  }
0x32: {  	s10 =	sld [smem:$0x3FA8];
	_ =	sdelay $0x3  }
0x33: {  	p0 =	seq.s32 s10, $0x1;
	s10 =	sld [smem:$0x3FAA];
	_ =	sdelay $0x3  }
0x34: {  	[smem:$0x3FAA] =	sst s10  }
0x35: {  	s10 =	sld [smem:$0x3FA9];
	_ =	sdelay $0x3  }
0x36: {  	p1 =	seq.s32 s10, $0x1;
	s10 =	sld [smem:$0x3FAA];
	_ =	sdelay $0x3  }
0x37: {  	[smem:$0x3FAA] =	sst s10  }
0x38: {  	s10 =	sld [smem:$0x3FAB]  }
0x39: {  	_ = 	snop;
	(pc) =	sbr.ind lr, $3  }
0x3a: {  	_ = 	snop  }
0x3b: {  	_ = 	snop  }
0x3c: {  	p2 =	seq.s32 s10, $0x1;
	s10 =	sld [smem:$0x3FAA]  }
0x3d: {  	_ =	shalt  }
0x3e: {  	_ =	shalt  }
0x3f: {  	_ =	shalt  }
0x40: {  	_ =	shalt  }
0x41: {  	_ =	shalt  }
0x42: {  	_ =	shalt  }
0x43: {  	_ =	shalt  }
0x44: {  	_ =	shalt  }
0x45: {  	_ =	shalt  }
0x46: {  	_ =	shalt  }
0x47: {  	_ =	shalt  }
0x48: {  	_ =	shalt  }
0x49: {  	_ =	shalt  }
0x4a: {  	_ =	shalt  }
0x4b: {  	_ =	shalt  }
0x4c: {  	_ =	shalt  }
0x4d: {  	_ =	shalt  }
0x4e: {  	_ =	shalt  }
0x4f: {  	_ =	shalt  }
0x50: {  	_ =	shalt  }
0x51: {  	_ =	shalt  }
0x52: {  	_ =	shalt  }
0x53: {  	_ =	shalt  }
0x54: {  	_ =	shalt  }
0x55: {  	_ =	shalt  }
0x56: {  	_ =	shalt  }
0x57: {  	_ =	shalt  }
0x58: {  	_ =	shalt  }
0x59: {  	_ =	shalt  }
0x5a: {  	_ =	shalt  }
0x5b: {  	_ =	shalt  }
0x5c: {  	_ =	shalt  }
0x5d: {  	_ =	shalt  }
0x5e: {  	_ =	shalt  }
0x5f: {  	_ =	shalt  }
0x60: {  	_ =	shalt  }
0x61: {  	_ =	shalt  }
0x62: {  	_ =	shalt  }
0x63: {  	_ =	shalt  }
0x64: {  	_ =	shalt  }
0x65: {  	_ =	shalt  }
0x66: {  	_ =	shalt  }
0x67: {  	_ =	shalt  }
0x68: {  	_ =	shalt  }
0x69: {  	_ =	shalt  }
0x6a: {  	_ =	shalt  }
0x6b: {  	_ =	shalt  }
0x6c: {  	_ =	shalt  }
0x6d: {  	_ =	shalt  }
0x6e: {  	_ =	shalt  }
0x6f: {  	_ =	shalt  }
0x70: {  	_ =	shalt  }
0x71: {  	_ =	shalt  }
0x72: {  	_ =	shalt  }
0x73: {  	_ =	shalt  }
0x74: {  	_ =	shalt  }
0x75: {  	_ =	shalt  }
0x76: {  	_ =	shalt  }
0x77: {  	_ =	shalt  }
0x78: {  	_ =	shalt  }
0x79: {  	_ =	shalt  }
0x7a: {  	_ =	shalt  }
0x7b: {  	_ =	shalt  }
0x7c: {  	_ =	shalt  }
0x7d: {  	_ =	shalt  }
0x7e: {  	_ =	shalt  }
0x7f: {  	_ =	shalt  }
0x80: {  	_ =	shalt  }
0x81: {  	_ =	shalt  }
0x82: {  	_ =	shalt  }
0x83: {  	_ =	shalt  }
0x84: {  	_ =	shalt  }
0x85: {  	_ =	shalt  }
0x86: {  	_ =	shalt  }
0x87: {  	_ =	shalt  }
.Lfunc_end0:
.L_simem_size_0:
called_computation.1_lowered:
.L_overlay_start_0:
0x88: {  	s2 =	sld [smem:$0x3FD9]  }
0x89: {  	s3 =	sld [smem:$0x3FFE];
	_ =	sdelay $0x1  }
0x8a: {  	s1 =	srdreg.scid  }
0x8b: {  	s0 =	sand.u32 $0x1, s1  }
0x8c: {  	s17 =	sshll.u32 s0, $0xA;
	s2 =	sadd.s32 s3, s2  }
0x8d: {  	s2 =	sadd.s32 s2, s17  }
0x8e: {  	[smem:$0x3FB6] =	sst s2  }
0x8f: {  	_ = 	snop  }
0x90: {  	s18 =	sld [smem:$0x3FD0];
	(tm) =	ssettm $0x1  }
0x91: {  	s19 =	sld [smem:$0x3FFB];
	_ =	sdelay $0x3  }
0x92: {  	_ =	strace s19  }
0x93: {  	s2 =	sld [smem:$0x3FFC];
	_ =	sdelay $0x3  }
0x94: {  	_ =	strace s2  }
0x95: {  	s2 =	sld [smem:$0x3FFD];
	_ =	sdelay $0x3  }
0x96: {  	_ =	strace s2  }
0x97: {  	_ =	strace $0x8FFFFFFF  }
0x98: {  	s20 =	sld [smem:$0x3FDB];
	_ =	sdelay $0x1  }
0x99: {  	s4 =	simm.s32 $_scs_section_size  }
0x9a: {  	s5 =	simm.s32 $_size__tile_overlayer_lowered;
	s6 =	simm.s32 $_tile_overlayer_lowered  }
0x9b: {  	s7 =	simm.s32 $0x1BFF;
	s21 =	sshll.u32 s6, $0x1;
	s4 =	sadd.s32 s4, s20  }
0x9c: {  	s22 =	simm.s32 $0x0;
	s5 =	sshll.u32 s5, $0x1;
	s6 =	sadd.s32 s21, s4  }
0x9d: {  	[timem:s22], [sflag:s7] =	dma.local [hbm:s6], s5  }
0x9e: {  	_ =	swait.ge [sflag:s7], s5  }
0x9f: {  	s5 =	ssub.s32 $0x0, s5;
	[sflag:s7] =	ssyncset.done $0x0  }
0xa0: {  	[sflag:s7] =	ssyncadd.s32 s5;
	_ =	sdelay $0x1  }
0xa1: {  	s23 =	simm.s32 $0x1B8B  }
0xa2: {  	_ =	swait.ge [sflag:s23], $0x1  }
0xa3: {  	[sflag:s23] =	ssyncset.done $0x0  }
0xa4: {  	[sflag:s23] =	ssyncadd.s32 $0xFFFFFFFF  }
0xa5: {  	s5 =	sld [smem:$0x0]  }
0xa6: {  	s6 =	sand.u32 $0xFFFFFFFE, s1  }
0xa7: {  	p0 =	sne.s32 s1, s6  }
0xa8: {  	s6 =	sshll.u32 @p0 s6, $0xE  }
0xa9: {  	s6 =	sadd.s32 @p0 $0x11B8D, s6;
	s7 =	sshll.u32 @p0 s5, $0x11  }
0xaa: {  	s6 =	sor.u32 @p0 s7, s6  }
0xab: {  	[sflag:s6] =	ssyncadd.remote.s32 @p0 $0x1;
	_ =	sdelay $0x1  }
0xac: {  	s6 =	simm.s32 @p0 $0x1B8D  }
0xad: {  	_ =	swait.eq @p0 [sflag:s6], $0x1  }
0xae: {  	[sflag:s6] =	ssyncadd.s32 @p0 $0xFFFFFFFF  }
0xaf: {  	s7 =	sshll.u32 @!p0 s1, $0xE  }
0xb0: {  	s7 =	sor.u32 @!p0 $0x4000, s7;
	s6 =	simm.s32 @!p0 $0x1B8D  }
0xb1: {  	s5 =	sshll.u32 @!p0 s5, $0x11;
	s7 =	sadd.s32 @!p0 $0x11B8D, s7;
	_ =	swait.eq @!p0 [sflag:s6], $0x1  }
0xb2: {  	s5 =	sor.u32 @!p0 s5, s7;
	[sflag:s6] =	ssyncadd.s32 @!p0 $0xFFFFFFFF  }
0xb3: {  	s25 =	simm.s32 $0x1B8E;
	s24 =	sld [smem:$0x3FFE];
	[sflag:s5] =	ssyncadd.remote.s32 @!p0 $0x1  }
0xb4: {  	s26 =	simm.s32 $execute0_lowered;
	[smem:$0x3FD2] =	sst s25  }
0xb5: {  	s6 =	sshll.u32 s26, $0x1;
	_ =	strace $0x80000049;
	[dreg:$0x1] =	wrdreg $0xFFFFFFFF  }
0xb6: {  	s28 =	simm.s32 $_size_execute0_lowered;
	s4 =	sadd.s32 s4, s6;
	[dreg:$0x0] =	wrdreg $0x0  }
0xb7: {  	s6 =	sshll.u32 s28, $0x1;
	[dreg:$0x2] =	wrdreg s4  }
0xb8: {  	[dreg:$0x3] =	wrdreg s6  }
0xb9: {  	[dreg:$0x4] =	wrdreg $0xC0  }
0xba: {  	_ =	task [dreg:s22], $0x5FFFF  }
0xbb: {  	[dreg:$0x1] =	wrdreg $0xFFFFFFFF  }
0xbc: {  	[dreg:$0x0] =	wrdreg $0x60  }
0xbd: {  	[dreg:$0x2] =	wrdreg s18  }
0xbe: {  	[dreg:$0x3] =	wrdreg s24  }
0xbf: {  	[dreg:$0x4] =	wrdreg $0x9  }
0xc0: {  	_ =	task.clear_ibuf [dreg:s22], $0x5FFFF;
	_ =	strace $0x90000049  }
0xc1: {  	s29 =	simm.s32 $0x9;
	_ =	strace $0x8000004B  }
0xc2: {  	_ =	swait.ge [sflag:s29], $0x1  }
0xc3: {  	[sflag:s29] =	ssyncadd.s32 $0xFFFFFFFF  }
0xc4: {  	_ =	strace $0x9000004B  }
0xc5: {  	_ =	sfence  }
0xc6: {  	s30 =	sld [smem:$0x0];
	_ =	sdelay $0x2  }
0xc7: {  	s31 =	sshll.u32 s1, $0xD;
	s1 =	sshrl.u32 s1, $0x2  }
0xc8: {  	s4 =	sand.u32 $0x4000, s31;
	s1 =	sadd.s32 s1, s30  }
0xc9: {  	s0 =	sor.u32 s4, s0;
	s1 =	sshll.u32 s1, $0x11  }
0xca: {  	s0 =	sor.u32 s1, s0  }
0xcb: {  	s0 =	sadd.s32 $0x8F2B, s0  }
0xcc: {  	[sflag:s0] =	ssyncadd.remote.s32 $0x1  }
0xcd: {  	_ =	sfence.sel $0xFFFF  }
0xce: {  	[dreg:$0x0] =	wrdreg $0xFFFFFFFF;
	(pc) =	sbr.abs _section_cstart, $3  }
0xcf: {  	[dreg:$0x1] =	wrdreg $0xFFFFFFFF  }
0xd0: {  	_ =	task.clear_ibuf [dreg:s22], $0x2FFFF;
	_ =	strace $0x9FFFFFFF  }
0xd1: {  	(tm) =	ssettm $0x7FFFFFFF  }
tec
execute0_lowered:
.L_overlay_start_1:
0x0: {  	(tag) =	ssettag $0x1  }
0x1: {  	s1 =	rddreg [dreg:$0x0]  }
0x2: {  	s0 =	rddreg [dreg:$0x1];
	s3 =	simm.s32 $0x0;
	s2 =	srdreg.scid  }
0x3: {  	s15 =	stileid.u32;
	s17 =	simm.s32 $0x80;
	s21 =	simm.s32 $0x5  }
0x4: {  	s22 =	simm.s32 $0x6;
	s23 =	simm.s32 $0x0;
	[smem:$0x7FF] =	sst s3  }
0x5: {  	s2 =	sand.u32 $0x1, s2;
	s6 =	sshll.u32 s15, $0x1;
	s4 =	sadd.s32 $0x5DE00, s0  }
0x6: {  	s5 =	sadd.s32 $0x56C000, s0;
	s13 =	sadd.s32 $0x571000, s0;
	s10 =	smul.u32 $0x4E, s15  }
0x7: {  	p0 =	seq.s32 s15, $0x0;
	_ =	strace $0x8000004A;
	s7 =	sor.u32 s2, s6  }
0x8: {  	s6 =	sadd.s32 $0x567000, s0;
	s9 =	ssub.s32 $0x2, s2;
	s8 =	smul.u32 $0x27, s7  }
0x9: {  	s2 =	smul.u32 $0x27, s2;
	s11 =	sshrl.u32 s9, $0x1;
	s12 =	smin.u32 s7, $0x2  }
0xa: {  	s0 =	sadd.s32 $0x7E2000, s0;
	s14 =	ssub.s32 s9, s11;
	s8 =	sadd.s32 s12, s8  }
0xb: {  	s2 =	sadd.s32 s2, s10;
	s31 =	smax.u32 s14, $0x1;
	s24 =	sshll.u32 s8, $0x4  }
0xc: {  	s2 =	sadd.s32 s12, s2;
	[dreg:$0xb] =	wrdreg s31;
	s8 =	sadd.s32 s5, s24  }
0xd: {  	s12 =	sshll.u32 s2, $0xB;
	s25 =	sadd.s32 s6, s24;
	[dreg:$0x7] =	wrdreg s8  }
0xe: {  	s7 =	simm.s32 $0x28;
	s29 =	sadd.s32 s12, s13;
	[dreg:$0x8] =	wrdreg s25  }
0xf: {  	s11 =	sadd.s32 $0x10, s24;
	s30 =	sadd.s32 s12, s0;
	[dreg:$0x3] =	wrdreg s29  }
0x10: {  	s7 =	simm.s32 @!p0 $0x27;
	s26 =	sadd.s32 s5, s11;
	[dreg:$0x4] =	wrdreg s30  }
0x11: {  	s16 =	sadd.s32 $0x800, s12;
	s28 =	sadd.s32 s6, s11;
	[dreg:$0x9] =	wrdreg s26  }
0x12: {  	s2 =	sshll.u32 s2, $0x4;
	s13 =	sadd.s32 s16, s13;
	[dreg:$0xa] =	wrdreg s28  }
0x13: {  	s0 =	sadd.s32 s16, s0;
	s16 =	simm.s32 $0x1;
	[dreg:$0x5] =	wrdreg s13  }
0x14: {  	[dreg:$0x6] =	wrdreg s0;
	s13 =	sadd.s32 $0x20, s2;
	s2 =	sadd.s32 $0x30, s2  }
.LBB2_1:
0x15: {  	s0 =	rddreg [dreg:$0x7]  }
0x16: {  	[tilespmem:s3], [sflag:$0x1] =	stream.linear.gather [hbm4b:s0+s3], $0x80, $0x38;
	[tilespmem:$0x10200] =	vst v63  }
0x17: {  	s18 =	rddreg [dreg:$0x8];
	s8 =	simm.s32 $0x100  }
0x18: {  	[tilespmem:s8], [sflag:$0x1] =	stream.linear.gather [hbm4b:s18+s3], $0x80, $0x38;
	[tilespmem:$0x10200] =	vst v63  }
0x19: {  	_ =	swait.ge [sflag:s16], $0x80  }
0x1a: {  	[sflag:s16] =	ssyncset.done $0x0  }
0x1b: {  	[sflag:s16] =	ssyncadd.s32 $0xFFFFFF80  }
0x1c: {  	_ =	swait.ge [sflag:s16], $0x80  }
0x1d: {  	[sflag:s16] =	ssyncset.done $0x0  }
0x1e: {  	s19 =	simm.s32 $0x200;
	[sflag:s16] =	ssyncadd.s32 $0xFFFFFF80  }
0x1f: {  	[tilespmem:s19], [sflag:$0x3] =	stream.indirect.gather [hbm4b:s1+s17], $0x80, s3, s17, $0xb8;
	[tilespmem:$0x10200] =	vst v63  }
0x20: {  	s20 =	simm.s32 $0x8200  }
0x21: {  	[tilespmem:s20], [sflag:$0x3] =	stream.indirect.gather [hbm4b:s4+s17], $0x80, s8, s17, $0xb8;
	[tilespmem:$0x10200] =	vst v63  }
0x22: {  	p1 =	sle.u32 s7, $0x1;
	s24 =	rddreg [dreg:$0x9]  }
0x23: {  	[tilespmem:s17], [sflag:$0x2] =	stream.linear.gather [hbm4b:s24+s3], $0x80, $0x38;
	[tilespmem:$0x10200] =	vst v63  }
0x24: {  	s26 =	simm.s32 $0x180;
	s0 =	simm.s32 @!p1 $0x2;
	s25 =	rddreg [dreg:$0xa]  }
0x25: {  	[tilespmem:s26], [sflag:$0x2] =	stream.linear.gather [hbm4b:s25+s3], $0x80, $0x38;
	[tilespmem:$0x10200] =	vst v63  }
0x26: {  	_ =	swait.ge @!p1 [sflag:s0], $0x80  }
0x27: {  	[sflag:s0] =	ssyncset.done @!p1 $0x0  }
0x28: {  	[sflag:s0] =	ssyncadd.s32 @!p1 $0xFFFFFF80  }
0x29: {  	p2 =	por @!p1 $0x1, $0x1;
	p0 =	por p1, p1;
	_ =	swait.ge @!p1 [sflag:s0], $0x80  }
0x2a: {  	p3 =	por p2, p1;
	[sflag:s0] =	ssyncset.done @!p0 $0x0  }
0x2b: {  	s14 =	simm.s32 @!p3 $0x6;
	[sflag:s0] =	ssyncadd.s32 @!p0 $0xFFFFFF80  }
0x2c: {  	_ =	swait.ge @!p3 [sflag:s14], $0x4000  }
0x2d: {  	[sflag:s14] =	ssyncset.done @!p3 $0x0  }
0x2e: {  	[sflag:s14] =	ssyncadd.s32 @!p3 $0xFFFFC000  }
0x2f: {  	_ =	swait.ge @!p3 [sflag:s14], $0x4000  }
0x30: {  	s30 =	simm.s32 @!p1 $0x4200;
	[sflag:s14] =	ssyncset.done @!p3 $0x0  }
0x31: {  	p2 =	sle.u32 s7, $0x0;
	s0 =	simm.s32 @!p1 $0x80;
	[sflag:s14] =	ssyncadd.s32 @!p3 $0xFFFFC000  }
0x32: {  	[tilespmem:s30], [sflag:$0x4] =	stream.indirect.gather @!p0 [hbm4b:s1+s0], $0x80, s0, s0, $0xb8;
	[tilespmem:$0x10200] =	vst v63  }
0x33: {  	s31 =	simm.s32 @!p0 $0xC200;
	s18 =	simm.s32 @!p2 $0x3;
	s14 =	simm.s32 @!p0 $0x180  }
0x34: {  	[tilespmem:s31], [sflag:$0x4] =	stream.indirect.gather @!p0 [hbm4b:s4+s0], $0x80, s14, s0, $0xb8;
	[tilespmem:$0x10200] =	vst v63  }
0x35: {  	_ =	swait.ge @!p2 [sflag:s18], $0x4000  }
0x36: {  	[sflag:s18] =	ssyncset.done @!p2 $0x0  }
0x37: {  	[sflag:s18] =	ssyncadd.s32 @!p2 $0xFFFFC000  }
0x38: {  	s20 =	simm.s32 @!p2 $0x0;
	_ =	swait.ge @!p2 [sflag:s18], $0x4000  }
0x39: {  	s14 =	simm.s32 @!p2 $0x200;
	s0 =	rddreg [dreg:$0x3];
	[sflag:s18] =	ssyncset.done @!p2 $0x0  }
0x3a: {  	s19 =	rddreg [dreg:$0x4];
	[sflag:s18] =	ssyncadd.s32 @!p2 $0xFFFFC000;
	s0 =	sadd.s32 @!p2 $0x0, s0  }
0x3b: {  	[hbm4b:s0+s20] =	stream.linear.scatter @!p2 [tilespmem:s14], [sflag:$0x5], $0x4000, $0x38;
	[tilespmem:$0x10200] =	vst v63  }
0x3c: {  	p1 =	sle.u32 s7, $0x2;
	s0 =	sadd.s32 @!p2 $0x0, s19;
	s14 =	simm.s32 @!p2 $0x8200  }
0x3d: {  	[hbm4b:s0+s20] =	stream.linear.scatter @!p2 [tilespmem:s14], [sflag:$0x5], $0x4000, $0x38;
	[tilespmem:$0x10200] =	vst v63  }
0x3e: {  	s0 =	sadd.s32 @!p1 s13, s5;
	s14 =	simm.s32 @!p1 $0x0  }
0x3f: {  	[tilespmem:s14], [sflag:$0x1] =	stream.linear.gather @!p1 [hbm4b:s0+s14], $0x80, $0x38;
	[tilespmem:$0x10200] =	vst v63  }
0x40: {  	s18 =	simm.s32 @!p1 $0x100;
	s19 =	simm.s32 @!p1 $0x1;
	s0 =	sadd.s32 @!p1 s13, s6  }
0x41: {  	[tilespmem:s18], [sflag:$0x1] =	stream.linear.gather @!p1 [hbm4b:s0+s14], $0x80, $0x38;
	[tilespmem:$0x10200] =	vst v63  }
0x42: {  	_ =	swait.ge @!p1 [sflag:s19], $0x80  }
0x43: {  	[sflag:s19] =	ssyncset.done @!p1 $0x0  }
0x44: {  	[sflag:s19] =	ssyncadd.s32 @!p1 $0xFFFFFF80  }
0x45: {  	_ =	swait.ge @!p1 [sflag:s19], $0x80  }
0x46: {  	[sflag:s19] =	ssyncset.done @!p1 $0x0  }
0x47: {  	s0 =	simm.s32 @!p1 $0x5;
	[sflag:s19] =	ssyncadd.s32 @!p1 $0xFFFFFF80  }
0x48: {  	_ =	swait.ge @!p1 [sflag:s0], $0x4000  }
0x49: {  	[sflag:s0] =	ssyncset.done @!p1 $0x0  }
0x4a: {  	s28 =	simm.s32 $0x0;
	[sflag:s0] =	ssyncadd.s32 @!p1 $0xFFFFC000  }
0x4b: {  	s29 =	smov.u32 s13;
	s24 =	smov.u32 s2;
	_ =	swait.ge @!p1 [sflag:s0], $0x4000  }
0x4c: {  	s25 =	simm.s32 $0x2;
	s26 =	simm.s32 $0x4;
	[sflag:s0] =	ssyncset.done @!p1 $0x0  }
0x4d: {  	s20 =	simm.s32 @!p1 $0x200;
	s19 =	simm.s32 @!p1 $0x80;
	[sflag:s0] =	ssyncadd.s32 @!p1 $0xFFFFC000  }
0x4e: {  	[tilespmem:s20], [sflag:$0x3] =	stream.indirect.gather @!p1 [hbm4b:s1+s19], $0x80, s14, s19, $0xb8;
	[tilespmem:$0x10200] =	vst v63  }
0x4f: {  	s0 =	simm.s32 @!p1 $0x8200;
	s20 =	simm.s32 @!p0 $0x4;
	s14 =	smov.u32 s2  }
0x50: {  	[tilespmem:s0], [sflag:$0x3] =	stream.indirect.gather @!p1 [hbm4b:s4+s19], $0x80, s18, s19, $0xb8;
	[tilespmem:$0x10200] =	vst v63  }
0x51: {  	s0 =	simm.s32 $0x4;
	s19 =	simm.s32 $0x0;
	s18 =	simm.s32 $0x0  }
.LBB2_2:
0x52: {  	_ =	swait.ge @!p0 [sflag:s20], $0x4000  }
0x53: {  	[sflag:s20] =	ssyncset.done @!p0 $0x0  }
0x54: {  	[sflag:s20] =	ssyncadd.s32 @!p0 $0xFFFFC000  }
0x55: {  	s9 =	simm.s32 @!p0 $0x0;
	s11 =	sadd.s32 $0x1, s25;
	_ =	swait.ge @!p0 [sflag:s20], $0x4000  }
0x56: {  	s19 =	sadd.s32 $0x3, s19;
	s10 =	rddreg [dreg:$0x5];
	[sflag:s20] =	ssyncset.done @!p0 $0x0  }
0x57: {  	s12 =	rddreg [dreg:$0x6];
	[sflag:s20] =	ssyncadd.s32 @!p0 $0xFFFFC000;
	s10 =	sadd.s32 @!p0 s18, s10  }
0x58: {  	[hbm4b:s10+s9] =	stream.linear.scatter @!p0 [tilespmem:s30], [sflag:$0x6], $0x4000, $0x38;
	[tilespmem:$0x10200] =	vst v63  }
0x59: {  	p3 =	sge.u32 s11, s7;
	p4 =	sge.u32 s19, s7;
	s10 =	sadd.s32 @!p0 s18, s12  }
0x5a: {  	[hbm4b:s10+s9] =	stream.linear.scatter @!p0 [tilespmem:s31], [sflag:$0x6], $0x4000, $0x38;
	[tilespmem:$0x10200] =	vst v63  }
0x5b: {  	s11 =	simm.s32 @!p4 $0x80;
	s9 =	sadd.s32 @!p4 s14, s5;
	s10 =	simm.s32 @!p4 $0x0  }
0x5c: {  	[tilespmem:s11], [sflag:$0x2] =	stream.linear.gather @!p4 [hbm4b:s9+s10], $0x80, $0x38;
	[tilespmem:$0x10200] =	vst v63  }
0x5d: {  	s12 =	simm.s32 @!p4 $0x180;
	s9 =	simm.s32 @!p3 $0x2;
	s11 =	sadd.s32 @!p4 s14, s6  }
0x5e: {  	[tilespmem:s12], [sflag:$0x2] =	stream.linear.gather @!p4 [hbm4b:s11+s10], $0x80, $0x38;
	[tilespmem:$0x10200] =	vst v63  }
0x5f: {  	_ =	swait.ge @!p3 [sflag:s9], $0x80  }
0x60: {  	[sflag:s9] =	ssyncset.done @!p3 $0x0  }
0x61: {  	[sflag:s9] =	ssyncadd.s32 @!p3 $0xFFFFFF80  }
0x62: {  	p2 =	seq.s32 @!p3 s25, $0x0;
	p0 =	por p3, p3;
	_ =	swait.ge @!p3 [sflag:s9], $0x80  }
0x63: {  	p2 =	por p2, p3;
	[sflag:s9] =	ssyncset.done @!p0 $0x0  }
0x64: {  	s11 =	simm.s32 @!p2 $0x6;
	[sflag:s9] =	ssyncadd.s32 @!p0 $0xFFFFFF80  }
0x65: {  	_ =	swait.ge @!p2 [sflag:s11], $0x4000  }
0x66: {  	[sflag:s11] =	ssyncset.done @!p2 $0x0  }
0x67: {  	[sflag:s11] =	ssyncadd.s32 @!p2 $0xFFFFC000  }
0x68: {  	s8 =	smov.u32 s0;
	s19 =	smov.u32 s25;
	_ =	swait.ge @!p2 [sflag:s11], $0x4000  }
0x69: {  	s25 =	smov.u32 s8;
	s30 =	simm.s32 @!p3 $0x4200;
	[sflag:s11] =	ssyncset.done @!p2 $0x0  }
0x6a: {  	s10 =	simm.s32 @!p3 $0x80;
	p3 =	sge.u32 s19, s7;
	[sflag:s11] =	ssyncadd.s32 @!p2 $0xFFFFC000  }
0x6b: {  	[tilespmem:s30], [sflag:$0x4] =	stream.indirect.gather @!p0 [hbm4b:s1+s10], $0x80, s10, s10, $0xb8;
	[tilespmem:$0x10200] =	vst v63  }
0x6c: {  	s8 =	simm.s32 @!p0 $0x180;
	s31 =	simm.s32 @!p0 $0xC200;
	s9 =	simm.s32 @!p3 $0x3  }
0x6d: {  	[tilespmem:s31], [sflag:$0x4] =	stream.indirect.gather @!p0 [hbm4b:s4+s10], $0x80, s8, s10, $0xb8;
	[tilespmem:$0x10200] =	vst v63  }
0x6e: {  	_ =	swait.ge @!p3 [sflag:s9], $0x4000  }
0x6f: {  	[sflag:s9] =	ssyncset.done @!p3 $0x0  }
0x70: {  	s28 =	sadd.s32 $0x1000, s28;
	[sflag:s9] =	ssyncadd.s32 @!p3 $0xFFFFC000  }
0x71: {  	s29 =	sadd.s32 $0x20, s29;
	s8 =	simm.s32 @!p3 $0x200;
	_ =	swait.ge @!p3 [sflag:s9], $0x4000  }
0x72: {  	s10 =	simm.s32 @!p3 $0x0;
	[sflag:s9] =	ssyncset.done @!p3 $0x0;
	s12 =	rddreg [dreg:$0x3]  }
0x73: {  	s11 =	rddreg [dreg:$0x4];
	[sflag:s9] =	ssyncadd.s32 @!p3 $0xFFFFC000;
	s9 =	sadd.s32 @!p3 s28, s12  }
0x74: {  	[hbm4b:s9+s10] =	stream.linear.scatter @!p3 [tilespmem:s8], [sflag:$0x5], $0x4000, $0x38;
	[tilespmem:$0x10200] =	vst v63  }
0x75: {  	p2 =	sge.u32 s26, s7;
	s11 =	sadd.s32 @!p3 s28, s11;
	s8 =	simm.s32 @!p3 $0x8200  }
0x76: {  	[hbm4b:s11+s10] =	stream.linear.scatter @!p3 [tilespmem:s8], [sflag:$0x5], $0x4000, $0x38;
	[tilespmem:$0x10200] =	vst v63  }
0x77: {  	s9 =	simm.s32 @!p2 $0x0;
	s8 =	sadd.s32 @!p2 s29, s5  }
0x78: {  	[tilespmem:s9], [sflag:$0x1] =	stream.linear.gather @!p2 [hbm4b:s8+s9], $0x80, $0x38;
	[tilespmem:$0x10200] =	vst v63  }
0x79: {  	s10 =	simm.s32 @!p2 $0x100;
	s11 =	simm.s32 @!p2 $0x1;
	s8 =	sadd.s32 @!p2 s29, s6  }
0x7a: {  	[tilespmem:s10], [sflag:$0x1] =	stream.linear.gather @!p2 [hbm4b:s8+s9], $0x80, $0x38;
	[tilespmem:$0x10200] =	vst v63  }
0x7b: {  	_ =	swait.ge @!p2 [sflag:s11], $0x80  }
0x7c: {  	[sflag:s11] =	ssyncset.done @!p2 $0x0  }
0x7d: {  	[sflag:s11] =	ssyncadd.s32 @!p2 $0xFFFFFF80  }
0x7e: {  	_ =	swait.ge @!p2 [sflag:s11], $0x80  }
0x7f: {  	[sflag:s11] =	ssyncset.done @!p2 $0x0  }
0x80: {  	s8 =	simm.s32 @!p2 $0x5;
	[sflag:s11] =	ssyncadd.s32 @!p2 $0xFFFFFF80  }
0x81: {  	_ =	swait.ge @!p2 [sflag:s8], $0x4000  }
0x82: {  	[sflag:s8] =	ssyncset.done @!p2 $0x0  }
0x83: {  	s0 =	sadd.s32 $0x2, s0;
	s24 =	sadd.s32 $0x20, s24;
	[sflag:s8] =	ssyncadd.s32 @!p2 $0xFFFFC000  }
0x84: {  	p1 =	sne.s32 s0, $0x28;
	s18 =	smov.u32 s28;
	_ =	swait.ge @!p2 [sflag:s8], $0x4000  }
.Ltmp0:
0x85: {  	s20 =	simm.s32 @!p0 $0x4;
	[sflag:s8] =	ssyncset.done @!p2 $0x0;
	(pc) =	sbr.rel @p1 .LBB2_2-.Ltmp0, $4  }
0x86: {  	s12 =	simm.s32 @!p2 $0x200;
	s11 =	simm.s32 @!p2 $0x80;
	[sflag:s8] =	ssyncadd.s32 @!p2 $0xFFFFC000  }
0x87: {  	[tilespmem:s12], [sflag:$0x3] =	stream.indirect.gather @!p2 [hbm4b:s1+s11], $0x80, s9, s11, $0xb8;
	[tilespmem:$0x10200] =	vst v63  }
0x88: {  	s14 =	smov.u32 s24;
	s26 =	smov.u32 s0;
	s15 =	simm.s32 @!p2 $0x8200  }
0x89: {  	[tilespmem:s15], [sflag:$0x3] =	stream.indirect.gather @!p2 [hbm4b:s4+s11], $0x80, s10, s11, $0xb8;
	[tilespmem:$0x10200] =	vst v63  }
0x8a: {  	_ =	swait.ge @!p0 [sflag:s20], $0x4000  }
0x8b: {  	[sflag:s20] =	ssyncset.done @!p0 $0x0  }
0x8c: {  	[sflag:s20] =	ssyncadd.s32 @!p0 $0xFFFFC000  }
0x8d: {  	s8 =	simm.s32 @!p0 $0x0;
	s9 =	sadd.s32 $0x1, s25;
	_ =	swait.ge @!p0 [sflag:s20], $0x4000  }
0x8e: {  	s11 =	sadd.s32 $0x3, s19;
	s0 =	rddreg [dreg:$0x5];
	[sflag:s20] =	ssyncset.done @!p0 $0x0  }
0x8f: {  	s10 =	rddreg [dreg:$0x6];
	[sflag:s20] =	ssyncadd.s32 @!p0 $0xFFFFC000;
	s0 =	sadd.s32 @!p0 s18, s0  }
0x90: {  	[hbm4b:s0+s8] =	stream.linear.scatter @!p0 [tilespmem:s30], [sflag:$0x6], $0x4000, $0x38;
	[tilespmem:$0x10200] =	vst v63  }
0x91: {  	p1 =	sge.u32 s9, s7;
	p2 =	sge.u32 s11, s7;
	s0 =	sadd.s32 @!p0 s18, s10  }
0x92: {  	[hbm4b:s0+s8] =	stream.linear.scatter @!p0 [tilespmem:s31], [sflag:$0x6], $0x4000, $0x38;
	[tilespmem:$0x10200] =	vst v63  }
0x93: {  	s9 =	simm.s32 @!p2 $0x80;
	s0 =	sadd.s32 @!p2 s14, s5;
	s8 =	simm.s32 @!p2 $0x0  }
0x94: {  	[tilespmem:s9], [sflag:$0x2] =	stream.linear.gather @!p2 [hbm4b:s0+s8], $0x80, $0x38;
	[tilespmem:$0x10200] =	vst v63  }
0x95: {  	s10 =	simm.s32 @!p2 $0x180;
	s0 =	simm.s32 @!p1 $0x2;
	s9 =	sadd.s32 @!p2 s14, s6  }
0x96: {  	[tilespmem:s10], [sflag:$0x2] =	stream.linear.gather @!p2 [hbm4b:s9+s8], $0x80, $0x38;
	[tilespmem:$0x10200] =	vst v63  }
0x97: {  	_ =	swait.ge @!p1 [sflag:s0], $0x80  }
0x98: {  	[sflag:s0] =	ssyncset.done @!p1 $0x0  }
0x99: {  	[sflag:s0] =	ssyncadd.s32 @!p1 $0xFFFFFF80  }
0x9a: {  	p0 =	por p1, p1;
	p2 =	seq.s32 @!p1 s25, $0x0;
	_ =	swait.ge @!p1 [sflag:s0], $0x80  }
0x9b: {  	p3 =	por p2, p1;
	[sflag:s0] =	ssyncset.done @!p0 $0x0  }
0x9c: {  	s8 =	simm.s32 @!p3 $0x6;
	[sflag:s0] =	ssyncadd.s32 @!p0 $0xFFFFFF80  }
0x9d: {  	_ =	swait.ge @!p3 [sflag:s8], $0x4000  }
0x9e: {  	[sflag:s8] =	ssyncset.done @!p3 $0x0  }
0x9f: {  	[sflag:s8] =	ssyncadd.s32 @!p3 $0xFFFFC000  }
0xa0: {  	_ =	swait.ge @!p3 [sflag:s8], $0x4000  }
0xa1: {  	s9 =	simm.s32 @!p1 $0x80;
	[sflag:s8] =	ssyncset.done @!p3 $0x0  }
0xa2: {  	p2 =	sge.u32 s25, s7;
	s0 =	simm.s32 @!p1 $0x4200;
	[sflag:s8] =	ssyncadd.s32 @!p3 $0xFFFFC000  }
0xa3: {  	[tilespmem:s0], [sflag:$0x4] =	stream.indirect.gather @!p0 [hbm4b:s1+s9], $0x80, s9, s9, $0xb8;
	[tilespmem:$0x10200] =	vst v63  }
0xa4: {  	s11 =	simm.s32 @!p0 $0xC200;
	s10 =	simm.s32 @!p2 $0x3;
	s8 =	simm.s32 @!p0 $0x180  }
0xa5: {  	[tilespmem:s11], [sflag:$0x4] =	stream.indirect.gather @!p0 [hbm4b:s4+s9], $0x80, s8, s9, $0xb8;
	[tilespmem:$0x10200] =	vst v63  }
0xa6: {  	_ =	swait.ge @!p2 [sflag:s10], $0x4000  }
0xa7: {  	[sflag:s10] =	ssyncset.done @!p2 $0x0  }
0xa8: {  	s12 =	sadd.s32 $0x20, s29;
	[sflag:s10] =	ssyncadd.s32 @!p2 $0xFFFFC000  }
0xa9: {  	s14 =	simm.s32 @!p2 $0x200;
	s18 =	simm.s32 @!p2 $0x0;
	_ =	swait.ge @!p2 [sflag:s10], $0x4000  }
0xaa: {  	s9 =	sadd.s32 $0x1000, s28;
	s8 =	rddreg [dreg:$0x3];
	[sflag:s10] =	ssyncset.done @!p2 $0x0  }
0xab: {  	s15 =	rddreg [dreg:$0x4];
	[sflag:s10] =	ssyncadd.s32 @!p2 $0xFFFFC000;
	s8 =	sadd.s32 @!p2 s9, s8  }
0xac: {  	[hbm4b:s8+s18] =	stream.linear.scatter @!p2 [tilespmem:s14], [sflag:$0x5], $0x4000, $0x38;
	[tilespmem:$0x10200] =	vst v63  }
0xad: {  	p1 =	sge.u32 s26, s7;
	s10 =	simm.s32 @!p2 $0x8200;
	s8 =	sadd.s32 @!p2 s9, s15  }
0xae: {  	[hbm4b:s8+s18] =	stream.linear.scatter @!p2 [tilespmem:s10], [sflag:$0x5], $0x4000, $0x38;
	[tilespmem:$0x10200] =	vst v63  }
0xaf: {  	s8 =	sadd.s32 @!p1 s12, s5;
	s10 =	simm.s32 @!p1 $0x0  }
0xb0: {  	[tilespmem:s10], [sflag:$0x1] =	stream.linear.gather @!p1 [hbm4b:s8+s10], $0x80, $0x38;
	[tilespmem:$0x10200] =	vst v63  }
0xb1: {  	s14 =	simm.s32 @!p1 $0x1;
	s8 =	sadd.s32 @!p1 s12, s6;
	s12 =	simm.s32 @!p1 $0x100  }
0xb2: {  	[tilespmem:s12], [sflag:$0x1] =	stream.linear.gather @!p1 [hbm4b:s8+s10], $0x80, $0x38;
	[tilespmem:$0x10200] =	vst v63  }
0xb3: {  	_ =	swait.ge @!p1 [sflag:s14], $0x80  }
0xb4: {  	[sflag:s14] =	ssyncset.done @!p1 $0x0  }
0xb5: {  	[sflag:s14] =	ssyncadd.s32 @!p1 $0xFFFFFF80  }
0xb6: {  	_ =	swait.ge @!p1 [sflag:s14], $0x80  }
0xb7: {  	[sflag:s14] =	ssyncset.done @!p1 $0x0  }
0xb8: {  	s8 =	simm.s32 @!p1 $0x5;
	[sflag:s14] =	ssyncadd.s32 @!p1 $0xFFFFFF80  }
0xb9: {  	_ =	swait.ge @!p1 [sflag:s8], $0x4000  }
0xba: {  	[sflag:s8] =	ssyncset.done @!p1 $0x0  }
0xbb: {  	[sflag:s8] =	ssyncadd.s32 @!p1 $0xFFFFC000  }
0xbc: {  	_ =	swait.ge @!p1 [sflag:s8], $0x4000  }
0xbd: {  	[sflag:s8] =	ssyncset.done @!p1 $0x0  }
0xbe: {  	s15 =	simm.s32 @!p1 $0x200;
	s14 =	simm.s32 @!p1 $0x80;
	[sflag:s8] =	ssyncadd.s32 @!p1 $0xFFFFC000  }
0xbf: {  	[tilespmem:s15], [sflag:$0x3] =	stream.indirect.gather @!p1 [hbm4b:s1+s14], $0x80, s10, s14, $0xb8;
	[tilespmem:$0x10200] =	vst v63  }
0xc0: {  	s8 =	simm.s32 @!p1 $0x8200;
	s10 =	simm.s32 @!p0 $0x4  }
0xc1: {  	[tilespmem:s8], [sflag:$0x3] =	stream.indirect.gather @!p1 [hbm4b:s4+s14], $0x80, s12, s14, $0xb8;
	[tilespmem:$0x10200] =	vst v63  }
0xc2: {  	_ =	swait.ge @!p0 [sflag:s10], $0x4000  }
0xc3: {  	[sflag:s10] =	ssyncset.done @!p0 $0x0  }
0xc4: {  	[sflag:s10] =	ssyncadd.s32 @!p0 $0xFFFFC000  }
0xc5: {  	s30 =	sadd.s32 $0x3, s25;
	_ =	swait.ge @!p0 [sflag:s10], $0x4000  }
0xc6: {  	s12 =	simm.s32 @!p0 $0x0;
	s8 =	rddreg [dreg:$0x5];
	[sflag:s10] =	ssyncset.done @!p0 $0x0  }
0xc7: {  	s14 =	rddreg [dreg:$0x6];
	[sflag:s10] =	ssyncadd.s32 @!p0 $0xFFFFC000;
	s8 =	sadd.s32 @!p0 s9, s8  }
0xc8: {  	[hbm4b:s8+s12] =	stream.linear.scatter @!p0 [tilespmem:s0], [sflag:$0x6], $0x4000, $0x38;
	[tilespmem:$0x10200] =	vst v63  }
0xc9: {  	p1 =	sge.u32 s30, s7;
	s0 =	sadd.s32 $0x20, s24;
	s8 =	sadd.s32 @!p0 s9, s14  }
0xca: {  	[hbm4b:s8+s12] =	stream.linear.scatter @!p0 [tilespmem:s11], [sflag:$0x6], $0x4000, $0x38;
	[tilespmem:$0x10200] =	vst v63  }
0xcb: {  	s10 =	simm.s32 @!p1 $0x80;
	s9 =	simm.s32 @!p1 $0x0;
	s8 =	sadd.s32 @!p1 s0, s5  }
0xcc: {  	[tilespmem:s10], [sflag:$0x2] =	stream.linear.gather @!p1 [hbm4b:s8+s9], $0x80, $0x38;
	[tilespmem:$0x10200] =	vst v63  }
0xcd: {  	s0 =	sadd.s32 @!p1 s0, s6;
	s8 =	simm.s32 @!p1 $0x180  }
0xce: {  	[tilespmem:s8], [sflag:$0x2] =	stream.linear.gather @!p1 [hbm4b:s0+s9], $0x80, $0x38;
	[tilespmem:$0x10200] =	vst v63  }
0xcf: {  	_ =	swait.ge [sflag:s21], $0x4000  }
0xd0: {  	[sflag:s21] =	ssyncset.done $0x0  }
0xd1: {  	[sflag:s21] =	ssyncadd.s32 $0xFFFFC000  }
0xd2: {  	_ =	swait.ge [sflag:s21], $0x4000  }
0xd3: {  	[sflag:s21] =	ssyncset.done $0x0  }
0xd4: {  	[sflag:s21] =	ssyncadd.s32 $0xFFFFC000  }
0xd5: {  	_ =	swait.ge [sflag:s22], $0x4000  }
0xd6: {  	[sflag:s22] =	ssyncset.done $0x0  }
0xd7: {  	[sflag:s22] =	ssyncadd.s32 $0xFFFFC000  }
0xd8: {  	_ =	swait.ge [sflag:s22], $0x4000  }
0xd9: {  	s23 =	sadd.s32 $0x1, s23;
	s31 =	rddreg [dreg:$0xb]  }
0xda: {  	p0 =	sne.s32 s23, s31  }
.Ltmp1:
0xdb: {  	_ = 	snop;
	(pc) =	sbr.rel @p0 .LBB2_1-.Ltmp1, $3  }
0xdc: {  	_ =	sdelay $0x1  }
0xdd: {  	[sflag:s22] =	ssyncset.done $0x0  }
0xde: {  	[sflag:s22] =	ssyncadd.s32 $0xFFFFC000  }
0xdf: {  	_ =	sfence.sel $0x180000  }
0xe0: {  	[bflag:$0x0] =	sbarrier.arrive $0xFFFF  }
0xe1: {  	_ =	strace $0x9000004A  }
0xe2: {  	s0 =	stileid.u32;
	[bflag:$0x2] =	sbarrier.arrive $0xFFFF  }
0xe3: {  	p0 =	sne.s32 s0, $0x0;
	s0 =	rddreg [dreg:$0x2]  }
0xe4: {  	s0 =	sadd.s32 @!p0 $0x100000, s0  }
0xe5: {  	[sflag:s0] =	ssyncadd.tile.s32 @!p0 $0x1;
	_ =	shalt  }
.Lfunc_end2:
_tile_overlayer_lowered:
.L_overlay_start_2:
0xe6: {  	(tag) =	ssettag $0x2  }
0xe7: {  	s0 =	rddreg [dreg:$0x0];
	s2 =	stileid.u32  }
0xe8: {  	s1 =	rddreg [dreg:$0x1];
	p0 =	sne.s32 s2, $0x0  }
0xe9: {  	s3 =	rddreg [dreg:$0x2];
	[bflag:$0x3] =	sbarrier.arrive $0xFFFF;
	s2 =	simm.s32 @!p0 $0x1C07  }
0xea: {  	[timem:s3], [sflag:s2] =	dma.local @!p0 [hbm:s0], s1  }
0xeb: {  	s0 =	simm.s32 @!p0 $0x7  }
0xec: {  	_ =	swait.ge @!p0 [sflag:s0], s1  }
0xed: {  	s1 =	ssub.s32 @!p0 $0x0, s1;
	[sflag:s0] =	ssyncset.done @!p0 $0x0  }
0xee: {  	[sflag:s0] =	ssyncadd.s32 @!p0 s1  }
0xef: {  	[bflag:$0x3] =	sbarrier.arrive $0xFFFF  }
0xf0: {  	_ =	shalt  }

// kernel: kernel.16.cloned.1.call-start
scs
__scs_entry_jumppad:
0x0: {  	(pc) =	sbr.rel $0x88, $3  }
0x1: {  	(tag) =	ssettag $0x0;
	lr =	simm.s32 $0x1  }
0x2: {  	[smem:$0x3F8F] =	sst lr;
	_ =	strace $0xD0000000  }
0x3: {  	_ = 	snop  }
0x4: {  	_ = 	snop  }
0x5: {  	_ = 	snop  }
0x6: {  	_ = 	snop  }
0x7: {  	_ = 	snop  }
__scs_overlays_trampoline_lowered:
0x8: {  	[smem:$0x3F9E] =	sst s0  }
0x9: {  	[smem:$0x3F9F] =	sst s1  }
0xa: {  	[smem:$0x3FA0] =	sst s2  }
0xb: {  	[smem:$0x3FA1] =	sst s3  }
0xc: {  	[smem:$0x3FA2] =	sst s4  }
0xd: {  	[smem:$0x3FA3] =	sst s5  }
0xe: {  	[smem:$0x3FA4] =	sst s6  }
0xf: {  	[smem:$0x3FA5] =	sst s7  }
0x10: {  	[smem:$0x3FA6] =	sst s8  }
0x11: {  	[smem:$0x3FA7] =	sst s9;
	s0 =	simm.s32 @!p0 $0x0  }
0x12: {  	s1 =	sld [smem:$0x3F8D];
	s0 =	simm.s32 @p0 $0x1  }
0x13: {  	[smem:$0x3FA8] =	sst s0;
	s0 =	simm.s32 @!p1 $0x0  }
0x14: {  	s2 =	sld [smem:$0x3F8C];
	s0 =	simm.s32 @p1 $0x1  }
0x15: {  	[smem:$0x3FA9] =	sst s0;
	s0 =	simm.s32 @!p2 $0x0  }
0x16: {  	s3 =	sld [smem:$0x3FDB];
	s0 =	simm.s32 @p2 $0x1  }
0x17: {  	s4 =	simm.s32 $0x1BF5;
	[smem:$0x3FAB] =	sst s0  }
0x18: {  	s0 =	sld [smem:$0x3F8E];
	_ =	swait.ge [sflag:s4], $0x0  }
0x19: {  	s7 =	sld [smem:$0x3F8F]  }
0x1a: {  	s8 =	sadd.s32 $0xFFFFE003, lr  }
0x1b: {  	s9 =	sadd.s32 $0xFFFFFEF7, lr;
	s5 =	simm.s32 $0xFFFFFFFF;
	p2 =	slt.u32 s8, $0xFFFFF086  }
0x1c: {  	p1 =	slt.u32 s9, $0xF7A;
	s5 =	simm.s32 @!p2 $0x0  }
0x1d: {  	s5 =	simm.s32 @p1 $0x1;
	p0 =	seq.s32 s7, s2  }
0x1e: {  	s7 =	smul.u32 @!p0 $0xF7A, s2;
	p2 =	seq.s32 @!p0 s5, $0x0  }
0x1f: {  	s9 =	smul.u32 $0xF7A, s1;
	s8 =	simm.s32 @!p0 $0x1BF5;
	p2 =	por !p2, p0  }
0x20: {  	[sflag:s8] =	ssyncset.s32 @!p0 $0xFFFFF086;
	s6 =	sadd.s32 @!p0 s3, s7;
	s7 =	simm.s32 @!p0 $0x108  }
0x21: {  	s3 =	sadd.s32 s3, s9;
	s6 =	sadd.s32 @!p0 $0x88, s6;
	s7 =	simm.s32 @p2 $0x1082  }
0x22: {  	[simem:s7], [sflag:s8] =	dma.local @!p0 [hbm:s6], $0xF7A  }
0x23: {  	s9 =	sor.u32 $0xD0000000, s2;
	s6 =	simm.s32 $0x108;
	_ =	swait.ge @!p0 [sflag:s8], $0x0  }
0x24: {  	s3 =	sadd.s32 $0x88, s3;
	s6 =	simm.s32 @!p1 $0x1082;
	[sflag:s4] =	ssyncset.s32 $0xFFFFF086  }
0x25: {  	[simem:s6], [sflag:s4] =	dma.local [hbm:s3], $0xF7A  }
0x26: {  	[smem:$0x3F8F] =	sst s1;
	(tag) =	ssettag s2;
	_ =	strace s9  }
0x27: {  	s1 =	sld [smem:$0x3F9F]  }
0x28: {  	s2 =	sld [smem:$0x3FA0]  }
0x29: {  	s4 =	sld [smem:$0x3FA2]  }
0x2a: {  	p0 =	seq.s32 s5, $0x0;
	s5 =	sld [smem:$0x3FA3]  }
0x2b: {  	s6 =	sld [smem:$0x3FA4]  }
0x2c: {  	s7 =	sld [smem:$0x3FA5]  }
0x2d: {  	s3 =	simm.s32 $0x108;
	s8 =	sld [smem:$0x3FA6]  }
0x2e: {  	s3 =	simm.s32 @!p0 $0x1082;
	s9 =	sld [smem:$0x3FA7]  }
0x2f: {  	lr =	sadd.s32 s0, s3;
	s0 =	sld [smem:$0x3F9E]  }
0x30: {  	s3 =	sld [smem:$0x3FA1]  }
0x31: {  	[smem:$0x3FAA] =	sst s10  }
0x32: {  	s10 =	sld [smem:$0x3FA8];
	_ =	sdelay $0x3  }
0x33: {  	p0 =	seq.s32 s10, $0x1;
	s10 =	sld [smem:$0x3FAA];
	_ =	sdelay $0x3  }
0x34: {  	[smem:$0x3FAA] =	sst s10  }
0x35: {  	s10 =	sld [smem:$0x3FA9];
	_ =	sdelay $0x3  }
0x36: {  	p1 =	seq.s32 s10, $0x1;
	s10 =	sld [smem:$0x3FAA];
	_ =	sdelay $0x3  }
0x37: {  	[smem:$0x3FAA] =	sst s10  }
0x38: {  	s10 =	sld [smem:$0x3FAB]  }
0x39: {  	_ = 	snop;
	(pc) =	sbr.ind lr, $3  }
0x3a: {  	_ = 	snop  }
0x3b: {  	_ = 	snop  }
0x3c: {  	p2 =	seq.s32 s10, $0x1;
	s10 =	sld [smem:$0x3FAA]  }
0x3d: {  	_ =	shalt  }
0x3e: {  	_ =	shalt  }
0x3f: {  	_ =	shalt  }
0x40: {  	_ =	shalt  }
0x41: {  	_ =	shalt  }
0x42: {  	_ =	shalt  }
0x43: {  	_ =	shalt  }
0x44: {  	_ =	shalt  }
0x45: {  	_ =	shalt  }
0x46: {  	_ =	shalt  }
0x47: {  	_ =	shalt  }
0x48: {  	_ =	shalt  }
0x49: {  	_ =	shalt  }
0x4a: {  	_ =	shalt  }
0x4b: {  	_ =	shalt  }
0x4c: {  	_ =	shalt  }
0x4d: {  	_ =	shalt  }
0x4e: {  	_ =	shalt  }
0x4f: {  	_ =	shalt  }
0x50: {  	_ =	shalt  }
0x51: {  	_ =	shalt  }
0x52: {  	_ =	shalt  }
0x53: {  	_ =	shalt  }
0x54: {  	_ =	shalt  }
0x55: {  	_ =	shalt  }
0x56: {  	_ =	shalt  }
0x57: {  	_ =	shalt  }
0x58: {  	_ =	shalt  }
0x59: {  	_ =	shalt  }
0x5a: {  	_ =	shalt  }
0x5b: {  	_ =	shalt  }
0x5c: {  	_ =	shalt  }
0x5d: {  	_ =	shalt  }
0x5e: {  	_ =	shalt  }
0x5f: {  	_ =	shalt  }
0x60: {  	_ =	shalt  }
0x61: {  	_ =	shalt  }
0x62: {  	_ =	shalt  }
0x63: {  	_ =	shalt  }
0x64: {  	_ =	shalt  }
0x65: {  	_ =	shalt  }
0x66: {  	_ =	shalt  }
0x67: {  	_ =	shalt  }
0x68: {  	_ =	shalt  }
0x69: {  	_ =	shalt  }
0x6a: {  	_ =	shalt  }
0x6b: {  	_ =	shalt  }
0x6c: {  	_ =	shalt  }
0x6d: {  	_ =	shalt  }
0x6e: {  	_ =	shalt  }
0x6f: {  	_ =	shalt  }
0x70: {  	_ =	shalt  }
0x71: {  	_ =	shalt  }
0x72: {  	_ =	shalt  }
0x73: {  	_ =	shalt  }
0x74: {  	_ =	shalt  }
0x75: {  	_ =	shalt  }
0x76: {  	_ =	shalt  }
0x77: {  	_ =	shalt  }
0x78: {  	_ =	shalt  }
0x79: {  	_ =	shalt  }
0x7a: {  	_ =	shalt  }
0x7b: {  	_ =	shalt  }
0x7c: {  	_ =	shalt  }
0x7d: {  	_ =	shalt  }
0x7e: {  	_ =	shalt  }
0x7f: {  	_ =	shalt  }
0x80: {  	_ =	shalt  }
0x81: {  	_ =	shalt  }
0x82: {  	_ =	shalt  }
0x83: {  	_ =	shalt  }
0x84: {  	_ =	shalt  }
0x85: {  	_ =	shalt  }
0x86: {  	_ =	shalt  }
0x87: {  	_ =	shalt  }
.Lfunc_end0:
.L_simem_size_0:
called_computation.2_lowered:
.L_overlay_start_0:
0x88: {  	s2 =	sld [smem:$0x3FD9]  }
0x89: {  	s3 =	sld [smem:$0x3FFE];
	_ =	sdelay $0x1  }
0x8a: {  	s1 =	srdreg.scid  }
0x8b: {  	s0 =	sand.u32 $0x1, s1  }
0x8c: {  	s17 =	sshll.u32 s0, $0xA;
	s2 =	sadd.s32 s3, s2  }
0x8d: {  	s2 =	sadd.s32 s2, s17  }
0x8e: {  	[smem:$0x3FB6] =	sst s2  }
0x8f: {  	_ = 	snop  }
0x90: {  	(tm) =	ssettm $0x1  }
0x91: {  	s18 =	sld [smem:$0x3FFB];
	_ =	sdelay $0x3  }
0x92: {  	_ =	strace s18  }
0x93: {  	s2 =	sld [smem:$0x3FFC];
	_ =	sdelay $0x3  }
0x94: {  	_ =	strace s2  }
0x95: {  	s2 =	sld [smem:$0x3FFD];
	_ =	sdelay $0x3  }
0x96: {  	_ =	strace s2  }
0x97: {  	_ =	strace $0x8FFFFFFF  }
0x98: {  	s19 =	sld [smem:$0x3FDB];
	_ =	sdelay $0x1  }
0x99: {  	s20 =	simm.s32 $_scs_section_size  }
0x9a: {  	s4 =	simm.s32 $_size__tile_overlayer_lowered;
	s5 =	simm.s32 $_tile_overlayer_lowered  }
0x9b: {  	s6 =	simm.s32 $0x1BFF;
	s21 =	sshll.u32 s5, $0x1;
	s3 =	sadd.s32 s20, s19  }
0x9c: {  	s22 =	simm.s32 $0x0;
	s4 =	sshll.u32 s4, $0x1;
	s5 =	sadd.s32 s21, s3  }
0x9d: {  	[timem:s22], [sflag:s6] =	dma.local [hbm:s5], s4  }
0x9e: {  	_ =	swait.ge [sflag:s6], s4  }
0x9f: {  	s4 =	ssub.s32 $0x0, s4;
	[sflag:s6] =	ssyncset.done $0x0  }
0xa0: {  	[sflag:s6] =	ssyncadd.s32 s4;
	_ =	sdelay $0x1  }
0xa1: {  	s23 =	simm.s32 $0x1B8B  }
0xa2: {  	_ =	swait.ge [sflag:s23], $0x1  }
0xa3: {  	[sflag:s23] =	ssyncset.done $0x0  }
0xa4: {  	[sflag:s23] =	ssyncadd.s32 $0xFFFFFFFF  }
0xa5: {  	s4 =	sld [smem:$0x0]  }
0xa6: {  	s5 =	sand.u32 $0xFFFFFFFE, s1  }
0xa7: {  	p0 =	sne.s32 s1, s5  }
0xa8: {  	s5 =	sshll.u32 @p0 s5, $0xE  }
0xa9: {  	s5 =	sadd.s32 @p0 $0x11B8D, s5;
	s6 =	sshll.u32 @p0 s4, $0x11  }
0xaa: {  	s5 =	sor.u32 @p0 s6, s5  }
0xab: {  	[sflag:s5] =	ssyncadd.remote.s32 @p0 $0x1;
	_ =	sdelay $0x1  }
0xac: {  	s5 =	simm.s32 @p0 $0x1B8D  }
0xad: {  	_ =	swait.eq @p0 [sflag:s5], $0x1  }
0xae: {  	[sflag:s5] =	ssyncadd.s32 @p0 $0xFFFFFFFF  }
0xaf: {  	s6 =	sshll.u32 @!p0 s1, $0xE  }
0xb0: {  	s6 =	sor.u32 @!p0 $0x4000, s6;
	s5 =	simm.s32 @!p0 $0x1B8D  }
0xb1: {  	s4 =	sshll.u32 @!p0 s4, $0x11;
	s6 =	sadd.s32 @!p0 $0x11B8D, s6;
	_ =	swait.eq @!p0 [sflag:s5], $0x1  }
0xb2: {  	s4 =	sor.u32 @!p0 s4, s6;
	[sflag:s5] =	ssyncadd.s32 @!p0 $0xFFFFFFFF  }
0xb3: {  	s25 =	simm.s32 $0x1B8E;
	s24 =	sld [smem:$0x3FFE];
	[sflag:s4] =	ssyncadd.remote.s32 @!p0 $0x1  }
0xb4: {  	s26 =	simm.s32 $execute0_lowered;
	[smem:$0x3FD2] =	sst s25  }
0xb5: {  	s5 =	sshll.u32 s26, $0x1;
	_ =	strace $0x8000004C;
	[dreg:$0x1] =	wrdreg $0xFFFFFFFF  }
0xb6: {  	s28 =	simm.s32 $_size_execute0_lowered;
	s3 =	sadd.s32 s3, s5;
	[dreg:$0x0] =	wrdreg $0x0  }
0xb7: {  	s5 =	sshll.u32 s28, $0x1;
	[dreg:$0x2] =	wrdreg s3  }
0xb8: {  	[dreg:$0x3] =	wrdreg s5  }
0xb9: {  	[dreg:$0x4] =	wrdreg $0xC0  }
0xba: {  	_ =	task [dreg:s22], $0x5FFFF  }
0xbb: {  	[dreg:$0x1] =	wrdreg $0xFFFFFFFF  }
0xbc: {  	[dreg:$0x0] =	wrdreg $0x60  }
0xbd: {  	[dreg:$0x2] =	wrdreg s24  }
0xbe: {  	[dreg:$0x3] =	wrdreg $0x0  }
0xbf: {  	[dreg:$0x4] =	wrdreg $0xA  }
0xc0: {  	_ =	task.clear_ibuf [dreg:s22], $0x5FFFF;
	_ =	strace $0x9000004C  }
0xc1: {  	s29 =	simm.s32 $0xA;
	_ =	strace $0x8000004E  }
0xc2: {  	_ =	swait.ge [sflag:s29], $0x1  }
0xc3: {  	[sflag:s29] =	ssyncadd.s32 $0xFFFFFFFF  }
0xc4: {  	_ =	strace $0x9000004E  }
0xc5: {  	_ =	sfence  }
0xc6: {  	s30 =	sld [smem:$0x0];
	_ =	sdelay $0x2  }
0xc7: {  	s31 =	sshll.u32 s1, $0xD;
	s1 =	sshrl.u32 s1, $0x2  }
0xc8: {  	s4 =	sand.u32 $0x4000, s31;
	s1 =	sadd.s32 s1, s30  }
0xc9: {  	s0 =	sor.u32 s4, s0;
	s1 =	sshll.u32 s1, $0x11  }
0xca: {  	s0 =	sor.u32 s1, s0  }
0xcb: {  	s0 =	sadd.s32 $0x8F2B, s0  }
0xcc: {  	[sflag:s0] =	ssyncadd.remote.s32 $0x1  }
0xcd: {  	_ =	sfence.sel $0xFFFF  }
0xce: {  	[dreg:$0x0] =	wrdreg $0xFFFFFFFF;
	(pc) =	sbr.abs _section_cstart, $3  }
0xcf: {  	[dreg:$0x1] =	wrdreg $0xFFFFFFFF  }
0xd0: {  	_ =	task.clear_ibuf [dreg:s22], $0x2FFFF;
	_ =	strace $0x9FFFFFFF  }
0xd1: {  	(tm) =	ssettm $0x7FFFFFFF  }
tec
execute0_lowered:
.L_overlay_start_1:
0x0: {  	(tag) =	ssettag $0x1  }
0x1: {  	s4 =	rddreg [dreg:$0x0]  }
0x2: {  	s1 =	rddreg [dreg:$0x1];
	s2 =	simm.s32 $0x0  }
0x3: {  	s5 =	srdreg.scid;
	s0 =	stileid.u32;
	s20 =	simm.s32 $0x16A00  }
0x4: {  	s21 =	simm.s32 $0x14100;
	s22 =	simm.s32 $0x19200;
	s28 =	simm.s32 $0x0  }
0x5: {  	[smem:$0x7FF] =	sst s2;
	s8 =	sadd.s32 $0xA53000, s4;
	s7 =	smul.u32 $0x50000, s0  }
0x6: {  	s12 =	sadd.s32 $0xCC4000, s4;
	s6 =	sadd.s32 $0x8E00, s4;
	s11 =	smul.u32 $0x4E2, s0  }
0x7: {  	s9 =	sadd.s32 $0xDE00, s4;
	s10 =	sadd.s32 $0x35E00, s4;
	s16 =	smul.u32 $0x2710, s0  }
0x8: {  	s13 =	sadd.s32 $0x85000, s4;
	s5 =	sand.u32 $0x1, s5;
	s18 =	smul.u32 $0x2800, s0  }
0x9: {  	s14 =	sadd.s32 $0xAD000, s4;
	s25 =	smul.u32 $0x27100, s0;
	s31 =	sshll.u32 s0, $0x6  }
0xa: {  	_ =	strace $0x8000004D;
	s23 =	ssub.s32 $0x2, s5;
	p0 =	seq.s32 s5, $0x0  }
0xb: {  	s15 =	sshrl.u32 s23, $0x1;
	s7 =	sshrl.u32 s7, $0x2;
	s3 =	sadd.s32 s6, s11  }
0xc: {  	s24 =	sadd.s32 $0x50, s16;
	s16 =	sadd.s32 $0xA0, s16;
	s10 =	smov.u32 @p0 s9  }
0xd: {  	s12 =	smov.u32 @p0 s8;
	s9 =	sor.u32 $0x1C04, s31;
	s14 =	smov.u32 @p0 s13  }
0xe: {  	s15 =	ssub.s32 s23, s15;
	s17 =	sadd.s32 s7, s1;
	s26 =	sshrl.u32 s24, $0x3  }
0xf: {  	s19 =	sshll.u32 s24, $0x4;
	s30 =	sshrl.u32 s16, $0x3;
	s16 =	sshll.u32 s16, $0x4  }
0x10: {  	s8 =	sadd.s32 s10, s18;
	s10 =	sadd.s32 s12, s25;
	s13 =	sadd.s32 s14, s18  }
0x11: {  	s5 =	smov.u32 s3;
	s14 =	sadd.s32 $0x32, s3;
	s18 =	simm.s32 $0x14200  }
.Ltmp0:
0x12: {  	s23 =	simm.s32 $0x1;
	s24 =	simm.s32 $0x50;
	(pc) =	sbr.rel .LBB2_1-.Ltmp0, $4  }
0x13: {  	s25 =	simm.s32 $0x2;
	s29 =	sadd.s32 s6, s26;
	s6 =	sadd.s32 s6, s30  }
0x14: {  	s7 =	smax.u32 s15, $0x1;
	s11 =	sadd.s32 s12, s19;
	s12 =	sadd.s32 s12, s16  }
0x15: {  	s15 =	sshrl.u32 s17, $0x3;
	s16 =	simm.s32 $0x4;
	s17 =	simm.s32 $0x14000  }
0x16: {  	s19 =	simm.s32 $0x14080;
	s26 =	simm.s32 $0x3;
	[dreg:$0x3] =	wrdreg s29  }
.LBB2_6:
0x17: {  	_ =	swait.ge [sflag:s25], $0x50  }
0x18: {  	[sflag:s25] =	ssyncset.done $0x0  }
0x19: {  	[sflag:s25] =	ssyncadd.s32 $0xFFFFFFB0  }
0x1a: {  	_ =	swait.ge [sflag:s25], $0x2800  }
0x1b: {  	[sflag:s25] =	ssyncset.done $0x0  }
0x1c: {  	[sflag:s25] =	ssyncadd.s32 $0xFFFFD800  }
0x1d: {  	[spmem:s1] =	stream.indirect.scatter.add.f32 [tilespmem:s20], [sflag:$0x4], $0x80, s19, s24, $0xb8;
	[tilespmem:$0x1BA00] =	vst v63  }
0x1e: {  	_ =	swait.ge [sflag:s16], $0x2800  }
0x1f: {  	[sflag:s16] =	ssyncset.done $0x0  }
0x20: {  	[sflag:s16] =	ssyncadd.s32 $0xFFFFD800  }
.LBB2_4:
0x21: {  	s28 =	sadd.s32 $0x1, s28  }
0x22: {  	p0 =	sne.s32 s28, s7  }
.Ltmp1:
0x23: {  	[bflag:$0x0] =	sbarrier.arrive $0xFFFF;
	(pc) =	sbr.rel @!p0 .LBB2_5-.Ltmp1, $4  }
0x24: {  	[hbm:s13], [sflag:s9] =	dma.local [spmem:s15], $0x2800  }
0x25: {  	_ =	swait.ge [sflag:s16], $0x2800  }
0x26: {  	[sflag:s16] =	ssyncset.done $0x0  }
0x27: {  	[sflag:s16] =	ssyncadd.s32 $0xFFFFD800  }
.LBB2_1:
0x28: {  	[spmem:s15], [sflag:s9] =	dma.local [hbm:s8], $0x2800  }
0x29: {  	_ =	swait.ge [sflag:s16], $0x2800  }
0x2a: {  	[sflag:s16] =	ssyncset.done $0x0  }
0x2b: {  	[sflag:s16] =	ssyncadd.s32 $0xFFFFD800  }
0x2c: {  	[tilespmem:s17], [sflag:$0x1] =	stream.linear.gather [hbm4b:s5+s2], $0x50, $0x38;
	[tilespmem:$0x1BA00] =	vst v63  }
0x2d: {  	_ = 	snop  }
0x2e: {  	[tilespmem:s18], [sflag:$0x1] =	stream.linear.gather [hbm4b:s10+s2], $0x2800, $0x38;
	[tilespmem:$0x1BA00] =	vst v63  }
0x2f: {  	s0 =	rddreg [dreg:$0x3]  }
0x30: {  	[tilespmem:s19], [sflag:$0x2] =	stream.linear.gather [hbm4b:s0+s2], $0x50, $0x38;
	[tilespmem:$0x1BA00] =	vst v63  }
0x31: {  	_ = 	snop  }
0x32: {  	[tilespmem:s20], [sflag:$0x2] =	stream.linear.gather [hbm4b:s11+s2], $0x2800, $0x38;
	[tilespmem:$0x1BA00] =	vst v63  }
0x33: {  	_ = 	snop  }
0x34: {  	[tilespmem:s21], [sflag:$0x3] =	stream.linear.gather [hbm4b:s6+s2], $0x50, $0x38;
	[tilespmem:$0x1BA00] =	vst v63  }
0x35: {  	s29 =	smov.u32 s14  }
0x36: {  	[tilespmem:s22], [sflag:$0x3] =	stream.linear.gather [hbm4b:s12+s2], $0x2800, $0x38;
	[tilespmem:$0x1BA00] =	vst v63  }
0x37: {  	s30 =	simm.s32 $0x0;
	s31 =	simm.s32 $0x0;
	[bflag:$0x0] =	sbarrier.arrive $0xFFFF  }
.LBB2_2:
0x38: {  	_ =	swait.ge [sflag:s23], $0x50  }
0x39: {  	[sflag:s23] =	ssyncset.done $0x0  }
0x3a: {  	[sflag:s23] =	ssyncadd.s32 $0xFFFFFFB0  }
0x3b: {  	_ =	swait.ge [sflag:s23], $0x2800  }
0x3c: {  	p0 =	seq.s32 s30, $0x26700;
	[sflag:s23] =	ssyncset.done $0x0  }
.Ltmp2:
0x3d: {  	[sflag:s23] =	ssyncadd.s32 $0xFFFFD800;
	(pc) =	sbr.rel @p0 .LBB2_6-.Ltmp2, $4  }
0x3e: {  	[spmem:s1] =	stream.indirect.scatter.add.f32 [tilespmem:s18], [sflag:$0x4], $0x80, s17, s24, $0xb8;
	[tilespmem:$0x1BA00] =	vst v63  }
0x3f: {  	_ =	swait.ge [sflag:s16], $0x2800  }
0x40: {  	[sflag:s16] =	ssyncset.done $0x0  }
0x41: {  	[sflag:s16] =	ssyncadd.s32 $0xFFFFD800  }
0x42: {  	s0 =	sadd.s32 $0xFFFFFFEC, s29  }
0x43: {  	[tilespmem:s17], [sflag:$0x1] =	stream.linear.gather [hbm4b:s0+s2], $0x50, $0x38;
	[tilespmem:$0x1BA00] =	vst v63  }
0x44: {  	s0 =	sadd.s32 s30, s10  }
0x45: {  	s3 =	sadd.s32 $0xF00, s0  }
0x46: {  	[tilespmem:s18], [sflag:$0x1] =	stream.linear.gather [hbm4b:s3+s2], $0x2800, $0x38;
	[tilespmem:$0x1BA00] =	vst v63  }
0x47: {  	_ =	swait.ge [sflag:s25], $0x50  }
0x48: {  	[sflag:s25] =	ssyncset.done $0x0  }
0x49: {  	[sflag:s25] =	ssyncadd.s32 $0xFFFFFFB0  }
0x4a: {  	_ =	swait.ge [sflag:s25], $0x2800  }
0x4b: {  	[sflag:s25] =	ssyncset.done $0x0  }
0x4c: {  	[sflag:s25] =	ssyncadd.s32 $0xFFFFD800  }
0x4d: {  	[spmem:s1] =	stream.indirect.scatter.add.f32 [tilespmem:s20], [sflag:$0x4], $0x80, s19, s24, $0xb8;
	[tilespmem:$0x1BA00] =	vst v63  }
0x4e: {  	_ =	swait.ge [sflag:s16], $0x2800  }
0x4f: {  	[sflag:s16] =	ssyncset.done $0x0  }
0x50: {  	s4 =	sadd.s32 $0xFFFFFFF6, s29;
	[sflag:s16] =	ssyncadd.s32 $0xFFFFD800  }
0x51: {  	[tilespmem:s19], [sflag:$0x2] =	stream.linear.gather [hbm4b:s4+s2], $0x50, $0x38;
	[tilespmem:$0x1BA00] =	vst v63  }
0x52: {  	s0 =	sadd.s32 $0x1400, s0  }
0x53: {  	[tilespmem:s20], [sflag:$0x2] =	stream.linear.gather [hbm4b:s0+s2], $0x2800, $0x38;
	[tilespmem:$0x1BA00] =	vst v63  }
0x54: {  	_ =	swait.ge [sflag:s26], $0x50  }
0x55: {  	[sflag:s26] =	ssyncset.done $0x0  }
0x56: {  	[sflag:s26] =	ssyncadd.s32 $0xFFFFFFB0  }
0x57: {  	_ =	swait.ge [sflag:s26], $0x2800  }
0x58: {  	[sflag:s26] =	ssyncset.done $0x0  }
0x59: {  	[sflag:s26] =	ssyncadd.s32 $0xFFFFD800  }
0x5a: {  	[spmem:s1] =	stream.indirect.scatter.add.f32 [tilespmem:s22], [sflag:$0x4], $0x80, s21, s24, $0xb8;
	[tilespmem:$0x1BA00] =	vst v63  }
0x5b: {  	_ =	swait.ge [sflag:s16], $0x2800  }
0x5c: {  	p0 =	sgt.u32 s31, $0x27;
	[sflag:s16] =	ssyncset.done $0x0  }
0x5d: {  	s3 =	simm.s32 @!p0 $0x14100;
	s0 =	simm.s32 @!p0 $0x0;
	[sflag:s16] =	ssyncadd.s32 $0xFFFFD800  }
0x5e: {  	[tilespmem:s3], [sflag:$0x3] =	stream.linear.gather @!p0 [hbm4b:s29+s0], $0x50, $0x38;
	[tilespmem:$0x1BA00] =	vst v63  }
0x5f: {  	s3 =	sadd.s32 @!p0 s30, s10  }
0x60: {  	s4 =	simm.s32 @!p0 $0x19200;
	s30 =	sadd.s32 $0xF00, s30;
	s3 =	sadd.s32 @!p0 $0x1900, s3  }
0x61: {  	[tilespmem:s4], [sflag:$0x3] =	stream.linear.gather @!p0 [hbm4b:s3+s0], $0x2800, $0x38;
	[tilespmem:$0x1BA00] =	vst v63  }
0x62: {  	p0 =	sne.s32 s30, $0x27600  }
.Ltmp3:
0x63: {  	_ = 	snop;
	(pc) =	sbr.rel @p0 .LBB2_2-.Ltmp3, $4  }
.Ltmp4:
0x64: {  	_ = 	snop;
	(pc) =	sbr.rel @!p0 .LBB2_4-.Ltmp4, $4  }
0x65: {  	_ = 	snop  }
0x66: {  	_ = 	snop  }
0x67: {  	s31 =	sadd.s32 $0x1, s31;
	s29 =	sadd.s32 $0x1E, s29  }
0x68: {  	_ = 	snop  }
.LBB2_5:
0x69: {  	_ =	sfence.sel $0x180000  }
0x6a: {  	[bflag:$0x0] =	sbarrier.arrive $0xFFFF  }
0x6b: {  	_ =	strace $0x9000004D  }
0x6c: {  	s0 =	stileid.u32;
	[bflag:$0x2] =	sbarrier.arrive $0xFFFF  }
0x6d: {  	p0 =	sne.s32 s0, $0x0;
	s0 =	rddreg [dreg:$0x2]  }
0x6e: {  	s0 =	sadd.s32 @!p0 $0x100000, s0  }
0x6f: {  	[sflag:s0] =	ssyncadd.tile.s32 @!p0 $0x1;
	_ =	shalt  }
.Lfunc_end2:
_tile_overlayer_lowered:
.L_overlay_start_2:
0x70: {  	(tag) =	ssettag $0x2  }
0x71: {  	s0 =	rddreg [dreg:$0x0];
	s2 =	stileid.u32  }
0x72: {  	s1 =	rddreg [dreg:$0x1];
	p0 =	sne.s32 s2, $0x0  }
0x73: {  	s3 =	rddreg [dreg:$0x2];
	[bflag:$0x3] =	sbarrier.arrive $0xFFFF;
	s2 =	simm.s32 @!p0 $0x1C04  }
0x74: {  	[timem:s3], [sflag:s2] =	dma.local @!p0 [hbm:s0], s1  }
0x75: {  	s0 =	simm.s32 @!p0 $0x4  }
0x76: {  	_ =	swait.ge @!p0 [sflag:s0], s1  }
0x77: {  	s1 =	ssub.s32 @!p0 $0x0, s1;
	[sflag:s0] =	ssyncset.done @!p0 $0x0  }
0x78: {  	[sflag:s0] =	ssyncadd.s32 @!p0 s1  }
0x79: {  	[bflag:$0x3] =	sbarrier.arrive $0xFFFF  }
0x7a: {  	_ =	shalt  }

// kernel: kernel.19.cloned.1.call-start
scs
__scs_entry_jumppad:
0x0: {  	(pc) =	sbr.rel $0x88, $3  }
0x1: {  	(tag) =	ssettag $0x0;
	lr =	simm.s32 $0x1  }
0x2: {  	[smem:$0x3F8F] =	sst lr;
	_ =	strace $0xD0000000  }
0x3: {  	_ = 	snop  }
0x4: {  	_ = 	snop  }
0x5: {  	_ = 	snop  }
0x6: {  	_ = 	snop  }
0x7: {  	_ = 	snop  }
__scs_overlays_trampoline_lowered:
0x8: {  	[smem:$0x3F9E] =	sst s0  }
0x9: {  	[smem:$0x3F9F] =	sst s1  }
0xa: {  	[smem:$0x3FA0] =	sst s2  }
0xb: {  	[smem:$0x3FA1] =	sst s3  }
0xc: {  	[smem:$0x3FA2] =	sst s4  }
0xd: {  	[smem:$0x3FA3] =	sst s5  }
0xe: {  	[smem:$0x3FA4] =	sst s6  }
0xf: {  	[smem:$0x3FA5] =	sst s7  }
0x10: {  	[smem:$0x3FA6] =	sst s8  }
0x11: {  	[smem:$0x3FA7] =	sst s9;
	s0 =	simm.s32 @!p0 $0x0  }
0x12: {  	s1 =	sld [smem:$0x3F8D];
	s0 =	simm.s32 @p0 $0x1  }
0x13: {  	[smem:$0x3FA8] =	sst s0;
	s0 =	simm.s32 @!p1 $0x0  }
0x14: {  	s2 =	sld [smem:$0x3F8C];
	s0 =	simm.s32 @p1 $0x1  }
0x15: {  	[smem:$0x3FA9] =	sst s0;
	s0 =	simm.s32 @!p2 $0x0  }
0x16: {  	s3 =	sld [smem:$0x3FDB];
	s0 =	simm.s32 @p2 $0x1  }
0x17: {  	s4 =	simm.s32 $0x1BF5;
	[smem:$0x3FAB] =	sst s0  }
0x18: {  	s0 =	sld [smem:$0x3F8E];
	_ =	swait.ge [sflag:s4], $0x0  }
0x19: {  	s7 =	sld [smem:$0x3F8F]  }
0x1a: {  	s8 =	sadd.s32 $0xFFFFE003, lr  }
0x1b: {  	s9 =	sadd.s32 $0xFFFFFEF7, lr;
	s5 =	simm.s32 $0xFFFFFFFF;
	p2 =	slt.u32 s8, $0xFFFFF086  }
0x1c: {  	p1 =	slt.u32 s9, $0xF7A;
	s5 =	simm.s32 @!p2 $0x0  }
0x1d: {  	s5 =	simm.s32 @p1 $0x1;
	p0 =	seq.s32 s7, s2  }
0x1e: {  	s7 =	smul.u32 @!p0 $0xF7A, s2;
	p2 =	seq.s32 @!p0 s5, $0x0  }
0x1f: {  	s9 =	smul.u32 $0xF7A, s1;
	s8 =	simm.s32 @!p0 $0x1BF5;
	p2 =	por !p2, p0  }
0x20: {  	[sflag:s8] =	ssyncset.s32 @!p0 $0xFFFFF086;
	s6 =	sadd.s32 @!p0 s3, s7;
	s7 =	simm.s32 @!p0 $0x108  }
0x21: {  	s3 =	sadd.s32 s3, s9;
	s6 =	sadd.s32 @!p0 $0x88, s6;
	s7 =	simm.s32 @p2 $0x1082  }
0x22: {  	[simem:s7], [sflag:s8] =	dma.local @!p0 [hbm:s6], $0xF7A  }
0x23: {  	s9 =	sor.u32 $0xD0000000, s2;
	s6 =	simm.s32 $0x108;
	_ =	swait.ge @!p0 [sflag:s8], $0x0  }
0x24: {  	s3 =	sadd.s32 $0x88, s3;
	s6 =	simm.s32 @!p1 $0x1082;
	[sflag:s4] =	ssyncset.s32 $0xFFFFF086  }
0x25: {  	[simem:s6], [sflag:s4] =	dma.local [hbm:s3], $0xF7A  }
0x26: {  	[smem:$0x3F8F] =	sst s1;
	(tag) =	ssettag s2;
	_ =	strace s9  }
0x27: {  	s1 =	sld [smem:$0x3F9F]  }
0x28: {  	s2 =	sld [smem:$0x3FA0]  }
0x29: {  	s4 =	sld [smem:$0x3FA2]  }
0x2a: {  	p0 =	seq.s32 s5, $0x0;
	s5 =	sld [smem:$0x3FA3]  }
0x2b: {  	s6 =	sld [smem:$0x3FA4]  }
0x2c: {  	s7 =	sld [smem:$0x3FA5]  }
0x2d: {  	s3 =	simm.s32 $0x108;
	s8 =	sld [smem:$0x3FA6]  }
0x2e: {  	s3 =	simm.s32 @!p0 $0x1082;
	s9 =	sld [smem:$0x3FA7]  }
0x2f: {  	lr =	sadd.s32 s0, s3;
	s0 =	sld [smem:$0x3F9E]  }
0x30: {  	s3 =	sld [smem:$0x3FA1]  }
0x31: {  	[smem:$0x3FAA] =	sst s10  }
0x32: {  	s10 =	sld [smem:$0x3FA8];
	_ =	sdelay $0x3  }
0x33: {  	p0 =	seq.s32 s10, $0x1;
	s10 =	sld [smem:$0x3FAA];
	_ =	sdelay $0x3  }
0x34: {  	[smem:$0x3FAA] =	sst s10  }
0x35: {  	s10 =	sld [smem:$0x3FA9];
	_ =	sdelay $0x3  }
0x36: {  	p1 =	seq.s32 s10, $0x1;
	s10 =	sld [smem:$0x3FAA];
	_ =	sdelay $0x3  }
0x37: {  	[smem:$0x3FAA] =	sst s10  }
0x38: {  	s10 =	sld [smem:$0x3FAB]  }
0x39: {  	_ = 	snop;
	(pc) =	sbr.ind lr, $3  }
0x3a: {  	_ = 	snop  }
0x3b: {  	_ = 	snop  }
0x3c: {  	p2 =	seq.s32 s10, $0x1;
	s10 =	sld [smem:$0x3FAA]  }
0x3d: {  	_ =	shalt  }
0x3e: {  	_ =	shalt  }
0x3f: {  	_ =	shalt  }
0x40: {  	_ =	shalt  }
0x41: {  	_ =	shalt  }
0x42: {  	_ =	shalt  }
0x43: {  	_ =	shalt  }
0x44: {  	_ =	shalt  }
0x45: {  	_ =	shalt  }
0x46: {  	_ =	shalt  }
0x47: {  	_ =	shalt  }
0x48: {  	_ =	shalt  }
0x49: {  	_ =	shalt  }
0x4a: {  	_ =	shalt  }
0x4b: {  	_ =	shalt  }
0x4c: {  	_ =	shalt  }
0x4d: {  	_ =	shalt  }
0x4e: {  	_ =	shalt  }
0x4f: {  	_ =	shalt  }
0x50: {  	_ =	shalt  }
0x51: {  	_ =	shalt  }
0x52: {  	_ =	shalt  }
0x53: {  	_ =	shalt  }
0x54: {  	_ =	shalt  }
0x55: {  	_ =	shalt  }
0x56: {  	_ =	shalt  }
0x57: {  	_ =	shalt  }
0x58: {  	_ =	shalt  }
0x59: {  	_ =	shalt  }
0x5a: {  	_ =	shalt  }
0x5b: {  	_ =	shalt  }
0x5c: {  	_ =	shalt  }
0x5d: {  	_ =	shalt  }
0x5e: {  	_ =	shalt  }
0x5f: {  	_ =	shalt  }
0x60: {  	_ =	shalt  }
0x61: {  	_ =	shalt  }
0x62: {  	_ =	shalt  }
0x63: {  	_ =	shalt  }
0x64: {  	_ =	shalt  }
0x65: {  	_ =	shalt  }
0x66: {  	_ =	shalt  }
0x67: {  	_ =	shalt  }
0x68: {  	_ =	shalt  }
0x69: {  	_ =	shalt  }
0x6a: {  	_ =	shalt  }
0x6b: {  	_ =	shalt  }
0x6c: {  	_ =	shalt  }
0x6d: {  	_ =	shalt  }
0x6e: {  	_ =	shalt  }
0x6f: {  	_ =	shalt  }
0x70: {  	_ =	shalt  }
0x71: {  	_ =	shalt  }
0x72: {  	_ =	shalt  }
0x73: {  	_ =	shalt  }
0x74: {  	_ =	shalt  }
0x75: {  	_ =	shalt  }
0x76: {  	_ =	shalt  }
0x77: {  	_ =	shalt  }
0x78: {  	_ =	shalt  }
0x79: {  	_ =	shalt  }
0x7a: {  	_ =	shalt  }
0x7b: {  	_ =	shalt  }
0x7c: {  	_ =	shalt  }
0x7d: {  	_ =	shalt  }
0x7e: {  	_ =	shalt  }
0x7f: {  	_ =	shalt  }
0x80: {  	_ =	shalt  }
0x81: {  	_ =	shalt  }
0x82: {  	_ =	shalt  }
0x83: {  	_ =	shalt  }
0x84: {  	_ =	shalt  }
0x85: {  	_ =	shalt  }
0x86: {  	_ =	shalt  }
0x87: {  	_ =	shalt  }
.Lfunc_end0:
.L_simem_size_0:
called_computation.3_lowered:
.L_overlay_start_0:
0x88: {  	s2 =	sld [smem:$0x3FD9]  }
0x89: {  	s3 =	sld [smem:$0x3FFE];
	_ =	sdelay $0x1  }
0x8a: {  	s1 =	srdreg.scid  }
0x8b: {  	s0 =	sand.u32 $0x1, s1  }
0x8c: {  	s16 =	sshll.u32 s0, $0xA;
	s2 =	sadd.s32 s3, s2  }
0x8d: {  	s2 =	sadd.s32 s2, s16  }
0x8e: {  	[smem:$0x3FB6] =	sst s2  }
0x8f: {  	_ = 	snop  }
0x90: {  	(tm) =	ssettm $0x1  }
0x91: {  	s17 =	sld [smem:$0x3FFB];
	_ =	sdelay $0x3  }
0x92: {  	_ =	strace s17  }
0x93: {  	s2 =	sld [smem:$0x3FFC];
	_ =	sdelay $0x3  }
0x94: {  	_ =	strace s2  }
0x95: {  	s2 =	sld [smem:$0x3FFD];
	_ =	sdelay $0x3  }
0x96: {  	_ =	strace s2  }
0x97: {  	_ =	strace $0x8FFFFFFF  }
0x98: {  	s18 =	sld [smem:$0x3FDB];
	_ =	sdelay $0x1  }
0x99: {  	s19 =	simm.s32 $_scs_section_size  }
0x9a: {  	s4 =	simm.s32 $_size__tile_overlayer_lowered;
	s5 =	simm.s32 $_tile_overlayer_lowered  }
0x9b: {  	s22 =	simm.s32 $0x1BFF;
	s21 =	sshll.u32 s5, $0x1;
	s2 =	sadd.s32 s19, s18  }
0x9c: {  	s6 =	simm.s32 $0x0;
	s20 =	sshll.u32 s4, $0x1;
	s4 =	sadd.s32 s21, s2  }
0x9d: {  	[timem:s6], [sflag:s22] =	dma.local [hbm:s4], s20  }
0x9e: {  	_ =	swait.ge [sflag:s22], s20  }
0x9f: {  	s3 =	ssub.s32 $0x0, s20;
	[sflag:s22] =	ssyncset.done $0x0  }
0xa0: {  	[sflag:s22] =	ssyncadd.s32 s3;
	_ =	sdelay $0x1  }
0xa1: {  	s23 =	simm.s32 $0x1B8B  }
0xa2: {  	_ =	swait.ge [sflag:s23], $0x1  }
0xa3: {  	[sflag:s23] =	ssyncset.done $0x0  }
0xa4: {  	s25 =	simm.s32 $0x1B8E;
	s24 =	sld [smem:$0x3FFE];
	[sflag:s23] =	ssyncadd.s32 $0xFFFFFFFF  }
0xa5: {  	s26 =	simm.s32 $execute0_lowered;
	[smem:$0x3FD2] =	sst s25  }
0xa6: {  	s4 =	sshll.u32 s26, $0x1;
	_ =	strace $0x8000004F;
	[dreg:$0x1] =	wrdreg $0xFFFFFFFF  }
0xa7: {  	s28 =	simm.s32 $_size_execute0_lowered;
	s2 =	sadd.s32 s2, s4;
	[dreg:$0x0] =	wrdreg $0x0  }
0xa8: {  	s4 =	sshll.u32 s28, $0x1;
	[dreg:$0x2] =	wrdreg s2  }
0xa9: {  	[dreg:$0x3] =	wrdreg s4  }
0xaa: {  	[dreg:$0x4] =	wrdreg $0xC0  }
0xab: {  	_ =	task [dreg:s6], $0x5FFFF  }
0xac: {  	[dreg:$0x1] =	wrdreg $0xFFFFFFFF  }
0xad: {  	[dreg:$0x0] =	wrdreg $0x60  }
0xae: {  	[dreg:$0x2] =	wrdreg s24  }
0xaf: {  	[dreg:$0x3] =	wrdreg $0x0  }
0xb0: {  	[dreg:$0x4] =	wrdreg $0x9  }
0xb1: {  	_ =	task.clear_ibuf [dreg:s6], $0x5FFFF;
	_ =	strace $0x9000004F  }
0xb2: {  	s29 =	simm.s32 $0x9;
	_ =	strace $0x80000051  }
0xb3: {  	_ =	swait.ge [sflag:s29], $0x1  }
0xb4: {  	[sflag:s29] =	ssyncadd.s32 $0xFFFFFFFF  }
0xb5: {  	_ =	strace $0x90000051  }
0xb6: {  	_ =	sfence  }
0xb7: {  	s30 =	sld [smem:$0x0];
	_ =	sdelay $0x2  }
0xb8: {  	s31 =	sshll.u32 s1, $0xD;
	s1 =	sshrl.u32 s1, $0x2  }
0xb9: {  	s3 =	sand.u32 $0x4000, s31;
	s1 =	sadd.s32 s1, s30  }
0xba: {  	s0 =	sor.u32 s3, s0;
	s1 =	sshll.u32 s1, $0x11  }
0xbb: {  	s0 =	sor.u32 s1, s0  }
0xbc: {  	s0 =	sadd.s32 $0x8F2B, s0  }
0xbd: {  	[sflag:s0] =	ssyncadd.remote.s32 $0x1  }
0xbe: {  	_ =	sfence.sel $0xFFFF  }
0xbf: {  	[dreg:$0x0] =	wrdreg $0xFFFFFFFF;
	(pc) =	sbr.abs _section_cstart, $3  }
0xc0: {  	[dreg:$0x1] =	wrdreg $0xFFFFFFFF  }
0xc1: {  	_ =	task.clear_ibuf [dreg:s6], $0x2FFFF;
	_ =	strace $0x9FFFFFFF  }
0xc2: {  	(tm) =	ssettm $0x7FFFFFFF  }
0xc3: {  	_ =	shalt  }
tec
execute0_lowered:
.L_overlay_start_1:
0x0: {  	(tag) =	ssettag $0x1  }
0x1: {  	s4 =	rddreg [dreg:$0x0]  }
0x2: {  	s1 =	rddreg [dreg:$0x1];
	s2 =	simm.s32 $0x0  }
0x3: {  	s5 =	srdreg.scid;
	s0 =	stileid.u32;
	s20 =	simm.s32 $0x16A00  }
0x4: {  	s21 =	simm.s32 $0x14100;
	s22 =	simm.s32 $0x19200;
	s28 =	simm.s32 $0x0  }
0x5: {  	[smem:$0x7FF] =	sst s2;
	s8 =	sadd.s32 $0xD5000, s4;
	s7 =	smul.u32 $0x50000, s0  }
0x6: {  	s12 =	sadd.s32 $0xF35000, s4;
	s6 =	sadd.s32 $0x567000, s4;
	s11 =	smul.u32 $0x4E2, s0  }
0x7: {  	s9 =	sadd.s32 $0x85000, s4;
	s10 =	sadd.s32 $0xAD000, s4;
	s16 =	smul.u32 $0x2710, s0  }
0x8: {  	s13 =	sadd.s32 $0x3E00, s4;
	s5 =	sand.u32 $0x1, s5;
	s18 =	smul.u32 $0x2800, s0  }
0x9: {  	s14 =	sadd.s32 $0x2BE00, s4;
	s25 =	smul.u32 $0x27100, s0;
	s31 =	sshll.u32 s0, $0x6  }
0xa: {  	_ =	strace $0x80000050;
	s23 =	ssub.s32 $0x2, s5;
	p0 =	seq.s32 s5, $0x0  }
0xb: {  	s15 =	sshrl.u32 s23, $0x1;
	s7 =	sshrl.u32 s7, $0x2;
	s3 =	sadd.s32 s6, s11  }
0xc: {  	s24 =	sadd.s32 $0x50, s16;
	s16 =	sadd.s32 $0xA0, s16;
	s10 =	smov.u32 @p0 s9  }
0xd: {  	s12 =	smov.u32 @p0 s8;
	s9 =	sor.u32 $0x1C04, s31;
	s14 =	smov.u32 @p0 s13  }
0xe: {  	s15 =	ssub.s32 s23, s15;
	s17 =	sadd.s32 s7, s1;
	s26 =	sshrl.u32 s24, $0x3  }
0xf: {  	s19 =	sshll.u32 s24, $0x4;
	s30 =	sshrl.u32 s16, $0x3;
	s16 =	sshll.u32 s16, $0x4  }
0x10: {  	s8 =	sadd.s32 s10, s18;
	s10 =	sadd.s32 s12, s25;
	s13 =	sadd.s32 s14, s18  }
0x11: {  	s5 =	smov.u32 s3;
	s14 =	sadd.s32 $0x32, s3;
	s18 =	simm.s32 $0x14200  }
.Ltmp0:
0x12: {  	s23 =	simm.s32 $0x1;
	s24 =	simm.s32 $0x50;
	(pc) =	sbr.rel .LBB2_1-.Ltmp0, $4  }
0x13: {  	s25 =	simm.s32 $0x2;
	s29 =	sadd.s32 s6, s26;
	s6 =	sadd.s32 s6, s30  }
0x14: {  	s7 =	smax.u32 s15, $0x1;
	s11 =	sadd.s32 s12, s19;
	s12 =	sadd.s32 s12, s16  }
0x15: {  	s15 =	sshrl.u32 s17, $0x3;
	s16 =	simm.s32 $0x4;
	s17 =	simm.s32 $0x14000  }
0x16: {  	s19 =	simm.s32 $0x14080;
	s26 =	simm.s32 $0x3;
	[dreg:$0x3] =	wrdreg s29  }
.LBB2_6:
0x17: {  	_ =	swait.ge [sflag:s25], $0x50  }
0x18: {  	[sflag:s25] =	ssyncset.done $0x0  }
0x19: {  	[sflag:s25] =	ssyncadd.s32 $0xFFFFFFB0  }
0x1a: {  	_ =	swait.ge [sflag:s25], $0x2800  }
0x1b: {  	[sflag:s25] =	ssyncset.done $0x0  }
0x1c: {  	[sflag:s25] =	ssyncadd.s32 $0xFFFFD800  }
0x1d: {  	[spmem:s1] =	stream.indirect.scatter.add.f32 [tilespmem:s20], [sflag:$0x4], $0x80, s19, s24, $0xb8;
	[tilespmem:$0x1BA00] =	vst v63  }
0x1e: {  	_ =	swait.ge [sflag:s16], $0x2800  }
0x1f: {  	[sflag:s16] =	ssyncset.done $0x0  }
0x20: {  	[sflag:s16] =	ssyncadd.s32 $0xFFFFD800  }
.LBB2_4:
0x21: {  	s28 =	sadd.s32 $0x1, s28  }
0x22: {  	p0 =	sne.s32 s28, s7  }
.Ltmp1:
0x23: {  	[bflag:$0x0] =	sbarrier.arrive $0xFFFF;
	(pc) =	sbr.rel @!p0 .LBB2_5-.Ltmp1, $4  }
0x24: {  	[hbm:s13], [sflag:s9] =	dma.local [spmem:s15], $0x2800  }
0x25: {  	_ =	swait.ge [sflag:s16], $0x2800  }
0x26: {  	[sflag:s16] =	ssyncset.done $0x0  }
0x27: {  	[sflag:s16] =	ssyncadd.s32 $0xFFFFD800  }
.LBB2_1:
0x28: {  	[spmem:s15], [sflag:s9] =	dma.local [hbm:s8], $0x2800  }
0x29: {  	_ =	swait.ge [sflag:s16], $0x2800  }
0x2a: {  	[sflag:s16] =	ssyncset.done $0x0  }
0x2b: {  	[sflag:s16] =	ssyncadd.s32 $0xFFFFD800  }
0x2c: {  	[tilespmem:s17], [sflag:$0x1] =	stream.linear.gather [hbm4b:s5+s2], $0x50, $0x38;
	[tilespmem:$0x1BA00] =	vst v63  }
0x2d: {  	_ = 	snop  }
0x2e: {  	[tilespmem:s18], [sflag:$0x1] =	stream.linear.gather [hbm4b:s10+s2], $0x2800, $0x38;
	[tilespmem:$0x1BA00] =	vst v63  }
0x2f: {  	s0 =	rddreg [dreg:$0x3]  }
0x30: {  	[tilespmem:s19], [sflag:$0x2] =	stream.linear.gather [hbm4b:s0+s2], $0x50, $0x38;
	[tilespmem:$0x1BA00] =	vst v63  }
0x31: {  	_ = 	snop  }
0x32: {  	[tilespmem:s20], [sflag:$0x2] =	stream.linear.gather [hbm4b:s11+s2], $0x2800, $0x38;
	[tilespmem:$0x1BA00] =	vst v63  }
0x33: {  	_ = 	snop  }
0x34: {  	[tilespmem:s21], [sflag:$0x3] =	stream.linear.gather [hbm4b:s6+s2], $0x50, $0x38;
	[tilespmem:$0x1BA00] =	vst v63  }
0x35: {  	s29 =	smov.u32 s14  }
0x36: {  	[tilespmem:s22], [sflag:$0x3] =	stream.linear.gather [hbm4b:s12+s2], $0x2800, $0x38;
	[tilespmem:$0x1BA00] =	vst v63  }
0x37: {  	s30 =	simm.s32 $0x0;
	s31 =	simm.s32 $0x0;
	[bflag:$0x0] =	sbarrier.arrive $0xFFFF  }
.LBB2_2:
0x38: {  	_ =	swait.ge [sflag:s23], $0x50  }
0x39: {  	[sflag:s23] =	ssyncset.done $0x0  }
0x3a: {  	[sflag:s23] =	ssyncadd.s32 $0xFFFFFFB0  }
0x3b: {  	_ =	swait.ge [sflag:s23], $0x2800  }
0x3c: {  	p0 =	seq.s32 s30, $0x26700;
	[sflag:s23] =	ssyncset.done $0x0  }
.Ltmp2:
0x3d: {  	[sflag:s23] =	ssyncadd.s32 $0xFFFFD800;
	(pc) =	sbr.rel @p0 .LBB2_6-.Ltmp2, $4  }
0x3e: {  	[spmem:s1] =	stream.indirect.scatter.add.f32 [tilespmem:s18], [sflag:$0x4], $0x80, s17, s24, $0xb8;
	[tilespmem:$0x1BA00] =	vst v63  }
0x3f: {  	_ =	swait.ge [sflag:s16], $0x2800  }
0x40: {  	[sflag:s16] =	ssyncset.done $0x0  }
0x41: {  	[sflag:s16] =	ssyncadd.s32 $0xFFFFD800  }
0x42: {  	s0 =	sadd.s32 $0xFFFFFFEC, s29  }
0x43: {  	[tilespmem:s17], [sflag:$0x1] =	stream.linear.gather [hbm4b:s0+s2], $0x50, $0x38;
	[tilespmem:$0x1BA00] =	vst v63  }
0x44: {  	s0 =	sadd.s32 s30, s10  }
0x45: {  	s3 =	sadd.s32 $0xF00, s0  }
0x46: {  	[tilespmem:s18], [sflag:$0x1] =	stream.linear.gather [hbm4b:s3+s2], $0x2800, $0x38;
	[tilespmem:$0x1BA00] =	vst v63  }
0x47: {  	_ =	swait.ge [sflag:s25], $0x50  }
0x48: {  	[sflag:s25] =	ssyncset.done $0x0  }
0x49: {  	[sflag:s25] =	ssyncadd.s32 $0xFFFFFFB0  }
0x4a: {  	_ =	swait.ge [sflag:s25], $0x2800  }
0x4b: {  	[sflag:s25] =	ssyncset.done $0x0  }
0x4c: {  	[sflag:s25] =	ssyncadd.s32 $0xFFFFD800  }
0x4d: {  	[spmem:s1] =	stream.indirect.scatter.add.f32 [tilespmem:s20], [sflag:$0x4], $0x80, s19, s24, $0xb8;
	[tilespmem:$0x1BA00] =	vst v63  }
0x4e: {  	_ =	swait.ge [sflag:s16], $0x2800  }
0x4f: {  	[sflag:s16] =	ssyncset.done $0x0  }
0x50: {  	s4 =	sadd.s32 $0xFFFFFFF6, s29;
	[sflag:s16] =	ssyncadd.s32 $0xFFFFD800  }
0x51: {  	[tilespmem:s19], [sflag:$0x2] =	stream.linear.gather [hbm4b:s4+s2], $0x50, $0x38;
	[tilespmem:$0x1BA00] =	vst v63  }
0x52: {  	s0 =	sadd.s32 $0x1400, s0  }
0x53: {  	[tilespmem:s20], [sflag:$0x2] =	stream.linear.gather [hbm4b:s0+s2], $0x2800, $0x38;
	[tilespmem:$0x1BA00] =	vst v63  }
0x54: {  	_ =	swait.ge [sflag:s26], $0x50  }
0x55: {  	[sflag:s26] =	ssyncset.done $0x0  }
0x56: {  	[sflag:s26] =	ssyncadd.s32 $0xFFFFFFB0  }
0x57: {  	_ =	swait.ge [sflag:s26], $0x2800  }
0x58: {  	[sflag:s26] =	ssyncset.done $0x0  }
0x59: {  	[sflag:s26] =	ssyncadd.s32 $0xFFFFD800  }
0x5a: {  	[spmem:s1] =	stream.indirect.scatter.add.f32 [tilespmem:s22], [sflag:$0x4], $0x80, s21, s24, $0xb8;
	[tilespmem:$0x1BA00] =	vst v63  }
0x5b: {  	_ =	swait.ge [sflag:s16], $0x2800  }
0x5c: {  	p0 =	sgt.u32 s31, $0x27;
	[sflag:s16] =	ssyncset.done $0x0  }
0x5d: {  	s3 =	simm.s32 @!p0 $0x14100;
	s0 =	simm.s32 @!p0 $0x0;
	[sflag:s16] =	ssyncadd.s32 $0xFFFFD800  }
0x5e: {  	[tilespmem:s3], [sflag:$0x3] =	stream.linear.gather @!p0 [hbm4b:s29+s0], $0x50, $0x38;
	[tilespmem:$0x1BA00] =	vst v63  }
0x5f: {  	s3 =	sadd.s32 @!p0 s30, s10  }
0x60: {  	s4 =	simm.s32 @!p0 $0x19200;
	s30 =	sadd.s32 $0xF00, s30;
	s3 =	sadd.s32 @!p0 $0x1900, s3  }
0x61: {  	[tilespmem:s4], [sflag:$0x3] =	stream.linear.gather @!p0 [hbm4b:s3+s0], $0x2800, $0x38;
	[tilespmem:$0x1BA00] =	vst v63  }
0x62: {  	p0 =	sne.s32 s30, $0x27600  }
.Ltmp3:
0x63: {  	_ = 	snop;
	(pc) =	sbr.rel @p0 .LBB2_2-.Ltmp3, $4  }
.Ltmp4:
0x64: {  	_ = 	snop;
	(pc) =	sbr.rel @!p0 .LBB2_4-.Ltmp4, $4  }
0x65: {  	_ = 	snop  }
0x66: {  	_ = 	snop  }
0x67: {  	s31 =	sadd.s32 $0x1, s31;
	s29 =	sadd.s32 $0x1E, s29  }
0x68: {  	_ = 	snop  }
.LBB2_5:
0x69: {  	_ =	sfence.sel $0x180000  }
0x6a: {  	[bflag:$0x0] =	sbarrier.arrive $0xFFFF  }
0x6b: {  	_ =	strace $0x90000050  }
0x6c: {  	s0 =	stileid.u32;
	[bflag:$0x2] =	sbarrier.arrive $0xFFFF  }
0x6d: {  	p0 =	sne.s32 s0, $0x0;
	s0 =	rddreg [dreg:$0x2]  }
0x6e: {  	s0 =	sadd.s32 @!p0 $0x100000, s0  }
0x6f: {  	[sflag:s0] =	ssyncadd.tile.s32 @!p0 $0x1;
	_ =	shalt  }
.Lfunc_end2:
_tile_overlayer_lowered:
.L_overlay_start_2:
0x70: {  	(tag) =	ssettag $0x2  }
0x71: {  	s0 =	rddreg [dreg:$0x0];
	s2 =	stileid.u32  }
0x72: {  	s1 =	rddreg [dreg:$0x1];
	p0 =	sne.s32 s2, $0x0  }
0x73: {  	s3 =	rddreg [dreg:$0x2];
	[bflag:$0x3] =	sbarrier.arrive $0xFFFF;
	s2 =	simm.s32 @!p0 $0x1C04  }
0x74: {  	[timem:s3], [sflag:s2] =	dma.local @!p0 [hbm:s0], s1  }
0x75: {  	s0 =	simm.s32 @!p0 $0x4  }
0x76: {  	_ =	swait.ge @!p0 [sflag:s0], s1  }
0x77: {  	s1 =	ssub.s32 @!p0 $0x0, s1;
	[sflag:s0] =	ssyncset.done @!p0 $0x0  }
0x78: {  	[sflag:s0] =	ssyncadd.s32 @!p0 s1  }
0x79: {  	[bflag:$0x3] =	sbarrier.arrive $0xFFFF  }
0x7a: {  	_ =	shalt  }

</sc_bundles>
